<compile_context>
chip_gen: v7x
topology: tpu7x:2x2x1
jax: 0.10.2.dev20260603
libtpu: 0.0.44.dev20260713+nightly
codegen_flags: <defaults>
</compile_context>

<pallas_src>
import functools

import jax
import jax.numpy as jnp
from jax import lax
from jax.experimental import pallas as pl
from jax.experimental.pallas import tpu as pltpu
from jax.experimental.pallas import tpu_sc as plsc

NENT = 1000000
NREL = 1000
D = 64
B = 16384
GAMMA = 12.0

NW = 32
LANES = 16
B_PER_W = B // NW
CHUNK = 32
NCHUNK = B_PER_W // CHUNK
NGROUP = CHUNK // LANES


def _build_sc_call():
    mesh = plsc.VectorSubcoreMesh(core_axis_name="c", subcore_axis_name="s")

    @functools.partial(
        pl.kernel,
        mesh=mesh,
        out_type=jax.ShapeDtypeStruct((B,), jnp.float32),
        compiler_params=pltpu.CompilerParams(
            needs_layout_passes=False, use_tc_tiling_on_sc=True),
        scratch_types=[
            pltpu.VMEM((CHUNK,), jnp.int32),
            pltpu.VMEM((CHUNK,), jnp.int32),
            pltpu.VMEM((CHUNK,), jnp.int32),
            pltpu.VMEM((CHUNK * 8, D), jnp.float32),
            pltpu.VMEM((CHUNK * 8, D), jnp.float32),
            pltpu.VMEM((CHUNK, 2 * D), jnp.float32),
            pltpu.VMEM((CHUNK,), jnp.float32),
            pltpu.SemaphoreType.DMA,
            pltpu.SemaphoreType.DMA,
            pltpu.SemaphoreType.DMA,
        ],
    )
    def sc_pairre(head_hbm, rel_hbm, tail_hbm, ent_hbm, relemb_hbm, out_hbm,
                  hidx, tidx, ridx, hrows, trows, rrows, scores, s1, s2, s3):
        wid = lax.axis_index("s") * 2 + lax.axis_index("c")
        lane = lax.iota(jnp.int32, LANES)

        def chunk_body(c, _):
            base = pl.multiple_of(wid * B_PER_W + c * CHUNK, CHUNK)
            pltpu.sync_copy(head_hbm.at[pl.ds(base, CHUNK)], hidx)
            pltpu.sync_copy(tail_hbm.at[pl.ds(base, CHUNK)], tidx)
            pltpu.sync_copy(rel_hbm.at[pl.ds(base, CHUNK)], ridx)
            cr = pltpu.async_copy(relemb_hbm.at[ridx], rrows, s3)
            copies = []
            for k in range(CHUNK // LANES):
                hv = hidx[pl.ds(k * LANES, LANES)]
                tv = tidx[pl.ds(k * LANES, LANES)]
                for j in range(LANES):
                    i = k * LANES + j
                    hb = pl.multiple_of(hv[j] & ~7, 8)
                    tb = pl.multiple_of(tv[j] & ~7, 8)
                    copies.append(pltpu.async_copy(
                        ent_hbm.at[0, pl.ds(hb, 8), :],
                        hrows.at[pl.ds(i * 8, 8), :], s1))
                    copies.append(pltpu.async_copy(
                        ent_hbm.at[0, pl.ds(tb, 8), :],
                        trows.at[pl.ds(i * 8, 8), :], s2))
            for cp in copies:
                cp.wait()
            cr.wait()

            def group_body(g, _):
                row = g * LANES + lane
                hm = hidx[pl.ds(g * LANES, LANES)] & 7
                tm = tidx[pl.ds(g * LANES, LANES)] & 7
                hrow = row * 8 + hm
                trow = row * 8 + tm
                acc = jnp.zeros((LANES,), jnp.float32)
                for dd in range(D):
                    dv = jnp.full((LANES,), dd, jnp.int32)
                    vh = plsc.load_gather(hrows, [hrow, dv])
                    vt = plsc.load_gather(trows, [trow, dv])
                    vrh = plsc.load_gather(rrows, [row, dv])
                    vrt = plsc.load_gather(rrows, [row, dv + D])
                    acc = acc + jnp.abs(vh * vrh - vt * vrt)
                scores[pl.ds(g * LANES, LANES)] = GAMMA - acc
                return 0

            lax.fori_loop(0, NGROUP, group_body, 0)
            pltpu.sync_copy(scores, out_hbm.at[pl.ds(base, CHUNK)])
            return 0

        lax.fori_loop(0, NCHUNK, chunk_body, 0)

    return sc_pairre


def kernel(head, relation, tail, timestamps, entity_embedding, relation_embedding):
    del timestamps
    sc_pairre = _build_sc_call()
    ent3 = entity_embedding.reshape(1, NENT, D)
    out = sc_pairre(head.astype(jnp.int32), relation.astype(jnp.int32),
                    tail.astype(jnp.int32), ent3, relation_embedding)
    return out.reshape(B, 1)

# --- scband reference (transcript-rebuilt; emitter-appended) ---
"""Pipeline reference for scband-baseline-pair-re-34196529610916 (READ-ONLY COPY).

The authoritative reference and input builder live on the scoring server;
editing this copy changes nothing except your own understanding.
"""

import jax, jax.numpy as jnp
import numpy as np

NENT = 1000000
NREL = 1000
D = 64
B = 16384
GAMMA = 12.0
EPSILON = 2.0
EMB_RANGE = (GAMMA + EPSILON) / D


def setup_inputs(seed: int = 0) -> dict:
    key = jax.random.key(seed)
    k1, k2, k3, k4, k5, k6 = jax.random.split(key, 6)
    head = jax.random.randint(k1, (B,), 0, NENT)
    relation = jax.random.randint(k2, (B,), 0, NREL)
    tail = jax.random.randint(k3, (B,), 0, NENT)
    timestamps = jax.random.randint(k4, (B,), 0, 365)
    entity_embedding = jax.random.uniform(k5, (NENT, D), dtype=jnp.float32, minval=-EMB_RANGE, maxval=EMB_RANGE)
    relation_embedding = jax.random.uniform(k6, (NREL, 2 * D), dtype=jnp.float32, minval=-EMB_RANGE, maxval=EMB_RANGE)
    return {
        "head": head,
        "relation": relation,
        "tail": tail,
        "timestamps": timestamps,
        "entity_embedding": entity_embedding,
        "relation_embedding": relation_embedding,
    }


def reference(head, relation, tail, timestamps, entity_embedding, relation_embedding):
    # mode == 'single'; timestamps are ignored by this baseline
    head_emb = jnp.take(entity_embedding, head, axis=0)[:, None, :]        # [B, 1, D]
    tail_emb = jnp.take(entity_embedding, tail, axis=0)[:, None, :]        # [B, 1, D]
    relation_emb = jnp.take(relation_embedding, relation, axis=0)[:, None, :]  # [B, 1, 2D]
    r_h = relation_emb[:, :, :D]
    r_t = relation_emb[:, :, D:]
    # PairRE score: gamma - ||h*r_h - t*r_t||_1
    score = GAMMA - jnp.sum(jnp.abs(head_emb * r_h - tail_emb * r_t), axis=-1)  # [B, 1]
    return score

if __name__ == "__main__":
    import jax
    _d = setup_inputs()
    print(jax.jit(kernel)(*tuple(_d.values())))

</pallas_src>

<mosaic_0001>
#map = affine_map<(d0, d1) -> (0)>
#map1 = affine_map<(d0, d1) -> (0, 0, 0)>
#map2 = affine_map<(d0, d1) -> (0, 0)>
module attributes {stable_mosaic.version = 14 : i64} {
  func.func @sc_pairre(%arg0: i32, %arg1: i32, %arg2: memref<16384xi32, #tpu.memory_space<hbm>>, %arg3: memref<16384xi32, #tpu.memory_space<hbm>>, %arg4: memref<16384xi32, #tpu.memory_space<hbm>>, %arg5: memref<1x1000000x64xf32, #tpu.memory_space<hbm>>, %arg6: memref<1000x128xf32, #tpu.memory_space<hbm>>, %arg7: memref<16384xf32, #tpu.memory_space<hbm>>, %arg8: memref<32xi32, #tpu.memory_space<vmem>>, %arg9: memref<32xi32, #tpu.memory_space<vmem>>, %arg10: memref<32xi32, #tpu.memory_space<vmem>>, %arg11: memref<256x64xf32, #tpu.memory_space<vmem>>, %arg12: memref<256x64xf32, #tpu.memory_space<vmem>>, %arg13: memref<32x128xf32, #tpu.memory_space<vmem>>, %arg14: memref<32xf32, #tpu.memory_space<vmem>>, %arg15: memref<!tpu.dma_semaphore, #tpu.memory_space<semaphore_mem>>, %arg16: memref<!tpu.dma_semaphore, #tpu.memory_space<semaphore_mem>>, %arg17: memref<!tpu.dma_semaphore, #tpu.memory_space<semaphore_mem>>) attributes {dimension_semantics = [#tpu.dimension_semantics<core_parallel>, #tpu.dimension_semantics<subcore_parallel>], iteration_bounds = array<i64: 2, 16>, scalar_prefetch = 0 : i64, scratch_operands = 10 : i64, tpu.core_type = #tpu.core_type<sc_vector_subcore>, window_params = [{transform_indices = #map}, {transform_indices = #map}, {transform_indices = #map}, {transform_indices = #map1}, {transform_indices = #map2}, {transform_indices = #map}]} {
    %mul3A = arith.constant 2 : i32
    %mul3A_0 = arith.muli %arg1, %mul3A : i32
    %add3A = arith.addi %mul3A_0, %arg0 : i32
    %iota3A = tpu.iota {dimensions = array<i32: 0>} : vector<16xi32>
    %scan3A = arith.constant 0 : i32
    %scan3A_1 = arith.constant 0 : i32
    %scan3A_2 = arith.constant 16 : i32
    %scan3A_3 = arith.addi %scan3A_1, %scan3A_2 : i32
    %scan3A_4 = arith.constant 1 : i32
    %scan3A_5 = scf.for %scan3A_7 = %scan3A_1 to %scan3A_3 step %scan3A_4 iter_args(%scan3A_8 = %scan3A) -> (i32)  : i32 {
      %mul3A_9 = arith.constant 512 : i32
      %mul3A_10 = arith.muli %add3A, %mul3A_9 : i32
      %mul3A_11 = arith.constant 32 : i32
      %mul3A_12 = arith.muli %scan3A_7, %mul3A_11 : i32
      %add3A_13 = arith.addi %mul3A_10, %mul3A_12 : i32
      %multiple_of3A = tpu.assume_multiple %add3A_13, 32 : i32
      "tpu.region"() ({
        %run_scoped3A = tpu.sem_alloc : memref<!tpu.dma_semaphore, #tpu.memory_space<semaphore_mem>>
        %dma_start3A_2014 = tpu.memref_slice %arg2[%multiple_of3A] : memref<16384xi32, #tpu.memory_space<hbm>> -> memref<32xi32, #tpu.memory_space<hbm>>
        %dma_start3A_2015 = tpu.memref_slice %arg2[%multiple_of3A] : memref<16384xi32, #tpu.memory_space<hbm>> -> memref<32xi32, #tpu.memory_space<hbm>>
        tpu.enqueue_dma source(%dma_start3A_2015 : memref<32xi32, #tpu.memory_space<hbm>>) target(%arg8 : memref<32xi32, #tpu.memory_space<vmem>>) target_semaphore(%run_scoped3A : memref<!tpu.dma_semaphore, #tpu.memory_space<semaphore_mem>>)
        %dma_wait3A_2016 = tpu.memref_slice %arg2[%multiple_of3A] : memref<16384xi32, #tpu.memory_space<hbm>> -> memref<32xi32, #tpu.memory_space<hbm>>
        %dma_wait3A_2017 = tpu.memref_slice %arg2[%multiple_of3A] : memref<16384xi32, #tpu.memory_space<hbm>> -> memref<32xi32, #tpu.memory_space<hbm>>
        tpu.wait_dma2 semaphore(%run_scoped3A : memref<!tpu.dma_semaphore, #tpu.memory_space<semaphore_mem>>) src(%dma_wait3A_2017 : memref<32xi32, #tpu.memory_space<hbm>>) dst(%arg8 : memref<32xi32, #tpu.memory_space<vmem>>)
        tpu.yield
      }) : () -> ()
      "tpu.region"() ({
        %run_scoped3A = tpu.sem_alloc : memref<!tpu.dma_semaphore, #tpu.memory_space<semaphore_mem>>
        %dma_start3A_2014 = tpu.memref_slice %arg4[%multiple_of3A] : memref<16384xi32, #tpu.memory_space<hbm>> -> memref<32xi32, #tpu.memory_space<hbm>>
        %dma_start3A_2015 = tpu.memref_slice %arg4[%multiple_of3A] : memref<16384xi32, #tpu.memory_space<hbm>> -> memref<32xi32, #tpu.memory_space<hbm>>
        tpu.enqueue_dma source(%dma_start3A_2015 : memref<32xi32, #tpu.memory_space<hbm>>) target(%arg9 : memref<32xi32, #tpu.memory_space<vmem>>) target_semaphore(%run_scoped3A : memref<!tpu.dma_semaphore, #tpu.memory_space<semaphore_mem>>)
        %dma_wait3A_2016 = tpu.memref_slice %arg4[%multiple_of3A] : memref<16384xi32, #tpu.memory_space<hbm>> -> memref<32xi32, #tpu.memory_space<hbm>>
        %dma_wait3A_2017 = tpu.memref_slice %arg4[%multiple_of3A] : memref<16384xi32, #tpu.memory_space<hbm>> -> memref<32xi32, #tpu.memory_space<hbm>>
        tpu.wait_dma2 semaphore(%run_scoped3A : memref<!tpu.dma_semaphore, #tpu.memory_space<semaphore_mem>>) src(%dma_wait3A_2017 : memref<32xi32, #tpu.memory_space<hbm>>) dst(%arg9 : memref<32xi32, #tpu.memory_space<vmem>>)
        tpu.yield
      }) : () -> ()
      "tpu.region"() ({
        %run_scoped3A = tpu.sem_alloc : memref<!tpu.dma_semaphore, #tpu.memory_space<semaphore_mem>>
        %dma_start3A_2014 = tpu.memref_slice %arg3[%multiple_of3A] : memref<16384xi32, #tpu.memory_space<hbm>> -> memref<32xi32, #tpu.memory_space<hbm>>
        %dma_start3A_2015 = tpu.memref_slice %arg3[%multiple_of3A] : memref<16384xi32, #tpu.memory_space<hbm>> -> memref<32xi32, #tpu.memory_space<hbm>>
        tpu.enqueue_dma source(%dma_start3A_2015 : memref<32xi32, #tpu.memory_space<hbm>>) target(%arg10 : memref<32xi32, #tpu.memory_space<vmem>>) target_semaphore(%run_scoped3A : memref<!tpu.dma_semaphore, #tpu.memory_space<semaphore_mem>>)
        %dma_wait3A_2016 = tpu.memref_slice %arg3[%multiple_of3A] : memref<16384xi32, #tpu.memory_space<hbm>> -> memref<32xi32, #tpu.memory_space<hbm>>
        %dma_wait3A_2017 = tpu.memref_slice %arg3[%multiple_of3A] : memref<16384xi32, #tpu.memory_space<hbm>> -> memref<32xi32, #tpu.memory_space<hbm>>
        tpu.wait_dma2 semaphore(%run_scoped3A : memref<!tpu.dma_semaphore, #tpu.memory_space<semaphore_mem>>) src(%dma_wait3A_2017 : memref<32xi32, #tpu.memory_space<hbm>>) dst(%arg10 : memref<32xi32, #tpu.memory_space<vmem>>)
        tpu.yield
      }) : () -> ()
      %dma_start3A = arith.constant 0 : i32
      %dma_start3A_14 = arith.constant 0 : i32
      %dma_start3A_15 = tpu.memref_slice %arg6[%dma_start3A, %dma_start3A_14] : memref<1000x128xf32, #tpu.memory_space<hbm>> -> memref<1000x128xf32, #tpu.memory_space<hbm>>
      tpu.enqueue_indirect_dma source(%dma_start3A_15 : memref<1000x128xf32, #tpu.memory_space<hbm>>) target(%arg13 : memref<32x128xf32, #tpu.memory_space<vmem>>) offsets(%arg10 : memref<32xi32, #tpu.memory_space<vmem>>) semaphore(%arg17 : memref<!tpu.dma_semaphore, #tpu.memory_space<semaphore_mem>>)
      %get3A = arith.constant 0 : index
      %get3A_16 = tpu.vector_load %arg8[%get3A] {strides = array<i32>} : memref<32xi32, #tpu.memory_space<vmem>>, vector<16xi32>,
      %get3A_17 = arith.constant 0 : index
      %get3A_18 = tpu.vector_load %arg9[%get3A_17] {strides = array<i32>} : memref<32xi32, #tpu.memory_space<vmem>>, vector<16xi32>,
      %slice3A = vector.extract_strided_slice %get3A_16 {offsets = [0], sizes = [1], strides = [1]} : vector<16xi32> to vector<1xi32>
      %squeeze3A = vector.extract %slice3A[0] : i32 from vector<1xi32>
      %and3A = arith.constant -8 : i32
      %and3A_19 = arith.andi %squeeze3A, %and3A : i32
      %multiple_of3A_20 = tpu.assume_multiple %and3A_19, 8 : i32
      %slice3A_21 = vector.extract_strided_slice %get3A_18 {offsets = [0], sizes = [1], strides = [1]} : vector<16xi32> to vector<1xi32>
      %squeeze3A_22 = vector.extract %slice3A_21[0] : i32 from vector<1xi32>
      %and3A_23 = arith.constant -8 : i32
      %and3A_24 = arith.andi %squeeze3A_22, %and3A_23 : i32
      %multiple_of3A_25 = tpu.assume_multiple %and3A_24, 8 : i32
      %dma_start3A_26 = arith.constant 0 : i32
      %dma_start3A_27 = arith.constant 0 : i32
      %dma_start3A_28 = arith.constant 0 : i32
      %dma_start3A_29 = tpu.memref_slice %arg11[%dma_start3A_27, %dma_start3A_28] : memref<256x64xf32, #tpu.memory_space<vmem>> -> memref<8x64xf32, #tpu.memory_space<vmem>>
      %dma_start3A_30 = arith.constant 0 : i32
      %dma_start3A_31 = tpu.memref_slice %arg5[%dma_start3A_26, %multiple_of3A_20, %dma_start3A_30] : memref<1x1000000x64xf32, #tpu.memory_space<hbm>> -> memref<1x8x64xf32, #tpu.memory_space<hbm>>
      %dma_start3A_32 = tpu.memref_squeeze %dma_start3A_31 : memref<1x8x64xf32, #tpu.memory_space<hbm>> -> memref<8x64xf32, #tpu.memory_space<hbm>>
      %dma_start3A_33 = arith.constant 0 : i32
      %dma_start3A_34 = arith.constant 0 : i32
      %dma_start3A_35 = tpu.memref_slice %arg11[%dma_start3A_33, %dma_start3A_34] : memref<256x64xf32, #tpu.memory_space<vmem>> -> memref<8x64xf32, #tpu.memory_space<vmem>>
      %dma_start3A_36 = arith.constant 0 : i32
      %dma_start3A_37 = tpu.memref_slice %arg5[%dma_start3A_26, %multiple_of3A_20, %dma_start3A_36] : memref<1x1000000x64xf32, #tpu.memory_space<hbm>> -> memref<1x8x64xf32, #tpu.memory_space<hbm>>
      %dma_start3A_38 = tpu.memref_squeeze %dma_start3A_37 : memref<1x8x64xf32, #tpu.memory_space<hbm>> -> memref<8x64xf32, #tpu.memory_space<hbm>>
      tpu.enqueue_dma source(%dma_start3A_38 : memref<8x64xf32, #tpu.memory_space<hbm>>) target(%dma_start3A_35 : memref<8x64xf32, #tpu.memory_space<vmem>>) target_semaphore(%arg15 : memref<!tpu.dma_semaphore, #tpu.memory_space<semaphore_mem>>)
      %dma_start3A_39 = arith.constant 0 : i32
      %dma_start3A_40 = arith.constant 0 : i32
      %dma_start3A_41 = arith.constant 0 : i32
      %dma_start3A_42 = tpu.memref_slice %arg12[%dma_start3A_40, %dma_start3A_41] : memref<256x64xf32, #tpu.memory_space<vmem>> -> memref<8x64xf32, #tpu.memory_space<vmem>>
      %dma_start3A_43 = arith.constant 0 : i32
      %dma_start3A_44 = tpu.memref_slice %arg5[%dma_start3A_39, %multiple_of3A_25, %dma_start3A_43] : memref<1x1000000x64xf32, #tpu.memory_space<hbm>> -> memref<1x8x64xf32, #tpu.memory_space<hbm>>
      %dma_start3A_45 = tpu.memref_squeeze %dma_start3A_44 : memref<1x8x64xf32, #tpu.memory_space<hbm>> -> memref<8x64xf32, #tpu.memory_space<hbm>>
      %dma_start3A_46 = arith.constant 0 : i32
      %dma_start3A_47 = arith.constant 0 : i32
      %dma_start3A_48 = tpu.memref_slice %arg12[%dma_start3A_46, %dma_start3A_47] : memref<256x64xf32, #tpu.memory_space<vmem>> -> memref<8x64xf32, #tpu.memory_space<vmem>>
      %dma_start3A_49 = arith.constant 0 : i32
      %dma_start3A_50 = tpu.memref_slice %arg5[%dma_start3A_39, %multiple_of3A_25, %dma_start3A_49] : memref<1x1000000x64xf32, #tpu.memory_space<hbm>> -> memref<1x8x64xf32, #tpu.memory_space<hbm>>
      %dma_start3A_51 = tpu.memref_squeeze %dma_start3A_50 : memref<1x8x64xf32, #tpu.memory_space<hbm>> -> memref<8x64xf32, #tpu.memory_space<hbm>>
      tpu.enqueue_dma source(%dma_start3A_51 : memref<8x64xf32, #tpu.memory_space<hbm>>) target(%dma_start3A_48 : memref<8x64xf32, #tpu.memory_space<vmem>>) target_semaphore(%arg16 : memref<!tpu.dma_semaphore, #tpu.memory_space<semaphore_mem>>)
      %slice3A_52 = vector.extract_strided_slice %get3A_16 {offsets = [1], sizes = [1], strides = [1]} : vector<16xi32> to vector<1xi32>
      %squeeze3A_53 = vector.extract %slice3A_52[0] : i32 from vector<1xi32>
      %and3A_54 = arith.constant -8 : i32
      %and3A_55 = arith.andi %squeeze3A_53, %and3A_54 : i32
      %multiple_of3A_56 = tpu.assume_multiple %and3A_55, 8 : i32
      %slice3A_57 = vector.extract_strided_slice %get3A_18 {offsets = [1], sizes = [1], strides = [1]} : vector<16xi32> to vector<1xi32>
      %squeeze3A_58 = vector.extract %slice3A_57[0] : i32 from vector<1xi32>
      %and3A_59 = arith.constant -8 : i32
      %and3A_60 = arith.andi %squeeze3A_58, %and3A_59 : i32
      %multiple_of3A_61 = tpu.assume_multiple %and3A_60, 8 : i32
      %dma_start3A_62 = arith.constant 0 : i32
      %dma_start3A_63 = arith.constant 8 : i32
      %dma_start3A_64 = arith.constant 0 : i32
      %dma_start3A_65 = tpu.memref_slice %arg11[%dma_start3A_63, %dma_start3A_64] : memref<256x64xf32, #tpu.memory_space<vmem>> -> memref<8x64xf32, #tpu.memory_space<vmem>>
      %dma_start3A_66 = arith.constant 0 : i32
      %dma_start3A_67 = tpu.memref_slice %arg5[%dma_start3A_62, %multiple_of3A_56, %dma_start3A_66] : memref<1x1000000x64xf32, #tpu.memory_space<hbm>> -> memref<1x8x64xf32, #tpu.memory_space<hbm>>
      %dma_start3A_68 = tpu.memref_squeeze %dma_start3A_67 : memref<1x8x64xf32, #tpu.memory_space<hbm>> -> memref<8x64xf32, #tpu.memory_space<hbm>>
      %dma_start3A_69 = arith.constant 8 : i32
      %dma_start3A_70 = arith.constant 0 : i32
      %dma_start3A_71 = tpu.memref_slice %arg11[%dma_start3A_69, %dma_start3A_70] : memref<256x64xf32, #tpu.memory_space<vmem>> -> memref<8x64xf32, #tpu.memory_space<vmem>>
      %dma_start3A_72 = arith.constant 0 : i32
      %dma_start3A_73 = tpu.memref_slice %arg5[%dma_start3A_62, %multiple_of3A_56, %dma_start3A_72] : memref<1x1000000x64xf32, #tpu.memory_space<hbm>> -> memref<1x8x64xf32, #tpu.memory_space<hbm>>
      %dma_start3A_74 = tpu.memref_squeeze %dma_start3A_73 : memref<1x8x64xf32, #tpu.memory_space<hbm>> -> memref<8x64xf32, #tpu.memory_space<hbm>>
      tpu.enqueue_dma source(%dma_start3A_74 : memref<8x64xf32, #tpu.memory_space<hbm>>) target(%dma_start3A_71 : memref<8x64xf32, #tpu.memory_space<vmem>>) target_semaphore(%arg15 : memref<!tpu.dma_semaphore, #tpu.memory_space<semaphore_mem>>)
      %dma_start3A_75 = arith.constant 0 : i32
      %dma_start3A_76 = arith.constant 8 : i32
      %dma_start3A_77 = arith.constant 0 : i32
      %dma_start3A_78 = tpu.memref_slice %arg12[%dma_start3A_76, %dma_start3A_77] : memref<256x64xf32, #tpu.memory_space<vmem>> -> memref<8x64xf32, #tpu.memory_space<vmem>>
      %dma_start3A_79 = arith.constant 0 : i32
      %dma_start3A_80 = tpu.memref_slice %arg5[%dma_start3A_75, %multiple_of3A_61, %dma_start3A_79] : memref<1x1000000x64xf32, #tpu.memory_space<hbm>> -> memref<1x8x64xf32, #tpu.memory_space<hbm>>
      %dma_start3A_81 = tpu.memref_squeeze %dma_start3A_80 : memref<1x8x64xf32, #tpu.memory_space<hbm>> -> memref<8x64xf32, #tpu.memory_space<hbm>>
      %dma_start3A_82 = arith.constant 8 : i32
      %dma_start3A_83 = arith.constant 0 : i32
      %dma_start3A_84 = tpu.memref_slice %arg12[%dma_start3A_82, %dma_start3A_83] : memref<256x64xf32, #tpu.memory_space<vmem>> -> memref<8x64xf32, #tpu.memory_space<vmem>>
      %dma_start3A_85 = arith.constant 0 : i32
      %dma_start3A_86 = tpu.memref_slice %arg5[%dma_start3A_75, %multiple_of3A_61, %dma_start3A_85] : memref<1x1000000x64xf32, #tpu.memory_space<hbm>> -> memref<1x8x64xf32, #tpu.memory_space<hbm>>
      %dma_start3A_87 = tpu.memref_squeeze %dma_start3A_86 : memref<1x8x64xf32, #tpu.memory_space<hbm>> -> memref<8x64xf32, #tpu.memory_space<hbm>>
      tpu.enqueue_dma source(%dma_start3A_87 : memref<8x64xf32, #tpu.memory_space<hbm>>) target(%dma_start3A_84 : memref<8x64xf32, #tpu.memory_space<vmem>>) target_semaphore(%arg16 : memref<!tpu.dma_semaphore, #tpu.memory_space<semaphore_mem>>)
      %slice3A_88 = vector.extract_strided_slice %get3A_16 {offsets = [2], sizes = [1], strides = [1]} : vector<16xi32> to vector<1xi32>
      %squeeze3A_89 = vector.extract %slice3A_88[0] : i32 from vector<1xi32>
      %and3A_90 = arith.constant -8 : i32
      %and3A_91 = arith.andi %squeeze3A_89, %and3A_90 : i32
      %multiple_of3A_92 = tpu.assume_multiple %and3A_91, 8 : i32
      %slice3A_93 = vector.extract_strided_slice %get3A_18 {offsets = [2], sizes = [1], strides = [1]} : vector<16xi32> to vector<1xi32>
      %squeeze3A_94 = vector.extract %slice3A_93[0] : i32 from vector<1xi32>
      %and3A_95 = arith.constant -8 : i32
      %and3A_96 = arith.andi %squeeze3A_94, %and3A_95 : i32
      %multiple_of3A_97 = tpu.assume_multiple %and3A_96, 8 : i32
      %dma_start3A_98 = arith.constant 0 : i32
      %dma_start3A_99 = arith.constant 16 : i32
      %dma_start3A_100 = arith.constant 0 : i32
      %dma_start3A_101 = tpu.memref_slice %arg11[%dma_start3A_99, %dma_start3A_100] : memref<256x64xf32, #tpu.memory_space<vmem>> -> memref<8x64xf32, #tpu.memory_space<vmem>>
      %dma_start3A_102 = arith.constant 0 : i32
      %dma_start3A_103 = tpu.memref_slice %arg5[%dma_start3A_98, %multiple_of3A_92, %dma_start3A_102] : memref<1x1000000x64xf32, #tpu.memory_space<hbm>> -> memref<1x8x64xf32, #tpu.memory_space<hbm>>
      %dma_start3A_104 = tpu.memref_squeeze %dma_start3A_103 : memref<1x8x64xf32, #tpu.memory_space<hbm>> -> memref<8x64xf32, #tpu.memory_space<hbm>>
      %dma_start3A_105 = arith.constant 16 : i32
      %dma_start3A_106 = arith.constant 0 : i32
      %dma_start3A_107 = tpu.memref_slice %arg11[%dma_start3A_105, %dma_start3A_106] : memref<256x64xf32, #tpu.memory_space<vmem>> -> memref<8x64xf32, #tpu.memory_space<vmem>>
      %dma_start3A_108 = arith.constant 0 : i32
      %dma_start3A_109 = tpu.memref_slice %arg5[%dma_start3A_98, %multiple_of3A_92, %dma_start3A_108] : memref<1x1000000x64xf32, #tpu.memory_space<hbm>> -> memref<1x8x64xf32, #tpu.memory_space<hbm>>
      %dma_start3A_110 = tpu.memref_squeeze %dma_start3A_109 : memref<1x8x64xf32, #tpu.memory_space<hbm>> -> memref<8x64xf32, #tpu.memory_space<hbm>>
      tpu.enqueue_dma source(%dma_start3A_110 : memref<8x64xf32, #tpu.memory_space<hbm>>) target(%dma_start3A_107 : memref<8x64xf32, #tpu.memory_space<vmem>>) target_semaphore(%arg15 : memref<!tpu.dma_semaphore, #tpu.memory_space<semaphore_mem>>)
      %dma_start3A_111 = arith.constant 0 : i32
      %dma_start3A_112 = arith.constant 16 : i32
      %dma_start3A_113 = arith.constant 0 : i32
      %dma_start3A_114 = tpu.memref_slice %arg12[%dma_start3A_112, %dma_start3A_113] : memref<256x64xf32, #tpu.memory_space<vmem>> -> memref<8x64xf32, #tpu.memory_space<vmem>>
      %dma_start3A_115 = arith.constant 0 : i32
      %dma_start3A_116 = tpu.memref_slice %arg5[%dma_start3A_111, %multiple_of3A_97, %dma_start3A_115] : memref<1x1000000x64xf32, #tpu.memory_space<hbm>> -> memref<1x8x64xf32, #tpu.memory_space<hbm>>
      %dma_start3A_117 = tpu.memref_squeeze %dma_start3A_116 : memref<1x8x64xf32, #tpu.memory_space<hbm>> -> memref<8x64xf32, #tpu.memory_space<hbm>>
      %dma_start3A_118 = arith.constant 16 : i32
      %dma_start3A_119 = arith.constant 0 : i32
      %dma_start3A_120 = tpu.memref_slice %arg12[%dma_start3A_118, %dma_start3A_119] : memref<256x64xf32, #tpu.memory_space<vmem>> -> memref<8x64xf32, #tpu.memory_space<vmem>>
      %dma_start3A_121 = arith.constant 0 : i32
      %dma_start3A_122 = tpu.memref_slice %arg5[%dma_start3A_111, %multiple_of3A_97, %dma_start3A_121] : memref<1x1000000x64xf32, #tpu.memory_space<hbm>> -> memref<1x8x64xf32, #tpu.memory_space<hbm>>
      %dma_start3A_123 = tpu.memref_squeeze %dma_start3A_122 : memref<1x8x64xf32, #tpu.memory_space<hbm>> -> memref<8x64xf32, #tpu.memory_space<hbm>>
      tpu.enqueue_dma source(%dma_start3A_123 : memref<8x64xf32, #tpu.memory_space<hbm>>) target(%dma_start3A_120 : memref<8x64xf32, #tpu.memory_space<vmem>>) target_semaphore(%arg16 : memref<!tpu.dma_semaphore, #tpu.memory_space<semaphore_mem>>)
      %slice3A_124 = vector.extract_strided_slice %get3A_16 {offsets = [3], sizes = [1], strides = [1]} : vector<16xi32> to vector<1xi32>
      %squeeze3A_125 = vector.extract %slice3A_124[0] : i32 from vector<1xi32>
      %and3A_126 = arith.constant -8 : i32
      %and3A_127 = arith.andi %squeeze3A_125, %and3A_126 : i32
      %multiple_of3A_128 = tpu.assume_multiple %and3A_127, 8 : i32
      %slice3A_129 = vector.extract_strided_slice %get3A_18 {offsets = [3], sizes = [1], strides = [1]} : vector<16xi32> to vector<1xi32>
      %squeeze3A_130 = vector.extract %slice3A_129[0] : i32 from vector<1xi32>
      %and3A_131 = arith.constant -8 : i32
      %and3A_132 = arith.andi %squeeze3A_130, %and3A_131 : i32
      %multiple_of3A_133 = tpu.assume_multiple %and3A_132, 8 : i32
      %dma_start3A_134 = arith.constant 0 : i32
      %dma_start3A_135 = arith.constant 24 : i32
      %dma_start3A_136 = arith.constant 0 : i32
      %dma_start3A_137 = tpu.memref_slice %arg11[%dma_start3A_135, %dma_start3A_136] : memref<256x64xf32, #tpu.memory_space<vmem>> -> memref<8x64xf32, #tpu.memory_space<vmem>>
      %dma_start3A_138 = arith.constant 0 : i32
      %dma_start3A_139 = tpu.memref_slice %arg5[%dma_start3A_134, %multiple_of3A_128, %dma_start3A_138] : memref<1x1000000x64xf32, #tpu.memory_space<hbm>> -> memref<1x8x64xf32, #tpu.memory_space<hbm>>
      %dma_start3A_140 = tpu.memref_squeeze %dma_start3A_139 : memref<1x8x64xf32, #tpu.memory_space<hbm>> -> memref<8x64xf32, #tpu.memory_space<hbm>>
      %dma_start3A_141 = arith.constant 24 : i32
      %dma_start3A_142 = arith.constant 0 : i32
      %dma_start3A_143 = tpu.memref_slice %arg11[%dma_start3A_141, %dma_start3A_142] : memref<256x64xf32, #tpu.memory_space<vmem>> -> memref<8x64xf32, #tpu.memory_space<vmem>>
      %dma_start3A_144 = arith.constant 0 : i32
      %dma_start3A_145 = tpu.memref_slice %arg5[%dma_start3A_134, %multiple_of3A_128, %dma_start3A_144] : memref<1x1000000x64xf32, #tpu.memory_space<hbm>> -> memref<1x8x64xf32, #tpu.memory_space<hbm>>
      %dma_start3A_146 = tpu.memref_squeeze %dma_start3A_145 : memref<1x8x64xf32, #tpu.memory_space<hbm>> -> memref<8x64xf32, #tpu.memory_space<hbm>>
      tpu.enqueue_dma source(%dma_start3A_146 : memref<8x64xf32, #tpu.memory_space<hbm>>) target(%dma_start3A_143 : memref<8x64xf32, #tpu.memory_space<vmem>>) target_semaphore(%arg15 : memref<!tpu.dma_semaphore, #tpu.memory_space<semaphore_mem>>)
      %dma_start3A_147 = arith.constant 0 : i32
      %dma_start3A_148 = arith.constant 24 : i32
      %dma_start3A_149 = arith.constant 0 : i32
      %dma_start3A_150 = tpu.memref_slice %arg12[%dma_start3A_148, %dma_start3A_149] : memref<256x64xf32, #tpu.memory_space<vmem>> -> memref<8x64xf32, #tpu.memory_space<vmem>>
      %dma_start3A_151 = arith.constant 0 : i32
      %dma_start3A_152 = tpu.memref_slice %arg5[%dma_start3A_147, %multiple_of3A_133, %dma_start3A_151] : memref<1x1000000x64xf32, #tpu.memory_space<hbm>> -> memref<1x8x64xf32, #tpu.memory_space<hbm>>
      %dma_start3A_153 = tpu.memref_squeeze %dma_start3A_152 : memref<1x8x64xf32, #tpu.memory_space<hbm>> -> memref<8x64xf32, #tpu.memory_space<hbm>>
      %dma_start3A_154 = arith.constant 24 : i32
      %dma_start3A_155 = arith.constant 0 : i32
      %dma_start3A_156 = tpu.memref_slice %arg12[%dma_start3A_154, %dma_start3A_155] : memref<256x64xf32, #tpu.memory_space<vmem>> -> memref<8x64xf32, #tpu.memory_space<vmem>>
      %dma_start3A_157 = arith.constant 0 : i32
      %dma_start3A_158 = tpu.memref_slice %arg5[%dma_start3A_147, %multiple_of3A_133, %dma_start3A_157] : memref<1x1000000x64xf32, #tpu.memory_space<hbm>> -> memref<1x8x64xf32, #tpu.memory_space<hbm>>
      %dma_start3A_159 = tpu.memref_squeeze %dma_start3A_158 : memref<1x8x64xf32, #tpu.memory_space<hbm>> -> memref<8x64xf32, #tpu.memory_space<hbm>>
      tpu.enqueue_dma source(%dma_start3A_159 : memref<8x64xf32, #tpu.memory_space<hbm>>) target(%dma_start3A_156 : memref<8x64xf32, #tpu.memory_space<vmem>>) target_semaphore(%arg16 : memref<!tpu.dma_semaphore, #tpu.memory_space<semaphore_mem>>)
      %slice3A_160 = vector.extract_strided_slice %get3A_16 {offsets = [4], sizes = [1], strides = [1]} : vector<16xi32> to vector<1xi32>
      %squeeze3A_161 = vector.extract %slice3A_160[0] : i32 from vector<1xi32>
      %and3A_162 = arith.constant -8 : i32
      %and3A_163 = arith.andi %squeeze3A_161, %and3A_162 : i32
      %multiple_of3A_164 = tpu.assume_multiple %and3A_163, 8 : i32
      %slice3A_165 = vector.extract_strided_slice %get3A_18 {offsets = [4], sizes = [1], strides = [1]} : vector<16xi32> to vector<1xi32>
      %squeeze3A_166 = vector.extract %slice3A_165[0] : i32 from vector<1xi32>
      %and3A_167 = arith.constant -8 : i32
      %and3A_168 = arith.andi %squeeze3A_166, %and3A_167 : i32
      %multiple_of3A_169 = tpu.assume_multiple %and3A_168, 8 : i32
      %dma_start3A_170 = arith.constant 0 : i32
      %dma_start3A_171 = arith.constant 32 : i32
      %dma_start3A_172 = arith.constant 0 : i32
      %dma_start3A_173 = tpu.memref_slice %arg11[%dma_start3A_171, %dma_start3A_172] : memref<256x64xf32, #tpu.memory_space<vmem>> -> memref<8x64xf32, #tpu.memory_space<vmem>>
      %dma_start3A_174 = arith.constant 0 : i32
      %dma_start3A_175 = tpu.memref_slice %arg5[%dma_start3A_170, %multiple_of3A_164, %dma_start3A_174] : memref<1x1000000x64xf32, #tpu.memory_space<hbm>> -> memref<1x8x64xf32, #tpu.memory_space<hbm>>
      %dma_start3A_176 = tpu.memref_squeeze %dma_start3A_175 : memref<1x8x64xf32, #tpu.memory_space<hbm>> -> memref<8x64xf32, #tpu.memory_space<hbm>>
      %dma_start3A_177 = arith.constant 32 : i32
      %dma_start3A_178 = arith.constant 0 : i32
      %dma_start3A_179 = tpu.memref_slice %arg11[%dma_start3A_177, %dma_start3A_178] : memref<256x64xf32, #tpu.memory_space<vmem>> -> memref<8x64xf32, #tpu.memory_space<vmem>>
      %dma_start3A_180 = arith.constant 0 : i32
      %dma_start3A_181 = tpu.memref_slice %arg5[%dma_start3A_170, %multiple_of3A_164, %dma_start3A_180] : memref<1x1000000x64xf32, #tpu.memory_space<hbm>> -> memref<1x8x64xf32, #tpu.memory_space<hbm>>
      %dma_start3A_182 = tpu.memref_squeeze %dma_start3A_181 : memref<1x8x64xf32, #tpu.memory_space<hbm>> -> memref<8x64xf32, #tpu.memory_space<hbm>>
      tpu.enqueue_dma source(%dma_start3A_182 : memref<8x64xf32, #tpu.memory_space<hbm>>) target(%dma_start3A_179 : memref<8x64xf32, #tpu.memory_space<vmem>>) target_semaphore(%arg15 : memref<!tpu.dma_semaphore, #tpu.memory_space<semaphore_mem>>)
      %dma_start3A_183 = arith.constant 0 : i32
      %dma_start3A_184 = arith.constant 32 : i32
      %dma_start3A_185 = arith.constant 0 : i32
      %dma_start3A_186 = tpu.memref_slice %arg12[%dma_start3A_184, %dma_start3A_185] : memref<256x64xf32, #tpu.memory_space<vmem>> -> memref<8x64xf32, #tpu.memory_space<vmem>>
      %dma_start3A_187 = arith.constant 0 : i32
      %dma_start3A_188 = tpu.memref_slice %arg5[%dma_start3A_183, %multiple_of3A_169, %dma_start3A_187] : memref<1x1000000x64xf32, #tpu.memory_space<hbm>> -> memref<1x8x64xf32, #tpu.memory_space<hbm>>
      %dma_start3A_189 = tpu.memref_squeeze %dma_start3A_188 : memref<1x8x64xf32, #tpu.memory_space<hbm>> -> memref<8x64xf32, #tpu.memory_space<hbm>>
      %dma_start3A_190 = arith.constant 32 : i32
      %dma_start3A_191 = arith.constant 0 : i32
      %dma_start3A_192 = tpu.memref_slice %arg12[%dma_start3A_190, %dma_start3A_191] : memref<256x64xf32, #tpu.memory_space<vmem>> -> memref<8x64xf32, #tpu.memory_space<vmem>>
      %dma_start3A_193 = arith.constant 0 : i32
      %dma_start3A_194 = tpu.memref_slice %arg5[%dma_start3A_183, %multiple_of3A_169, %dma_start3A_193] : memref<1x1000000x64xf32, #tpu.memory_space<hbm>> -> memref<1x8x64xf32, #tpu.memory_space<hbm>>
      %dma_start3A_195 = tpu.memref_squeeze %dma_start3A_194 : memref<1x8x64xf32, #tpu.memory_space<hbm>> -> memref<8x64xf32, #tpu.memory_space<hbm>>
      tpu.enqueue_dma source(%dma_start3A_195 : memref<8x64xf32, #tpu.memory_space<hbm>>) target(%dma_start3A_192 : memref<8x64xf32, #tpu.memory_space<vmem>>) target_semaphore(%arg16 : memref<!tpu.dma_semaphore, #tpu.memory_space<semaphore_mem>>)
      %slice3A_196 = vector.extract_strided_slice %get3A_16 {offsets = [5], sizes = [1], strides = [1]} : vector<16xi32> to vector<1xi32>
      %squeeze3A_197 = vector.extract %slice3A_196[0] : i32 from vector<1xi32>
      %and3A_198 = arith.constant -8 : i32
      %and3A_199 = arith.andi %squeeze3A_197, %and3A_198 : i32
      %multiple_of3A_200 = tpu.assume_multiple %and3A_199, 8 : i32
      %slice3A_201 = vector.extract_strided_slice %get3A_18 {offsets = [5], sizes = [1], strides = [1]} : vector<16xi32> to vector<1xi32>
      %squeeze3A_202 = vector.extract %slice3A_201[0] : i32 from vector<1xi32>
      %and3A_203 = arith.constant -8 : i32
      %and3A_204 = arith.andi %squeeze3A_202, %and3A_203 : i32
      %multiple_of3A_205 = tpu.assume_multiple %and3A_204, 8 : i32
      %dma_start3A_206 = arith.constant 0 : i32
      %dma_start3A_207 = arith.constant 40 : i32
      %dma_start3A_208 = arith.constant 0 : i32
      %dma_start3A_209 = tpu.memref_slice %arg11[%dma_start3A_207, %dma_start3A_208] : memref<256x64xf32, #tpu.memory_space<vmem>> -> memref<8x64xf32, #tpu.memory_space<vmem>>
      %dma_start3A_210 = arith.constant 0 : i32
      %dma_start3A_211 = tpu.memref_slice %arg5[%dma_start3A_206, %multiple_of3A_200, %dma_start3A_210] : memref<1x1000000x64xf32, #tpu.memory_space<hbm>> -> memref<1x8x64xf32, #tpu.memory_space<hbm>>
      %dma_start3A_212 = tpu.memref_squeeze %dma_start3A_211 : memref<1x8x64xf32, #tpu.memory_space<hbm>> -> memref<8x64xf32, #tpu.memory_space<hbm>>
      %dma_start3A_213 = arith.constant 40 : i32
      %dma_start3A_214 = arith.constant 0 : i32
      %dma_start3A_215 = tpu.memref_slice %arg11[%dma_start3A_213, %dma_start3A_214] : memref<256x64xf32, #tpu.memory_space<vmem>> -> memref<8x64xf32, #tpu.memory_space<vmem>>
      %dma_start3A_216 = arith.constant 0 : i32
      %dma_start3A_217 = tpu.memref_slice %arg5[%dma_start3A_206, %multiple_of3A_200, %dma_start3A_216] : memref<1x1000000x64xf32, #tpu.memory_space<hbm>> -> memref<1x8x64xf32, #tpu.memory_space<hbm>>
      %dma_start3A_218 = tpu.memref_squeeze %dma_start3A_217 : memref<1x8x64xf32, #tpu.memory_space<hbm>> -> memref<8x64xf32, #tpu.memory_space<hbm>>
      tpu.enqueue_dma source(%dma_start3A_218 : memref<8x64xf32, #tpu.memory_space<hbm>>) target(%dma_start3A_215 : memref<8x64xf32, #tpu.memory_space<vmem>>) target_semaphore(%arg15 : memref<!tpu.dma_semaphore, #tpu.memory_space<semaphore_mem>>)
      %dma_start3A_219 = arith.constant 0 : i32
      %dma_start3A_220 = arith.constant 40 : i32
      %dma_start3A_221 = arith.constant 0 : i32
      %dma_start3A_222 = tpu.memref_slice %arg12[%dma_start3A_220, %dma_start3A_221] : memref<256x64xf32, #tpu.memory_space<vmem>> -> memref<8x64xf32, #tpu.memory_space<vmem>>
      %dma_start3A_223 = arith.constant 0 : i32
      %dma_start3A_224 = tpu.memref_slice %arg5[%dma_start3A_219, %multiple_of3A_205, %dma_start3A_223] : memref<1x1000000x64xf32, #tpu.memory_space<hbm>> -> memref<1x8x64xf32, #tpu.memory_space<hbm>>
      %dma_start3A_225 = tpu.memref_squeeze %dma_start3A_224 : memref<1x8x64xf32, #tpu.memory_space<hbm>> -> memref<8x64xf32, #tpu.memory_space<hbm>>
      %dma_start3A_226 = arith.constant 40 : i32
      %dma_start3A_227 = arith.constant 0 : i32
      %dma_start3A_228 = tpu.memref_slice %arg12[%dma_start3A_226, %dma_start3A_227] : memref<256x64xf32, #tpu.memory_space<vmem>> -> memref<8x64xf32, #tpu.memory_space<vmem>>
      %dma_start3A_229 = arith.constant 0 : i32
      %dma_start3A_230 = tpu.memref_slice %arg5[%dma_start3A_219, %multiple_of3A_205, %dma_start3A_229] : memref<1x1000000x64xf32, #tpu.memory_space<hbm>> -> memref<1x8x64xf32, #tpu.memory_space<hbm>>
      %dma_start3A_231 = tpu.memref_squeeze %dma_start3A_230 : memref<1x8x64xf32, #tpu.memory_space<hbm>> -> memref<8x64xf32, #tpu.memory_space<hbm>>
      tpu.enqueue_dma source(%dma_start3A_231 : memref<8x64xf32, #tpu.memory_space<hbm>>) target(%dma_start3A_228 : memref<8x64xf32, #tpu.memory_space<vmem>>) target_semaphore(%arg16 : memref<!tpu.dma_semaphore, #tpu.memory_space<semaphore_mem>>)
      %slice3A_232 = vector.extract_strided_slice %get3A_16 {offsets = [6], sizes = [1], strides = [1]} : vector<16xi32> to vector<1xi32>
      %squeeze3A_233 = vector.extract %slice3A_232[0] : i32 from vector<1xi32>
      %and3A_234 = arith.constant -8 : i32
      %and3A_235 = arith.andi %squeeze3A_233, %and3A_234 : i32
      %multiple_of3A_236 = tpu.assume_multiple %and3A_235, 8 : i32
      %slice3A_237 = vector.extract_strided_slice %get3A_18 {offsets = [6], sizes = [1], strides = [1]} : vector<16xi32> to vector<1xi32>
      %squeeze3A_238 = vector.extract %slice3A_237[0] : i32 from vector<1xi32>
      %and3A_239 = arith.constant -8 : i32
      %and3A_240 = arith.andi %squeeze3A_238, %and3A_239 : i32
      %multiple_of3A_241 = tpu.assume_multiple %and3A_240, 8 : i32
      %dma_start3A_242 = arith.constant 0 : i32
      %dma_start3A_243 = arith.constant 48 : i32
      %dma_start3A_244 = arith.constant 0 : i32
      %dma_start3A_245 = tpu.memref_slice %arg11[%dma_start3A_243, %dma_start3A_244] : memref<256x64xf32, #tpu.memory_space<vmem>> -> memref<8x64xf32, #tpu.memory_space<vmem>>
      %dma_start3A_246 = arith.constant 0 : i32
      %dma_start3A_247 = tpu.memref_slice %arg5[%dma_start3A_242, %multiple_of3A_236, %dma_start3A_246] : memref<1x1000000x64xf32, #tpu.memory_space<hbm>> -> memref<1x8x64xf32, #tpu.memory_space<hbm>>
      %dma_start3A_248 = tpu.memref_squeeze %dma_start3A_247 : memref<1x8x64xf32, #tpu.memory_space<hbm>> -> memref<8x64xf32, #tpu.memory_space<hbm>>
      %dma_start3A_249 = arith.constant 48 : i32
      %dma_start3A_250 = arith.constant 0 : i32
      %dma_start3A_251 = tpu.memref_slice %arg11[%dma_start3A_249, %dma_start3A_250] : memref<256x64xf32, #tpu.memory_space<vmem>> -> memref<8x64xf32, #tpu.memory_space<vmem>>
      %dma_start3A_252 = arith.constant 0 : i32
      %dma_start3A_253 = tpu.memref_slice %arg5[%dma_start3A_242, %multiple_of3A_236, %dma_start3A_252] : memref<1x1000000x64xf32, #tpu.memory_space<hbm>> -> memref<1x8x64xf32, #tpu.memory_space<hbm>>
      %dma_start3A_254 = tpu.memref_squeeze %dma_start3A_253 : memref<1x8x64xf32, #tpu.memory_space<hbm>> -> memref<8x64xf32, #tpu.memory_space<hbm>>
      tpu.enqueue_dma source(%dma_start3A_254 : memref<8x64xf32, #tpu.memory_space<hbm>>) target(%dma_start3A_251 : memref<8x64xf32, #tpu.memory_space<vmem>>) target_semaphore(%arg15 : memref<!tpu.dma_semaphore, #tpu.memory_space<semaphore_mem>>)
      %dma_start3A_255 = arith.constant 0 : i32
      %dma_start3A_256 = arith.constant 48 : i32
      %dma_start3A_257 = arith.constant 0 : i32
      %dma_start3A_258 = tpu.memref_slice %arg12[%dma_start3A_256, %dma_start3A_257] : memref<256x64xf32, #tpu.memory_space<vmem>> -> memref<8x64xf32, #tpu.memory_space<vmem>>
      %dma_start3A_259 = arith.constant 0 : i32
      %dma_start3A_260 = tpu.memref_slice %arg5[%dma_start3A_255, %multiple_of3A_241, %dma_start3A_259] : memref<1x1000000x64xf32, #tpu.memory_space<hbm>> -> memref<1x8x64xf32, #tpu.memory_space<hbm>>
      %dma_start3A_261 = tpu.memref_squeeze %dma_start3A_260 : memref<1x8x64xf32, #tpu.memory_space<hbm>> -> memref<8x64xf32, #tpu.memory_space<hbm>>
      %dma_start3A_262 = arith.constant 48 : i32
      %dma_start3A_263 = arith.constant 0 : i32
      %dma_start3A_264 = tpu.memref_slice %arg12[%dma_start3A_262, %dma_start3A_263] : memref<256x64xf32, #tpu.memory_space<vmem>> -> memref<8x64xf32, #tpu.memory_space<vmem>>
      %dma_start3A_265 = arith.constant 0 : i32
      %dma_start3A_266 = tpu.memref_slice %arg5[%dma_start3A_255, %multiple_of3A_241, %dma_start3A_265] : memref<1x1000000x64xf32, #tpu.memory_space<hbm>> -> memref<1x8x64xf32, #tpu.memory_space<hbm>>
      %dma_start3A_267 = tpu.memref_squeeze %dma_start3A_266 : memref<1x8x64xf32, #tpu.memory_space<hbm>> -> memref<8x64xf32, #tpu.memory_space<hbm>>
      tpu.enqueue_dma source(%dma_start3A_267 : memref<8x64xf32, #tpu.memory_space<hbm>>) target(%dma_start3A_264 : memref<8x64xf32, #tpu.memory_space<vmem>>) target_semaphore(%arg16 : memref<!tpu.dma_semaphore, #tpu.memory_space<semaphore_mem>>)
      %slice3A_268 = vector.extract_strided_slice %get3A_16 {offsets = [7], sizes = [1], strides = [1]} : vector<16xi32> to vector<1xi32>
      %squeeze3A_269 = vector.extract %slice3A_268[0] : i32 from vector<1xi32>
      %and3A_270 = arith.constant -8 : i32
      %and3A_271 = arith.andi %squeeze3A_269, %and3A_270 : i32
      %multiple_of3A_272 = tpu.assume_multiple %and3A_271, 8 : i32
      %slice3A_273 = vector.extract_strided_slice %get3A_18 {offsets = [7], sizes = [1], strides = [1]} : vector<16xi32> to vector<1xi32>
      %squeeze3A_274 = vector.extract %slice3A_273[0] : i32 from vector<1xi32>
      %and3A_275 = arith.constant -8 : i32
      %and3A_276 = arith.andi %squeeze3A_274, %and3A_275 : i32
      %multiple_of3A_277 = tpu.assume_multiple %and3A_276, 8 : i32
      %dma_start3A_278 = arith.constant 0 : i32
      %dma_start3A_279 = arith.constant 56 : i32
      %dma_start3A_280 = arith.constant 0 : i32
      %dma_start3A_281 = tpu.memref_slice %arg11[%dma_start3A_279, %dma_start3A_280] : memref<256x64xf32, #tpu.memory_space<vmem>> -> memref<8x64xf32, #tpu.memory_space<vmem>>
      %dma_start3A_282 = arith.constant 0 : i32
      %dma_start3A_283 = tpu.memref_slice %arg5[%dma_start3A_278, %multiple_of3A_272, %dma_start3A_282] : memref<1x1000000x64xf32, #tpu.memory_space<hbm>> -> memref<1x8x64xf32, #tpu.memory_space<hbm>>
      %dma_start3A_284 = tpu.memref_squeeze %dma_start3A_283 : memref<1x8x64xf32, #tpu.memory_space<hbm>> -> memref<8x64xf32, #tpu.memory_space<hbm>>
      %dma_start3A_285 = arith.constant 56 : i32
      %dma_start3A_286 = arith.constant 0 : i32
      %dma_start3A_287 = tpu.memref_slice %arg11[%dma_start3A_285, %dma_start3A_286] : memref<256x64xf32, #tpu.memory_space<vmem>> -> memref<8x64xf32, #tpu.memory_space<vmem>>
      %dma_start3A_288 = arith.constant 0 : i32
      %dma_start3A_289 = tpu.memref_slice %arg5[%dma_start3A_278, %multiple_of3A_272, %dma_start3A_288] : memref<1x1000000x64xf32, #tpu.memory_space<hbm>> -> memref<1x8x64xf32, #tpu.memory_space<hbm>>
      %dma_start3A_290 = tpu.memref_squeeze %dma_start3A_289 : memref<1x8x64xf32, #tpu.memory_space<hbm>> -> memref<8x64xf32, #tpu.memory_space<hbm>>
      tpu.enqueue_dma source(%dma_start3A_290 : memref<8x64xf32, #tpu.memory_space<hbm>>) target(%dma_start3A_287 : memref<8x64xf32, #tpu.memory_space<vmem>>) target_semaphore(%arg15 : memref<!tpu.dma_semaphore, #tpu.memory_space<semaphore_mem>>)
      %dma_start3A_291 = arith.constant 0 : i32
      %dma_start3A_292 = arith.constant 56 : i32
      %dma_start3A_293 = arith.constant 0 : i32
      %dma_start3A_294 = tpu.memref_slice %arg12[%dma_start3A_292, %dma_start3A_293] : memref<256x64xf32, #tpu.memory_space<vmem>> -> memref<8x64xf32, #tpu.memory_space<vmem>>
      %dma_start3A_295 = arith.constant 0 : i32
      %dma_start3A_296 = tpu.memref_slice %arg5[%dma_start3A_291, %multiple_of3A_277, %dma_start3A_295] : memref<1x1000000x64xf32, #tpu.memory_space<hbm>> -> memref<1x8x64xf32, #tpu.memory_space<hbm>>
      %dma_start3A_297 = tpu.memref_squeeze %dma_start3A_296 : memref<1x8x64xf32, #tpu.memory_space<hbm>> -> memref<8x64xf32, #tpu.memory_space<hbm>>
      %dma_start3A_298 = arith.constant 56 : i32
      %dma_start3A_299 = arith.constant 0 : i32
      %dma_start3A_300 = tpu.memref_slice %arg12[%dma_start3A_298, %dma_start3A_299] : memref<256x64xf32, #tpu.memory_space<vmem>> -> memref<8x64xf32, #tpu.memory_space<vmem>>
      %dma_start3A_301 = arith.constant 0 : i32
      %dma_start3A_302 = tpu.memref_slice %arg5[%dma_start3A_291, %multiple_of3A_277, %dma_start3A_301] : memref<1x1000000x64xf32, #tpu.memory_space<hbm>> -> memref<1x8x64xf32, #tpu.memory_space<hbm>>
      %dma_start3A_303 = tpu.memref_squeeze %dma_start3A_302 : memref<1x8x64xf32, #tpu.memory_space<hbm>> -> memref<8x64xf32, #tpu.memory_space<hbm>>
      tpu.enqueue_dma source(%dma_start3A_303 : memref<8x64xf32, #tpu.memory_space<hbm>>) target(%dma_start3A_300 : memref<8x64xf32, #tpu.memory_space<vmem>>) target_semaphore(%arg16 : memref<!tpu.dma_semaphore, #tpu.memory_space<semaphore_mem>>)
      %slice3A_304 = vector.extract_strided_slice %get3A_16 {offsets = [8], sizes = [1], strides = [1]} : vector<16xi32> to vector<1xi32>
      %squeeze3A_305 = vector.extract %slice3A_304[0] : i32 from vector<1xi32>
      %and3A_306 = arith.constant -8 : i32
      %and3A_307 = arith.andi %squeeze3A_305, %and3A_306 : i32
      %multiple_of3A_308 = tpu.assume_multiple %and3A_307, 8 : i32
      %slice3A_309 = vector.extract_strided_slice %get3A_18 {offsets = [8], sizes = [1], strides = [1]} : vector<16xi32> to vector<1xi32>
      %squeeze3A_310 = vector.extract %slice3A_309[0] : i32 from vector<1xi32>
      %and3A_311 = arith.constant -8 : i32
      %and3A_312 = arith.andi %squeeze3A_310, %and3A_311 : i32
      %multiple_of3A_313 = tpu.assume_multiple %and3A_312, 8 : i32
      %dma_start3A_314 = arith.constant 0 : i32
      %dma_start3A_315 = arith.constant 64 : i32
      %dma_start3A_316 = arith.constant 0 : i32
      %dma_start3A_317 = tpu.memref_slice %arg11[%dma_start3A_315, %dma_start3A_316] : memref<256x64xf32, #tpu.memory_space<vmem>> -> memref<8x64xf32, #tpu.memory_space<vmem>>
      %dma_start3A_318 = arith.constant 0 : i32
      %dma_start3A_319 = tpu.memref_slice %arg5[%dma_start3A_314, %multiple_of3A_308, %dma_start3A_318] : memref<1x1000000x64xf32, #tpu.memory_space<hbm>> -> memref<1x8x64xf32, #tpu.memory_space<hbm>>
      %dma_start3A_320 = tpu.memref_squeeze %dma_start3A_319 : memref<1x8x64xf32, #tpu.memory_space<hbm>> -> memref<8x64xf32, #tpu.memory_space<hbm>>
      %dma_start3A_321 = arith.constant 64 : i32
      %dma_start3A_322 = arith.constant 0 : i32
      %dma_start3A_323 = tpu.memref_slice %arg11[%dma_start3A_321, %dma_start3A_322] : memref<256x64xf32, #tpu.memory_space<vmem>> -> memref<8x64xf32, #tpu.memory_space<vmem>>
      %dma_start3A_324 = arith.constant 0 : i32
      %dma_start3A_325 = tpu.memref_slice %arg5[%dma_start3A_314, %multiple_of3A_308, %dma_start3A_324] : memref<1x1000000x64xf32, #tpu.memory_space<hbm>> -> memref<1x8x64xf32, #tpu.memory_space<hbm>>
      %dma_start3A_326 = tpu.memref_squeeze %dma_start3A_325 : memref<1x8x64xf32, #tpu.memory_space<hbm>> -> memref<8x64xf32, #tpu.memory_space<hbm>>
      tpu.enqueue_dma source(%dma_start3A_326 : memref<8x64xf32, #tpu.memory_space<hbm>>) target(%dma_start3A_323 : memref<8x64xf32, #tpu.memory_space<vmem>>) target_semaphore(%arg15 : memref<!tpu.dma_semaphore, #tpu.memory_space<semaphore_mem>>)
      %dma_start3A_327 = arith.constant 0 : i32
      %dma_start3A_328 = arith.constant 64 : i32
      %dma_start3A_329 = arith.constant 0 : i32
      %dma_start3A_330 = tpu.memref_slice %arg12[%dma_start3A_328, %dma_start3A_329] : memref<256x64xf32, #tpu.memory_space<vmem>> -> memref<8x64xf32, #tpu.memory_space<vmem>>
      %dma_start3A_331 = arith.constant 0 : i32
      %dma_start3A_332 = tpu.memref_slice %arg5[%dma_start3A_327, %multiple_of3A_313, %dma_start3A_331] : memref<1x1000000x64xf32, #tpu.memory_space<hbm>> -> memref<1x8x64xf32, #tpu.memory_space<hbm>>
      %dma_start3A_333 = tpu.memref_squeeze %dma_start3A_332 : memref<1x8x64xf32, #tpu.memory_space<hbm>> -> memref<8x64xf32, #tpu.memory_space<hbm>>
      %dma_start3A_334 = arith.constant 64 : i32
      %dma_start3A_335 = arith.constant 0 : i32
      %dma_start3A_336 = tpu.memref_slice %arg12[%dma_start3A_334, %dma_start3A_335] : memref<256x64xf32, #tpu.memory_space<vmem>> -> memref<8x64xf32, #tpu.memory_space<vmem>>
      %dma_start3A_337 = arith.constant 0 : i32
      %dma_start3A_338 = tpu.memref_slice %arg5[%dma_start3A_327, %multiple_of3A_313, %dma_start3A_337] : memref<1x1000000x64xf32, #tpu.memory_space<hbm>> -> memref<1x8x64xf32, #tpu.memory_space<hbm>>
      %dma_start3A_339 = tpu.memref_squeeze %dma_start3A_338 : memref<1x8x64xf32, #tpu.memory_space<hbm>> -> memref<8x64xf32, #tpu.memory_space<hbm>>
      tpu.enqueue_dma source(%dma_start3A_339 : memref<8x64xf32, #tpu.memory_space<hbm>>) target(%dma_start3A_336 : memref<8x64xf32, #tpu.memory_space<vmem>>) target_semaphore(%arg16 : memref<!tpu.dma_semaphore, #tpu.memory_space<semaphore_mem>>)
      %slice3A_340 = vector.extract_strided_slice %get3A_16 {offsets = [9], sizes = [1], strides = [1]} : vector<16xi32> to vector<1xi32>
      %squeeze3A_341 = vector.extract %slice3A_340[0] : i32 from vector<1xi32>
      %and3A_342 = arith.constant -8 : i32
      %and3A_343 = arith.andi %squeeze3A_341, %and3A_342 : i32
      %multiple_of3A_344 = tpu.assume_multiple %and3A_343, 8 : i32
      %slice3A_345 = vector.extract_strided_slice %get3A_18 {offsets = [9], sizes = [1], strides = [1]} : vector<16xi32> to vector<1xi32>
      %squeeze3A_346 = vector.extract %slice3A_345[0] : i32 from vector<1xi32>
      %and3A_347 = arith.constant -8 : i32
      %and3A_348 = arith.andi %squeeze3A_346, %and3A_347 : i32
      %multiple_of3A_349 = tpu.assume_multiple %and3A_348, 8 : i32
      %dma_start3A_350 = arith.constant 0 : i32
      %dma_start3A_351 = arith.constant 72 : i32
      %dma_start3A_352 = arith.constant 0 : i32
      %dma_start3A_353 = tpu.memref_slice %arg11[%dma_start3A_351, %dma_start3A_352] : memref<256x64xf32, #tpu.memory_space<vmem>> -> memref<8x64xf32, #tpu.memory_space<vmem>>
      %dma_start3A_354 = arith.constant 0 : i32
      %dma_start3A_355 = tpu.memref_slice %arg5[%dma_start3A_350, %multiple_of3A_344, %dma_start3A_354] : memref<1x1000000x64xf32, #tpu.memory_space<hbm>> -> memref<1x8x64xf32, #tpu.memory_space<hbm>>
      %dma_start3A_356 = tpu.memref_squeeze %dma_start3A_355 : memref<1x8x64xf32, #tpu.memory_space<hbm>> -> memref<8x64xf32, #tpu.memory_space<hbm>>
      %dma_start3A_357 = arith.constant 72 : i32
      %dma_start3A_358 = arith.constant 0 : i32
      %dma_start3A_359 = tpu.memref_slice %arg11[%dma_start3A_357, %dma_start3A_358] : memref<256x64xf32, #tpu.memory_space<vmem>> -> memref<8x64xf32, #tpu.memory_space<vmem>>
      %dma_start3A_360 = arith.constant 0 : i32
      %dma_start3A_361 = tpu.memref_slice %arg5[%dma_start3A_350, %multiple_of3A_344, %dma_start3A_360] : memref<1x1000000x64xf32, #tpu.memory_space<hbm>> -> memref<1x8x64xf32, #tpu.memory_space<hbm>>
      %dma_start3A_362 = tpu.memref_squeeze %dma_start3A_361 : memref<1x8x64xf32, #tpu.memory_space<hbm>> -> memref<8x64xf32, #tpu.memory_space<hbm>>
      tpu.enqueue_dma source(%dma_start3A_362 : memref<8x64xf32, #tpu.memory_space<hbm>>) target(%dma_start3A_359 : memref<8x64xf32, #tpu.memory_space<vmem>>) target_semaphore(%arg15 : memref<!tpu.dma_semaphore, #tpu.memory_space<semaphore_mem>>)
      %dma_start3A_363 = arith.constant 0 : i32
      %dma_start3A_364 = arith.constant 72 : i32
      %dma_start3A_365 = arith.constant 0 : i32
      %dma_start3A_366 = tpu.memref_slice %arg12[%dma_start3A_364, %dma_start3A_365] : memref<256x64xf32, #tpu.memory_space<vmem>> -> memref<8x64xf32, #tpu.memory_space<vmem>>
      %dma_start3A_367 = arith.constant 0 : i32
      %dma_start3A_368 = tpu.memref_slice %arg5[%dma_start3A_363, %multiple_of3A_349, %dma_start3A_367] : memref<1x1000000x64xf32, #tpu.memory_space<hbm>> -> memref<1x8x64xf32, #tpu.memory_space<hbm>>
      %dma_start3A_369 = tpu.memref_squeeze %dma_start3A_368 : memref<1x8x64xf32, #tpu.memory_space<hbm>> -> memref<8x64xf32, #tpu.memory_space<hbm>>
      %dma_start3A_370 = arith.constant 72 : i32
      %dma_start3A_371 = arith.constant 0 : i32
      %dma_start3A_372 = tpu.memref_slice %arg12[%dma_start3A_370, %dma_start3A_371] : memref<256x64xf32, #tpu.memory_space<vmem>> -> memref<8x64xf32, #tpu.memory_space<vmem>>
      %dma_start3A_373 = arith.constant 0 : i32
      %dma_start3A_374 = tpu.memref_slice %arg5[%dma_start3A_363, %multiple_of3A_349, %dma_start3A_373] : memref<1x1000000x64xf32, #tpu.memory_space<hbm>> -> memref<1x8x64xf32, #tpu.memory_space<hbm>>
      %dma_start3A_375 = tpu.memref_squeeze %dma_start3A_374 : memref<1x8x64xf32, #tpu.memory_space<hbm>> -> memref<8x64xf32, #tpu.memory_space<hbm>>
      tpu.enqueue_dma source(%dma_start3A_375 : memref<8x64xf32, #tpu.memory_space<hbm>>) target(%dma_start3A_372 : memref<8x64xf32, #tpu.memory_space<vmem>>) target_semaphore(%arg16 : memref<!tpu.dma_semaphore, #tpu.memory_space<semaphore_mem>>)
      %slice3A_376 = vector.extract_strided_slice %get3A_16 {offsets = [10], sizes = [1], strides = [1]} : vector<16xi32> to vector<1xi32>
      %squeeze3A_377 = vector.extract %slice3A_376[0] : i32 from vector<1xi32>
      %and3A_378 = arith.constant -8 : i32
      %and3A_379 = arith.andi %squeeze3A_377, %and3A_378 : i32
      %multiple_of3A_380 = tpu.assume_multiple %and3A_379, 8 : i32
      %slice3A_381 = vector.extract_strided_slice %get3A_18 {offsets = [10], sizes = [1], strides = [1]} : vector<16xi32> to vector<1xi32>
      %squeeze3A_382 = vector.extract %slice3A_381[0] : i32 from vector<1xi32>
      %and3A_383 = arith.constant -8 : i32
      %and3A_384 = arith.andi %squeeze3A_382, %and3A_383 : i32
      %multiple_of3A_385 = tpu.assume_multiple %and3A_384, 8 : i32
      %dma_start3A_386 = arith.constant 0 : i32
      %dma_start3A_387 = arith.constant 80 : i32
      %dma_start3A_388 = arith.constant 0 : i32
      %dma_start3A_389 = tpu.memref_slice %arg11[%dma_start3A_387, %dma_start3A_388] : memref<256x64xf32, #tpu.memory_space<vmem>> -> memref<8x64xf32, #tpu.memory_space<vmem>>
      %dma_start3A_390 = arith.constant 0 : i32
      %dma_start3A_391 = tpu.memref_slice %arg5[%dma_start3A_386, %multiple_of3A_380, %dma_start3A_390] : memref<1x1000000x64xf32, #tpu.memory_space<hbm>> -> memref<1x8x64xf32, #tpu.memory_space<hbm>>
      %dma_start3A_392 = tpu.memref_squeeze %dma_start3A_391 : memref<1x8x64xf32, #tpu.memory_space<hbm>> -> memref<8x64xf32, #tpu.memory_space<hbm>>
      %dma_start3A_393 = arith.constant 80 : i32
      %dma_start3A_394 = arith.constant 0 : i32
      %dma_start3A_395 = tpu.memref_slice %arg11[%dma_start3A_393, %dma_start3A_394] : memref<256x64xf32, #tpu.memory_space<vmem>> -> memref<8x64xf32, #tpu.memory_space<vmem>>
      %dma_start3A_396 = arith.constant 0 : i32
      %dma_start3A_397 = tpu.memref_slice %arg5[%dma_start3A_386, %multiple_of3A_380, %dma_start3A_396] : memref<1x1000000x64xf32, #tpu.memory_space<hbm>> -> memref<1x8x64xf32, #tpu.memory_space<hbm>>
      %dma_start3A_398 = tpu.memref_squeeze %dma_start3A_397 : memref<1x8x64xf32, #tpu.memory_space<hbm>> -> memref<8x64xf32, #tpu.memory_space<hbm>>
      tpu.enqueue_dma source(%dma_start3A_398 : memref<8x64xf32, #tpu.memory_space<hbm>>) target(%dma_start3A_395 : memref<8x64xf32, #tpu.memory_space<vmem>>) target_semaphore(%arg15 : memref<!tpu.dma_semaphore, #tpu.memory_space<semaphore_mem>>)
      %dma_start3A_399 = arith.constant 0 : i32
      %dma_start3A_400 = arith.constant 80 : i32
      %dma_start3A_401 = arith.constant 0 : i32
      %dma_start3A_402 = tpu.memref_slice %arg12[%dma_start3A_400, %dma_start3A_401] : memref<256x64xf32, #tpu.memory_space<vmem>> -> memref<8x64xf32, #tpu.memory_space<vmem>>
      %dma_start3A_403 = arith.constant 0 : i32
      %dma_start3A_404 = tpu.memref_slice %arg5[%dma_start3A_399, %multiple_of3A_385, %dma_start3A_403] : memref<1x1000000x64xf32, #tpu.memory_space<hbm>> -> memref<1x8x64xf32, #tpu.memory_space<hbm>>
      %dma_start3A_405 = tpu.memref_squeeze %dma_start3A_404 : memref<1x8x64xf32, #tpu.memory_space<hbm>> -> memref<8x64xf32, #tpu.memory_space<hbm>>
      %dma_start3A_406 = arith.constant 80 : i32
      %dma_start3A_407 = arith.constant 0 : i32
      %dma_start3A_408 = tpu.memref_slice %arg12[%dma_start3A_406, %dma_start3A_407] : memref<256x64xf32, #tpu.memory_space<vmem>> -> memref<8x64xf32, #tpu.memory_space<vmem>>
      %dma_start3A_409 = arith.constant 0 : i32
      %dma_start3A_410 = tpu.memref_slice %arg5[%dma_start3A_399, %multiple_of3A_385, %dma_start3A_409] : memref<1x1000000x64xf32, #tpu.memory_space<hbm>> -> memref<1x8x64xf32, #tpu.memory_space<hbm>>
      %dma_start3A_411 = tpu.memref_squeeze %dma_start3A_410 : memref<1x8x64xf32, #tpu.memory_space<hbm>> -> memref<8x64xf32, #tpu.memory_space<hbm>>
      tpu.enqueue_dma source(%dma_start3A_411 : memref<8x64xf32, #tpu.memory_space<hbm>>) target(%dma_start3A_408 : memref<8x64xf32, #tpu.memory_space<vmem>>) target_semaphore(%arg16 : memref<!tpu.dma_semaphore, #tpu.memory_space<semaphore_mem>>)
      %slice3A_412 = vector.extract_strided_slice %get3A_16 {offsets = [11], sizes = [1], strides = [1]} : vector<16xi32> to vector<1xi32>
      %squeeze3A_413 = vector.extract %slice3A_412[0] : i32 from vector<1xi32>
      %and3A_414 = arith.constant -8 : i32
      %and3A_415 = arith.andi %squeeze3A_413, %and3A_414 : i32
      %multiple_of3A_416 = tpu.assume_multiple %and3A_415, 8 : i32
      %slice3A_417 = vector.extract_strided_slice %get3A_18 {offsets = [11], sizes = [1], strides = [1]} : vector<16xi32> to vector<1xi32>
      %squeeze3A_418 = vector.extract %slice3A_417[0] : i32 from vector<1xi32>
      %and3A_419 = arith.constant -8 : i32
      %and3A_420 = arith.andi %squeeze3A_418, %and3A_419 : i32
      %multiple_of3A_421 = tpu.assume_multiple %and3A_420, 8 : i32
      %dma_start3A_422 = arith.constant 0 : i32
      %dma_start3A_423 = arith.constant 88 : i32
      %dma_start3A_424 = arith.constant 0 : i32
      %dma_start3A_425 = tpu.memref_slice %arg11[%dma_start3A_423, %dma_start3A_424] : memref<256x64xf32, #tpu.memory_space<vmem>> -> memref<8x64xf32, #tpu.memory_space<vmem>>
      %dma_start3A_426 = arith.constant 0 : i32
      %dma_start3A_427 = tpu.memref_slice %arg5[%dma_start3A_422, %multiple_of3A_416, %dma_start3A_426] : memref<1x1000000x64xf32, #tpu.memory_space<hbm>> -> memref<1x8x64xf32, #tpu.memory_space<hbm>>
      %dma_start3A_428 = tpu.memref_squeeze %dma_start3A_427 : memref<1x8x64xf32, #tpu.memory_space<hbm>> -> memref<8x64xf32, #tpu.memory_space<hbm>>
      %dma_start3A_429 = arith.constant 88 : i32
      %dma_start3A_430 = arith.constant 0 : i32
      %dma_start3A_431 = tpu.memref_slice %arg11[%dma_start3A_429, %dma_start3A_430] : memref<256x64xf32, #tpu.memory_space<vmem>> -> memref<8x64xf32, #tpu.memory_space<vmem>>
      %dma_start3A_432 = arith.constant 0 : i32
      %dma_start3A_433 = tpu.memref_slice %arg5[%dma_start3A_422, %multiple_of3A_416, %dma_start3A_432] : memref<1x1000000x64xf32, #tpu.memory_space<hbm>> -> memref<1x8x64xf32, #tpu.memory_space<hbm>>
      %dma_start3A_434 = tpu.memref_squeeze %dma_start3A_433 : memref<1x8x64xf32, #tpu.memory_space<hbm>> -> memref<8x64xf32, #tpu.memory_space<hbm>>
      tpu.enqueue_dma source(%dma_start3A_434 : memref<8x64xf32, #tpu.memory_space<hbm>>) target(%dma_start3A_431 : memref<8x64xf32, #tpu.memory_space<vmem>>) target_semaphore(%arg15 : memref<!tpu.dma_semaphore, #tpu.memory_space<semaphore_mem>>)
      %dma_start3A_435 = arith.constant 0 : i32
      %dma_start3A_436 = arith.constant 88 : i32
      %dma_start3A_437 = arith.constant 0 : i32
      %dma_start3A_438 = tpu.memref_slice %arg12[%dma_start3A_436, %dma_start3A_437] : memref<256x64xf32, #tpu.memory_space<vmem>> -> memref<8x64xf32, #tpu.memory_space<vmem>>
      %dma_start3A_439 = arith.constant 0 : i32
      %dma_start3A_440 = tpu.memref_slice %arg5[%dma_start3A_435, %multiple_of3A_421, %dma_start3A_439] : memref<1x1000000x64xf32, #tpu.memory_space<hbm>> -> memref<1x8x64xf32, #tpu.memory_space<hbm>>
      %dma_start3A_441 = tpu.memref_squeeze %dma_start3A_440 : memref<1x8x64xf32, #tpu.memory_space<hbm>> -> memref<8x64xf32, #tpu.memory_space<hbm>>
      %dma_start3A_442 = arith.constant 88 : i32
      %dma_start3A_443 = arith.constant 0 : i32
      %dma_start3A_444 = tpu.memref_slice %arg12[%dma_start3A_442, %dma_start3A_443] : memref<256x64xf32, #tpu.memory_space<vmem>> -> memref<8x64xf32, #tpu.memory_space<vmem>>
      %dma_start3A_445 = arith.constant 0 : i32
      %dma_start3A_446 = tpu.memref_slice %arg5[%dma_start3A_435, %multiple_of3A_421, %dma_start3A_445] : memref<1x1000000x64xf32, #tpu.memory_space<hbm>> -> memref<1x8x64xf32, #tpu.memory_space<hbm>>
      %dma_start3A_447 = tpu.memref_squeeze %dma_start3A_446 : memref<1x8x64xf32, #tpu.memory_space<hbm>> -> memref<8x64xf32, #tpu.memory_space<hbm>>
      tpu.enqueue_dma source(%dma_start3A_447 : memref<8x64xf32, #tpu.memory_space<hbm>>) target(%dma_start3A_444 : memref<8x64xf32, #tpu.memory_space<vmem>>) target_semaphore(%arg16 : memref<!tpu.dma_semaphore, #tpu.memory_space<semaphore_mem>>)
      %slice3A_448 = vector.extract_strided_slice %get3A_16 {offsets = [12], sizes = [1], strides = [1]} : vector<16xi32> to vector<1xi32>
      %squeeze3A_449 = vector.extract %slice3A_448[0] : i32 from vector<1xi32>
      %and3A_450 = arith.constant -8 : i32
      %and3A_451 = arith.andi %squeeze3A_449, %and3A_450 : i32
      %multiple_of3A_452 = tpu.assume_multiple %and3A_451, 8 : i32
      %slice3A_453 = vector.extract_strided_slice %get3A_18 {offsets = [12], sizes = [1], strides = [1]} : vector<16xi32> to vector<1xi32>
      %squeeze3A_454 = vector.extract %slice3A_453[0] : i32 from vector<1xi32>
      %and3A_455 = arith.constant -8 : i32
      %and3A_456 = arith.andi %squeeze3A_454, %and3A_455 : i32
      %multiple_of3A_457 = tpu.assume_multiple %and3A_456, 8 : i32
      %dma_start3A_458 = arith.constant 0 : i32
      %dma_start3A_459 = arith.constant 96 : i32
      %dma_start3A_460 = arith.constant 0 : i32
      %dma_start3A_461 = tpu.memref_slice %arg11[%dma_start3A_459, %dma_start3A_460] : memref<256x64xf32, #tpu.memory_space<vmem>> -> memref<8x64xf32, #tpu.memory_space<vmem>>
      %dma_start3A_462 = arith.constant 0 : i32
      %dma_start3A_463 = tpu.memref_slice %arg5[%dma_start3A_458, %multiple_of3A_452, %dma_start3A_462] : memref<1x1000000x64xf32, #tpu.memory_space<hbm>> -> memref<1x8x64xf32, #tpu.memory_space<hbm>>
      %dma_start3A_464 = tpu.memref_squeeze %dma_start3A_463 : memref<1x8x64xf32, #tpu.memory_space<hbm>> -> memref<8x64xf32, #tpu.memory_space<hbm>>
      %dma_start3A_465 = arith.constant 96 : i32
      %dma_start3A_466 = arith.constant 0 : i32
      %dma_start3A_467 = tpu.memref_slice %arg11[%dma_start3A_465, %dma_start3A_466] : memref<256x64xf32, #tpu.memory_space<vmem>> -> memref<8x64xf32, #tpu.memory_space<vmem>>
      %dma_start3A_468 = arith.constant 0 : i32
      %dma_start3A_469 = tpu.memref_slice %arg5[%dma_start3A_458, %multiple_of3A_452, %dma_start3A_468] : memref<1x1000000x64xf32, #tpu.memory_space<hbm>> -> memref<1x8x64xf32, #tpu.memory_space<hbm>>
      %dma_start3A_470 = tpu.memref_squeeze %dma_start3A_469 : memref<1x8x64xf32, #tpu.memory_space<hbm>> -> memref<8x64xf32, #tpu.memory_space<hbm>>
      tpu.enqueue_dma source(%dma_start3A_470 : memref<8x64xf32, #tpu.memory_space<hbm>>) target(%dma_start3A_467 : memref<8x64xf32, #tpu.memory_space<vmem>>) target_semaphore(%arg15 : memref<!tpu.dma_semaphore, #tpu.memory_space<semaphore_mem>>)
      %dma_start3A_471 = arith.constant 0 : i32
      %dma_start3A_472 = arith.constant 96 : i32
      %dma_start3A_473 = arith.constant 0 : i32
      %dma_start3A_474 = tpu.memref_slice %arg12[%dma_start3A_472, %dma_start3A_473] : memref<256x64xf32, #tpu.memory_space<vmem>> -> memref<8x64xf32, #tpu.memory_space<vmem>>
      %dma_start3A_475 = arith.constant 0 : i32
      %dma_start3A_476 = tpu.memref_slice %arg5[%dma_start3A_471, %multiple_of3A_457, %dma_start3A_475] : memref<1x1000000x64xf32, #tpu.memory_space<hbm>> -> memref<1x8x64xf32, #tpu.memory_space<hbm>>
      %dma_start3A_477 = tpu.memref_squeeze %dma_start3A_476 : memref<1x8x64xf32, #tpu.memory_space<hbm>> -> memref<8x64xf32, #tpu.memory_space<hbm>>
      %dma_start3A_478 = arith.constant 96 : i32
      %dma_start3A_479 = arith.constant 0 : i32
      %dma_start3A_480 = tpu.memref_slice %arg12[%dma_start3A_478, %dma_start3A_479] : memref<256x64xf32, #tpu.memory_space<vmem>> -> memref<8x64xf32, #tpu.memory_space<vmem>>
      %dma_start3A_481 = arith.constant 0 : i32
      %dma_start3A_482 = tpu.memref_slice %arg5[%dma_start3A_471, %multiple_of3A_457, %dma_start3A_481] : memref<1x1000000x64xf32, #tpu.memory_space<hbm>> -> memref<1x8x64xf32, #tpu.memory_space<hbm>>
      %dma_start3A_483 = tpu.memref_squeeze %dma_start3A_482 : memref<1x8x64xf32, #tpu.memory_space<hbm>> -> memref<8x64xf32, #tpu.memory_space<hbm>>
      tpu.enqueue_dma source(%dma_start3A_483 : memref<8x64xf32, #tpu.memory_space<hbm>>) target(%dma_start3A_480 : memref<8x64xf32, #tpu.memory_space<vmem>>) target_semaphore(%arg16 : memref<!tpu.dma_semaphore, #tpu.memory_space<semaphore_mem>>)
      %slice3A_484 = vector.extract_strided_slice %get3A_16 {offsets = [13], sizes = [1], strides = [1]} : vector<16xi32> to vector<1xi32>
      %squeeze3A_485 = vector.extract %slice3A_484[0] : i32 from vector<1xi32>
      %and3A_486 = arith.constant -8 : i32
      %and3A_487 = arith.andi %squeeze3A_485, %and3A_486 : i32
      %multiple_of3A_488 = tpu.assume_multiple %and3A_487, 8 : i32
      %slice3A_489 = vector.extract_strided_slice %get3A_18 {offsets = [13], sizes = [1], strides = [1]} : vector<16xi32> to vector<1xi32>
      %squeeze3A_490 = vector.extract %slice3A_489[0] : i32 from vector<1xi32>
      %and3A_491 = arith.constant -8 : i32
      %and3A_492 = arith.andi %squeeze3A_490, %and3A_491 : i32
      %multiple_of3A_493 = tpu.assume_multiple %and3A_492, 8 : i32
      %dma_start3A_494 = arith.constant 0 : i32
      %dma_start3A_495 = arith.constant 104 : i32
      %dma_start3A_496 = arith.constant 0 : i32
      %dma_start3A_497 = tpu.memref_slice %arg11[%dma_start3A_495, %dma_start3A_496] : memref<256x64xf32, #tpu.memory_space<vmem>> -> memref<8x64xf32, #tpu.memory_space<vmem>>
      %dma_start3A_498 = arith.constant 0 : i32
      %dma_start3A_499 = tpu.memref_slice %arg5[%dma_start3A_494, %multiple_of3A_488, %dma_start3A_498] : memref<1x1000000x64xf32, #tpu.memory_space<hbm>> -> memref<1x8x64xf32, #tpu.memory_space<hbm>>
      %dma_start3A_500 = tpu.memref_squeeze %dma_start3A_499 : memref<1x8x64xf32, #tpu.memory_space<hbm>> -> memref<8x64xf32, #tpu.memory_space<hbm>>
      %dma_start3A_501 = arith.constant 104 : i32
      %dma_start3A_502 = arith.constant 0 : i32
      %dma_start3A_503 = tpu.memref_slice %arg11[%dma_start3A_501, %dma_start3A_502] : memref<256x64xf32, #tpu.memory_space<vmem>> -> memref<8x64xf32, #tpu.memory_space<vmem>>
      %dma_start3A_504 = arith.constant 0 : i32
      %dma_start3A_505 = tpu.memref_slice %arg5[%dma_start3A_494, %multiple_of3A_488, %dma_start3A_504] : memref<1x1000000x64xf32, #tpu.memory_space<hbm>> -> memref<1x8x64xf32, #tpu.memory_space<hbm>>
      %dma_start3A_506 = tpu.memref_squeeze %dma_start3A_505 : memref<1x8x64xf32, #tpu.memory_space<hbm>> -> memref<8x64xf32, #tpu.memory_space<hbm>>
      tpu.enqueue_dma source(%dma_start3A_506 : memref<8x64xf32, #tpu.memory_space<hbm>>) target(%dma_start3A_503 : memref<8x64xf32, #tpu.memory_space<vmem>>) target_semaphore(%arg15 : memref<!tpu.dma_semaphore, #tpu.memory_space<semaphore_mem>>)
      %dma_start3A_507 = arith.constant 0 : i32
      %dma_start3A_508 = arith.constant 104 : i32
      %dma_start3A_509 = arith.constant 0 : i32
      %dma_start3A_510 = tpu.memref_slice %arg12[%dma_start3A_508, %dma_start3A_509] : memref<256x64xf32, #tpu.memory_space<vmem>> -> memref<8x64xf32, #tpu.memory_space<vmem>>
      %dma_start3A_511 = arith.constant 0 : i32
      %dma_start3A_512 = tpu.memref_slice %arg5[%dma_start3A_507, %multiple_of3A_493, %dma_start3A_511] : memref<1x1000000x64xf32, #tpu.memory_space<hbm>> -> memref<1x8x64xf32, #tpu.memory_space<hbm>>
      %dma_start3A_513 = tpu.memref_squeeze %dma_start3A_512 : memref<1x8x64xf32, #tpu.memory_space<hbm>> -> memref<8x64xf32, #tpu.memory_space<hbm>>
      %dma_start3A_514 = arith.constant 104 : i32
      %dma_start3A_515 = arith.constant 0 : i32
      %dma_start3A_516 = tpu.memref_slice %arg12[%dma_start3A_514, %dma_start3A_515] : memref<256x64xf32, #tpu.memory_space<vmem>> -> memref<8x64xf32, #tpu.memory_space<vmem>>
      %dma_start3A_517 = arith.constant 0 : i32
      %dma_start3A_518 = tpu.memref_slice %arg5[%dma_start3A_507, %multiple_of3A_493, %dma_start3A_517] : memref<1x1000000x64xf32, #tpu.memory_space<hbm>> -> memref<1x8x64xf32, #tpu.memory_space<hbm>>
      %dma_start3A_519 = tpu.memref_squeeze %dma_start3A_518 : memref<1x8x64xf32, #tpu.memory_space<hbm>> -> memref<8x64xf32, #tpu.memory_space<hbm>>
      tpu.enqueue_dma source(%dma_start3A_519 : memref<8x64xf32, #tpu.memory_space<hbm>>) target(%dma_start3A_516 : memref<8x64xf32, #tpu.memory_space<vmem>>) target_semaphore(%arg16 : memref<!tpu.dma_semaphore, #tpu.memory_space<semaphore_mem>>)
      %slice3A_520 = vector.extract_strided_slice %get3A_16 {offsets = [14], sizes = [1], strides = [1]} : vector<16xi32> to vector<1xi32>
      %squeeze3A_521 = vector.extract %slice3A_520[0] : i32 from vector<1xi32>
      %and3A_522 = arith.constant -8 : i32
      %and3A_523 = arith.andi %squeeze3A_521, %and3A_522 : i32
      %multiple_of3A_524 = tpu.assume_multiple %and3A_523, 8 : i32
      %slice3A_525 = vector.extract_strided_slice %get3A_18 {offsets = [14], sizes = [1], strides = [1]} : vector<16xi32> to vector<1xi32>
      %squeeze3A_526 = vector.extract %slice3A_525[0] : i32 from vector<1xi32>
      %and3A_527 = arith.constant -8 : i32
      %and3A_528 = arith.andi %squeeze3A_526, %and3A_527 : i32
      %multiple_of3A_529 = tpu.assume_multiple %and3A_528, 8 : i32
      %dma_start3A_530 = arith.constant 0 : i32
      %dma_start3A_531 = arith.constant 112 : i32
      %dma_start3A_532 = arith.constant 0 : i32
      %dma_start3A_533 = tpu.memref_slice %arg11[%dma_start3A_531, %dma_start3A_532] : memref<256x64xf32, #tpu.memory_space<vmem>> -> memref<8x64xf32, #tpu.memory_space<vmem>>
      %dma_start3A_534 = arith.constant 0 : i32
      %dma_start3A_535 = tpu.memref_slice %arg5[%dma_start3A_530, %multiple_of3A_524, %dma_start3A_534] : memref<1x1000000x64xf32, #tpu.memory_space<hbm>> -> memref<1x8x64xf32, #tpu.memory_space<hbm>>
      %dma_start3A_536 = tpu.memref_squeeze %dma_start3A_535 : memref<1x8x64xf32, #tpu.memory_space<hbm>> -> memref<8x64xf32, #tpu.memory_space<hbm>>
      %dma_start3A_537 = arith.constant 112 : i32
      %dma_start3A_538 = arith.constant 0 : i32
      %dma_start3A_539 = tpu.memref_slice %arg11[%dma_start3A_537, %dma_start3A_538] : memref<256x64xf32, #tpu.memory_space<vmem>> -> memref<8x64xf32, #tpu.memory_space<vmem>>
      %dma_start3A_540 = arith.constant 0 : i32
      %dma_start3A_541 = tpu.memref_slice %arg5[%dma_start3A_530, %multiple_of3A_524, %dma_start3A_540] : memref<1x1000000x64xf32, #tpu.memory_space<hbm>> -> memref<1x8x64xf32, #tpu.memory_space<hbm>>
      %dma_start3A_542 = tpu.memref_squeeze %dma_start3A_541 : memref<1x8x64xf32, #tpu.memory_space<hbm>> -> memref<8x64xf32, #tpu.memory_space<hbm>>
      tpu.enqueue_dma source(%dma_start3A_542 : memref<8x64xf32, #tpu.memory_space<hbm>>) target(%dma_start3A_539 : memref<8x64xf32, #tpu.memory_space<vmem>>) target_semaphore(%arg15 : memref<!tpu.dma_semaphore, #tpu.memory_space<semaphore_mem>>)
      %dma_start3A_543 = arith.constant 0 : i32
      %dma_start3A_544 = arith.constant 112 : i32
      %dma_start3A_545 = arith.constant 0 : i32
      %dma_start3A_546 = tpu.memref_slice %arg12[%dma_start3A_544, %dma_start3A_545] : memref<256x64xf32, #tpu.memory_space<vmem>> -> memref<8x64xf32, #tpu.memory_space<vmem>>
      %dma_start3A_547 = arith.constant 0 : i32
      %dma_start3A_548 = tpu.memref_slice %arg5[%dma_start3A_543, %multiple_of3A_529, %dma_start3A_547] : memref<1x1000000x64xf32, #tpu.memory_space<hbm>> -> memref<1x8x64xf32, #tpu.memory_space<hbm>>
      %dma_start3A_549 = tpu.memref_squeeze %dma_start3A_548 : memref<1x8x64xf32, #tpu.memory_space<hbm>> -> memref<8x64xf32, #tpu.memory_space<hbm>>
      %dma_start3A_550 = arith.constant 112 : i32
      %dma_start3A_551 = arith.constant 0 : i32
      %dma_start3A_552 = tpu.memref_slice %arg12[%dma_start3A_550, %dma_start3A_551] : memref<256x64xf32, #tpu.memory_space<vmem>> -> memref<8x64xf32, #tpu.memory_space<vmem>>
      %dma_start3A_553 = arith.constant 0 : i32
      %dma_start3A_554 = tpu.memref_slice %arg5[%dma_start3A_543, %multiple_of3A_529, %dma_start3A_553] : memref<1x1000000x64xf32, #tpu.memory_space<hbm>> -> memref<1x8x64xf32, #tpu.memory_space<hbm>>
      %dma_start3A_555 = tpu.memref_squeeze %dma_start3A_554 : memref<1x8x64xf32, #tpu.memory_space<hbm>> -> memref<8x64xf32, #tpu.memory_space<hbm>>
      tpu.enqueue_dma source(%dma_start3A_555 : memref<8x64xf32, #tpu.memory_space<hbm>>) target(%dma_start3A_552 : memref<8x64xf32, #tpu.memory_space<vmem>>) target_semaphore(%arg16 : memref<!tpu.dma_semaphore, #tpu.memory_space<semaphore_mem>>)
      %slice3A_556 = vector.extract_strided_slice %get3A_16 {offsets = [15], sizes = [1], strides = [1]} : vector<16xi32> to vector<1xi32>
      %squeeze3A_557 = vector.extract %slice3A_556[0] : i32 from vector<1xi32>
      %and3A_558 = arith.constant -8 : i32
      %and3A_559 = arith.andi %squeeze3A_557, %and3A_558 : i32
      %multiple_of3A_560 = tpu.assume_multiple %and3A_559, 8 : i32
      %slice3A_561 = vector.extract_strided_slice %get3A_18 {offsets = [15], sizes = [1], strides = [1]} : vector<16xi32> to vector<1xi32>
      %squeeze3A_562 = vector.extract %slice3A_561[0] : i32 from vector<1xi32>
      %and3A_563 = arith.constant -8 : i32
      %and3A_564 = arith.andi %squeeze3A_562, %and3A_563 : i32
      %multiple_of3A_565 = tpu.assume_multiple %and3A_564, 8 : i32
      %dma_start3A_566 = arith.constant 0 : i32
      %dma_start3A_567 = arith.constant 120 : i32
      %dma_start3A_568 = arith.constant 0 : i32
      %dma_start3A_569 = tpu.memref_slice %arg11[%dma_start3A_567, %dma_start3A_568] : memref<256x64xf32, #tpu.memory_space<vmem>> -> memref<8x64xf32, #tpu.memory_space<vmem>>
      %dma_start3A_570 = arith.constant 0 : i32
      %dma_start3A_571 = tpu.memref_slice %arg5[%dma_start3A_566, %multiple_of3A_560, %dma_start3A_570] : memref<1x1000000x64xf32, #tpu.memory_space<hbm>> -> memref<1x8x64xf32, #tpu.memory_space<hbm>>
      %dma_start3A_572 = tpu.memref_squeeze %dma_start3A_571 : memref<1x8x64xf32, #tpu.memory_space<hbm>> -> memref<8x64xf32, #tpu.memory_space<hbm>>
      %dma_start3A_573 = arith.constant 120 : i32
      %dma_start3A_574 = arith.constant 0 : i32
      %dma_start3A_575 = tpu.memref_slice %arg11[%dma_start3A_573, %dma_start3A_574] : memref<256x64xf32, #tpu.memory_space<vmem>> -> memref<8x64xf32, #tpu.memory_space<vmem>>
      %dma_start3A_576 = arith.constant 0 : i32
      %dma_start3A_577 = tpu.memref_slice %arg5[%dma_start3A_566, %multiple_of3A_560, %dma_start3A_576] : memref<1x1000000x64xf32, #tpu.memory_space<hbm>> -> memref<1x8x64xf32, #tpu.memory_space<hbm>>
      %dma_start3A_578 = tpu.memref_squeeze %dma_start3A_577 : memref<1x8x64xf32, #tpu.memory_space<hbm>> -> memref<8x64xf32, #tpu.memory_space<hbm>>
      tpu.enqueue_dma source(%dma_start3A_578 : memref<8x64xf32, #tpu.memory_space<hbm>>) target(%dma_start3A_575 : memref<8x64xf32, #tpu.memory_space<vmem>>) target_semaphore(%arg15 : memref<!tpu.dma_semaphore, #tpu.memory_space<semaphore_mem>>)
      %dma_start3A_579 = arith.constant 0 : i32
      %dma_start3A_580 = arith.constant 120 : i32
      %dma_start3A_581 = arith.constant 0 : i32
      %dma_start3A_582 = tpu.memref_slice %arg12[%dma_start3A_580, %dma_start3A_581] : memref<256x64xf32, #tpu.memory_space<vmem>> -> memref<8x64xf32, #tpu.memory_space<vmem>>
      %dma_start3A_583 = arith.constant 0 : i32
      %dma_start3A_584 = tpu.memref_slice %arg5[%dma_start3A_579, %multiple_of3A_565, %dma_start3A_583] : memref<1x1000000x64xf32, #tpu.memory_space<hbm>> -> memref<1x8x64xf32, #tpu.memory_space<hbm>>
      %dma_start3A_585 = tpu.memref_squeeze %dma_start3A_584 : memref<1x8x64xf32, #tpu.memory_space<hbm>> -> memref<8x64xf32, #tpu.memory_space<hbm>>
      %dma_start3A_586 = arith.constant 120 : i32
      %dma_start3A_587 = arith.constant 0 : i32
      %dma_start3A_588 = tpu.memref_slice %arg12[%dma_start3A_586, %dma_start3A_587] : memref<256x64xf32, #tpu.memory_space<vmem>> -> memref<8x64xf32, #tpu.memory_space<vmem>>
      %dma_start3A_589 = arith.constant 0 : i32
      %dma_start3A_590 = tpu.memref_slice %arg5[%dma_start3A_579, %multiple_of3A_565, %dma_start3A_589] : memref<1x1000000x64xf32, #tpu.memory_space<hbm>> -> memref<1x8x64xf32, #tpu.memory_space<hbm>>
      %dma_start3A_591 = tpu.memref_squeeze %dma_start3A_590 : memref<1x8x64xf32, #tpu.memory_space<hbm>> -> memref<8x64xf32, #tpu.memory_space<hbm>>
      tpu.enqueue_dma source(%dma_start3A_591 : memref<8x64xf32, #tpu.memory_space<hbm>>) target(%dma_start3A_588 : memref<8x64xf32, #tpu.memory_space<vmem>>) target_semaphore(%arg16 : memref<!tpu.dma_semaphore, #tpu.memory_space<semaphore_mem>>)
      %get3A_592 = arith.constant 16 : index
      %get3A_593 = tpu.vector_load %arg8[%get3A_592] {strides = array<i32>} : memref<32xi32, #tpu.memory_space<vmem>>, vector<16xi32>,
      %get3A_594 = arith.constant 16 : index
      %get3A_595 = tpu.vector_load %arg9[%get3A_594] {strides = array<i32>} : memref<32xi32, #tpu.memory_space<vmem>>, vector<16xi32>,
      %slice3A_596 = vector.extract_strided_slice %get3A_593 {offsets = [0], sizes = [1], strides = [1]} : vector<16xi32> to vector<1xi32>
      %squeeze3A_597 = vector.extract %slice3A_596[0] : i32 from vector<1xi32>
      %and3A_598 = arith.constant -8 : i32
      %and3A_599 = arith.andi %squeeze3A_597, %and3A_598 : i32
      %multiple_of3A_600 = tpu.assume_multiple %and3A_599, 8 : i32
      %slice3A_601 = vector.extract_strided_slice %get3A_595 {offsets = [0], sizes = [1], strides = [1]} : vector<16xi32> to vector<1xi32>
      %squeeze3A_602 = vector.extract %slice3A_601[0] : i32 from vector<1xi32>
      %and3A_603 = arith.constant -8 : i32
      %and3A_604 = arith.andi %squeeze3A_602, %and3A_603 : i32
      %multiple_of3A_605 = tpu.assume_multiple %and3A_604, 8 : i32
      %dma_start3A_606 = arith.constant 0 : i32
      %dma_start3A_607 = arith.constant 128 : i32
      %dma_start3A_608 = arith.constant 0 : i32
      %dma_start3A_609 = tpu.memref_slice %arg11[%dma_start3A_607, %dma_start3A_608] : memref<256x64xf32, #tpu.memory_space<vmem>> -> memref<8x64xf32, #tpu.memory_space<vmem>>
      %dma_start3A_610 = arith.constant 0 : i32
      %dma_start3A_611 = tpu.memref_slice %arg5[%dma_start3A_606, %multiple_of3A_600, %dma_start3A_610] : memref<1x1000000x64xf32, #tpu.memory_space<hbm>> -> memref<1x8x64xf32, #tpu.memory_space<hbm>>
      %dma_start3A_612 = tpu.memref_squeeze %dma_start3A_611 : memref<1x8x64xf32, #tpu.memory_space<hbm>> -> memref<8x64xf32, #tpu.memory_space<hbm>>
      %dma_start3A_613 = arith.constant 128 : i32
      %dma_start3A_614 = arith.constant 0 : i32
      %dma_start3A_615 = tpu.memref_slice %arg11[%dma_start3A_613, %dma_start3A_614] : memref<256x64xf32, #tpu.memory_space<vmem>> -> memref<8x64xf32, #tpu.memory_space<vmem>>
      %dma_start3A_616 = arith.constant 0 : i32
      %dma_start3A_617 = tpu.memref_slice %arg5[%dma_start3A_606, %multiple_of3A_600, %dma_start3A_616] : memref<1x1000000x64xf32, #tpu.memory_space<hbm>> -> memref<1x8x64xf32, #tpu.memory_space<hbm>>
      %dma_start3A_618 = tpu.memref_squeeze %dma_start3A_617 : memref<1x8x64xf32, #tpu.memory_space<hbm>> -> memref<8x64xf32, #tpu.memory_space<hbm>>
      tpu.enqueue_dma source(%dma_start3A_618 : memref<8x64xf32, #tpu.memory_space<hbm>>) target(%dma_start3A_615 : memref<8x64xf32, #tpu.memory_space<vmem>>) target_semaphore(%arg15 : memref<!tpu.dma_semaphore, #tpu.memory_space<semaphore_mem>>)
      %dma_start3A_619 = arith.constant 0 : i32
      %dma_start3A_620 = arith.constant 128 : i32
      %dma_start3A_621 = arith.constant 0 : i32
      %dma_start3A_622 = tpu.memref_slice %arg12[%dma_start3A_620, %dma_start3A_621] : memref<256x64xf32, #tpu.memory_space<vmem>> -> memref<8x64xf32, #tpu.memory_space<vmem>>
      %dma_start3A_623 = arith.constant 0 : i32
      %dma_start3A_624 = tpu.memref_slice %arg5[%dma_start3A_619, %multiple_of3A_605, %dma_start3A_623] : memref<1x1000000x64xf32, #tpu.memory_space<hbm>> -> memref<1x8x64xf32, #tpu.memory_space<hbm>>
      %dma_start3A_625 = tpu.memref_squeeze %dma_start3A_624 : memref<1x8x64xf32, #tpu.memory_space<hbm>> -> memref<8x64xf32, #tpu.memory_space<hbm>>
      %dma_start3A_626 = arith.constant 128 : i32
      %dma_start3A_627 = arith.constant 0 : i32
      %dma_start3A_628 = tpu.memref_slice %arg12[%dma_start3A_626, %dma_start3A_627] : memref<256x64xf32, #tpu.memory_space<vmem>> -> memref<8x64xf32, #tpu.memory_space<vmem>>
      %dma_start3A_629 = arith.constant 0 : i32
      %dma_start3A_630 = tpu.memref_slice %arg5[%dma_start3A_619, %multiple_of3A_605, %dma_start3A_629] : memref<1x1000000x64xf32, #tpu.memory_space<hbm>> -> memref<1x8x64xf32, #tpu.memory_space<hbm>>
      %dma_start3A_631 = tpu.memref_squeeze %dma_start3A_630 : memref<1x8x64xf32, #tpu.memory_space<hbm>> -> memref<8x64xf32, #tpu.memory_space<hbm>>
      tpu.enqueue_dma source(%dma_start3A_631 : memref<8x64xf32, #tpu.memory_space<hbm>>) target(%dma_start3A_628 : memref<8x64xf32, #tpu.memory_space<vmem>>) target_semaphore(%arg16 : memref<!tpu.dma_semaphore, #tpu.memory_space<semaphore_mem>>)
      %slice3A_632 = vector.extract_strided_slice %get3A_593 {offsets = [1], sizes = [1], strides = [1]} : vector<16xi32> to vector<1xi32>
      %squeeze3A_633 = vector.extract %slice3A_632[0] : i32 from vector<1xi32>
      %and3A_634 = arith.constant -8 : i32
      %and3A_635 = arith.andi %squeeze3A_633, %and3A_634 : i32
      %multiple_of3A_636 = tpu.assume_multiple %and3A_635, 8 : i32
      %slice3A_637 = vector.extract_strided_slice %get3A_595 {offsets = [1], sizes = [1], strides = [1]} : vector<16xi32> to vector<1xi32>
      %squeeze3A_638 = vector.extract %slice3A_637[0] : i32 from vector<1xi32>
      %and3A_639 = arith.constant -8 : i32
      %and3A_640 = arith.andi %squeeze3A_638, %and3A_639 : i32
      %multiple_of3A_641 = tpu.assume_multiple %and3A_640, 8 : i32
      %dma_start3A_642 = arith.constant 0 : i32
      %dma_start3A_643 = arith.constant 136 : i32
      %dma_start3A_644 = arith.constant 0 : i32
      %dma_start3A_645 = tpu.memref_slice %arg11[%dma_start3A_643, %dma_start3A_644] : memref<256x64xf32, #tpu.memory_space<vmem>> -> memref<8x64xf32, #tpu.memory_space<vmem>>
      %dma_start3A_646 = arith.constant 0 : i32
      %dma_start3A_647 = tpu.memref_slice %arg5[%dma_start3A_642, %multiple_of3A_636, %dma_start3A_646] : memref<1x1000000x64xf32, #tpu.memory_space<hbm>> -> memref<1x8x64xf32, #tpu.memory_space<hbm>>
      %dma_start3A_648 = tpu.memref_squeeze %dma_start3A_647 : memref<1x8x64xf32, #tpu.memory_space<hbm>> -> memref<8x64xf32, #tpu.memory_space<hbm>>
      %dma_start3A_649 = arith.constant 136 : i32
      %dma_start3A_650 = arith.constant 0 : i32
      %dma_start3A_651 = tpu.memref_slice %arg11[%dma_start3A_649, %dma_start3A_650] : memref<256x64xf32, #tpu.memory_space<vmem>> -> memref<8x64xf32, #tpu.memory_space<vmem>>
      %dma_start3A_652 = arith.constant 0 : i32
      %dma_start3A_653 = tpu.memref_slice %arg5[%dma_start3A_642, %multiple_of3A_636, %dma_start3A_652] : memref<1x1000000x64xf32, #tpu.memory_space<hbm>> -> memref<1x8x64xf32, #tpu.memory_space<hbm>>
      %dma_start3A_654 = tpu.memref_squeeze %dma_start3A_653 : memref<1x8x64xf32, #tpu.memory_space<hbm>> -> memref<8x64xf32, #tpu.memory_space<hbm>>
      tpu.enqueue_dma source(%dma_start3A_654 : memref<8x64xf32, #tpu.memory_space<hbm>>) target(%dma_start3A_651 : memref<8x64xf32, #tpu.memory_space<vmem>>) target_semaphore(%arg15 : memref<!tpu.dma_semaphore, #tpu.memory_space<semaphore_mem>>)
      %dma_start3A_655 = arith.constant 0 : i32
      %dma_start3A_656 = arith.constant 136 : i32
      %dma_start3A_657 = arith.constant 0 : i32
      %dma_start3A_658 = tpu.memref_slice %arg12[%dma_start3A_656, %dma_start3A_657] : memref<256x64xf32, #tpu.memory_space<vmem>> -> memref<8x64xf32, #tpu.memory_space<vmem>>
      %dma_start3A_659 = arith.constant 0 : i32
      %dma_start3A_660 = tpu.memref_slice %arg5[%dma_start3A_655, %multiple_of3A_641, %dma_start3A_659] : memref<1x1000000x64xf32, #tpu.memory_space<hbm>> -> memref<1x8x64xf32, #tpu.memory_space<hbm>>
      %dma_start3A_661 = tpu.memref_squeeze %dma_start3A_660 : memref<1x8x64xf32, #tpu.memory_space<hbm>> -> memref<8x64xf32, #tpu.memory_space<hbm>>
      %dma_start3A_662 = arith.constant 136 : i32
      %dma_start3A_663 = arith.constant 0 : i32
      %dma_start3A_664 = tpu.memref_slice %arg12[%dma_start3A_662, %dma_start3A_663] : memref<256x64xf32, #tpu.memory_space<vmem>> -> memref<8x64xf32, #tpu.memory_space<vmem>>
      %dma_start3A_665 = arith.constant 0 : i32
      %dma_start3A_666 = tpu.memref_slice %arg5[%dma_start3A_655, %multiple_of3A_641, %dma_start3A_665] : memref<1x1000000x64xf32, #tpu.memory_space<hbm>> -> memref<1x8x64xf32, #tpu.memory_space<hbm>>
      %dma_start3A_667 = tpu.memref_squeeze %dma_start3A_666 : memref<1x8x64xf32, #tpu.memory_space<hbm>> -> memref<8x64xf32, #tpu.memory_space<hbm>>
      tpu.enqueue_dma source(%dma_start3A_667 : memref<8x64xf32, #tpu.memory_space<hbm>>) target(%dma_start3A_664 : memref<8x64xf32, #tpu.memory_space<vmem>>) target_semaphore(%arg16 : memref<!tpu.dma_semaphore, #tpu.memory_space<semaphore_mem>>)
      %slice3A_668 = vector.extract_strided_slice %get3A_593 {offsets = [2], sizes = [1], strides = [1]} : vector<16xi32> to vector<1xi32>
      %squeeze3A_669 = vector.extract %slice3A_668[0] : i32 from vector<1xi32>
      %and3A_670 = arith.constant -8 : i32
      %and3A_671 = arith.andi %squeeze3A_669, %and3A_670 : i32
      %multiple_of3A_672 = tpu.assume_multiple %and3A_671, 8 : i32
      %slice3A_673 = vector.extract_strided_slice %get3A_595 {offsets = [2], sizes = [1], strides = [1]} : vector<16xi32> to vector<1xi32>
      %squeeze3A_674 = vector.extract %slice3A_673[0] : i32 from vector<1xi32>
      %and3A_675 = arith.constant -8 : i32
      %and3A_676 = arith.andi %squeeze3A_674, %and3A_675 : i32
      %multiple_of3A_677 = tpu.assume_multiple %and3A_676, 8 : i32
      %dma_start3A_678 = arith.constant 0 : i32
      %dma_start3A_679 = arith.constant 144 : i32
      %dma_start3A_680 = arith.constant 0 : i32
      %dma_start3A_681 = tpu.memref_slice %arg11[%dma_start3A_679, %dma_start3A_680] : memref<256x64xf32, #tpu.memory_space<vmem>> -> memref<8x64xf32, #tpu.memory_space<vmem>>
      %dma_start3A_682 = arith.constant 0 : i32
      %dma_start3A_683 = tpu.memref_slice %arg5[%dma_start3A_678, %multiple_of3A_672, %dma_start3A_682] : memref<1x1000000x64xf32, #tpu.memory_space<hbm>> -> memref<1x8x64xf32, #tpu.memory_space<hbm>>
      %dma_start3A_684 = tpu.memref_squeeze %dma_start3A_683 : memref<1x8x64xf32, #tpu.memory_space<hbm>> -> memref<8x64xf32, #tpu.memory_space<hbm>>
      %dma_start3A_685 = arith.constant 144 : i32
      %dma_start3A_686 = arith.constant 0 : i32
      %dma_start3A_687 = tpu.memref_slice %arg11[%dma_start3A_685, %dma_start3A_686] : memref<256x64xf32, #tpu.memory_space<vmem>> -> memref<8x64xf32, #tpu.memory_space<vmem>>
      %dma_start3A_688 = arith.constant 0 : i32
      %dma_start3A_689 = tpu.memref_slice %arg5[%dma_start3A_678, %multiple_of3A_672, %dma_start3A_688] : memref<1x1000000x64xf32, #tpu.memory_space<hbm>> -> memref<1x8x64xf32, #tpu.memory_space<hbm>>
      %dma_start3A_690 = tpu.memref_squeeze %dma_start3A_689 : memref<1x8x64xf32, #tpu.memory_space<hbm>> -> memref<8x64xf32, #tpu.memory_space<hbm>>
      tpu.enqueue_dma source(%dma_start3A_690 : memref<8x64xf32, #tpu.memory_space<hbm>>) target(%dma_start3A_687 : memref<8x64xf32, #tpu.memory_space<vmem>>) target_semaphore(%arg15 : memref<!tpu.dma_semaphore, #tpu.memory_space<semaphore_mem>>)
      %dma_start3A_691 = arith.constant 0 : i32
      %dma_start3A_692 = arith.constant 144 : i32
      %dma_start3A_693 = arith.constant 0 : i32
      %dma_start3A_694 = tpu.memref_slice %arg12[%dma_start3A_692, %dma_start3A_693] : memref<256x64xf32, #tpu.memory_space<vmem>> -> memref<8x64xf32, #tpu.memory_space<vmem>>
      %dma_start3A_695 = arith.constant 0 : i32
      %dma_start3A_696 = tpu.memref_slice %arg5[%dma_start3A_691, %multiple_of3A_677, %dma_start3A_695] : memref<1x1000000x64xf32, #tpu.memory_space<hbm>> -> memref<1x8x64xf32, #tpu.memory_space<hbm>>
      %dma_start3A_697 = tpu.memref_squeeze %dma_start3A_696 : memref<1x8x64xf32, #tpu.memory_space<hbm>> -> memref<8x64xf32, #tpu.memory_space<hbm>>
      %dma_start3A_698 = arith.constant 144 : i32
      %dma_start3A_699 = arith.constant 0 : i32
      %dma_start3A_700 = tpu.memref_slice %arg12[%dma_start3A_698, %dma_start3A_699] : memref<256x64xf32, #tpu.memory_space<vmem>> -> memref<8x64xf32, #tpu.memory_space<vmem>>
      %dma_start3A_701 = arith.constant 0 : i32
      %dma_start3A_702 = tpu.memref_slice %arg5[%dma_start3A_691, %multiple_of3A_677, %dma_start3A_701] : memref<1x1000000x64xf32, #tpu.memory_space<hbm>> -> memref<1x8x64xf32, #tpu.memory_space<hbm>>
      %dma_start3A_703 = tpu.memref_squeeze %dma_start3A_702 : memref<1x8x64xf32, #tpu.memory_space<hbm>> -> memref<8x64xf32, #tpu.memory_space<hbm>>
      tpu.enqueue_dma source(%dma_start3A_703 : memref<8x64xf32, #tpu.memory_space<hbm>>) target(%dma_start3A_700 : memref<8x64xf32, #tpu.memory_space<vmem>>) target_semaphore(%arg16 : memref<!tpu.dma_semaphore, #tpu.memory_space<semaphore_mem>>)
      %slice3A_704 = vector.extract_strided_slice %get3A_593 {offsets = [3], sizes = [1], strides = [1]} : vector<16xi32> to vector<1xi32>
      %squeeze3A_705 = vector.extract %slice3A_704[0] : i32 from vector<1xi32>
      %and3A_706 = arith.constant -8 : i32
      %and3A_707 = arith.andi %squeeze3A_705, %and3A_706 : i32
      %multiple_of3A_708 = tpu.assume_multiple %and3A_707, 8 : i32
      %slice3A_709 = vector.extract_strided_slice %get3A_595 {offsets = [3], sizes = [1], strides = [1]} : vector<16xi32> to vector<1xi32>
      %squeeze3A_710 = vector.extract %slice3A_709[0] : i32 from vector<1xi32>
      %and3A_711 = arith.constant -8 : i32
      %and3A_712 = arith.andi %squeeze3A_710, %and3A_711 : i32
      %multiple_of3A_713 = tpu.assume_multiple %and3A_712, 8 : i32
      %dma_start3A_714 = arith.constant 0 : i32
      %dma_start3A_715 = arith.constant 152 : i32
      %dma_start3A_716 = arith.constant 0 : i32
      %dma_start3A_717 = tpu.memref_slice %arg11[%dma_start3A_715, %dma_start3A_716] : memref<256x64xf32, #tpu.memory_space<vmem>> -> memref<8x64xf32, #tpu.memory_space<vmem>>
      %dma_start3A_718 = arith.constant 0 : i32
      %dma_start3A_719 = tpu.memref_slice %arg5[%dma_start3A_714, %multiple_of3A_708, %dma_start3A_718] : memref<1x1000000x64xf32, #tpu.memory_space<hbm>> -> memref<1x8x64xf32, #tpu.memory_space<hbm>>
      %dma_start3A_720 = tpu.memref_squeeze %dma_start3A_719 : memref<1x8x64xf32, #tpu.memory_space<hbm>> -> memref<8x64xf32, #tpu.memory_space<hbm>>
      %dma_start3A_721 = arith.constant 152 : i32
      %dma_start3A_722 = arith.constant 0 : i32
      %dma_start3A_723 = tpu.memref_slice %arg11[%dma_start3A_721, %dma_start3A_722] : memref<256x64xf32, #tpu.memory_space<vmem>> -> memref<8x64xf32, #tpu.memory_space<vmem>>
      %dma_start3A_724 = arith.constant 0 : i32
      %dma_start3A_725 = tpu.memref_slice %arg5[%dma_start3A_714, %multiple_of3A_708, %dma_start3A_724] : memref<1x1000000x64xf32, #tpu.memory_space<hbm>> -> memref<1x8x64xf32, #tpu.memory_space<hbm>>
      %dma_start3A_726 = tpu.memref_squeeze %dma_start3A_725 : memref<1x8x64xf32, #tpu.memory_space<hbm>> -> memref<8x64xf32, #tpu.memory_space<hbm>>
      tpu.enqueue_dma source(%dma_start3A_726 : memref<8x64xf32, #tpu.memory_space<hbm>>) target(%dma_start3A_723 : memref<8x64xf32, #tpu.memory_space<vmem>>) target_semaphore(%arg15 : memref<!tpu.dma_semaphore, #tpu.memory_space<semaphore_mem>>)
      %dma_start3A_727 = arith.constant 0 : i32
      %dma_start3A_728 = arith.constant 152 : i32
      %dma_start3A_729 = arith.constant 0 : i32
      %dma_start3A_730 = tpu.memref_slice %arg12[%dma_start3A_728, %dma_start3A_729] : memref<256x64xf32, #tpu.memory_space<vmem>> -> memref<8x64xf32, #tpu.memory_space<vmem>>
      %dma_start3A_731 = arith.constant 0 : i32
      %dma_start3A_732 = tpu.memref_slice %arg5[%dma_start3A_727, %multiple_of3A_713, %dma_start3A_731] : memref<1x1000000x64xf32, #tpu.memory_space<hbm>> -> memref<1x8x64xf32, #tpu.memory_space<hbm>>
      %dma_start3A_733 = tpu.memref_squeeze %dma_start3A_732 : memref<1x8x64xf32, #tpu.memory_space<hbm>> -> memref<8x64xf32, #tpu.memory_space<hbm>>
      %dma_start3A_734 = arith.constant 152 : i32
      %dma_start3A_735 = arith.constant 0 : i32
      %dma_start3A_736 = tpu.memref_slice %arg12[%dma_start3A_734, %dma_start3A_735] : memref<256x64xf32, #tpu.memory_space<vmem>> -> memref<8x64xf32, #tpu.memory_space<vmem>>
      %dma_start3A_737 = arith.constant 0 : i32
      %dma_start3A_738 = tpu.memref_slice %arg5[%dma_start3A_727, %multiple_of3A_713, %dma_start3A_737] : memref<1x1000000x64xf32, #tpu.memory_space<hbm>> -> memref<1x8x64xf32, #tpu.memory_space<hbm>>
      %dma_start3A_739 = tpu.memref_squeeze %dma_start3A_738 : memref<1x8x64xf32, #tpu.memory_space<hbm>> -> memref<8x64xf32, #tpu.memory_space<hbm>>
      tpu.enqueue_dma source(%dma_start3A_739 : memref<8x64xf32, #tpu.memory_space<hbm>>) target(%dma_start3A_736 : memref<8x64xf32, #tpu.memory_space<vmem>>) target_semaphore(%arg16 : memref<!tpu.dma_semaphore, #tpu.memory_space<semaphore_mem>>)
      %slice3A_740 = vector.extract_strided_slice %get3A_593 {offsets = [4], sizes = [1], strides = [1]} : vector<16xi32> to vector<1xi32>
      %squeeze3A_741 = vector.extract %slice3A_740[0] : i32 from vector<1xi32>
      %and3A_742 = arith.constant -8 : i32
      %and3A_743 = arith.andi %squeeze3A_741, %and3A_742 : i32
      %multiple_of3A_744 = tpu.assume_multiple %and3A_743, 8 : i32
      %slice3A_745 = vector.extract_strided_slice %get3A_595 {offsets = [4], sizes = [1], strides = [1]} : vector<16xi32> to vector<1xi32>
      %squeeze3A_746 = vector.extract %slice3A_745[0] : i32 from vector<1xi32>
      %and3A_747 = arith.constant -8 : i32
      %and3A_748 = arith.andi %squeeze3A_746, %and3A_747 : i32
      %multiple_of3A_749 = tpu.assume_multiple %and3A_748, 8 : i32
      %dma_start3A_750 = arith.constant 0 : i32
      %dma_start3A_751 = arith.constant 160 : i32
      %dma_start3A_752 = arith.constant 0 : i32
      %dma_start3A_753 = tpu.memref_slice %arg11[%dma_start3A_751, %dma_start3A_752] : memref<256x64xf32, #tpu.memory_space<vmem>> -> memref<8x64xf32, #tpu.memory_space<vmem>>
      %dma_start3A_754 = arith.constant 0 : i32
      %dma_start3A_755 = tpu.memref_slice %arg5[%dma_start3A_750, %multiple_of3A_744, %dma_start3A_754] : memref<1x1000000x64xf32, #tpu.memory_space<hbm>> -> memref<1x8x64xf32, #tpu.memory_space<hbm>>
      %dma_start3A_756 = tpu.memref_squeeze %dma_start3A_755 : memref<1x8x64xf32, #tpu.memory_space<hbm>> -> memref<8x64xf32, #tpu.memory_space<hbm>>
      %dma_start3A_757 = arith.constant 160 : i32
      %dma_start3A_758 = arith.constant 0 : i32
      %dma_start3A_759 = tpu.memref_slice %arg11[%dma_start3A_757, %dma_start3A_758] : memref<256x64xf32, #tpu.memory_space<vmem>> -> memref<8x64xf32, #tpu.memory_space<vmem>>
      %dma_start3A_760 = arith.constant 0 : i32
      %dma_start3A_761 = tpu.memref_slice %arg5[%dma_start3A_750, %multiple_of3A_744, %dma_start3A_760] : memref<1x1000000x64xf32, #tpu.memory_space<hbm>> -> memref<1x8x64xf32, #tpu.memory_space<hbm>>
      %dma_start3A_762 = tpu.memref_squeeze %dma_start3A_761 : memref<1x8x64xf32, #tpu.memory_space<hbm>> -> memref<8x64xf32, #tpu.memory_space<hbm>>
      tpu.enqueue_dma source(%dma_start3A_762 : memref<8x64xf32, #tpu.memory_space<hbm>>) target(%dma_start3A_759 : memref<8x64xf32, #tpu.memory_space<vmem>>) target_semaphore(%arg15 : memref<!tpu.dma_semaphore, #tpu.memory_space<semaphore_mem>>)
      %dma_start3A_763 = arith.constant 0 : i32
      %dma_start3A_764 = arith.constant 160 : i32
      %dma_start3A_765 = arith.constant 0 : i32
      %dma_start3A_766 = tpu.memref_slice %arg12[%dma_start3A_764, %dma_start3A_765] : memref<256x64xf32, #tpu.memory_space<vmem>> -> memref<8x64xf32, #tpu.memory_space<vmem>>
      %dma_start3A_767 = arith.constant 0 : i32
      %dma_start3A_768 = tpu.memref_slice %arg5[%dma_start3A_763, %multiple_of3A_749, %dma_start3A_767] : memref<1x1000000x64xf32, #tpu.memory_space<hbm>> -> memref<1x8x64xf32, #tpu.memory_space<hbm>>
      %dma_start3A_769 = tpu.memref_squeeze %dma_start3A_768 : memref<1x8x64xf32, #tpu.memory_space<hbm>> -> memref<8x64xf32, #tpu.memory_space<hbm>>
      %dma_start3A_770 = arith.constant 160 : i32
      %dma_start3A_771 = arith.constant 0 : i32
      %dma_start3A_772 = tpu.memref_slice %arg12[%dma_start3A_770, %dma_start3A_771] : memref<256x64xf32, #tpu.memory_space<vmem>> -> memref<8x64xf32, #tpu.memory_space<vmem>>
      %dma_start3A_773 = arith.constant 0 : i32
      %dma_start3A_774 = tpu.memref_slice %arg5[%dma_start3A_763, %multiple_of3A_749, %dma_start3A_773] : memref<1x1000000x64xf32, #tpu.memory_space<hbm>> -> memref<1x8x64xf32, #tpu.memory_space<hbm>>
      %dma_start3A_775 = tpu.memref_squeeze %dma_start3A_774 : memref<1x8x64xf32, #tpu.memory_space<hbm>> -> memref<8x64xf32, #tpu.memory_space<hbm>>
      tpu.enqueue_dma source(%dma_start3A_775 : memref<8x64xf32, #tpu.memory_space<hbm>>) target(%dma_start3A_772 : memref<8x64xf32, #tpu.memory_space<vmem>>) target_semaphore(%arg16 : memref<!tpu.dma_semaphore, #tpu.memory_space<semaphore_mem>>)
      %slice3A_776 = vector.extract_strided_slice %get3A_593 {offsets = [5], sizes = [1], strides = [1]} : vector<16xi32> to vector<1xi32>
      %squeeze3A_777 = vector.extract %slice3A_776[0] : i32 from vector<1xi32>
      %and3A_778 = arith.constant -8 : i32
      %and3A_779 = arith.andi %squeeze3A_777, %and3A_778 : i32
      %multiple_of3A_780 = tpu.assume_multiple %and3A_779, 8 : i32
      %slice3A_781 = vector.extract_strided_slice %get3A_595 {offsets = [5], sizes = [1], strides = [1]} : vector<16xi32> to vector<1xi32>
      %squeeze3A_782 = vector.extract %slice3A_781[0] : i32 from vector<1xi32>
      %and3A_783 = arith.constant -8 : i32
      %and3A_784 = arith.andi %squeeze3A_782, %and3A_783 : i32
      %multiple_of3A_785 = tpu.assume_multiple %and3A_784, 8 : i32
      %dma_start3A_786 = arith.constant 0 : i32
      %dma_start3A_787 = arith.constant 168 : i32
      %dma_start3A_788 = arith.constant 0 : i32
      %dma_start3A_789 = tpu.memref_slice %arg11[%dma_start3A_787, %dma_start3A_788] : memref<256x64xf32, #tpu.memory_space<vmem>> -> memref<8x64xf32, #tpu.memory_space<vmem>>
      %dma_start3A_790 = arith.constant 0 : i32
      %dma_start3A_791 = tpu.memref_slice %arg5[%dma_start3A_786, %multiple_of3A_780, %dma_start3A_790] : memref<1x1000000x64xf32, #tpu.memory_space<hbm>> -> memref<1x8x64xf32, #tpu.memory_space<hbm>>
      %dma_start3A_792 = tpu.memref_squeeze %dma_start3A_791 : memref<1x8x64xf32, #tpu.memory_space<hbm>> -> memref<8x64xf32, #tpu.memory_space<hbm>>
      %dma_start3A_793 = arith.constant 168 : i32
      %dma_start3A_794 = arith.constant 0 : i32
      %dma_start3A_795 = tpu.memref_slice %arg11[%dma_start3A_793, %dma_start3A_794] : memref<256x64xf32, #tpu.memory_space<vmem>> -> memref<8x64xf32, #tpu.memory_space<vmem>>
      %dma_start3A_796 = arith.constant 0 : i32
      %dma_start3A_797 = tpu.memref_slice %arg5[%dma_start3A_786, %multiple_of3A_780, %dma_start3A_796] : memref<1x1000000x64xf32, #tpu.memory_space<hbm>> -> memref<1x8x64xf32, #tpu.memory_space<hbm>>
      %dma_start3A_798 = tpu.memref_squeeze %dma_start3A_797 : memref<1x8x64xf32, #tpu.memory_space<hbm>> -> memref<8x64xf32, #tpu.memory_space<hbm>>
      tpu.enqueue_dma source(%dma_start3A_798 : memref<8x64xf32, #tpu.memory_space<hbm>>) target(%dma_start3A_795 : memref<8x64xf32, #tpu.memory_space<vmem>>) target_semaphore(%arg15 : memref<!tpu.dma_semaphore, #tpu.memory_space<semaphore_mem>>)
      %dma_start3A_799 = arith.constant 0 : i32
      %dma_start3A_800 = arith.constant 168 : i32
      %dma_start3A_801 = arith.constant 0 : i32
      %dma_start3A_802 = tpu.memref_slice %arg12[%dma_start3A_800, %dma_start3A_801] : memref<256x64xf32, #tpu.memory_space<vmem>> -> memref<8x64xf32, #tpu.memory_space<vmem>>
      %dma_start3A_803 = arith.constant 0 : i32
      %dma_start3A_804 = tpu.memref_slice %arg5[%dma_start3A_799, %multiple_of3A_785, %dma_start3A_803] : memref<1x1000000x64xf32, #tpu.memory_space<hbm>> -> memref<1x8x64xf32, #tpu.memory_space<hbm>>
      %dma_start3A_805 = tpu.memref_squeeze %dma_start3A_804 : memref<1x8x64xf32, #tpu.memory_space<hbm>> -> memref<8x64xf32, #tpu.memory_space<hbm>>
      %dma_start3A_806 = arith.constant 168 : i32
      %dma_start3A_807 = arith.constant 0 : i32
      %dma_start3A_808 = tpu.memref_slice %arg12[%dma_start3A_806, %dma_start3A_807] : memref<256x64xf32, #tpu.memory_space<vmem>> -> memref<8x64xf32, #tpu.memory_space<vmem>>
      %dma_start3A_809 = arith.constant 0 : i32
      %dma_start3A_810 = tpu.memref_slice %arg5[%dma_start3A_799, %multiple_of3A_785, %dma_start3A_809] : memref<1x1000000x64xf32, #tpu.memory_space<hbm>> -> memref<1x8x64xf32, #tpu.memory_space<hbm>>
      %dma_start3A_811 = tpu.memref_squeeze %dma_start3A_810 : memref<1x8x64xf32, #tpu.memory_space<hbm>> -> memref<8x64xf32, #tpu.memory_space<hbm>>
      tpu.enqueue_dma source(%dma_start3A_811 : memref<8x64xf32, #tpu.memory_space<hbm>>) target(%dma_start3A_808 : memref<8x64xf32, #tpu.memory_space<vmem>>) target_semaphore(%arg16 : memref<!tpu.dma_semaphore, #tpu.memory_space<semaphore_mem>>)
      %slice3A_812 = vector.extract_strided_slice %get3A_593 {offsets = [6], sizes = [1], strides = [1]} : vector<16xi32> to vector<1xi32>
      %squeeze3A_813 = vector.extract %slice3A_812[0] : i32 from vector<1xi32>
      %and3A_814 = arith.constant -8 : i32
      %and3A_815 = arith.andi %squeeze3A_813, %and3A_814 : i32
      %multiple_of3A_816 = tpu.assume_multiple %and3A_815, 8 : i32
      %slice3A_817 = vector.extract_strided_slice %get3A_595 {offsets = [6], sizes = [1], strides = [1]} : vector<16xi32> to vector<1xi32>
      %squeeze3A_818 = vector.extract %slice3A_817[0] : i32 from vector<1xi32>
      %and3A_819 = arith.constant -8 : i32
      %and3A_820 = arith.andi %squeeze3A_818, %and3A_819 : i32
      %multiple_of3A_821 = tpu.assume_multiple %and3A_820, 8 : i32
      %dma_start3A_822 = arith.constant 0 : i32
      %dma_start3A_823 = arith.constant 176 : i32
      %dma_start3A_824 = arith.constant 0 : i32
      %dma_start3A_825 = tpu.memref_slice %arg11[%dma_start3A_823, %dma_start3A_824] : memref<256x64xf32, #tpu.memory_space<vmem>> -> memref<8x64xf32, #tpu.memory_space<vmem>>
      %dma_start3A_826 = arith.constant 0 : i32
      %dma_start3A_827 = tpu.memref_slice %arg5[%dma_start3A_822, %multiple_of3A_816, %dma_start3A_826] : memref<1x1000000x64xf32, #tpu.memory_space<hbm>> -> memref<1x8x64xf32, #tpu.memory_space<hbm>>
      %dma_start3A_828 = tpu.memref_squeeze %dma_start3A_827 : memref<1x8x64xf32, #tpu.memory_space<hbm>> -> memref<8x64xf32, #tpu.memory_space<hbm>>
      %dma_start3A_829 = arith.constant 176 : i32
      %dma_start3A_830 = arith.constant 0 : i32
      %dma_start3A_831 = tpu.memref_slice %arg11[%dma_start3A_829, %dma_start3A_830] : memref<256x64xf32, #tpu.memory_space<vmem>> -> memref<8x64xf32, #tpu.memory_space<vmem>>
      %dma_start3A_832 = arith.constant 0 : i32
      %dma_start3A_833 = tpu.memref_slice %arg5[%dma_start3A_822, %multiple_of3A_816, %dma_start3A_832] : memref<1x1000000x64xf32, #tpu.memory_space<hbm>> -> memref<1x8x64xf32, #tpu.memory_space<hbm>>
      %dma_start3A_834 = tpu.memref_squeeze %dma_start3A_833 : memref<1x8x64xf32, #tpu.memory_space<hbm>> -> memref<8x64xf32, #tpu.memory_space<hbm>>
      tpu.enqueue_dma source(%dma_start3A_834 : memref<8x64xf32, #tpu.memory_space<hbm>>) target(%dma_start3A_831 : memref<8x64xf32, #tpu.memory_space<vmem>>) target_semaphore(%arg15 : memref<!tpu.dma_semaphore, #tpu.memory_space<semaphore_mem>>)
      %dma_start3A_835 = arith.constant 0 : i32
      %dma_start3A_836 = arith.constant 176 : i32
      %dma_start3A_837 = arith.constant 0 : i32
      %dma_start3A_838 = tpu.memref_slice %arg12[%dma_start3A_836, %dma_start3A_837] : memref<256x64xf32, #tpu.memory_space<vmem>> -> memref<8x64xf32, #tpu.memory_space<vmem>>
      %dma_start3A_839 = arith.constant 0 : i32
      %dma_start3A_840 = tpu.memref_slice %arg5[%dma_start3A_835, %multiple_of3A_821, %dma_start3A_839] : memref<1x1000000x64xf32, #tpu.memory_space<hbm>> -> memref<1x8x64xf32, #tpu.memory_space<hbm>>
      %dma_start3A_841 = tpu.memref_squeeze %dma_start3A_840 : memref<1x8x64xf32, #tpu.memory_space<hbm>> -> memref<8x64xf32, #tpu.memory_space<hbm>>
      %dma_start3A_842 = arith.constant 176 : i32
      %dma_start3A_843 = arith.constant 0 : i32
      %dma_start3A_844 = tpu.memref_slice %arg12[%dma_start3A_842, %dma_start3A_843] : memref<256x64xf32, #tpu.memory_space<vmem>> -> memref<8x64xf32, #tpu.memory_space<vmem>>
      %dma_start3A_845 = arith.constant 0 : i32
      %dma_start3A_846 = tpu.memref_slice %arg5[%dma_start3A_835, %multiple_of3A_821, %dma_start3A_845] : memref<1x1000000x64xf32, #tpu.memory_space<hbm>> -> memref<1x8x64xf32, #tpu.memory_space<hbm>>
      %dma_start3A_847 = tpu.memref_squeeze %dma_start3A_846 : memref<1x8x64xf32, #tpu.memory_space<hbm>> -> memref<8x64xf32, #tpu.memory_space<hbm>>
      tpu.enqueue_dma source(%dma_start3A_847 : memref<8x64xf32, #tpu.memory_space<hbm>>) target(%dma_start3A_844 : memref<8x64xf32, #tpu.memory_space<vmem>>) target_semaphore(%arg16 : memref<!tpu.dma_semaphore, #tpu.memory_space<semaphore_mem>>)
      %slice3A_848 = vector.extract_strided_slice %get3A_593 {offsets = [7], sizes = [1], strides = [1]} : vector<16xi32> to vector<1xi32>
      %squeeze3A_849 = vector.extract %slice3A_848[0] : i32 from vector<1xi32>
      %and3A_850 = arith.constant -8 : i32
      %and3A_851 = arith.andi %squeeze3A_849, %and3A_850 : i32
      %multiple_of3A_852 = tpu.assume_multiple %and3A_851, 8 : i32
      %slice3A_853 = vector.extract_strided_slice %get3A_595 {offsets = [7], sizes = [1], strides = [1]} : vector<16xi32> to vector<1xi32>
      %squeeze3A_854 = vector.extract %slice3A_853[0] : i32 from vector<1xi32>
      %and3A_855 = arith.constant -8 : i32
      %and3A_856 = arith.andi %squeeze3A_854, %and3A_855 : i32
      %multiple_of3A_857 = tpu.assume_multiple %and3A_856, 8 : i32
      %dma_start3A_858 = arith.constant 0 : i32
      %dma_start3A_859 = arith.constant 184 : i32
      %dma_start3A_860 = arith.constant 0 : i32
      %dma_start3A_861 = tpu.memref_slice %arg11[%dma_start3A_859, %dma_start3A_860] : memref<256x64xf32, #tpu.memory_space<vmem>> -> memref<8x64xf32, #tpu.memory_space<vmem>>
      %dma_start3A_862 = arith.constant 0 : i32
      %dma_start3A_863 = tpu.memref_slice %arg5[%dma_start3A_858, %multiple_of3A_852, %dma_start3A_862] : memref<1x1000000x64xf32, #tpu.memory_space<hbm>> -> memref<1x8x64xf32, #tpu.memory_space<hbm>>
      %dma_start3A_864 = tpu.memref_squeeze %dma_start3A_863 : memref<1x8x64xf32, #tpu.memory_space<hbm>> -> memref<8x64xf32, #tpu.memory_space<hbm>>
      %dma_start3A_865 = arith.constant 184 : i32
      %dma_start3A_866 = arith.constant 0 : i32
      %dma_start3A_867 = tpu.memref_slice %arg11[%dma_start3A_865, %dma_start3A_866] : memref<256x64xf32, #tpu.memory_space<vmem>> -> memref<8x64xf32, #tpu.memory_space<vmem>>
      %dma_start3A_868 = arith.constant 0 : i32
      %dma_start3A_869 = tpu.memref_slice %arg5[%dma_start3A_858, %multiple_of3A_852, %dma_start3A_868] : memref<1x1000000x64xf32, #tpu.memory_space<hbm>> -> memref<1x8x64xf32, #tpu.memory_space<hbm>>
      %dma_start3A_870 = tpu.memref_squeeze %dma_start3A_869 : memref<1x8x64xf32, #tpu.memory_space<hbm>> -> memref<8x64xf32, #tpu.memory_space<hbm>>
      tpu.enqueue_dma source(%dma_start3A_870 : memref<8x64xf32, #tpu.memory_space<hbm>>) target(%dma_start3A_867 : memref<8x64xf32, #tpu.memory_space<vmem>>) target_semaphore(%arg15 : memref<!tpu.dma_semaphore, #tpu.memory_space<semaphore_mem>>)
      %dma_start3A_871 = arith.constant 0 : i32
      %dma_start3A_872 = arith.constant 184 : i32
      %dma_start3A_873 = arith.constant 0 : i32
      %dma_start3A_874 = tpu.memref_slice %arg12[%dma_start3A_872, %dma_start3A_873] : memref<256x64xf32, #tpu.memory_space<vmem>> -> memref<8x64xf32, #tpu.memory_space<vmem>>
      %dma_start3A_875 = arith.constant 0 : i32
      %dma_start3A_876 = tpu.memref_slice %arg5[%dma_start3A_871, %multiple_of3A_857, %dma_start3A_875] : memref<1x1000000x64xf32, #tpu.memory_space<hbm>> -> memref<1x8x64xf32, #tpu.memory_space<hbm>>
      %dma_start3A_877 = tpu.memref_squeeze %dma_start3A_876 : memref<1x8x64xf32, #tpu.memory_space<hbm>> -> memref<8x64xf32, #tpu.memory_space<hbm>>
      %dma_start3A_878 = arith.constant 184 : i32
      %dma_start3A_879 = arith.constant 0 : i32
      %dma_start3A_880 = tpu.memref_slice %arg12[%dma_start3A_878, %dma_start3A_879] : memref<256x64xf32, #tpu.memory_space<vmem>> -> memref<8x64xf32, #tpu.memory_space<vmem>>
      %dma_start3A_881 = arith.constant 0 : i32
      %dma_start3A_882 = tpu.memref_slice %arg5[%dma_start3A_871, %multiple_of3A_857, %dma_start3A_881] : memref<1x1000000x64xf32, #tpu.memory_space<hbm>> -> memref<1x8x64xf32, #tpu.memory_space<hbm>>
      %dma_start3A_883 = tpu.memref_squeeze %dma_start3A_882 : memref<1x8x64xf32, #tpu.memory_space<hbm>> -> memref<8x64xf32, #tpu.memory_space<hbm>>
      tpu.enqueue_dma source(%dma_start3A_883 : memref<8x64xf32, #tpu.memory_space<hbm>>) target(%dma_start3A_880 : memref<8x64xf32, #tpu.memory_space<vmem>>) target_semaphore(%arg16 : memref<!tpu.dma_semaphore, #tpu.memory_space<semaphore_mem>>)
      %slice3A_884 = vector.extract_strided_slice %get3A_593 {offsets = [8], sizes = [1], strides = [1]} : vector<16xi32> to vector<1xi32>
      %squeeze3A_885 = vector.extract %slice3A_884[0] : i32 from vector<1xi32>
      %and3A_886 = arith.constant -8 : i32
      %and3A_887 = arith.andi %squeeze3A_885, %and3A_886 : i32
      %multiple_of3A_888 = tpu.assume_multiple %and3A_887, 8 : i32
      %slice3A_889 = vector.extract_strided_slice %get3A_595 {offsets = [8], sizes = [1], strides = [1]} : vector<16xi32> to vector<1xi32>
      %squeeze3A_890 = vector.extract %slice3A_889[0] : i32 from vector<1xi32>
      %and3A_891 = arith.constant -8 : i32
      %and3A_892 = arith.andi %squeeze3A_890, %and3A_891 : i32
      %multiple_of3A_893 = tpu.assume_multiple %and3A_892, 8 : i32
      %dma_start3A_894 = arith.constant 0 : i32
      %dma_start3A_895 = arith.constant 192 : i32
      %dma_start3A_896 = arith.constant 0 : i32
      %dma_start3A_897 = tpu.memref_slice %arg11[%dma_start3A_895, %dma_start3A_896] : memref<256x64xf32, #tpu.memory_space<vmem>> -> memref<8x64xf32, #tpu.memory_space<vmem>>
      %dma_start3A_898 = arith.constant 0 : i32
      %dma_start3A_899 = tpu.memref_slice %arg5[%dma_start3A_894, %multiple_of3A_888, %dma_start3A_898] : memref<1x1000000x64xf32, #tpu.memory_space<hbm>> -> memref<1x8x64xf32, #tpu.memory_space<hbm>>
      %dma_start3A_900 = tpu.memref_squeeze %dma_start3A_899 : memref<1x8x64xf32, #tpu.memory_space<hbm>> -> memref<8x64xf32, #tpu.memory_space<hbm>>
      %dma_start3A_901 = arith.constant 192 : i32
      %dma_start3A_902 = arith.constant 0 : i32
      %dma_start3A_903 = tpu.memref_slice %arg11[%dma_start3A_901, %dma_start3A_902] : memref<256x64xf32, #tpu.memory_space<vmem>> -> memref<8x64xf32, #tpu.memory_space<vmem>>
      %dma_start3A_904 = arith.constant 0 : i32
      %dma_start3A_905 = tpu.memref_slice %arg5[%dma_start3A_894, %multiple_of3A_888, %dma_start3A_904] : memref<1x1000000x64xf32, #tpu.memory_space<hbm>> -> memref<1x8x64xf32, #tpu.memory_space<hbm>>
      %dma_start3A_906 = tpu.memref_squeeze %dma_start3A_905 : memref<1x8x64xf32, #tpu.memory_space<hbm>> -> memref<8x64xf32, #tpu.memory_space<hbm>>
      tpu.enqueue_dma source(%dma_start3A_906 : memref<8x64xf32, #tpu.memory_space<hbm>>) target(%dma_start3A_903 : memref<8x64xf32, #tpu.memory_space<vmem>>) target_semaphore(%arg15 : memref<!tpu.dma_semaphore, #tpu.memory_space<semaphore_mem>>)
      %dma_start3A_907 = arith.constant 0 : i32
      %dma_start3A_908 = arith.constant 192 : i32
      %dma_start3A_909 = arith.constant 0 : i32
      %dma_start3A_910 = tpu.memref_slice %arg12[%dma_start3A_908, %dma_start3A_909] : memref<256x64xf32, #tpu.memory_space<vmem>> -> memref<8x64xf32, #tpu.memory_space<vmem>>
      %dma_start3A_911 = arith.constant 0 : i32
      %dma_start3A_912 = tpu.memref_slice %arg5[%dma_start3A_907, %multiple_of3A_893, %dma_start3A_911] : memref<1x1000000x64xf32, #tpu.memory_space<hbm>> -> memref<1x8x64xf32, #tpu.memory_space<hbm>>
      %dma_start3A_913 = tpu.memref_squeeze %dma_start3A_912 : memref<1x8x64xf32, #tpu.memory_space<hbm>> -> memref<8x64xf32, #tpu.memory_space<hbm>>
      %dma_start3A_914 = arith.constant 192 : i32
      %dma_start3A_915 = arith.constant 0 : i32
      %dma_start3A_916 = tpu.memref_slice %arg12[%dma_start3A_914, %dma_start3A_915] : memref<256x64xf32, #tpu.memory_space<vmem>> -> memref<8x64xf32, #tpu.memory_space<vmem>>
      %dma_start3A_917 = arith.constant 0 : i32
      %dma_start3A_918 = tpu.memref_slice %arg5[%dma_start3A_907, %multiple_of3A_893, %dma_start3A_917] : memref<1x1000000x64xf32, #tpu.memory_space<hbm>> -> memref<1x8x64xf32, #tpu.memory_space<hbm>>
      %dma_start3A_919 = tpu.memref_squeeze %dma_start3A_918 : memref<1x8x64xf32, #tpu.memory_space<hbm>> -> memref<8x64xf32, #tpu.memory_space<hbm>>
      tpu.enqueue_dma source(%dma_start3A_919 : memref<8x64xf32, #tpu.memory_space<hbm>>) target(%dma_start3A_916 : memref<8x64xf32, #tpu.memory_space<vmem>>) target_semaphore(%arg16 : memref<!tpu.dma_semaphore, #tpu.memory_space<semaphore_mem>>)
      %slice3A_920 = vector.extract_strided_slice %get3A_593 {offsets = [9], sizes = [1], strides = [1]} : vector<16xi32> to vector<1xi32>
      %squeeze3A_921 = vector.extract %slice3A_920[0] : i32 from vector<1xi32>
      %and3A_922 = arith.constant -8 : i32
      %and3A_923 = arith.andi %squeeze3A_921, %and3A_922 : i32
      %multiple_of3A_924 = tpu.assume_multiple %and3A_923, 8 : i32
      %slice3A_925 = vector.extract_strided_slice %get3A_595 {offsets = [9], sizes = [1], strides = [1]} : vector<16xi32> to vector<1xi32>
      %squeeze3A_926 = vector.extract %slice3A_925[0] : i32 from vector<1xi32>
      %and3A_927 = arith.constant -8 : i32
      %and3A_928 = arith.andi %squeeze3A_926, %and3A_927 : i32
      %multiple_of3A_929 = tpu.assume_multiple %and3A_928, 8 : i32
      %dma_start3A_930 = arith.constant 0 : i32
      %dma_start3A_931 = arith.constant 200 : i32
      %dma_start3A_932 = arith.constant 0 : i32
      %dma_start3A_933 = tpu.memref_slice %arg11[%dma_start3A_931, %dma_start3A_932] : memref<256x64xf32, #tpu.memory_space<vmem>> -> memref<8x64xf32, #tpu.memory_space<vmem>>
      %dma_start3A_934 = arith.constant 0 : i32
      %dma_start3A_935 = tpu.memref_slice %arg5[%dma_start3A_930, %multiple_of3A_924, %dma_start3A_934] : memref<1x1000000x64xf32, #tpu.memory_space<hbm>> -> memref<1x8x64xf32, #tpu.memory_space<hbm>>
      %dma_start3A_936 = tpu.memref_squeeze %dma_start3A_935 : memref<1x8x64xf32, #tpu.memory_space<hbm>> -> memref<8x64xf32, #tpu.memory_space<hbm>>
      %dma_start3A_937 = arith.constant 200 : i32
      %dma_start3A_938 = arith.constant 0 : i32
      %dma_start3A_939 = tpu.memref_slice %arg11[%dma_start3A_937, %dma_start3A_938] : memref<256x64xf32, #tpu.memory_space<vmem>> -> memref<8x64xf32, #tpu.memory_space<vmem>>
      %dma_start3A_940 = arith.constant 0 : i32
      %dma_start3A_941 = tpu.memref_slice %arg5[%dma_start3A_930, %multiple_of3A_924, %dma_start3A_940] : memref<1x1000000x64xf32, #tpu.memory_space<hbm>> -> memref<1x8x64xf32, #tpu.memory_space<hbm>>
      %dma_start3A_942 = tpu.memref_squeeze %dma_start3A_941 : memref<1x8x64xf32, #tpu.memory_space<hbm>> -> memref<8x64xf32, #tpu.memory_space<hbm>>
      tpu.enqueue_dma source(%dma_start3A_942 : memref<8x64xf32, #tpu.memory_space<hbm>>) target(%dma_start3A_939 : memref<8x64xf32, #tpu.memory_space<vmem>>) target_semaphore(%arg15 : memref<!tpu.dma_semaphore, #tpu.memory_space<semaphore_mem>>)
      %dma_start3A_943 = arith.constant 0 : i32
      %dma_start3A_944 = arith.constant 200 : i32
      %dma_start3A_945 = arith.constant 0 : i32
      %dma_start3A_946 = tpu.memref_slice %arg12[%dma_start3A_944, %dma_start3A_945] : memref<256x64xf32, #tpu.memory_space<vmem>> -> memref<8x64xf32, #tpu.memory_space<vmem>>
      %dma_start3A_947 = arith.constant 0 : i32
      %dma_start3A_948 = tpu.memref_slice %arg5[%dma_start3A_943, %multiple_of3A_929, %dma_start3A_947] : memref<1x1000000x64xf32, #tpu.memory_space<hbm>> -> memref<1x8x64xf32, #tpu.memory_space<hbm>>
      %dma_start3A_949 = tpu.memref_squeeze %dma_start3A_948 : memref<1x8x64xf32, #tpu.memory_space<hbm>> -> memref<8x64xf32, #tpu.memory_space<hbm>>
      %dma_start3A_950 = arith.constant 200 : i32
      %dma_start3A_951 = arith.constant 0 : i32
      %dma_start3A_952 = tpu.memref_slice %arg12[%dma_start3A_950, %dma_start3A_951] : memref<256x64xf32, #tpu.memory_space<vmem>> -> memref<8x64xf32, #tpu.memory_space<vmem>>
      %dma_start3A_953 = arith.constant 0 : i32
      %dma_start3A_954 = tpu.memref_slice %arg5[%dma_start3A_943, %multiple_of3A_929, %dma_start3A_953] : memref<1x1000000x64xf32, #tpu.memory_space<hbm>> -> memref<1x8x64xf32, #tpu.memory_space<hbm>>
      %dma_start3A_955 = tpu.memref_squeeze %dma_start3A_954 : memref<1x8x64xf32, #tpu.memory_space<hbm>> -> memref<8x64xf32, #tpu.memory_space<hbm>>
      tpu.enqueue_dma source(%dma_start3A_955 : memref<8x64xf32, #tpu.memory_space<hbm>>) target(%dma_start3A_952 : memref<8x64xf32, #tpu.memory_space<vmem>>) target_semaphore(%arg16 : memref<!tpu.dma_semaphore, #tpu.memory_space<semaphore_mem>>)
      %slice3A_956 = vector.extract_strided_slice %get3A_593 {offsets = [10], sizes = [1], strides = [1]} : vector<16xi32> to vector<1xi32>
      %squeeze3A_957 = vector.extract %slice3A_956[0] : i32 from vector<1xi32>
      %and3A_958 = arith.constant -8 : i32
      %and3A_959 = arith.andi %squeeze3A_957, %and3A_958 : i32
      %multiple_of3A_960 = tpu.assume_multiple %and3A_959, 8 : i32
      %slice3A_961 = vector.extract_strided_slice %get3A_595 {offsets = [10], sizes = [1], strides = [1]} : vector<16xi32> to vector<1xi32>
      %squeeze3A_962 = vector.extract %slice3A_961[0] : i32 from vector<1xi32>
      %and3A_963 = arith.constant -8 : i32
      %and3A_964 = arith.andi %squeeze3A_962, %and3A_963 : i32
      %multiple_of3A_965 = tpu.assume_multiple %and3A_964, 8 : i32
      %dma_start3A_966 = arith.constant 0 : i32
      %dma_start3A_967 = arith.constant 208 : i32
      %dma_start3A_968 = arith.constant 0 : i32
      %dma_start3A_969 = tpu.memref_slice %arg11[%dma_start3A_967, %dma_start3A_968] : memref<256x64xf32, #tpu.memory_space<vmem>> -> memref<8x64xf32, #tpu.memory_space<vmem>>
      %dma_start3A_970 = arith.constant 0 : i32
      %dma_start3A_971 = tpu.memref_slice %arg5[%dma_start3A_966, %multiple_of3A_960, %dma_start3A_970] : memref<1x1000000x64xf32, #tpu.memory_space<hbm>> -> memref<1x8x64xf32, #tpu.memory_space<hbm>>
      %dma_start3A_972 = tpu.memref_squeeze %dma_start3A_971 : memref<1x8x64xf32, #tpu.memory_space<hbm>> -> memref<8x64xf32, #tpu.memory_space<hbm>>
      %dma_start3A_973 = arith.constant 208 : i32
      %dma_start3A_974 = arith.constant 0 : i32
      %dma_start3A_975 = tpu.memref_slice %arg11[%dma_start3A_973, %dma_start3A_974] : memref<256x64xf32, #tpu.memory_space<vmem>> -> memref<8x64xf32, #tpu.memory_space<vmem>>
      %dma_start3A_976 = arith.constant 0 : i32
      %dma_start3A_977 = tpu.memref_slice %arg5[%dma_start3A_966, %multiple_of3A_960, %dma_start3A_976] : memref<1x1000000x64xf32, #tpu.memory_space<hbm>> -> memref<1x8x64xf32, #tpu.memory_space<hbm>>
      %dma_start3A_978 = tpu.memref_squeeze %dma_start3A_977 : memref<1x8x64xf32, #tpu.memory_space<hbm>> -> memref<8x64xf32, #tpu.memory_space<hbm>>
      tpu.enqueue_dma source(%dma_start3A_978 : memref<8x64xf32, #tpu.memory_space<hbm>>) target(%dma_start3A_975 : memref<8x64xf32, #tpu.memory_space<vmem>>) target_semaphore(%arg15 : memref<!tpu.dma_semaphore, #tpu.memory_space<semaphore_mem>>)
      %dma_start3A_979 = arith.constant 0 : i32
      %dma_start3A_980 = arith.constant 208 : i32
      %dma_start3A_981 = arith.constant 0 : i32
      %dma_start3A_982 = tpu.memref_slice %arg12[%dma_start3A_980, %dma_start3A_981] : memref<256x64xf32, #tpu.memory_space<vmem>> -> memref<8x64xf32, #tpu.memory_space<vmem>>
      %dma_start3A_983 = arith.constant 0 : i32
      %dma_start3A_984 = tpu.memref_slice %arg5[%dma_start3A_979, %multiple_of3A_965, %dma_start3A_983] : memref<1x1000000x64xf32, #tpu.memory_space<hbm>> -> memref<1x8x64xf32, #tpu.memory_space<hbm>>
      %dma_start3A_985 = tpu.memref_squeeze %dma_start3A_984 : memref<1x8x64xf32, #tpu.memory_space<hbm>> -> memref<8x64xf32, #tpu.memory_space<hbm>>
      %dma_start3A_986 = arith.constant 208 : i32
      %dma_start3A_987 = arith.constant 0 : i32
      %dma_start3A_988 = tpu.memref_slice %arg12[%dma_start3A_986, %dma_start3A_987] : memref<256x64xf32, #tpu.memory_space<vmem>> -> memref<8x64xf32, #tpu.memory_space<vmem>>
      %dma_start3A_989 = arith.constant 0 : i32
      %dma_start3A_990 = tpu.memref_slice %arg5[%dma_start3A_979, %multiple_of3A_965, %dma_start3A_989] : memref<1x1000000x64xf32, #tpu.memory_space<hbm>> -> memref<1x8x64xf32, #tpu.memory_space<hbm>>
      %dma_start3A_991 = tpu.memref_squeeze %dma_start3A_990 : memref<1x8x64xf32, #tpu.memory_space<hbm>> -> memref<8x64xf32, #tpu.memory_space<hbm>>
      tpu.enqueue_dma source(%dma_start3A_991 : memref<8x64xf32, #tpu.memory_space<hbm>>) target(%dma_start3A_988 : memref<8x64xf32, #tpu.memory_space<vmem>>) target_semaphore(%arg16 : memref<!tpu.dma_semaphore, #tpu.memory_space<semaphore_mem>>)
      %slice3A_992 = vector.extract_strided_slice %get3A_593 {offsets = [11], sizes = [1], strides = [1]} : vector<16xi32> to vector<1xi32>
      %squeeze3A_993 = vector.extract %slice3A_992[0] : i32 from vector<1xi32>
      %and3A_994 = arith.constant -8 : i32
      %and3A_995 = arith.andi %squeeze3A_993, %and3A_994 : i32
      %multiple_of3A_996 = tpu.assume_multiple %and3A_995, 8 : i32
      %slice3A_997 = vector.extract_strided_slice %get3A_595 {offsets = [11], sizes = [1], strides = [1]} : vector<16xi32> to vector<1xi32>
      %squeeze3A_998 = vector.extract %slice3A_997[0] : i32 from vector<1xi32>
      %and3A_999 = arith.constant -8 : i32
      %and3A_1000 = arith.andi %squeeze3A_998, %and3A_999 : i32
      %multiple_of3A_1001 = tpu.assume_multiple %and3A_1000, 8 : i32
      %dma_start3A_1002 = arith.constant 0 : i32
      %dma_start3A_1003 = arith.constant 216 : i32
      %dma_start3A_1004 = arith.constant 0 : i32
      %dma_start3A_1005 = tpu.memref_slice %arg11[%dma_start3A_1003, %dma_start3A_1004] : memref<256x64xf32, #tpu.memory_space<vmem>> -> memref<8x64xf32, #tpu.memory_space<vmem>>
      %dma_start3A_1006 = arith.constant 0 : i32
      %dma_start3A_1007 = tpu.memref_slice %arg5[%dma_start3A_1002, %multiple_of3A_996, %dma_start3A_1006] : memref<1x1000000x64xf32, #tpu.memory_space<hbm>> -> memref<1x8x64xf32, #tpu.memory_space<hbm>>
      %dma_start3A_1008 = tpu.memref_squeeze %dma_start3A_1007 : memref<1x8x64xf32, #tpu.memory_space<hbm>> -> memref<8x64xf32, #tpu.memory_space<hbm>>
      %dma_start3A_1009 = arith.constant 216 : i32
      %dma_start3A_1010 = arith.constant 0 : i32
      %dma_start3A_1011 = tpu.memref_slice %arg11[%dma_start3A_1009, %dma_start3A_1010] : memref<256x64xf32, #tpu.memory_space<vmem>> -> memref<8x64xf32, #tpu.memory_space<vmem>>
      %dma_start3A_1012 = arith.constant 0 : i32
      %dma_start3A_1013 = tpu.memref_slice %arg5[%dma_start3A_1002, %multiple_of3A_996, %dma_start3A_1012] : memref<1x1000000x64xf32, #tpu.memory_space<hbm>> -> memref<1x8x64xf32, #tpu.memory_space<hbm>>
      %dma_start3A_1014 = tpu.memref_squeeze %dma_start3A_1013 : memref<1x8x64xf32, #tpu.memory_space<hbm>> -> memref<8x64xf32, #tpu.memory_space<hbm>>
      tpu.enqueue_dma source(%dma_start3A_1014 : memref<8x64xf32, #tpu.memory_space<hbm>>) target(%dma_start3A_1011 : memref<8x64xf32, #tpu.memory_space<vmem>>) target_semaphore(%arg15 : memref<!tpu.dma_semaphore, #tpu.memory_space<semaphore_mem>>)
      %dma_start3A_1015 = arith.constant 0 : i32
      %dma_start3A_1016 = arith.constant 216 : i32
      %dma_start3A_1017 = arith.constant 0 : i32
      %dma_start3A_1018 = tpu.memref_slice %arg12[%dma_start3A_1016, %dma_start3A_1017] : memref<256x64xf32, #tpu.memory_space<vmem>> -> memref<8x64xf32, #tpu.memory_space<vmem>>
      %dma_start3A_1019 = arith.constant 0 : i32
      %dma_start3A_1020 = tpu.memref_slice %arg5[%dma_start3A_1015, %multiple_of3A_1001, %dma_start3A_1019] : memref<1x1000000x64xf32, #tpu.memory_space<hbm>> -> memref<1x8x64xf32, #tpu.memory_space<hbm>>
      %dma_start3A_1021 = tpu.memref_squeeze %dma_start3A_1020 : memref<1x8x64xf32, #tpu.memory_space<hbm>> -> memref<8x64xf32, #tpu.memory_space<hbm>>
      %dma_start3A_1022 = arith.constant 216 : i32
      %dma_start3A_1023 = arith.constant 0 : i32
      %dma_start3A_1024 = tpu.memref_slice %arg12[%dma_start3A_1022, %dma_start3A_1023] : memref<256x64xf32, #tpu.memory_space<vmem>> -> memref<8x64xf32, #tpu.memory_space<vmem>>
      %dma_start3A_1025 = arith.constant 0 : i32
      %dma_start3A_1026 = tpu.memref_slice %arg5[%dma_start3A_1015, %multiple_of3A_1001, %dma_start3A_1025] : memref<1x1000000x64xf32, #tpu.memory_space<hbm>> -> memref<1x8x64xf32, #tpu.memory_space<hbm>>
      %dma_start3A_1027 = tpu.memref_squeeze %dma_start3A_1026 : memref<1x8x64xf32, #tpu.memory_space<hbm>> -> memref<8x64xf32, #tpu.memory_space<hbm>>
      tpu.enqueue_dma source(%dma_start3A_1027 : memref<8x64xf32, #tpu.memory_space<hbm>>) target(%dma_start3A_1024 : memref<8x64xf32, #tpu.memory_space<vmem>>) target_semaphore(%arg16 : memref<!tpu.dma_semaphore, #tpu.memory_space<semaphore_mem>>)
      %slice3A_1028 = vector.extract_strided_slice %get3A_593 {offsets = [12], sizes = [1], strides = [1]} : vector<16xi32> to vector<1xi32>
      %squeeze3A_1029 = vector.extract %slice3A_1028[0] : i32 from vector<1xi32>
      %and3A_1030 = arith.constant -8 : i32
      %and3A_1031 = arith.andi %squeeze3A_1029, %and3A_1030 : i32
      %multiple_of3A_1032 = tpu.assume_multiple %and3A_1031, 8 : i32
      %slice3A_1033 = vector.extract_strided_slice %get3A_595 {offsets = [12], sizes = [1], strides = [1]} : vector<16xi32> to vector<1xi32>
      %squeeze3A_1034 = vector.extract %slice3A_1033[0] : i32 from vector<1xi32>
      %and3A_1035 = arith.constant -8 : i32
      %and3A_1036 = arith.andi %squeeze3A_1034, %and3A_1035 : i32
      %multiple_of3A_1037 = tpu.assume_multiple %and3A_1036, 8 : i32
      %dma_start3A_1038 = arith.constant 0 : i32
      %dma_start3A_1039 = arith.constant 224 : i32
      %dma_start3A_1040 = arith.constant 0 : i32
      %dma_start3A_1041 = tpu.memref_slice %arg11[%dma_start3A_1039, %dma_start3A_1040] : memref<256x64xf32, #tpu.memory_space<vmem>> -> memref<8x64xf32, #tpu.memory_space<vmem>>
      %dma_start3A_1042 = arith.constant 0 : i32
      %dma_start3A_1043 = tpu.memref_slice %arg5[%dma_start3A_1038, %multiple_of3A_1032, %dma_start3A_1042] : memref<1x1000000x64xf32, #tpu.memory_space<hbm>> -> memref<1x8x64xf32, #tpu.memory_space<hbm>>
      %dma_start3A_1044 = tpu.memref_squeeze %dma_start3A_1043 : memref<1x8x64xf32, #tpu.memory_space<hbm>> -> memref<8x64xf32, #tpu.memory_space<hbm>>
      %dma_start3A_1045 = arith.constant 224 : i32
      %dma_start3A_1046 = arith.constant 0 : i32
      %dma_start3A_1047 = tpu.memref_slice %arg11[%dma_start3A_1045, %dma_start3A_1046] : memref<256x64xf32, #tpu.memory_space<vmem>> -> memref<8x64xf32, #tpu.memory_space<vmem>>
      %dma_start3A_1048 = arith.constant 0 : i32
      %dma_start3A_1049 = tpu.memref_slice %arg5[%dma_start3A_1038, %multiple_of3A_1032, %dma_start3A_1048] : memref<1x1000000x64xf32, #tpu.memory_space<hbm>> -> memref<1x8x64xf32, #tpu.memory_space<hbm>>
      %dma_start3A_1050 = tpu.memref_squeeze %dma_start3A_1049 : memref<1x8x64xf32, #tpu.memory_space<hbm>> -> memref<8x64xf32, #tpu.memory_space<hbm>>
      tpu.enqueue_dma source(%dma_start3A_1050 : memref<8x64xf32, #tpu.memory_space<hbm>>) target(%dma_start3A_1047 : memref<8x64xf32, #tpu.memory_space<vmem>>) target_semaphore(%arg15 : memref<!tpu.dma_semaphore, #tpu.memory_space<semaphore_mem>>)
      %dma_start3A_1051 = arith.constant 0 : i32
      %dma_start3A_1052 = arith.constant 224 : i32
      %dma_start3A_1053 = arith.constant 0 : i32
      %dma_start3A_1054 = tpu.memref_slice %arg12[%dma_start3A_1052, %dma_start3A_1053] : memref<256x64xf32, #tpu.memory_space<vmem>> -> memref<8x64xf32, #tpu.memory_space<vmem>>
      %dma_start3A_1055 = arith.constant 0 : i32
      %dma_start3A_1056 = tpu.memref_slice %arg5[%dma_start3A_1051, %multiple_of3A_1037, %dma_start3A_1055] : memref<1x1000000x64xf32, #tpu.memory_space<hbm>> -> memref<1x8x64xf32, #tpu.memory_space<hbm>>
      %dma_start3A_1057 = tpu.memref_squeeze %dma_start3A_1056 : memref<1x8x64xf32, #tpu.memory_space<hbm>> -> memref<8x64xf32, #tpu.memory_space<hbm>>
      %dma_start3A_1058 = arith.constant 224 : i32
      %dma_start3A_1059 = arith.constant 0 : i32
      %dma_start3A_1060 = tpu.memref_slice %arg12[%dma_start3A_1058, %dma_start3A_1059] : memref<256x64xf32, #tpu.memory_space<vmem>> -> memref<8x64xf32, #tpu.memory_space<vmem>>
      %dma_start3A_1061 = arith.constant 0 : i32
      %dma_start3A_1062 = tpu.memref_slice %arg5[%dma_start3A_1051, %multiple_of3A_1037, %dma_start3A_1061] : memref<1x1000000x64xf32, #tpu.memory_space<hbm>> -> memref<1x8x64xf32, #tpu.memory_space<hbm>>
      %dma_start3A_1063 = tpu.memref_squeeze %dma_start3A_1062 : memref<1x8x64xf32, #tpu.memory_space<hbm>> -> memref<8x64xf32, #tpu.memory_space<hbm>>
      tpu.enqueue_dma source(%dma_start3A_1063 : memref<8x64xf32, #tpu.memory_space<hbm>>) target(%dma_start3A_1060 : memref<8x64xf32, #tpu.memory_space<vmem>>) target_semaphore(%arg16 : memref<!tpu.dma_semaphore, #tpu.memory_space<semaphore_mem>>)
      %slice3A_1064 = vector.extract_strided_slice %get3A_593 {offsets = [13], sizes = [1], strides = [1]} : vector<16xi32> to vector<1xi32>
      %squeeze3A_1065 = vector.extract %slice3A_1064[0] : i32 from vector<1xi32>
      %and3A_1066 = arith.constant -8 : i32
      %and3A_1067 = arith.andi %squeeze3A_1065, %and3A_1066 : i32
      %multiple_of3A_1068 = tpu.assume_multiple %and3A_1067, 8 : i32
      %slice3A_1069 = vector.extract_strided_slice %get3A_595 {offsets = [13], sizes = [1], strides = [1]} : vector<16xi32> to vector<1xi32>
      %squeeze3A_1070 = vector.extract %slice3A_1069[0] : i32 from vector<1xi32>
      %and3A_1071 = arith.constant -8 : i32
      %and3A_1072 = arith.andi %squeeze3A_1070, %and3A_1071 : i32
      %multiple_of3A_1073 = tpu.assume_multiple %and3A_1072, 8 : i32
      %dma_start3A_1074 = arith.constant 0 : i32
      %dma_start3A_1075 = arith.constant 232 : i32
      %dma_start3A_1076 = arith.constant 0 : i32
      %dma_start3A_1077 = tpu.memref_slice %arg11[%dma_start3A_1075, %dma_start3A_1076] : memref<256x64xf32, #tpu.memory_space<vmem>> -> memref<8x64xf32, #tpu.memory_space<vmem>>
      %dma_start3A_1078 = arith.constant 0 : i32
      %dma_start3A_1079 = tpu.memref_slice %arg5[%dma_start3A_1074, %multiple_of3A_1068, %dma_start3A_1078] : memref<1x1000000x64xf32, #tpu.memory_space<hbm>> -> memref<1x8x64xf32, #tpu.memory_space<hbm>>
      %dma_start3A_1080 = tpu.memref_squeeze %dma_start3A_1079 : memref<1x8x64xf32, #tpu.memory_space<hbm>> -> memref<8x64xf32, #tpu.memory_space<hbm>>
      %dma_start3A_1081 = arith.constant 232 : i32
      %dma_start3A_1082 = arith.constant 0 : i32
      %dma_start3A_1083 = tpu.memref_slice %arg11[%dma_start3A_1081, %dma_start3A_1082] : memref<256x64xf32, #tpu.memory_space<vmem>> -> memref<8x64xf32, #tpu.memory_space<vmem>>
      %dma_start3A_1084 = arith.constant 0 : i32
      %dma_start3A_1085 = tpu.memref_slice %arg5[%dma_start3A_1074, %multiple_of3A_1068, %dma_start3A_1084] : memref<1x1000000x64xf32, #tpu.memory_space<hbm>> -> memref<1x8x64xf32, #tpu.memory_space<hbm>>
      %dma_start3A_1086 = tpu.memref_squeeze %dma_start3A_1085 : memref<1x8x64xf32, #tpu.memory_space<hbm>> -> memref<8x64xf32, #tpu.memory_space<hbm>>
      tpu.enqueue_dma source(%dma_start3A_1086 : memref<8x64xf32, #tpu.memory_space<hbm>>) target(%dma_start3A_1083 : memref<8x64xf32, #tpu.memory_space<vmem>>) target_semaphore(%arg15 : memref<!tpu.dma_semaphore, #tpu.memory_space<semaphore_mem>>)
      %dma_start3A_1087 = arith.constant 0 : i32
      %dma_start3A_1088 = arith.constant 232 : i32
      %dma_start3A_1089 = arith.constant 0 : i32
      %dma_start3A_1090 = tpu.memref_slice %arg12[%dma_start3A_1088, %dma_start3A_1089] : memref<256x64xf32, #tpu.memory_space<vmem>> -> memref<8x64xf32, #tpu.memory_space<vmem>>
      %dma_start3A_1091 = arith.constant 0 : i32
      %dma_start3A_1092 = tpu.memref_slice %arg5[%dma_start3A_1087, %multiple_of3A_1073, %dma_start3A_1091] : memref<1x1000000x64xf32, #tpu.memory_space<hbm>> -> memref<1x8x64xf32, #tpu.memory_space<hbm>>
      %dma_start3A_1093 = tpu.memref_squeeze %dma_start3A_1092 : memref<1x8x64xf32, #tpu.memory_space<hbm>> -> memref<8x64xf32, #tpu.memory_space<hbm>>
      %dma_start3A_1094 = arith.constant 232 : i32
      %dma_start3A_1095 = arith.constant 0 : i32
      %dma_start3A_1096 = tpu.memref_slice %arg12[%dma_start3A_1094, %dma_start3A_1095] : memref<256x64xf32, #tpu.memory_space<vmem>> -> memref<8x64xf32, #tpu.memory_space<vmem>>
      %dma_start3A_1097 = arith.constant 0 : i32
      %dma_start3A_1098 = tpu.memref_slice %arg5[%dma_start3A_1087, %multiple_of3A_1073, %dma_start3A_1097] : memref<1x1000000x64xf32, #tpu.memory_space<hbm>> -> memref<1x8x64xf32, #tpu.memory_space<hbm>>
      %dma_start3A_1099 = tpu.memref_squeeze %dma_start3A_1098 : memref<1x8x64xf32, #tpu.memory_space<hbm>> -> memref<8x64xf32, #tpu.memory_space<hbm>>
      tpu.enqueue_dma source(%dma_start3A_1099 : memref<8x64xf32, #tpu.memory_space<hbm>>) target(%dma_start3A_1096 : memref<8x64xf32, #tpu.memory_space<vmem>>) target_semaphore(%arg16 : memref<!tpu.dma_semaphore, #tpu.memory_space<semaphore_mem>>)
      %slice3A_1100 = vector.extract_strided_slice %get3A_593 {offsets = [14], sizes = [1], strides = [1]} : vector<16xi32> to vector<1xi32>
      %squeeze3A_1101 = vector.extract %slice3A_1100[0] : i32 from vector<1xi32>
      %and3A_1102 = arith.constant -8 : i32
      %and3A_1103 = arith.andi %squeeze3A_1101, %and3A_1102 : i32
      %multiple_of3A_1104 = tpu.assume_multiple %and3A_1103, 8 : i32
      %slice3A_1105 = vector.extract_strided_slice %get3A_595 {offsets = [14], sizes = [1], strides = [1]} : vector<16xi32> to vector<1xi32>
      %squeeze3A_1106 = vector.extract %slice3A_1105[0] : i32 from vector<1xi32>
      %and3A_1107 = arith.constant -8 : i32
      %and3A_1108 = arith.andi %squeeze3A_1106, %and3A_1107 : i32
      %multiple_of3A_1109 = tpu.assume_multiple %and3A_1108, 8 : i32
      %dma_start3A_1110 = arith.constant 0 : i32
      %dma_start3A_1111 = arith.constant 240 : i32
      %dma_start3A_1112 = arith.constant 0 : i32
      %dma_start3A_1113 = tpu.memref_slice %arg11[%dma_start3A_1111, %dma_start3A_1112] : memref<256x64xf32, #tpu.memory_space<vmem>> -> memref<8x64xf32, #tpu.memory_space<vmem>>
      %dma_start3A_1114 = arith.constant 0 : i32
      %dma_start3A_1115 = tpu.memref_slice %arg5[%dma_start3A_1110, %multiple_of3A_1104, %dma_start3A_1114] : memref<1x1000000x64xf32, #tpu.memory_space<hbm>> -> memref<1x8x64xf32, #tpu.memory_space<hbm>>
      %dma_start3A_1116 = tpu.memref_squeeze %dma_start3A_1115 : memref<1x8x64xf32, #tpu.memory_space<hbm>> -> memref<8x64xf32, #tpu.memory_space<hbm>>
      %dma_start3A_1117 = arith.constant 240 : i32
      %dma_start3A_1118 = arith.constant 0 : i32
      %dma_start3A_1119 = tpu.memref_slice %arg11[%dma_start3A_1117, %dma_start3A_1118] : memref<256x64xf32, #tpu.memory_space<vmem>> -> memref<8x64xf32, #tpu.memory_space<vmem>>
      %dma_start3A_1120 = arith.constant 0 : i32
      %dma_start3A_1121 = tpu.memref_slice %arg5[%dma_start3A_1110, %multiple_of3A_1104, %dma_start3A_1120] : memref<1x1000000x64xf32, #tpu.memory_space<hbm>> -> memref<1x8x64xf32, #tpu.memory_space<hbm>>
      %dma_start3A_1122 = tpu.memref_squeeze %dma_start3A_1121 : memref<1x8x64xf32, #tpu.memory_space<hbm>> -> memref<8x64xf32, #tpu.memory_space<hbm>>
      tpu.enqueue_dma source(%dma_start3A_1122 : memref<8x64xf32, #tpu.memory_space<hbm>>) target(%dma_start3A_1119 : memref<8x64xf32, #tpu.memory_space<vmem>>) target_semaphore(%arg15 : memref<!tpu.dma_semaphore, #tpu.memory_space<semaphore_mem>>)
      %dma_start3A_1123 = arith.constant 0 : i32
      %dma_start3A_1124 = arith.constant 240 : i32
      %dma_start3A_1125 = arith.constant 0 : i32
      %dma_start3A_1126 = tpu.memref_slice %arg12[%dma_start3A_1124, %dma_start3A_1125] : memref<256x64xf32, #tpu.memory_space<vmem>> -> memref<8x64xf32, #tpu.memory_space<vmem>>
      %dma_start3A_1127 = arith.constant 0 : i32
      %dma_start3A_1128 = tpu.memref_slice %arg5[%dma_start3A_1123, %multiple_of3A_1109, %dma_start3A_1127] : memref<1x1000000x64xf32, #tpu.memory_space<hbm>> -> memref<1x8x64xf32, #tpu.memory_space<hbm>>
      %dma_start3A_1129 = tpu.memref_squeeze %dma_start3A_1128 : memref<1x8x64xf32, #tpu.memory_space<hbm>> -> memref<8x64xf32, #tpu.memory_space<hbm>>
      %dma_start3A_1130 = arith.constant 240 : i32
      %dma_start3A_1131 = arith.constant 0 : i32
      %dma_start3A_1132 = tpu.memref_slice %arg12[%dma_start3A_1130, %dma_start3A_1131] : memref<256x64xf32, #tpu.memory_space<vmem>> -> memref<8x64xf32, #tpu.memory_space<vmem>>
      %dma_start3A_1133 = arith.constant 0 : i32
      %dma_start3A_1134 = tpu.memref_slice %arg5[%dma_start3A_1123, %multiple_of3A_1109, %dma_start3A_1133] : memref<1x1000000x64xf32, #tpu.memory_space<hbm>> -> memref<1x8x64xf32, #tpu.memory_space<hbm>>
      %dma_start3A_1135 = tpu.memref_squeeze %dma_start3A_1134 : memref<1x8x64xf32, #tpu.memory_space<hbm>> -> memref<8x64xf32, #tpu.memory_space<hbm>>
      tpu.enqueue_dma source(%dma_start3A_1135 : memref<8x64xf32, #tpu.memory_space<hbm>>) target(%dma_start3A_1132 : memref<8x64xf32, #tpu.memory_space<vmem>>) target_semaphore(%arg16 : memref<!tpu.dma_semaphore, #tpu.memory_space<semaphore_mem>>)
      %slice3A_1136 = vector.extract_strided_slice %get3A_593 {offsets = [15], sizes = [1], strides = [1]} : vector<16xi32> to vector<1xi32>
      %squeeze3A_1137 = vector.extract %slice3A_1136[0] : i32 from vector<1xi32>
      %and3A_1138 = arith.constant -8 : i32
      %and3A_1139 = arith.andi %squeeze3A_1137, %and3A_1138 : i32
      %multiple_of3A_1140 = tpu.assume_multiple %and3A_1139, 8 : i32
      %slice3A_1141 = vector.extract_strided_slice %get3A_595 {offsets = [15], sizes = [1], strides = [1]} : vector<16xi32> to vector<1xi32>
      %squeeze3A_1142 = vector.extract %slice3A_1141[0] : i32 from vector<1xi32>
      %and3A_1143 = arith.constant -8 : i32
      %and3A_1144 = arith.andi %squeeze3A_1142, %and3A_1143 : i32
      %multiple_of3A_1145 = tpu.assume_multiple %and3A_1144, 8 : i32
      %dma_start3A_1146 = arith.constant 0 : i32
      %dma_start3A_1147 = arith.constant 248 : i32
      %dma_start3A_1148 = arith.constant 0 : i32
      %dma_start3A_1149 = tpu.memref_slice %arg11[%dma_start3A_1147, %dma_start3A_1148] : memref<256x64xf32, #tpu.memory_space<vmem>> -> memref<8x64xf32, #tpu.memory_space<vmem>>
      %dma_start3A_1150 = arith.constant 0 : i32
      %dma_start3A_1151 = tpu.memref_slice %arg5[%dma_start3A_1146, %multiple_of3A_1140, %dma_start3A_1150] : memref<1x1000000x64xf32, #tpu.memory_space<hbm>> -> memref<1x8x64xf32, #tpu.memory_space<hbm>>
      %dma_start3A_1152 = tpu.memref_squeeze %dma_start3A_1151 : memref<1x8x64xf32, #tpu.memory_space<hbm>> -> memref<8x64xf32, #tpu.memory_space<hbm>>
      %dma_start3A_1153 = arith.constant 248 : i32
      %dma_start3A_1154 = arith.constant 0 : i32
      %dma_start3A_1155 = tpu.memref_slice %arg11[%dma_start3A_1153, %dma_start3A_1154] : memref<256x64xf32, #tpu.memory_space<vmem>> -> memref<8x64xf32, #tpu.memory_space<vmem>>
      %dma_start3A_1156 = arith.constant 0 : i32
      %dma_start3A_1157 = tpu.memref_slice %arg5[%dma_start3A_1146, %multiple_of3A_1140, %dma_start3A_1156] : memref<1x1000000x64xf32, #tpu.memory_space<hbm>> -> memref<1x8x64xf32, #tpu.memory_space<hbm>>
      %dma_start3A_1158 = tpu.memref_squeeze %dma_start3A_1157 : memref<1x8x64xf32, #tpu.memory_space<hbm>> -> memref<8x64xf32, #tpu.memory_space<hbm>>
      tpu.enqueue_dma source(%dma_start3A_1158 : memref<8x64xf32, #tpu.memory_space<hbm>>) target(%dma_start3A_1155 : memref<8x64xf32, #tpu.memory_space<vmem>>) target_semaphore(%arg15 : memref<!tpu.dma_semaphore, #tpu.memory_space<semaphore_mem>>)
      %dma_start3A_1159 = arith.constant 0 : i32
      %dma_start3A_1160 = arith.constant 248 : i32
      %dma_start3A_1161 = arith.constant 0 : i32
      %dma_start3A_1162 = tpu.memref_slice %arg12[%dma_start3A_1160, %dma_start3A_1161] : memref<256x64xf32, #tpu.memory_space<vmem>> -> memref<8x64xf32, #tpu.memory_space<vmem>>
      %dma_start3A_1163 = arith.constant 0 : i32
      %dma_start3A_1164 = tpu.memref_slice %arg5[%dma_start3A_1159, %multiple_of3A_1145, %dma_start3A_1163] : memref<1x1000000x64xf32, #tpu.memory_space<hbm>> -> memref<1x8x64xf32, #tpu.memory_space<hbm>>
      %dma_start3A_1165 = tpu.memref_squeeze %dma_start3A_1164 : memref<1x8x64xf32, #tpu.memory_space<hbm>> -> memref<8x64xf32, #tpu.memory_space<hbm>>
      %dma_start3A_1166 = arith.constant 248 : i32
      %dma_start3A_1167 = arith.constant 0 : i32
      %dma_start3A_1168 = tpu.memref_slice %arg12[%dma_start3A_1166, %dma_start3A_1167] : memref<256x64xf32, #tpu.memory_space<vmem>> -> memref<8x64xf32, #tpu.memory_space<vmem>>
      %dma_start3A_1169 = arith.constant 0 : i32
      %dma_start3A_1170 = tpu.memref_slice %arg5[%dma_start3A_1159, %multiple_of3A_1145, %dma_start3A_1169] : memref<1x1000000x64xf32, #tpu.memory_space<hbm>> -> memref<1x8x64xf32, #tpu.memory_space<hbm>>
      %dma_start3A_1171 = tpu.memref_squeeze %dma_start3A_1170 : memref<1x8x64xf32, #tpu.memory_space<hbm>> -> memref<8x64xf32, #tpu.memory_space<hbm>>
      tpu.enqueue_dma source(%dma_start3A_1171 : memref<8x64xf32, #tpu.memory_space<hbm>>) target(%dma_start3A_1168 : memref<8x64xf32, #tpu.memory_space<vmem>>) target_semaphore(%arg16 : memref<!tpu.dma_semaphore, #tpu.memory_space<semaphore_mem>>)
      %dma_wait3A = arith.constant 0 : i32
      %dma_wait3A_1172 = arith.constant 0 : i32
      %dma_wait3A_1173 = arith.constant 0 : i32
      %dma_wait3A_1174 = tpu.memref_slice %arg11[%dma_wait3A_1172, %dma_wait3A_1173] : memref<256x64xf32, #tpu.memory_space<vmem>> -> memref<8x64xf32, #tpu.memory_space<vmem>>
      %dma_wait3A_1175 = arith.constant 0 : i32
      %dma_wait3A_1176 = tpu.memref_slice %arg5[%dma_wait3A, %multiple_of3A_20, %dma_wait3A_1175] : memref<1x1000000x64xf32, #tpu.memory_space<hbm>> -> memref<1x8x64xf32, #tpu.memory_space<hbm>>
      %dma_wait3A_1177 = tpu.memref_squeeze %dma_wait3A_1176 : memref<1x8x64xf32, #tpu.memory_space<hbm>> -> memref<8x64xf32, #tpu.memory_space<hbm>>
      %dma_wait3A_1178 = arith.constant 0 : i32
      %dma_wait3A_1179 = arith.constant 0 : i32
      %dma_wait3A_1180 = tpu.memref_slice %arg11[%dma_wait3A_1178, %dma_wait3A_1179] : memref<256x64xf32, #tpu.memory_space<vmem>> -> memref<8x64xf32, #tpu.memory_space<vmem>>
      %dma_wait3A_1181 = arith.constant 0 : i32
      %dma_wait3A_1182 = tpu.memref_slice %arg5[%dma_wait3A, %multiple_of3A_20, %dma_wait3A_1181] : memref<1x1000000x64xf32, #tpu.memory_space<hbm>> -> memref<1x8x64xf32, #tpu.memory_space<hbm>>
      %dma_wait3A_1183 = tpu.memref_squeeze %dma_wait3A_1182 : memref<1x8x64xf32, #tpu.memory_space<hbm>> -> memref<8x64xf32, #tpu.memory_space<hbm>>
      tpu.wait_dma2 semaphore(%arg15 : memref<!tpu.dma_semaphore, #tpu.memory_space<semaphore_mem>>) src(%dma_wait3A_1183 : memref<8x64xf32, #tpu.memory_space<hbm>>) dst(%dma_wait3A_1180 : memref<8x64xf32, #tpu.memory_space<vmem>>)
      %dma_wait3A_1184 = arith.constant 0 : i32
      %dma_wait3A_1185 = arith.constant 0 : i32
      %dma_wait3A_1186 = arith.constant 0 : i32
      %dma_wait3A_1187 = tpu.memref_slice %arg12[%dma_wait3A_1185, %dma_wait3A_1186] : memref<256x64xf32, #tpu.memory_space<vmem>> -> memref<8x64xf32, #tpu.memory_space<vmem>>
      %dma_wait3A_1188 = arith.constant 0 : i32
      %dma_wait3A_1189 = tpu.memref_slice %arg5[%dma_wait3A_1184, %multiple_of3A_25, %dma_wait3A_1188] : memref<1x1000000x64xf32, #tpu.memory_space<hbm>> -> memref<1x8x64xf32, #tpu.memory_space<hbm>>
      %dma_wait3A_1190 = tpu.memref_squeeze %dma_wait3A_1189 : memref<1x8x64xf32, #tpu.memory_space<hbm>> -> memref<8x64xf32, #tpu.memory_space<hbm>>
      %dma_wait3A_1191 = arith.constant 0 : i32
      %dma_wait3A_1192 = arith.constant 0 : i32
      %dma_wait3A_1193 = tpu.memref_slice %arg12[%dma_wait3A_1191, %dma_wait3A_1192] : memref<256x64xf32, #tpu.memory_space<vmem>> -> memref<8x64xf32, #tpu.memory_space<vmem>>
      %dma_wait3A_1194 = arith.constant 0 : i32
      %dma_wait3A_1195 = tpu.memref_slice %arg5[%dma_wait3A_1184, %multiple_of3A_25, %dma_wait3A_1194] : memref<1x1000000x64xf32, #tpu.memory_space<hbm>> -> memref<1x8x64xf32, #tpu.memory_space<hbm>>
      %dma_wait3A_1196 = tpu.memref_squeeze %dma_wait3A_1195 : memref<1x8x64xf32, #tpu.memory_space<hbm>> -> memref<8x64xf32, #tpu.memory_space<hbm>>
      tpu.wait_dma2 semaphore(%arg16 : memref<!tpu.dma_semaphore, #tpu.memory_space<semaphore_mem>>) src(%dma_wait3A_1196 : memref<8x64xf32, #tpu.memory_space<hbm>>) dst(%dma_wait3A_1193 : memref<8x64xf32, #tpu.memory_space<vmem>>)
      %dma_wait3A_1197 = arith.constant 0 : i32
      %dma_wait3A_1198 = arith.constant 8 : i32
      %dma_wait3A_1199 = arith.constant 0 : i32
      %dma_wait3A_1200 = tpu.memref_slice %arg11[%dma_wait3A_1198, %dma_wait3A_1199] : memref<256x64xf32, #tpu.memory_space<vmem>> -> memref<8x64xf32, #tpu.memory_space<vmem>>
      %dma_wait3A_1201 = arith.constant 0 : i32
      %dma_wait3A_1202 = tpu.memref_slice %arg5[%dma_wait3A_1197, %multiple_of3A_56, %dma_wait3A_1201] : memref<1x1000000x64xf32, #tpu.memory_space<hbm>> -> memref<1x8x64xf32, #tpu.memory_space<hbm>>
      %dma_wait3A_1203 = tpu.memref_squeeze %dma_wait3A_1202 : memref<1x8x64xf32, #tpu.memory_space<hbm>> -> memref<8x64xf32, #tpu.memory_space<hbm>>
      %dma_wait3A_1204 = arith.constant 8 : i32
      %dma_wait3A_1205 = arith.constant 0 : i32
      %dma_wait3A_1206 = tpu.memref_slice %arg11[%dma_wait3A_1204, %dma_wait3A_1205] : memref<256x64xf32, #tpu.memory_space<vmem>> -> memref<8x64xf32, #tpu.memory_space<vmem>>
      %dma_wait3A_1207 = arith.constant 0 : i32
      %dma_wait3A_1208 = tpu.memref_slice %arg5[%dma_wait3A_1197, %multiple_of3A_56, %dma_wait3A_1207] : memref<1x1000000x64xf32, #tpu.memory_space<hbm>> -> memref<1x8x64xf32, #tpu.memory_space<hbm>>
      %dma_wait3A_1209 = tpu.memref_squeeze %dma_wait3A_1208 : memref<1x8x64xf32, #tpu.memory_space<hbm>> -> memref<8x64xf32, #tpu.memory_space<hbm>>
      tpu.wait_dma2 semaphore(%arg15 : memref<!tpu.dma_semaphore, #tpu.memory_space<semaphore_mem>>) src(%dma_wait3A_1209 : memref<8x64xf32, #tpu.memory_space<hbm>>) dst(%dma_wait3A_1206 : memref<8x64xf32, #tpu.memory_space<vmem>>)
      %dma_wait3A_1210 = arith.constant 0 : i32
      %dma_wait3A_1211 = arith.constant 8 : i32
      %dma_wait3A_1212 = arith.constant 0 : i32
      %dma_wait3A_1213 = tpu.memref_slice %arg12[%dma_wait3A_1211, %dma_wait3A_1212] : memref<256x64xf32, #tpu.memory_space<vmem>> -> memref<8x64xf32, #tpu.memory_space<vmem>>
      %dma_wait3A_1214 = arith.constant 0 : i32
      %dma_wait3A_1215 = tpu.memref_slice %arg5[%dma_wait3A_1210, %multiple_of3A_61, %dma_wait3A_1214] : memref<1x1000000x64xf32, #tpu.memory_space<hbm>> -> memref<1x8x64xf32, #tpu.memory_space<hbm>>
      %dma_wait3A_1216 = tpu.memref_squeeze %dma_wait3A_1215 : memref<1x8x64xf32, #tpu.memory_space<hbm>> -> memref<8x64xf32, #tpu.memory_space<hbm>>
      %dma_wait3A_1217 = arith.constant 8 : i32
      %dma_wait3A_1218 = arith.constant 0 : i32
      %dma_wait3A_1219 = tpu.memref_slice %arg12[%dma_wait3A_1217, %dma_wait3A_1218] : memref<256x64xf32, #tpu.memory_space<vmem>> -> memref<8x64xf32, #tpu.memory_space<vmem>>
      %dma_wait3A_1220 = arith.constant 0 : i32
      %dma_wait3A_1221 = tpu.memref_slice %arg5[%dma_wait3A_1210, %multiple_of3A_61, %dma_wait3A_1220] : memref<1x1000000x64xf32, #tpu.memory_space<hbm>> -> memref<1x8x64xf32, #tpu.memory_space<hbm>>
      %dma_wait3A_1222 = tpu.memref_squeeze %dma_wait3A_1221 : memref<1x8x64xf32, #tpu.memory_space<hbm>> -> memref<8x64xf32, #tpu.memory_space<hbm>>
      tpu.wait_dma2 semaphore(%arg16 : memref<!tpu.dma_semaphore, #tpu.memory_space<semaphore_mem>>) src(%dma_wait3A_1222 : memref<8x64xf32, #tpu.memory_space<hbm>>) dst(%dma_wait3A_1219 : memref<8x64xf32, #tpu.memory_space<vmem>>)
      %dma_wait3A_1223 = arith.constant 0 : i32
      %dma_wait3A_1224 = arith.constant 16 : i32
      %dma_wait3A_1225 = arith.constant 0 : i32
      %dma_wait3A_1226 = tpu.memref_slice %arg11[%dma_wait3A_1224, %dma_wait3A_1225] : memref<256x64xf32, #tpu.memory_space<vmem>> -> memref<8x64xf32, #tpu.memory_space<vmem>>
      %dma_wait3A_1227 = arith.constant 0 : i32
      %dma_wait3A_1228 = tpu.memref_slice %arg5[%dma_wait3A_1223, %multiple_of3A_92, %dma_wait3A_1227] : memref<1x1000000x64xf32, #tpu.memory_space<hbm>> -> memref<1x8x64xf32, #tpu.memory_space<hbm>>
      %dma_wait3A_1229 = tpu.memref_squeeze %dma_wait3A_1228 : memref<1x8x64xf32, #tpu.memory_space<hbm>> -> memref<8x64xf32, #tpu.memory_space<hbm>>
      %dma_wait3A_1230 = arith.constant 16 : i32
      %dma_wait3A_1231 = arith.constant 0 : i32
      %dma_wait3A_1232 = tpu.memref_slice %arg11[%dma_wait3A_1230, %dma_wait3A_1231] : memref<256x64xf32, #tpu.memory_space<vmem>> -> memref<8x64xf32, #tpu.memory_space<vmem>>
      %dma_wait3A_1233 = arith.constant 0 : i32
      %dma_wait3A_1234 = tpu.memref_slice %arg5[%dma_wait3A_1223, %multiple_of3A_92, %dma_wait3A_1233] : memref<1x1000000x64xf32, #tpu.memory_space<hbm>> -> memref<1x8x64xf32, #tpu.memory_space<hbm>>
      %dma_wait3A_1235 = tpu.memref_squeeze %dma_wait3A_1234 : memref<1x8x64xf32, #tpu.memory_space<hbm>> -> memref<8x64xf32, #tpu.memory_space<hbm>>
      tpu.wait_dma2 semaphore(%arg15 : memref<!tpu.dma_semaphore, #tpu.memory_space<semaphore_mem>>) src(%dma_wait3A_1235 : memref<8x64xf32, #tpu.memory_space<hbm>>) dst(%dma_wait3A_1232 : memref<8x64xf32, #tpu.memory_space<vmem>>)
      %dma_wait3A_1236 = arith.constant 0 : i32
      %dma_wait3A_1237 = arith.constant 16 : i32
      %dma_wait3A_1238 = arith.constant 0 : i32
      %dma_wait3A_1239 = tpu.memref_slice %arg12[%dma_wait3A_1237, %dma_wait3A_1238] : memref<256x64xf32, #tpu.memory_space<vmem>> -> memref<8x64xf32, #tpu.memory_space<vmem>>
      %dma_wait3A_1240 = arith.constant 0 : i32
      %dma_wait3A_1241 = tpu.memref_slice %arg5[%dma_wait3A_1236, %multiple_of3A_97, %dma_wait3A_1240] : memref<1x1000000x64xf32, #tpu.memory_space<hbm>> -> memref<1x8x64xf32, #tpu.memory_space<hbm>>
      %dma_wait3A_1242 = tpu.memref_squeeze %dma_wait3A_1241 : memref<1x8x64xf32, #tpu.memory_space<hbm>> -> memref<8x64xf32, #tpu.memory_space<hbm>>
      %dma_wait3A_1243 = arith.constant 16 : i32
      %dma_wait3A_1244 = arith.constant 0 : i32
      %dma_wait3A_1245 = tpu.memref_slice %arg12[%dma_wait3A_1243, %dma_wait3A_1244] : memref<256x64xf32, #tpu.memory_space<vmem>> -> memref<8x64xf32, #tpu.memory_space<vmem>>
      %dma_wait3A_1246 = arith.constant 0 : i32
      %dma_wait3A_1247 = tpu.memref_slice %arg5[%dma_wait3A_1236, %multiple_of3A_97, %dma_wait3A_1246] : memref<1x1000000x64xf32, #tpu.memory_space<hbm>> -> memref<1x8x64xf32, #tpu.memory_space<hbm>>
      %dma_wait3A_1248 = tpu.memref_squeeze %dma_wait3A_1247 : memref<1x8x64xf32, #tpu.memory_space<hbm>> -> memref<8x64xf32, #tpu.memory_space<hbm>>
      tpu.wait_dma2 semaphore(%arg16 : memref<!tpu.dma_semaphore, #tpu.memory_space<semaphore_mem>>) src(%dma_wait3A_1248 : memref<8x64xf32, #tpu.memory_space<hbm>>) dst(%dma_wait3A_1245 : memref<8x64xf32, #tpu.memory_space<vmem>>)
      %dma_wait3A_1249 = arith.constant 0 : i32
      %dma_wait3A_1250 = arith.constant 24 : i32
      %dma_wait3A_1251 = arith.constant 0 : i32
      %dma_wait3A_1252 = tpu.memref_slice %arg11[%dma_wait3A_1250, %dma_wait3A_1251] : memref<256x64xf32, #tpu.memory_space<vmem>> -> memref<8x64xf32, #tpu.memory_space<vmem>>
      %dma_wait3A_1253 = arith.constant 0 : i32
      %dma_wait3A_1254 = tpu.memref_slice %arg5[%dma_wait3A_1249, %multiple_of3A_128, %dma_wait3A_1253] : memref<1x1000000x64xf32, #tpu.memory_space<hbm>> -> memref<1x8x64xf32, #tpu.memory_space<hbm>>
      %dma_wait3A_1255 = tpu.memref_squeeze %dma_wait3A_1254 : memref<1x8x64xf32, #tpu.memory_space<hbm>> -> memref<8x64xf32, #tpu.memory_space<hbm>>
      %dma_wait3A_1256 = arith.constant 24 : i32
      %dma_wait3A_1257 = arith.constant 0 : i32
      %dma_wait3A_1258 = tpu.memref_slice %arg11[%dma_wait3A_1256, %dma_wait3A_1257] : memref<256x64xf32, #tpu.memory_space<vmem>> -> memref<8x64xf32, #tpu.memory_space<vmem>>
      %dma_wait3A_1259 = arith.constant 0 : i32
      %dma_wait3A_1260 = tpu.memref_slice %arg5[%dma_wait3A_1249, %multiple_of3A_128, %dma_wait3A_1259] : memref<1x1000000x64xf32, #tpu.memory_space<hbm>> -> memref<1x8x64xf32, #tpu.memory_space<hbm>>
      %dma_wait3A_1261 = tpu.memref_squeeze %dma_wait3A_1260 : memref<1x8x64xf32, #tpu.memory_space<hbm>> -> memref<8x64xf32, #tpu.memory_space<hbm>>
      tpu.wait_dma2 semaphore(%arg15 : memref<!tpu.dma_semaphore, #tpu.memory_space<semaphore_mem>>) src(%dma_wait3A_1261 : memref<8x64xf32, #tpu.memory_space<hbm>>) dst(%dma_wait3A_1258 : memref<8x64xf32, #tpu.memory_space<vmem>>)
      %dma_wait3A_1262 = arith.constant 0 : i32
      %dma_wait3A_1263 = arith.constant 24 : i32
      %dma_wait3A_1264 = arith.constant 0 : i32
      %dma_wait3A_1265 = tpu.memref_slice %arg12[%dma_wait3A_1263, %dma_wait3A_1264] : memref<256x64xf32, #tpu.memory_space<vmem>> -> memref<8x64xf32, #tpu.memory_space<vmem>>
      %dma_wait3A_1266 = arith.constant 0 : i32
      %dma_wait3A_1267 = tpu.memref_slice %arg5[%dma_wait3A_1262, %multiple_of3A_133, %dma_wait3A_1266] : memref<1x1000000x64xf32, #tpu.memory_space<hbm>> -> memref<1x8x64xf32, #tpu.memory_space<hbm>>
      %dma_wait3A_1268 = tpu.memref_squeeze %dma_wait3A_1267 : memref<1x8x64xf32, #tpu.memory_space<hbm>> -> memref<8x64xf32, #tpu.memory_space<hbm>>
      %dma_wait3A_1269 = arith.constant 24 : i32
      %dma_wait3A_1270 = arith.constant 0 : i32
      %dma_wait3A_1271 = tpu.memref_slice %arg12[%dma_wait3A_1269, %dma_wait3A_1270] : memref<256x64xf32, #tpu.memory_space<vmem>> -> memref<8x64xf32, #tpu.memory_space<vmem>>
      %dma_wait3A_1272 = arith.constant 0 : i32
      %dma_wait3A_1273 = tpu.memref_slice %arg5[%dma_wait3A_1262, %multiple_of3A_133, %dma_wait3A_1272] : memref<1x1000000x64xf32, #tpu.memory_space<hbm>> -> memref<1x8x64xf32, #tpu.memory_space<hbm>>
      %dma_wait3A_1274 = tpu.memref_squeeze %dma_wait3A_1273 : memref<1x8x64xf32, #tpu.memory_space<hbm>> -> memref<8x64xf32, #tpu.memory_space<hbm>>
      tpu.wait_dma2 semaphore(%arg16 : memref<!tpu.dma_semaphore, #tpu.memory_space<semaphore_mem>>) src(%dma_wait3A_1274 : memref<8x64xf32, #tpu.memory_space<hbm>>) dst(%dma_wait3A_1271 : memref<8x64xf32, #tpu.memory_space<vmem>>)
      %dma_wait3A_1275 = arith.constant 0 : i32
      %dma_wait3A_1276 = arith.constant 32 : i32
      %dma_wait3A_1277 = arith.constant 0 : i32
      %dma_wait3A_1278 = tpu.memref_slice %arg11[%dma_wait3A_1276, %dma_wait3A_1277] : memref<256x64xf32, #tpu.memory_space<vmem>> -> memref<8x64xf32, #tpu.memory_space<vmem>>
      %dma_wait3A_1279 = arith.constant 0 : i32
      %dma_wait3A_1280 = tpu.memref_slice %arg5[%dma_wait3A_1275, %multiple_of3A_164, %dma_wait3A_1279] : memref<1x1000000x64xf32, #tpu.memory_space<hbm>> -> memref<1x8x64xf32, #tpu.memory_space<hbm>>
      %dma_wait3A_1281 = tpu.memref_squeeze %dma_wait3A_1280 : memref<1x8x64xf32, #tpu.memory_space<hbm>> -> memref<8x64xf32, #tpu.memory_space<hbm>>
      %dma_wait3A_1282 = arith.constant 32 : i32
      %dma_wait3A_1283 = arith.constant 0 : i32
      %dma_wait3A_1284 = tpu.memref_slice %arg11[%dma_wait3A_1282, %dma_wait3A_1283] : memref<256x64xf32, #tpu.memory_space<vmem>> -> memref<8x64xf32, #tpu.memory_space<vmem>>
      %dma_wait3A_1285 = arith.constant 0 : i32
      %dma_wait3A_1286 = tpu.memref_slice %arg5[%dma_wait3A_1275, %multiple_of3A_164, %dma_wait3A_1285] : memref<1x1000000x64xf32, #tpu.memory_space<hbm>> -> memref<1x8x64xf32, #tpu.memory_space<hbm>>
      %dma_wait3A_1287 = tpu.memref_squeeze %dma_wait3A_1286 : memref<1x8x64xf32, #tpu.memory_space<hbm>> -> memref<8x64xf32, #tpu.memory_space<hbm>>
      tpu.wait_dma2 semaphore(%arg15 : memref<!tpu.dma_semaphore, #tpu.memory_space<semaphore_mem>>) src(%dma_wait3A_1287 : memref<8x64xf32, #tpu.memory_space<hbm>>) dst(%dma_wait3A_1284 : memref<8x64xf32, #tpu.memory_space<vmem>>)
      %dma_wait3A_1288 = arith.constant 0 : i32
      %dma_wait3A_1289 = arith.constant 32 : i32
      %dma_wait3A_1290 = arith.constant 0 : i32
      %dma_wait3A_1291 = tpu.memref_slice %arg12[%dma_wait3A_1289, %dma_wait3A_1290] : memref<256x64xf32, #tpu.memory_space<vmem>> -> memref<8x64xf32, #tpu.memory_space<vmem>>
      %dma_wait3A_1292 = arith.constant 0 : i32
      %dma_wait3A_1293 = tpu.memref_slice %arg5[%dma_wait3A_1288, %multiple_of3A_169, %dma_wait3A_1292] : memref<1x1000000x64xf32, #tpu.memory_space<hbm>> -> memref<1x8x64xf32, #tpu.memory_space<hbm>>
      %dma_wait3A_1294 = tpu.memref_squeeze %dma_wait3A_1293 : memref<1x8x64xf32, #tpu.memory_space<hbm>> -> memref<8x64xf32, #tpu.memory_space<hbm>>
      %dma_wait3A_1295 = arith.constant 32 : i32
      %dma_wait3A_1296 = arith.constant 0 : i32
      %dma_wait3A_1297 = tpu.memref_slice %arg12[%dma_wait3A_1295, %dma_wait3A_1296] : memref<256x64xf32, #tpu.memory_space<vmem>> -> memref<8x64xf32, #tpu.memory_space<vmem>>
      %dma_wait3A_1298 = arith.constant 0 : i32
      %dma_wait3A_1299 = tpu.memref_slice %arg5[%dma_wait3A_1288, %multiple_of3A_169, %dma_wait3A_1298] : memref<1x1000000x64xf32, #tpu.memory_space<hbm>> -> memref<1x8x64xf32, #tpu.memory_space<hbm>>
      %dma_wait3A_1300 = tpu.memref_squeeze %dma_wait3A_1299 : memref<1x8x64xf32, #tpu.memory_space<hbm>> -> memref<8x64xf32, #tpu.memory_space<hbm>>
      tpu.wait_dma2 semaphore(%arg16 : memref<!tpu.dma_semaphore, #tpu.memory_space<semaphore_mem>>) src(%dma_wait3A_1300 : memref<8x64xf32, #tpu.memory_space<hbm>>) dst(%dma_wait3A_1297 : memref<8x64xf32, #tpu.memory_space<vmem>>)
      %dma_wait3A_1301 = arith.constant 0 : i32
      %dma_wait3A_1302 = arith.constant 40 : i32
      %dma_wait3A_1303 = arith.constant 0 : i32
      %dma_wait3A_1304 = tpu.memref_slice %arg11[%dma_wait3A_1302, %dma_wait3A_1303] : memref<256x64xf32, #tpu.memory_space<vmem>> -> memref<8x64xf32, #tpu.memory_space<vmem>>
      %dma_wait3A_1305 = arith.constant 0 : i32
      %dma_wait3A_1306 = tpu.memref_slice %arg5[%dma_wait3A_1301, %multiple_of3A_200, %dma_wait3A_1305] : memref<1x1000000x64xf32, #tpu.memory_space<hbm>> -> memref<1x8x64xf32, #tpu.memory_space<hbm>>
      %dma_wait3A_1307 = tpu.memref_squeeze %dma_wait3A_1306 : memref<1x8x64xf32, #tpu.memory_space<hbm>> -> memref<8x64xf32, #tpu.memory_space<hbm>>
      %dma_wait3A_1308 = arith.constant 40 : i32
      %dma_wait3A_1309 = arith.constant 0 : i32
      %dma_wait3A_1310 = tpu.memref_slice %arg11[%dma_wait3A_1308, %dma_wait3A_1309] : memref<256x64xf32, #tpu.memory_space<vmem>> -> memref<8x64xf32, #tpu.memory_space<vmem>>
      %dma_wait3A_1311 = arith.constant 0 : i32
      %dma_wait3A_1312 = tpu.memref_slice %arg5[%dma_wait3A_1301, %multiple_of3A_200, %dma_wait3A_1311] : memref<1x1000000x64xf32, #tpu.memory_space<hbm>> -> memref<1x8x64xf32, #tpu.memory_space<hbm>>
      %dma_wait3A_1313 = tpu.memref_squeeze %dma_wait3A_1312 : memref<1x8x64xf32, #tpu.memory_space<hbm>> -> memref<8x64xf32, #tpu.memory_space<hbm>>
      tpu.wait_dma2 semaphore(%arg15 : memref<!tpu.dma_semaphore, #tpu.memory_space<semaphore_mem>>) src(%dma_wait3A_1313 : memref<8x64xf32, #tpu.memory_space<hbm>>) dst(%dma_wait3A_1310 : memref<8x64xf32, #tpu.memory_space<vmem>>)
      %dma_wait3A_1314 = arith.constant 0 : i32
      %dma_wait3A_1315 = arith.constant 40 : i32
      %dma_wait3A_1316 = arith.constant 0 : i32
      %dma_wait3A_1317 = tpu.memref_slice %arg12[%dma_wait3A_1315, %dma_wait3A_1316] : memref<256x64xf32, #tpu.memory_space<vmem>> -> memref<8x64xf32, #tpu.memory_space<vmem>>
      %dma_wait3A_1318 = arith.constant 0 : i32
      %dma_wait3A_1319 = tpu.memref_slice %arg5[%dma_wait3A_1314, %multiple_of3A_205, %dma_wait3A_1318] : memref<1x1000000x64xf32, #tpu.memory_space<hbm>> -> memref<1x8x64xf32, #tpu.memory_space<hbm>>
      %dma_wait3A_1320 = tpu.memref_squeeze %dma_wait3A_1319 : memref<1x8x64xf32, #tpu.memory_space<hbm>> -> memref<8x64xf32, #tpu.memory_space<hbm>>
      %dma_wait3A_1321 = arith.constant 40 : i32
      %dma_wait3A_1322 = arith.constant 0 : i32
      %dma_wait3A_1323 = tpu.memref_slice %arg12[%dma_wait3A_1321, %dma_wait3A_1322] : memref<256x64xf32, #tpu.memory_space<vmem>> -> memref<8x64xf32, #tpu.memory_space<vmem>>
      %dma_wait3A_1324 = arith.constant 0 : i32
      %dma_wait3A_1325 = tpu.memref_slice %arg5[%dma_wait3A_1314, %multiple_of3A_205, %dma_wait3A_1324] : memref<1x1000000x64xf32, #tpu.memory_space<hbm>> -> memref<1x8x64xf32, #tpu.memory_space<hbm>>
      %dma_wait3A_1326 = tpu.memref_squeeze %dma_wait3A_1325 : memref<1x8x64xf32, #tpu.memory_space<hbm>> -> memref<8x64xf32, #tpu.memory_space<hbm>>
      tpu.wait_dma2 semaphore(%arg16 : memref<!tpu.dma_semaphore, #tpu.memory_space<semaphore_mem>>) src(%dma_wait3A_1326 : memref<8x64xf32, #tpu.memory_space<hbm>>) dst(%dma_wait3A_1323 : memref<8x64xf32, #tpu.memory_space<vmem>>)
      %dma_wait3A_1327 = arith.constant 0 : i32
      %dma_wait3A_1328 = arith.constant 48 : i32
      %dma_wait3A_1329 = arith.constant 0 : i32
      %dma_wait3A_1330 = tpu.memref_slice %arg11[%dma_wait3A_1328, %dma_wait3A_1329] : memref<256x64xf32, #tpu.memory_space<vmem>> -> memref<8x64xf32, #tpu.memory_space<vmem>>
      %dma_wait3A_1331 = arith.constant 0 : i32
      %dma_wait3A_1332 = tpu.memref_slice %arg5[%dma_wait3A_1327, %multiple_of3A_236, %dma_wait3A_1331] : memref<1x1000000x64xf32, #tpu.memory_space<hbm>> -> memref<1x8x64xf32, #tpu.memory_space<hbm>>
      %dma_wait3A_1333 = tpu.memref_squeeze %dma_wait3A_1332 : memref<1x8x64xf32, #tpu.memory_space<hbm>> -> memref<8x64xf32, #tpu.memory_space<hbm>>
      %dma_wait3A_1334 = arith.constant 48 : i32
      %dma_wait3A_1335 = arith.constant 0 : i32
      %dma_wait3A_1336 = tpu.memref_slice %arg11[%dma_wait3A_1334, %dma_wait3A_1335] : memref<256x64xf32, #tpu.memory_space<vmem>> -> memref<8x64xf32, #tpu.memory_space<vmem>>
      %dma_wait3A_1337 = arith.constant 0 : i32
      %dma_wait3A_1338 = tpu.memref_slice %arg5[%dma_wait3A_1327, %multiple_of3A_236, %dma_wait3A_1337] : memref<1x1000000x64xf32, #tpu.memory_space<hbm>> -> memref<1x8x64xf32, #tpu.memory_space<hbm>>
      %dma_wait3A_1339 = tpu.memref_squeeze %dma_wait3A_1338 : memref<1x8x64xf32, #tpu.memory_space<hbm>> -> memref<8x64xf32, #tpu.memory_space<hbm>>
      tpu.wait_dma2 semaphore(%arg15 : memref<!tpu.dma_semaphore, #tpu.memory_space<semaphore_mem>>) src(%dma_wait3A_1339 : memref<8x64xf32, #tpu.memory_space<hbm>>) dst(%dma_wait3A_1336 : memref<8x64xf32, #tpu.memory_space<vmem>>)
      %dma_wait3A_1340 = arith.constant 0 : i32
      %dma_wait3A_1341 = arith.constant 48 : i32
      %dma_wait3A_1342 = arith.constant 0 : i32
      %dma_wait3A_1343 = tpu.memref_slice %arg12[%dma_wait3A_1341, %dma_wait3A_1342] : memref<256x64xf32, #tpu.memory_space<vmem>> -> memref<8x64xf32, #tpu.memory_space<vmem>>
      %dma_wait3A_1344 = arith.constant 0 : i32
      %dma_wait3A_1345 = tpu.memref_slice %arg5[%dma_wait3A_1340, %multiple_of3A_241, %dma_wait3A_1344] : memref<1x1000000x64xf32, #tpu.memory_space<hbm>> -> memref<1x8x64xf32, #tpu.memory_space<hbm>>
      %dma_wait3A_1346 = tpu.memref_squeeze %dma_wait3A_1345 : memref<1x8x64xf32, #tpu.memory_space<hbm>> -> memref<8x64xf32, #tpu.memory_space<hbm>>
      %dma_wait3A_1347 = arith.constant 48 : i32
      %dma_wait3A_1348 = arith.constant 0 : i32
      %dma_wait3A_1349 = tpu.memref_slice %arg12[%dma_wait3A_1347, %dma_wait3A_1348] : memref<256x64xf32, #tpu.memory_space<vmem>> -> memref<8x64xf32, #tpu.memory_space<vmem>>
      %dma_wait3A_1350 = arith.constant 0 : i32
      %dma_wait3A_1351 = tpu.memref_slice %arg5[%dma_wait3A_1340, %multiple_of3A_241, %dma_wait3A_1350] : memref<1x1000000x64xf32, #tpu.memory_space<hbm>> -> memref<1x8x64xf32, #tpu.memory_space<hbm>>
      %dma_wait3A_1352 = tpu.memref_squeeze %dma_wait3A_1351 : memref<1x8x64xf32, #tpu.memory_space<hbm>> -> memref<8x64xf32, #tpu.memory_space<hbm>>
      tpu.wait_dma2 semaphore(%arg16 : memref<!tpu.dma_semaphore, #tpu.memory_space<semaphore_mem>>) src(%dma_wait3A_1352 : memref<8x64xf32, #tpu.memory_space<hbm>>) dst(%dma_wait3A_1349 : memref<8x64xf32, #tpu.memory_space<vmem>>)
      %dma_wait3A_1353 = arith.constant 0 : i32
      %dma_wait3A_1354 = arith.constant 56 : i32
      %dma_wait3A_1355 = arith.constant 0 : i32
      %dma_wait3A_1356 = tpu.memref_slice %arg11[%dma_wait3A_1354, %dma_wait3A_1355] : memref<256x64xf32, #tpu.memory_space<vmem>> -> memref<8x64xf32, #tpu.memory_space<vmem>>
      %dma_wait3A_1357 = arith.constant 0 : i32
      %dma_wait3A_1358 = tpu.memref_slice %arg5[%dma_wait3A_1353, %multiple_of3A_272, %dma_wait3A_1357] : memref<1x1000000x64xf32, #tpu.memory_space<hbm>> -> memref<1x8x64xf32, #tpu.memory_space<hbm>>
      %dma_wait3A_1359 = tpu.memref_squeeze %dma_wait3A_1358 : memref<1x8x64xf32, #tpu.memory_space<hbm>> -> memref<8x64xf32, #tpu.memory_space<hbm>>
      %dma_wait3A_1360 = arith.constant 56 : i32
      %dma_wait3A_1361 = arith.constant 0 : i32
      %dma_wait3A_1362 = tpu.memref_slice %arg11[%dma_wait3A_1360, %dma_wait3A_1361] : memref<256x64xf32, #tpu.memory_space<vmem>> -> memref<8x64xf32, #tpu.memory_space<vmem>>
      %dma_wait3A_1363 = arith.constant 0 : i32
      %dma_wait3A_1364 = tpu.memref_slice %arg5[%dma_wait3A_1353, %multiple_of3A_272, %dma_wait3A_1363] : memref<1x1000000x64xf32, #tpu.memory_space<hbm>> -> memref<1x8x64xf32, #tpu.memory_space<hbm>>
      %dma_wait3A_1365 = tpu.memref_squeeze %dma_wait3A_1364 : memref<1x8x64xf32, #tpu.memory_space<hbm>> -> memref<8x64xf32, #tpu.memory_space<hbm>>
      tpu.wait_dma2 semaphore(%arg15 : memref<!tpu.dma_semaphore, #tpu.memory_space<semaphore_mem>>) src(%dma_wait3A_1365 : memref<8x64xf32, #tpu.memory_space<hbm>>) dst(%dma_wait3A_1362 : memref<8x64xf32, #tpu.memory_space<vmem>>)
      %dma_wait3A_1366 = arith.constant 0 : i32
      %dma_wait3A_1367 = arith.constant 56 : i32
      %dma_wait3A_1368 = arith.constant 0 : i32
      %dma_wait3A_1369 = tpu.memref_slice %arg12[%dma_wait3A_1367, %dma_wait3A_1368] : memref<256x64xf32, #tpu.memory_space<vmem>> -> memref<8x64xf32, #tpu.memory_space<vmem>>
      %dma_wait3A_1370 = arith.constant 0 : i32
      %dma_wait3A_1371 = tpu.memref_slice %arg5[%dma_wait3A_1366, %multiple_of3A_277, %dma_wait3A_1370] : memref<1x1000000x64xf32, #tpu.memory_space<hbm>> -> memref<1x8x64xf32, #tpu.memory_space<hbm>>
      %dma_wait3A_1372 = tpu.memref_squeeze %dma_wait3A_1371 : memref<1x8x64xf32, #tpu.memory_space<hbm>> -> memref<8x64xf32, #tpu.memory_space<hbm>>
      %dma_wait3A_1373 = arith.constant 56 : i32
      %dma_wait3A_1374 = arith.constant 0 : i32
      %dma_wait3A_1375 = tpu.memref_slice %arg12[%dma_wait3A_1373, %dma_wait3A_1374] : memref<256x64xf32, #tpu.memory_space<vmem>> -> memref<8x64xf32, #tpu.memory_space<vmem>>
      %dma_wait3A_1376 = arith.constant 0 : i32
      %dma_wait3A_1377 = tpu.memref_slice %arg5[%dma_wait3A_1366, %multiple_of3A_277, %dma_wait3A_1376] : memref<1x1000000x64xf32, #tpu.memory_space<hbm>> -> memref<1x8x64xf32, #tpu.memory_space<hbm>>
      %dma_wait3A_1378 = tpu.memref_squeeze %dma_wait3A_1377 : memref<1x8x64xf32, #tpu.memory_space<hbm>> -> memref<8x64xf32, #tpu.memory_space<hbm>>
      tpu.wait_dma2 semaphore(%arg16 : memref<!tpu.dma_semaphore, #tpu.memory_space<semaphore_mem>>) src(%dma_wait3A_1378 : memref<8x64xf32, #tpu.memory_space<hbm>>) dst(%dma_wait3A_1375 : memref<8x64xf32, #tpu.memory_space<vmem>>)
      %dma_wait3A_1379 = arith.constant 0 : i32
      %dma_wait3A_1380 = arith.constant 64 : i32
      %dma_wait3A_1381 = arith.constant 0 : i32
      %dma_wait3A_1382 = tpu.memref_slice %arg11[%dma_wait3A_1380, %dma_wait3A_1381] : memref<256x64xf32, #tpu.memory_space<vmem>> -> memref<8x64xf32, #tpu.memory_space<vmem>>
      %dma_wait3A_1383 = arith.constant 0 : i32
      %dma_wait3A_1384 = tpu.memref_slice %arg5[%dma_wait3A_1379, %multiple_of3A_308, %dma_wait3A_1383] : memref<1x1000000x64xf32, #tpu.memory_space<hbm>> -> memref<1x8x64xf32, #tpu.memory_space<hbm>>
      %dma_wait3A_1385 = tpu.memref_squeeze %dma_wait3A_1384 : memref<1x8x64xf32, #tpu.memory_space<hbm>> -> memref<8x64xf32, #tpu.memory_space<hbm>>
      %dma_wait3A_1386 = arith.constant 64 : i32
      %dma_wait3A_1387 = arith.constant 0 : i32
      %dma_wait3A_1388 = tpu.memref_slice %arg11[%dma_wait3A_1386, %dma_wait3A_1387] : memref<256x64xf32, #tpu.memory_space<vmem>> -> memref<8x64xf32, #tpu.memory_space<vmem>>
      %dma_wait3A_1389 = arith.constant 0 : i32
      %dma_wait3A_1390 = tpu.memref_slice %arg5[%dma_wait3A_1379, %multiple_of3A_308, %dma_wait3A_1389] : memref<1x1000000x64xf32, #tpu.memory_space<hbm>> -> memref<1x8x64xf32, #tpu.memory_space<hbm>>
      %dma_wait3A_1391 = tpu.memref_squeeze %dma_wait3A_1390 : memref<1x8x64xf32, #tpu.memory_space<hbm>> -> memref<8x64xf32, #tpu.memory_space<hbm>>
      tpu.wait_dma2 semaphore(%arg15 : memref<!tpu.dma_semaphore, #tpu.memory_space<semaphore_mem>>) src(%dma_wait3A_1391 : memref<8x64xf32, #tpu.memory_space<hbm>>) dst(%dma_wait3A_1388 : memref<8x64xf32, #tpu.memory_space<vmem>>)
      %dma_wait3A_1392 = arith.constant 0 : i32
      %dma_wait3A_1393 = arith.constant 64 : i32
      %dma_wait3A_1394 = arith.constant 0 : i32
      %dma_wait3A_1395 = tpu.memref_slice %arg12[%dma_wait3A_1393, %dma_wait3A_1394] : memref<256x64xf32, #tpu.memory_space<vmem>> -> memref<8x64xf32, #tpu.memory_space<vmem>>
      %dma_wait3A_1396 = arith.constant 0 : i32
      %dma_wait3A_1397 = tpu.memref_slice %arg5[%dma_wait3A_1392, %multiple_of3A_313, %dma_wait3A_1396] : memref<1x1000000x64xf32, #tpu.memory_space<hbm>> -> memref<1x8x64xf32, #tpu.memory_space<hbm>>
      %dma_wait3A_1398 = tpu.memref_squeeze %dma_wait3A_1397 : memref<1x8x64xf32, #tpu.memory_space<hbm>> -> memref<8x64xf32, #tpu.memory_space<hbm>>
      %dma_wait3A_1399 = arith.constant 64 : i32
      %dma_wait3A_1400 = arith.constant 0 : i32
      %dma_wait3A_1401 = tpu.memref_slice %arg12[%dma_wait3A_1399, %dma_wait3A_1400] : memref<256x64xf32, #tpu.memory_space<vmem>> -> memref<8x64xf32, #tpu.memory_space<vmem>>
      %dma_wait3A_1402 = arith.constant 0 : i32
      %dma_wait3A_1403 = tpu.memref_slice %arg5[%dma_wait3A_1392, %multiple_of3A_313, %dma_wait3A_1402] : memref<1x1000000x64xf32, #tpu.memory_space<hbm>> -> memref<1x8x64xf32, #tpu.memory_space<hbm>>
      %dma_wait3A_1404 = tpu.memref_squeeze %dma_wait3A_1403 : memref<1x8x64xf32, #tpu.memory_space<hbm>> -> memref<8x64xf32, #tpu.memory_space<hbm>>
      tpu.wait_dma2 semaphore(%arg16 : memref<!tpu.dma_semaphore, #tpu.memory_space<semaphore_mem>>) src(%dma_wait3A_1404 : memref<8x64xf32, #tpu.memory_space<hbm>>) dst(%dma_wait3A_1401 : memref<8x64xf32, #tpu.memory_space<vmem>>)
      %dma_wait3A_1405 = arith.constant 0 : i32
      %dma_wait3A_1406 = arith.constant 72 : i32
      %dma_wait3A_1407 = arith.constant 0 : i32
      %dma_wait3A_1408 = tpu.memref_slice %arg11[%dma_wait3A_1406, %dma_wait3A_1407] : memref<256x64xf32, #tpu.memory_space<vmem>> -> memref<8x64xf32, #tpu.memory_space<vmem>>
      %dma_wait3A_1409 = arith.constant 0 : i32
      %dma_wait3A_1410 = tpu.memref_slice %arg5[%dma_wait3A_1405, %multiple_of3A_344, %dma_wait3A_1409] : memref<1x1000000x64xf32, #tpu.memory_space<hbm>> -> memref<1x8x64xf32, #tpu.memory_space<hbm>>
      %dma_wait3A_1411 = tpu.memref_squeeze %dma_wait3A_1410 : memref<1x8x64xf32, #tpu.memory_space<hbm>> -> memref<8x64xf32, #tpu.memory_space<hbm>>
      %dma_wait3A_1412 = arith.constant 72 : i32
      %dma_wait3A_1413 = arith.constant 0 : i32
      %dma_wait3A_1414 = tpu.memref_slice %arg11[%dma_wait3A_1412, %dma_wait3A_1413] : memref<256x64xf32, #tpu.memory_space<vmem>> -> memref<8x64xf32, #tpu.memory_space<vmem>>
      %dma_wait3A_1415 = arith.constant 0 : i32
      %dma_wait3A_1416 = tpu.memref_slice %arg5[%dma_wait3A_1405, %multiple_of3A_344, %dma_wait3A_1415] : memref<1x1000000x64xf32, #tpu.memory_space<hbm>> -> memref<1x8x64xf32, #tpu.memory_space<hbm>>
      %dma_wait3A_1417 = tpu.memref_squeeze %dma_wait3A_1416 : memref<1x8x64xf32, #tpu.memory_space<hbm>> -> memref<8x64xf32, #tpu.memory_space<hbm>>
      tpu.wait_dma2 semaphore(%arg15 : memref<!tpu.dma_semaphore, #tpu.memory_space<semaphore_mem>>) src(%dma_wait3A_1417 : memref<8x64xf32, #tpu.memory_space<hbm>>) dst(%dma_wait3A_1414 : memref<8x64xf32, #tpu.memory_space<vmem>>)
      %dma_wait3A_1418 = arith.constant 0 : i32
      %dma_wait3A_1419 = arith.constant 72 : i32
      %dma_wait3A_1420 = arith.constant 0 : i32
      %dma_wait3A_1421 = tpu.memref_slice %arg12[%dma_wait3A_1419, %dma_wait3A_1420] : memref<256x64xf32, #tpu.memory_space<vmem>> -> memref<8x64xf32, #tpu.memory_space<vmem>>
      %dma_wait3A_1422 = arith.constant 0 : i32
      %dma_wait3A_1423 = tpu.memref_slice %arg5[%dma_wait3A_1418, %multiple_of3A_349, %dma_wait3A_1422] : memref<1x1000000x64xf32, #tpu.memory_space<hbm>> -> memref<1x8x64xf32, #tpu.memory_space<hbm>>
      %dma_wait3A_1424 = tpu.memref_squeeze %dma_wait3A_1423 : memref<1x8x64xf32, #tpu.memory_space<hbm>> -> memref<8x64xf32, #tpu.memory_space<hbm>>
      %dma_wait3A_1425 = arith.constant 72 : i32
      %dma_wait3A_1426 = arith.constant 0 : i32
      %dma_wait3A_1427 = tpu.memref_slice %arg12[%dma_wait3A_1425, %dma_wait3A_1426] : memref<256x64xf32, #tpu.memory_space<vmem>> -> memref<8x64xf32, #tpu.memory_space<vmem>>
      %dma_wait3A_1428 = arith.constant 0 : i32
      %dma_wait3A_1429 = tpu.memref_slice %arg5[%dma_wait3A_1418, %multiple_of3A_349, %dma_wait3A_1428] : memref<1x1000000x64xf32, #tpu.memory_space<hbm>> -> memref<1x8x64xf32, #tpu.memory_space<hbm>>
      %dma_wait3A_1430 = tpu.memref_squeeze %dma_wait3A_1429 : memref<1x8x64xf32, #tpu.memory_space<hbm>> -> memref<8x64xf32, #tpu.memory_space<hbm>>
      tpu.wait_dma2 semaphore(%arg16 : memref<!tpu.dma_semaphore, #tpu.memory_space<semaphore_mem>>) src(%dma_wait3A_1430 : memref<8x64xf32, #tpu.memory_space<hbm>>) dst(%dma_wait3A_1427 : memref<8x64xf32, #tpu.memory_space<vmem>>)
      %dma_wait3A_1431 = arith.constant 0 : i32
      %dma_wait3A_1432 = arith.constant 80 : i32
      %dma_wait3A_1433 = arith.constant 0 : i32
      %dma_wait3A_1434 = tpu.memref_slice %arg11[%dma_wait3A_1432, %dma_wait3A_1433] : memref<256x64xf32, #tpu.memory_space<vmem>> -> memref<8x64xf32, #tpu.memory_space<vmem>>
      %dma_wait3A_1435 = arith.constant 0 : i32
      %dma_wait3A_1436 = tpu.memref_slice %arg5[%dma_wait3A_1431, %multiple_of3A_380, %dma_wait3A_1435] : memref<1x1000000x64xf32, #tpu.memory_space<hbm>> -> memref<1x8x64xf32, #tpu.memory_space<hbm>>
      %dma_wait3A_1437 = tpu.memref_squeeze %dma_wait3A_1436 : memref<1x8x64xf32, #tpu.memory_space<hbm>> -> memref<8x64xf32, #tpu.memory_space<hbm>>
      %dma_wait3A_1438 = arith.constant 80 : i32
      %dma_wait3A_1439 = arith.constant 0 : i32
      %dma_wait3A_1440 = tpu.memref_slice %arg11[%dma_wait3A_1438, %dma_wait3A_1439] : memref<256x64xf32, #tpu.memory_space<vmem>> -> memref<8x64xf32, #tpu.memory_space<vmem>>
      %dma_wait3A_1441 = arith.constant 0 : i32
      %dma_wait3A_1442 = tpu.memref_slice %arg5[%dma_wait3A_1431, %multiple_of3A_380, %dma_wait3A_1441] : memref<1x1000000x64xf32, #tpu.memory_space<hbm>> -> memref<1x8x64xf32, #tpu.memory_space<hbm>>
      %dma_wait3A_1443 = tpu.memref_squeeze %dma_wait3A_1442 : memref<1x8x64xf32, #tpu.memory_space<hbm>> -> memref<8x64xf32, #tpu.memory_space<hbm>>
      tpu.wait_dma2 semaphore(%arg15 : memref<!tpu.dma_semaphore, #tpu.memory_space<semaphore_mem>>) src(%dma_wait3A_1443 : memref<8x64xf32, #tpu.memory_space<hbm>>) dst(%dma_wait3A_1440 : memref<8x64xf32, #tpu.memory_space<vmem>>)
      %dma_wait3A_1444 = arith.constant 0 : i32
      %dma_wait3A_1445 = arith.constant 80 : i32
      %dma_wait3A_1446 = arith.constant 0 : i32
      %dma_wait3A_1447 = tpu.memref_slice %arg12[%dma_wait3A_1445, %dma_wait3A_1446] : memref<256x64xf32, #tpu.memory_space<vmem>> -> memref<8x64xf32, #tpu.memory_space<vmem>>
      %dma_wait3A_1448 = arith.constant 0 : i32
      %dma_wait3A_1449 = tpu.memref_slice %arg5[%dma_wait3A_1444, %multiple_of3A_385, %dma_wait3A_1448] : memref<1x1000000x64xf32, #tpu.memory_space<hbm>> -> memref<1x8x64xf32, #tpu.memory_space<hbm>>
      %dma_wait3A_1450 = tpu.memref_squeeze %dma_wait3A_1449 : memref<1x8x64xf32, #tpu.memory_space<hbm>> -> memref<8x64xf32, #tpu.memory_space<hbm>>
      %dma_wait3A_1451 = arith.constant 80 : i32
      %dma_wait3A_1452 = arith.constant 0 : i32
      %dma_wait3A_1453 = tpu.memref_slice %arg12[%dma_wait3A_1451, %dma_wait3A_1452] : memref<256x64xf32, #tpu.memory_space<vmem>> -> memref<8x64xf32, #tpu.memory_space<vmem>>
      %dma_wait3A_1454 = arith.constant 0 : i32
      %dma_wait3A_1455 = tpu.memref_slice %arg5[%dma_wait3A_1444, %multiple_of3A_385, %dma_wait3A_1454] : memref<1x1000000x64xf32, #tpu.memory_space<hbm>> -> memref<1x8x64xf32, #tpu.memory_space<hbm>>
      %dma_wait3A_1456 = tpu.memref_squeeze %dma_wait3A_1455 : memref<1x8x64xf32, #tpu.memory_space<hbm>> -> memref<8x64xf32, #tpu.memory_space<hbm>>
      tpu.wait_dma2 semaphore(%arg16 : memref<!tpu.dma_semaphore, #tpu.memory_space<semaphore_mem>>) src(%dma_wait3A_1456 : memref<8x64xf32, #tpu.memory_space<hbm>>) dst(%dma_wait3A_1453 : memref<8x64xf32, #tpu.memory_space<vmem>>)
      %dma_wait3A_1457 = arith.constant 0 : i32
      %dma_wait3A_1458 = arith.constant 88 : i32
      %dma_wait3A_1459 = arith.constant 0 : i32
      %dma_wait3A_1460 = tpu.memref_slice %arg11[%dma_wait3A_1458, %dma_wait3A_1459] : memref<256x64xf32, #tpu.memory_space<vmem>> -> memref<8x64xf32, #tpu.memory_space<vmem>>
      %dma_wait3A_1461 = arith.constant 0 : i32
      %dma_wait3A_1462 = tpu.memref_slice %arg5[%dma_wait3A_1457, %multiple_of3A_416, %dma_wait3A_1461] : memref<1x1000000x64xf32, #tpu.memory_space<hbm>> -> memref<1x8x64xf32, #tpu.memory_space<hbm>>
      %dma_wait3A_1463 = tpu.memref_squeeze %dma_wait3A_1462 : memref<1x8x64xf32, #tpu.memory_space<hbm>> -> memref<8x64xf32, #tpu.memory_space<hbm>>
      %dma_wait3A_1464 = arith.constant 88 : i32
      %dma_wait3A_1465 = arith.constant 0 : i32
      %dma_wait3A_1466 = tpu.memref_slice %arg11[%dma_wait3A_1464, %dma_wait3A_1465] : memref<256x64xf32, #tpu.memory_space<vmem>> -> memref<8x64xf32, #tpu.memory_space<vmem>>
      %dma_wait3A_1467 = arith.constant 0 : i32
      %dma_wait3A_1468 = tpu.memref_slice %arg5[%dma_wait3A_1457, %multiple_of3A_416, %dma_wait3A_1467] : memref<1x1000000x64xf32, #tpu.memory_space<hbm>> -> memref<1x8x64xf32, #tpu.memory_space<hbm>>
      %dma_wait3A_1469 = tpu.memref_squeeze %dma_wait3A_1468 : memref<1x8x64xf32, #tpu.memory_space<hbm>> -> memref<8x64xf32, #tpu.memory_space<hbm>>
      tpu.wait_dma2 semaphore(%arg15 : memref<!tpu.dma_semaphore, #tpu.memory_space<semaphore_mem>>) src(%dma_wait3A_1469 : memref<8x64xf32, #tpu.memory_space<hbm>>) dst(%dma_wait3A_1466 : memref<8x64xf32, #tpu.memory_space<vmem>>)
      %dma_wait3A_1470 = arith.constant 0 : i32
      %dma_wait3A_1471 = arith.constant 88 : i32
      %dma_wait3A_1472 = arith.constant 0 : i32
      %dma_wait3A_1473 = tpu.memref_slice %arg12[%dma_wait3A_1471, %dma_wait3A_1472] : memref<256x64xf32, #tpu.memory_space<vmem>> -> memref<8x64xf32, #tpu.memory_space<vmem>>
      %dma_wait3A_1474 = arith.constant 0 : i32
      %dma_wait3A_1475 = tpu.memref_slice %arg5[%dma_wait3A_1470, %multiple_of3A_421, %dma_wait3A_1474] : memref<1x1000000x64xf32, #tpu.memory_space<hbm>> -> memref<1x8x64xf32, #tpu.memory_space<hbm>>
      %dma_wait3A_1476 = tpu.memref_squeeze %dma_wait3A_1475 : memref<1x8x64xf32, #tpu.memory_space<hbm>> -> memref<8x64xf32, #tpu.memory_space<hbm>>
      %dma_wait3A_1477 = arith.constant 88 : i32
      %dma_wait3A_1478 = arith.constant 0 : i32
      %dma_wait3A_1479 = tpu.memref_slice %arg12[%dma_wait3A_1477, %dma_wait3A_1478] : memref<256x64xf32, #tpu.memory_space<vmem>> -> memref<8x64xf32, #tpu.memory_space<vmem>>
      %dma_wait3A_1480 = arith.constant 0 : i32
      %dma_wait3A_1481 = tpu.memref_slice %arg5[%dma_wait3A_1470, %multiple_of3A_421, %dma_wait3A_1480] : memref<1x1000000x64xf32, #tpu.memory_space<hbm>> -> memref<1x8x64xf32, #tpu.memory_space<hbm>>
      %dma_wait3A_1482 = tpu.memref_squeeze %dma_wait3A_1481 : memref<1x8x64xf32, #tpu.memory_space<hbm>> -> memref<8x64xf32, #tpu.memory_space<hbm>>
      tpu.wait_dma2 semaphore(%arg16 : memref<!tpu.dma_semaphore, #tpu.memory_space<semaphore_mem>>) src(%dma_wait3A_1482 : memref<8x64xf32, #tpu.memory_space<hbm>>) dst(%dma_wait3A_1479 : memref<8x64xf32, #tpu.memory_space<vmem>>)
      %dma_wait3A_1483 = arith.constant 0 : i32
      %dma_wait3A_1484 = arith.constant 96 : i32
      %dma_wait3A_1485 = arith.constant 0 : i32
      %dma_wait3A_1486 = tpu.memref_slice %arg11[%dma_wait3A_1484, %dma_wait3A_1485] : memref<256x64xf32, #tpu.memory_space<vmem>> -> memref<8x64xf32, #tpu.memory_space<vmem>>
      %dma_wait3A_1487 = arith.constant 0 : i32
      %dma_wait3A_1488 = tpu.memref_slice %arg5[%dma_wait3A_1483, %multiple_of3A_452, %dma_wait3A_1487] : memref<1x1000000x64xf32, #tpu.memory_space<hbm>> -> memref<1x8x64xf32, #tpu.memory_space<hbm>>
      %dma_wait3A_1489 = tpu.memref_squeeze %dma_wait3A_1488 : memref<1x8x64xf32, #tpu.memory_space<hbm>> -> memref<8x64xf32, #tpu.memory_space<hbm>>
      %dma_wait3A_1490 = arith.constant 96 : i32
      %dma_wait3A_1491 = arith.constant 0 : i32
      %dma_wait3A_1492 = tpu.memref_slice %arg11[%dma_wait3A_1490, %dma_wait3A_1491] : memref<256x64xf32, #tpu.memory_space<vmem>> -> memref<8x64xf32, #tpu.memory_space<vmem>>
      %dma_wait3A_1493 = arith.constant 0 : i32
      %dma_wait3A_1494 = tpu.memref_slice %arg5[%dma_wait3A_1483, %multiple_of3A_452, %dma_wait3A_1493] : memref<1x1000000x64xf32, #tpu.memory_space<hbm>> -> memref<1x8x64xf32, #tpu.memory_space<hbm>>
      %dma_wait3A_1495 = tpu.memref_squeeze %dma_wait3A_1494 : memref<1x8x64xf32, #tpu.memory_space<hbm>> -> memref<8x64xf32, #tpu.memory_space<hbm>>
      tpu.wait_dma2 semaphore(%arg15 : memref<!tpu.dma_semaphore, #tpu.memory_space<semaphore_mem>>) src(%dma_wait3A_1495 : memref<8x64xf32, #tpu.memory_space<hbm>>) dst(%dma_wait3A_1492 : memref<8x64xf32, #tpu.memory_space<vmem>>)
      %dma_wait3A_1496 = arith.constant 0 : i32
      %dma_wait3A_1497 = arith.constant 96 : i32
      %dma_wait3A_1498 = arith.constant 0 : i32
      %dma_wait3A_1499 = tpu.memref_slice %arg12[%dma_wait3A_1497, %dma_wait3A_1498] : memref<256x64xf32, #tpu.memory_space<vmem>> -> memref<8x64xf32, #tpu.memory_space<vmem>>
      %dma_wait3A_1500 = arith.constant 0 : i32
      %dma_wait3A_1501 = tpu.memref_slice %arg5[%dma_wait3A_1496, %multiple_of3A_457, %dma_wait3A_1500] : memref<1x1000000x64xf32, #tpu.memory_space<hbm>> -> memref<1x8x64xf32, #tpu.memory_space<hbm>>
      %dma_wait3A_1502 = tpu.memref_squeeze %dma_wait3A_1501 : memref<1x8x64xf32, #tpu.memory_space<hbm>> -> memref<8x64xf32, #tpu.memory_space<hbm>>
      %dma_wait3A_1503 = arith.constant 96 : i32
      %dma_wait3A_1504 = arith.constant 0 : i32
      %dma_wait3A_1505 = tpu.memref_slice %arg12[%dma_wait3A_1503, %dma_wait3A_1504] : memref<256x64xf32, #tpu.memory_space<vmem>> -> memref<8x64xf32, #tpu.memory_space<vmem>>
      %dma_wait3A_1506 = arith.constant 0 : i32
      %dma_wait3A_1507 = tpu.memref_slice %arg5[%dma_wait3A_1496, %multiple_of3A_457, %dma_wait3A_1506] : memref<1x1000000x64xf32, #tpu.memory_space<hbm>> -> memref<1x8x64xf32, #tpu.memory_space<hbm>>
      %dma_wait3A_1508 = tpu.memref_squeeze %dma_wait3A_1507 : memref<1x8x64xf32, #tpu.memory_space<hbm>> -> memref<8x64xf32, #tpu.memory_space<hbm>>
      tpu.wait_dma2 semaphore(%arg16 : memref<!tpu.dma_semaphore, #tpu.memory_space<semaphore_mem>>) src(%dma_wait3A_1508 : memref<8x64xf32, #tpu.memory_space<hbm>>) dst(%dma_wait3A_1505 : memref<8x64xf32, #tpu.memory_space<vmem>>)
      %dma_wait3A_1509 = arith.constant 0 : i32
      %dma_wait3A_1510 = arith.constant 104 : i32
      %dma_wait3A_1511 = arith.constant 0 : i32
      %dma_wait3A_1512 = tpu.memref_slice %arg11[%dma_wait3A_1510, %dma_wait3A_1511] : memref<256x64xf32, #tpu.memory_space<vmem>> -> memref<8x64xf32, #tpu.memory_space<vmem>>
      %dma_wait3A_1513 = arith.constant 0 : i32
      %dma_wait3A_1514 = tpu.memref_slice %arg5[%dma_wait3A_1509, %multiple_of3A_488, %dma_wait3A_1513] : memref<1x1000000x64xf32, #tpu.memory_space<hbm>> -> memref<1x8x64xf32, #tpu.memory_space<hbm>>
      %dma_wait3A_1515 = tpu.memref_squeeze %dma_wait3A_1514 : memref<1x8x64xf32, #tpu.memory_space<hbm>> -> memref<8x64xf32, #tpu.memory_space<hbm>>
      %dma_wait3A_1516 = arith.constant 104 : i32
      %dma_wait3A_1517 = arith.constant 0 : i32
      %dma_wait3A_1518 = tpu.memref_slice %arg11[%dma_wait3A_1516, %dma_wait3A_1517] : memref<256x64xf32, #tpu.memory_space<vmem>> -> memref<8x64xf32, #tpu.memory_space<vmem>>
      %dma_wait3A_1519 = arith.constant 0 : i32
      %dma_wait3A_1520 = tpu.memref_slice %arg5[%dma_wait3A_1509, %multiple_of3A_488, %dma_wait3A_1519] : memref<1x1000000x64xf32, #tpu.memory_space<hbm>> -> memref<1x8x64xf32, #tpu.memory_space<hbm>>
      %dma_wait3A_1521 = tpu.memref_squeeze %dma_wait3A_1520 : memref<1x8x64xf32, #tpu.memory_space<hbm>> -> memref<8x64xf32, #tpu.memory_space<hbm>>
      tpu.wait_dma2 semaphore(%arg15 : memref<!tpu.dma_semaphore, #tpu.memory_space<semaphore_mem>>) src(%dma_wait3A_1521 : memref<8x64xf32, #tpu.memory_space<hbm>>) dst(%dma_wait3A_1518 : memref<8x64xf32, #tpu.memory_space<vmem>>)
      %dma_wait3A_1522 = arith.constant 0 : i32
      %dma_wait3A_1523 = arith.constant 104 : i32
      %dma_wait3A_1524 = arith.constant 0 : i32
      %dma_wait3A_1525 = tpu.memref_slice %arg12[%dma_wait3A_1523, %dma_wait3A_1524] : memref<256x64xf32, #tpu.memory_space<vmem>> -> memref<8x64xf32, #tpu.memory_space<vmem>>
      %dma_wait3A_1526 = arith.constant 0 : i32
      %dma_wait3A_1527 = tpu.memref_slice %arg5[%dma_wait3A_1522, %multiple_of3A_493, %dma_wait3A_1526] : memref<1x1000000x64xf32, #tpu.memory_space<hbm>> -> memref<1x8x64xf32, #tpu.memory_space<hbm>>
      %dma_wait3A_1528 = tpu.memref_squeeze %dma_wait3A_1527 : memref<1x8x64xf32, #tpu.memory_space<hbm>> -> memref<8x64xf32, #tpu.memory_space<hbm>>
      %dma_wait3A_1529 = arith.constant 104 : i32
      %dma_wait3A_1530 = arith.constant 0 : i32
      %dma_wait3A_1531 = tpu.memref_slice %arg12[%dma_wait3A_1529, %dma_wait3A_1530] : memref<256x64xf32, #tpu.memory_space<vmem>> -> memref<8x64xf32, #tpu.memory_space<vmem>>
      %dma_wait3A_1532 = arith.constant 0 : i32
      %dma_wait3A_1533 = tpu.memref_slice %arg5[%dma_wait3A_1522, %multiple_of3A_493, %dma_wait3A_1532] : memref<1x1000000x64xf32, #tpu.memory_space<hbm>> -> memref<1x8x64xf32, #tpu.memory_space<hbm>>
      %dma_wait3A_1534 = tpu.memref_squeeze %dma_wait3A_1533 : memref<1x8x64xf32, #tpu.memory_space<hbm>> -> memref<8x64xf32, #tpu.memory_space<hbm>>
      tpu.wait_dma2 semaphore(%arg16 : memref<!tpu.dma_semaphore, #tpu.memory_space<semaphore_mem>>) src(%dma_wait3A_1534 : memref<8x64xf32, #tpu.memory_space<hbm>>) dst(%dma_wait3A_1531 : memref<8x64xf32, #tpu.memory_space<vmem>>)
      %dma_wait3A_1535 = arith.constant 0 : i32
      %dma_wait3A_1536 = arith.constant 112 : i32
      %dma_wait3A_1537 = arith.constant 0 : i32
      %dma_wait3A_1538 = tpu.memref_slice %arg11[%dma_wait3A_1536, %dma_wait3A_1537] : memref<256x64xf32, #tpu.memory_space<vmem>> -> memref<8x64xf32, #tpu.memory_space<vmem>>
      %dma_wait3A_1539 = arith.constant 0 : i32
      %dma_wait3A_1540 = tpu.memref_slice %arg5[%dma_wait3A_1535, %multiple_of3A_524, %dma_wait3A_1539] : memref<1x1000000x64xf32, #tpu.memory_space<hbm>> -> memref<1x8x64xf32, #tpu.memory_space<hbm>>
      %dma_wait3A_1541 = tpu.memref_squeeze %dma_wait3A_1540 : memref<1x8x64xf32, #tpu.memory_space<hbm>> -> memref<8x64xf32, #tpu.memory_space<hbm>>
      %dma_wait3A_1542 = arith.constant 112 : i32
      %dma_wait3A_1543 = arith.constant 0 : i32
      %dma_wait3A_1544 = tpu.memref_slice %arg11[%dma_wait3A_1542, %dma_wait3A_1543] : memref<256x64xf32, #tpu.memory_space<vmem>> -> memref<8x64xf32, #tpu.memory_space<vmem>>
      %dma_wait3A_1545 = arith.constant 0 : i32
      %dma_wait3A_1546 = tpu.memref_slice %arg5[%dma_wait3A_1535, %multiple_of3A_524, %dma_wait3A_1545] : memref<1x1000000x64xf32, #tpu.memory_space<hbm>> -> memref<1x8x64xf32, #tpu.memory_space<hbm>>
      %dma_wait3A_1547 = tpu.memref_squeeze %dma_wait3A_1546 : memref<1x8x64xf32, #tpu.memory_space<hbm>> -> memref<8x64xf32, #tpu.memory_space<hbm>>
      tpu.wait_dma2 semaphore(%arg15 : memref<!tpu.dma_semaphore, #tpu.memory_space<semaphore_mem>>) src(%dma_wait3A_1547 : memref<8x64xf32, #tpu.memory_space<hbm>>) dst(%dma_wait3A_1544 : memref<8x64xf32, #tpu.memory_space<vmem>>)
      %dma_wait3A_1548 = arith.constant 0 : i32
      %dma_wait3A_1549 = arith.constant 112 : i32
      %dma_wait3A_1550 = arith.constant 0 : i32
      %dma_wait3A_1551 = tpu.memref_slice %arg12[%dma_wait3A_1549, %dma_wait3A_1550] : memref<256x64xf32, #tpu.memory_space<vmem>> -> memref<8x64xf32, #tpu.memory_space<vmem>>
      %dma_wait3A_1552 = arith.constant 0 : i32
      %dma_wait3A_1553 = tpu.memref_slice %arg5[%dma_wait3A_1548, %multiple_of3A_529, %dma_wait3A_1552] : memref<1x1000000x64xf32, #tpu.memory_space<hbm>> -> memref<1x8x64xf32, #tpu.memory_space<hbm>>
      %dma_wait3A_1554 = tpu.memref_squeeze %dma_wait3A_1553 : memref<1x8x64xf32, #tpu.memory_space<hbm>> -> memref<8x64xf32, #tpu.memory_space<hbm>>
      %dma_wait3A_1555 = arith.constant 112 : i32
      %dma_wait3A_1556 = arith.constant 0 : i32
      %dma_wait3A_1557 = tpu.memref_slice %arg12[%dma_wait3A_1555, %dma_wait3A_1556] : memref<256x64xf32, #tpu.memory_space<vmem>> -> memref<8x64xf32, #tpu.memory_space<vmem>>
      %dma_wait3A_1558 = arith.constant 0 : i32
      %dma_wait3A_1559 = tpu.memref_slice %arg5[%dma_wait3A_1548, %multiple_of3A_529, %dma_wait3A_1558] : memref<1x1000000x64xf32, #tpu.memory_space<hbm>> -> memref<1x8x64xf32, #tpu.memory_space<hbm>>
      %dma_wait3A_1560 = tpu.memref_squeeze %dma_wait3A_1559 : memref<1x8x64xf32, #tpu.memory_space<hbm>> -> memref<8x64xf32, #tpu.memory_space<hbm>>
      tpu.wait_dma2 semaphore(%arg16 : memref<!tpu.dma_semaphore, #tpu.memory_space<semaphore_mem>>) src(%dma_wait3A_1560 : memref<8x64xf32, #tpu.memory_space<hbm>>) dst(%dma_wait3A_1557 : memref<8x64xf32, #tpu.memory_space<vmem>>)
      %dma_wait3A_1561 = arith.constant 0 : i32
      %dma_wait3A_1562 = arith.constant 120 : i32
      %dma_wait3A_1563 = arith.constant 0 : i32
      %dma_wait3A_1564 = tpu.memref_slice %arg11[%dma_wait3A_1562, %dma_wait3A_1563] : memref<256x64xf32, #tpu.memory_space<vmem>> -> memref<8x64xf32, #tpu.memory_space<vmem>>
      %dma_wait3A_1565 = arith.constant 0 : i32
      %dma_wait3A_1566 = tpu.memref_slice %arg5[%dma_wait3A_1561, %multiple_of3A_560, %dma_wait3A_1565] : memref<1x1000000x64xf32, #tpu.memory_space<hbm>> -> memref<1x8x64xf32, #tpu.memory_space<hbm>>
      %dma_wait3A_1567 = tpu.memref_squeeze %dma_wait3A_1566 : memref<1x8x64xf32, #tpu.memory_space<hbm>> -> memref<8x64xf32, #tpu.memory_space<hbm>>
      %dma_wait3A_1568 = arith.constant 120 : i32
      %dma_wait3A_1569 = arith.constant 0 : i32
      %dma_wait3A_1570 = tpu.memref_slice %arg11[%dma_wait3A_1568, %dma_wait3A_1569] : memref<256x64xf32, #tpu.memory_space<vmem>> -> memref<8x64xf32, #tpu.memory_space<vmem>>
      %dma_wait3A_1571 = arith.constant 0 : i32
      %dma_wait3A_1572 = tpu.memref_slice %arg5[%dma_wait3A_1561, %multiple_of3A_560, %dma_wait3A_1571] : memref<1x1000000x64xf32, #tpu.memory_space<hbm>> -> memref<1x8x64xf32, #tpu.memory_space<hbm>>
      %dma_wait3A_1573 = tpu.memref_squeeze %dma_wait3A_1572 : memref<1x8x64xf32, #tpu.memory_space<hbm>> -> memref<8x64xf32, #tpu.memory_space<hbm>>
      tpu.wait_dma2 semaphore(%arg15 : memref<!tpu.dma_semaphore, #tpu.memory_space<semaphore_mem>>) src(%dma_wait3A_1573 : memref<8x64xf32, #tpu.memory_space<hbm>>) dst(%dma_wait3A_1570 : memref<8x64xf32, #tpu.memory_space<vmem>>)
      %dma_wait3A_1574 = arith.constant 0 : i32
      %dma_wait3A_1575 = arith.constant 120 : i32
      %dma_wait3A_1576 = arith.constant 0 : i32
      %dma_wait3A_1577 = tpu.memref_slice %arg12[%dma_wait3A_1575, %dma_wait3A_1576] : memref<256x64xf32, #tpu.memory_space<vmem>> -> memref<8x64xf32, #tpu.memory_space<vmem>>
      %dma_wait3A_1578 = arith.constant 0 : i32
      %dma_wait3A_1579 = tpu.memref_slice %arg5[%dma_wait3A_1574, %multiple_of3A_565, %dma_wait3A_1578] : memref<1x1000000x64xf32, #tpu.memory_space<hbm>> -> memref<1x8x64xf32, #tpu.memory_space<hbm>>
      %dma_wait3A_1580 = tpu.memref_squeeze %dma_wait3A_1579 : memref<1x8x64xf32, #tpu.memory_space<hbm>> -> memref<8x64xf32, #tpu.memory_space<hbm>>
      %dma_wait3A_1581 = arith.constant 120 : i32
      %dma_wait3A_1582 = arith.constant 0 : i32
      %dma_wait3A_1583 = tpu.memref_slice %arg12[%dma_wait3A_1581, %dma_wait3A_1582] : memref<256x64xf32, #tpu.memory_space<vmem>> -> memref<8x64xf32, #tpu.memory_space<vmem>>
      %dma_wait3A_1584 = arith.constant 0 : i32
      %dma_wait3A_1585 = tpu.memref_slice %arg5[%dma_wait3A_1574, %multiple_of3A_565, %dma_wait3A_1584] : memref<1x1000000x64xf32, #tpu.memory_space<hbm>> -> memref<1x8x64xf32, #tpu.memory_space<hbm>>
      %dma_wait3A_1586 = tpu.memref_squeeze %dma_wait3A_1585 : memref<1x8x64xf32, #tpu.memory_space<hbm>> -> memref<8x64xf32, #tpu.memory_space<hbm>>
      tpu.wait_dma2 semaphore(%arg16 : memref<!tpu.dma_semaphore, #tpu.memory_space<semaphore_mem>>) src(%dma_wait3A_1586 : memref<8x64xf32, #tpu.memory_space<hbm>>) dst(%dma_wait3A_1583 : memref<8x64xf32, #tpu.memory_space<vmem>>)
      %dma_wait3A_1587 = arith.constant 0 : i32
      %dma_wait3A_1588 = arith.constant 128 : i32
      %dma_wait3A_1589 = arith.constant 0 : i32
      %dma_wait3A_1590 = tpu.memref_slice %arg11[%dma_wait3A_1588, %dma_wait3A_1589] : memref<256x64xf32, #tpu.memory_space<vmem>> -> memref<8x64xf32, #tpu.memory_space<vmem>>
      %dma_wait3A_1591 = arith.constant 0 : i32
      %dma_wait3A_1592 = tpu.memref_slice %arg5[%dma_wait3A_1587, %multiple_of3A_600, %dma_wait3A_1591] : memref<1x1000000x64xf32, #tpu.memory_space<hbm>> -> memref<1x8x64xf32, #tpu.memory_space<hbm>>
      %dma_wait3A_1593 = tpu.memref_squeeze %dma_wait3A_1592 : memref<1x8x64xf32, #tpu.memory_space<hbm>> -> memref<8x64xf32, #tpu.memory_space<hbm>>
      %dma_wait3A_1594 = arith.constant 128 : i32
      %dma_wait3A_1595 = arith.constant 0 : i32
      %dma_wait3A_1596 = tpu.memref_slice %arg11[%dma_wait3A_1594, %dma_wait3A_1595] : memref<256x64xf32, #tpu.memory_space<vmem>> -> memref<8x64xf32, #tpu.memory_space<vmem>>
      %dma_wait3A_1597 = arith.constant 0 : i32
      %dma_wait3A_1598 = tpu.memref_slice %arg5[%dma_wait3A_1587, %multiple_of3A_600, %dma_wait3A_1597] : memref<1x1000000x64xf32, #tpu.memory_space<hbm>> -> memref<1x8x64xf32, #tpu.memory_space<hbm>>
      %dma_wait3A_1599 = tpu.memref_squeeze %dma_wait3A_1598 : memref<1x8x64xf32, #tpu.memory_space<hbm>> -> memref<8x64xf32, #tpu.memory_space<hbm>>
      tpu.wait_dma2 semaphore(%arg15 : memref<!tpu.dma_semaphore, #tpu.memory_space<semaphore_mem>>) src(%dma_wait3A_1599 : memref<8x64xf32, #tpu.memory_space<hbm>>) dst(%dma_wait3A_1596 : memref<8x64xf32, #tpu.memory_space<vmem>>)
      %dma_wait3A_1600 = arith.constant 0 : i32
      %dma_wait3A_1601 = arith.constant 128 : i32
      %dma_wait3A_1602 = arith.constant 0 : i32
      %dma_wait3A_1603 = tpu.memref_slice %arg12[%dma_wait3A_1601, %dma_wait3A_1602] : memref<256x64xf32, #tpu.memory_space<vmem>> -> memref<8x64xf32, #tpu.memory_space<vmem>>
      %dma_wait3A_1604 = arith.constant 0 : i32
      %dma_wait3A_1605 = tpu.memref_slice %arg5[%dma_wait3A_1600, %multiple_of3A_605, %dma_wait3A_1604] : memref<1x1000000x64xf32, #tpu.memory_space<hbm>> -> memref<1x8x64xf32, #tpu.memory_space<hbm>>
      %dma_wait3A_1606 = tpu.memref_squeeze %dma_wait3A_1605 : memref<1x8x64xf32, #tpu.memory_space<hbm>> -> memref<8x64xf32, #tpu.memory_space<hbm>>
      %dma_wait3A_1607 = arith.constant 128 : i32
      %dma_wait3A_1608 = arith.constant 0 : i32
      %dma_wait3A_1609 = tpu.memref_slice %arg12[%dma_wait3A_1607, %dma_wait3A_1608] : memref<256x64xf32, #tpu.memory_space<vmem>> -> memref<8x64xf32, #tpu.memory_space<vmem>>
      %dma_wait3A_1610 = arith.constant 0 : i32
      %dma_wait3A_1611 = tpu.memref_slice %arg5[%dma_wait3A_1600, %multiple_of3A_605, %dma_wait3A_1610] : memref<1x1000000x64xf32, #tpu.memory_space<hbm>> -> memref<1x8x64xf32, #tpu.memory_space<hbm>>
      %dma_wait3A_1612 = tpu.memref_squeeze %dma_wait3A_1611 : memref<1x8x64xf32, #tpu.memory_space<hbm>> -> memref<8x64xf32, #tpu.memory_space<hbm>>
      tpu.wait_dma2 semaphore(%arg16 : memref<!tpu.dma_semaphore, #tpu.memory_space<semaphore_mem>>) src(%dma_wait3A_1612 : memref<8x64xf32, #tpu.memory_space<hbm>>) dst(%dma_wait3A_1609 : memref<8x64xf32, #tpu.memory_space<vmem>>)
      %dma_wait3A_1613 = arith.constant 0 : i32
      %dma_wait3A_1614 = arith.constant 136 : i32
      %dma_wait3A_1615 = arith.constant 0 : i32
      %dma_wait3A_1616 = tpu.memref_slice %arg11[%dma_wait3A_1614, %dma_wait3A_1615] : memref<256x64xf32, #tpu.memory_space<vmem>> -> memref<8x64xf32, #tpu.memory_space<vmem>>
      %dma_wait3A_1617 = arith.constant 0 : i32
      %dma_wait3A_1618 = tpu.memref_slice %arg5[%dma_wait3A_1613, %multiple_of3A_636, %dma_wait3A_1617] : memref<1x1000000x64xf32, #tpu.memory_space<hbm>> -> memref<1x8x64xf32, #tpu.memory_space<hbm>>
      %dma_wait3A_1619 = tpu.memref_squeeze %dma_wait3A_1618 : memref<1x8x64xf32, #tpu.memory_space<hbm>> -> memref<8x64xf32, #tpu.memory_space<hbm>>
      %dma_wait3A_1620 = arith.constant 136 : i32
      %dma_wait3A_1621 = arith.constant 0 : i32
      %dma_wait3A_1622 = tpu.memref_slice %arg11[%dma_wait3A_1620, %dma_wait3A_1621] : memref<256x64xf32, #tpu.memory_space<vmem>> -> memref<8x64xf32, #tpu.memory_space<vmem>>
      %dma_wait3A_1623 = arith.constant 0 : i32
      %dma_wait3A_1624 = tpu.memref_slice %arg5[%dma_wait3A_1613, %multiple_of3A_636, %dma_wait3A_1623] : memref<1x1000000x64xf32, #tpu.memory_space<hbm>> -> memref<1x8x64xf32, #tpu.memory_space<hbm>>
      %dma_wait3A_1625 = tpu.memref_squeeze %dma_wait3A_1624 : memref<1x8x64xf32, #tpu.memory_space<hbm>> -> memref<8x64xf32, #tpu.memory_space<hbm>>
      tpu.wait_dma2 semaphore(%arg15 : memref<!tpu.dma_semaphore, #tpu.memory_space<semaphore_mem>>) src(%dma_wait3A_1625 : memref<8x64xf32, #tpu.memory_space<hbm>>) dst(%dma_wait3A_1622 : memref<8x64xf32, #tpu.memory_space<vmem>>)
      %dma_wait3A_1626 = arith.constant 0 : i32
      %dma_wait3A_1627 = arith.constant 136 : i32
      %dma_wait3A_1628 = arith.constant 0 : i32
      %dma_wait3A_1629 = tpu.memref_slice %arg12[%dma_wait3A_1627, %dma_wait3A_1628] : memref<256x64xf32, #tpu.memory_space<vmem>> -> memref<8x64xf32, #tpu.memory_space<vmem>>
      %dma_wait3A_1630 = arith.constant 0 : i32
      %dma_wait3A_1631 = tpu.memref_slice %arg5[%dma_wait3A_1626, %multiple_of3A_641, %dma_wait3A_1630] : memref<1x1000000x64xf32, #tpu.memory_space<hbm>> -> memref<1x8x64xf32, #tpu.memory_space<hbm>>
      %dma_wait3A_1632 = tpu.memref_squeeze %dma_wait3A_1631 : memref<1x8x64xf32, #tpu.memory_space<hbm>> -> memref<8x64xf32, #tpu.memory_space<hbm>>
      %dma_wait3A_1633 = arith.constant 136 : i32
      %dma_wait3A_1634 = arith.constant 0 : i32
      %dma_wait3A_1635 = tpu.memref_slice %arg12[%dma_wait3A_1633, %dma_wait3A_1634] : memref<256x64xf32, #tpu.memory_space<vmem>> -> memref<8x64xf32, #tpu.memory_space<vmem>>
      %dma_wait3A_1636 = arith.constant 0 : i32
      %dma_wait3A_1637 = tpu.memref_slice %arg5[%dma_wait3A_1626, %multiple_of3A_641, %dma_wait3A_1636] : memref<1x1000000x64xf32, #tpu.memory_space<hbm>> -> memref<1x8x64xf32, #tpu.memory_space<hbm>>
      %dma_wait3A_1638 = tpu.memref_squeeze %dma_wait3A_1637 : memref<1x8x64xf32, #tpu.memory_space<hbm>> -> memref<8x64xf32, #tpu.memory_space<hbm>>
      tpu.wait_dma2 semaphore(%arg16 : memref<!tpu.dma_semaphore, #tpu.memory_space<semaphore_mem>>) src(%dma_wait3A_1638 : memref<8x64xf32, #tpu.memory_space<hbm>>) dst(%dma_wait3A_1635 : memref<8x64xf32, #tpu.memory_space<vmem>>)
      %dma_wait3A_1639 = arith.constant 0 : i32
      %dma_wait3A_1640 = arith.constant 144 : i32
      %dma_wait3A_1641 = arith.constant 0 : i32
      %dma_wait3A_1642 = tpu.memref_slice %arg11[%dma_wait3A_1640, %dma_wait3A_1641] : memref<256x64xf32, #tpu.memory_space<vmem>> -> memref<8x64xf32, #tpu.memory_space<vmem>>
      %dma_wait3A_1643 = arith.constant 0 : i32
      %dma_wait3A_1644 = tpu.memref_slice %arg5[%dma_wait3A_1639, %multiple_of3A_672, %dma_wait3A_1643] : memref<1x1000000x64xf32, #tpu.memory_space<hbm>> -> memref<1x8x64xf32, #tpu.memory_space<hbm>>
      %dma_wait3A_1645 = tpu.memref_squeeze %dma_wait3A_1644 : memref<1x8x64xf32, #tpu.memory_space<hbm>> -> memref<8x64xf32, #tpu.memory_space<hbm>>
      %dma_wait3A_1646 = arith.constant 144 : i32
      %dma_wait3A_1647 = arith.constant 0 : i32
      %dma_wait3A_1648 = tpu.memref_slice %arg11[%dma_wait3A_1646, %dma_wait3A_1647] : memref<256x64xf32, #tpu.memory_space<vmem>> -> memref<8x64xf32, #tpu.memory_space<vmem>>
      %dma_wait3A_1649 = arith.constant 0 : i32
      %dma_wait3A_1650 = tpu.memref_slice %arg5[%dma_wait3A_1639, %multiple_of3A_672, %dma_wait3A_1649] : memref<1x1000000x64xf32, #tpu.memory_space<hbm>> -> memref<1x8x64xf32, #tpu.memory_space<hbm>>
      %dma_wait3A_1651 = tpu.memref_squeeze %dma_wait3A_1650 : memref<1x8x64xf32, #tpu.memory_space<hbm>> -> memref<8x64xf32, #tpu.memory_space<hbm>>
      tpu.wait_dma2 semaphore(%arg15 : memref<!tpu.dma_semaphore, #tpu.memory_space<semaphore_mem>>) src(%dma_wait3A_1651 : memref<8x64xf32, #tpu.memory_space<hbm>>) dst(%dma_wait3A_1648 : memref<8x64xf32, #tpu.memory_space<vmem>>)
      %dma_wait3A_1652 = arith.constant 0 : i32
      %dma_wait3A_1653 = arith.constant 144 : i32
      %dma_wait3A_1654 = arith.constant 0 : i32
      %dma_wait3A_1655 = tpu.memref_slice %arg12[%dma_wait3A_1653, %dma_wait3A_1654] : memref<256x64xf32, #tpu.memory_space<vmem>> -> memref<8x64xf32, #tpu.memory_space<vmem>>
      %dma_wait3A_1656 = arith.constant 0 : i32
      %dma_wait3A_1657 = tpu.memref_slice %arg5[%dma_wait3A_1652, %multiple_of3A_677, %dma_wait3A_1656] : memref<1x1000000x64xf32, #tpu.memory_space<hbm>> -> memref<1x8x64xf32, #tpu.memory_space<hbm>>
      %dma_wait3A_1658 = tpu.memref_squeeze %dma_wait3A_1657 : memref<1x8x64xf32, #tpu.memory_space<hbm>> -> memref<8x64xf32, #tpu.memory_space<hbm>>
      %dma_wait3A_1659 = arith.constant 144 : i32
      %dma_wait3A_1660 = arith.constant 0 : i32
      %dma_wait3A_1661 = tpu.memref_slice %arg12[%dma_wait3A_1659, %dma_wait3A_1660] : memref<256x64xf32, #tpu.memory_space<vmem>> -> memref<8x64xf32, #tpu.memory_space<vmem>>
      %dma_wait3A_1662 = arith.constant 0 : i32
      %dma_wait3A_1663 = tpu.memref_slice %arg5[%dma_wait3A_1652, %multiple_of3A_677, %dma_wait3A_1662] : memref<1x1000000x64xf32, #tpu.memory_space<hbm>> -> memref<1x8x64xf32, #tpu.memory_space<hbm>>
      %dma_wait3A_1664 = tpu.memref_squeeze %dma_wait3A_1663 : memref<1x8x64xf32, #tpu.memory_space<hbm>> -> memref<8x64xf32, #tpu.memory_space<hbm>>
      tpu.wait_dma2 semaphore(%arg16 : memref<!tpu.dma_semaphore, #tpu.memory_space<semaphore_mem>>) src(%dma_wait3A_1664 : memref<8x64xf32, #tpu.memory_space<hbm>>) dst(%dma_wait3A_1661 : memref<8x64xf32, #tpu.memory_space<vmem>>)
      %dma_wait3A_1665 = arith.constant 0 : i32
      %dma_wait3A_1666 = arith.constant 152 : i32
      %dma_wait3A_1667 = arith.constant 0 : i32
      %dma_wait3A_1668 = tpu.memref_slice %arg11[%dma_wait3A_1666, %dma_wait3A_1667] : memref<256x64xf32, #tpu.memory_space<vmem>> -> memref<8x64xf32, #tpu.memory_space<vmem>>
      %dma_wait3A_1669 = arith.constant 0 : i32
      %dma_wait3A_1670 = tpu.memref_slice %arg5[%dma_wait3A_1665, %multiple_of3A_708, %dma_wait3A_1669] : memref<1x1000000x64xf32, #tpu.memory_space<hbm>> -> memref<1x8x64xf32, #tpu.memory_space<hbm>>
      %dma_wait3A_1671 = tpu.memref_squeeze %dma_wait3A_1670 : memref<1x8x64xf32, #tpu.memory_space<hbm>> -> memref<8x64xf32, #tpu.memory_space<hbm>>
      %dma_wait3A_1672 = arith.constant 152 : i32
      %dma_wait3A_1673 = arith.constant 0 : i32
      %dma_wait3A_1674 = tpu.memref_slice %arg11[%dma_wait3A_1672, %dma_wait3A_1673] : memref<256x64xf32, #tpu.memory_space<vmem>> -> memref<8x64xf32, #tpu.memory_space<vmem>>
      %dma_wait3A_1675 = arith.constant 0 : i32
      %dma_wait3A_1676 = tpu.memref_slice %arg5[%dma_wait3A_1665, %multiple_of3A_708, %dma_wait3A_1675] : memref<1x1000000x64xf32, #tpu.memory_space<hbm>> -> memref<1x8x64xf32, #tpu.memory_space<hbm>>
      %dma_wait3A_1677 = tpu.memref_squeeze %dma_wait3A_1676 : memref<1x8x64xf32, #tpu.memory_space<hbm>> -> memref<8x64xf32, #tpu.memory_space<hbm>>
      tpu.wait_dma2 semaphore(%arg15 : memref<!tpu.dma_semaphore, #tpu.memory_space<semaphore_mem>>) src(%dma_wait3A_1677 : memref<8x64xf32, #tpu.memory_space<hbm>>) dst(%dma_wait3A_1674 : memref<8x64xf32, #tpu.memory_space<vmem>>)
      %dma_wait3A_1678 = arith.constant 0 : i32
      %dma_wait3A_1679 = arith.constant 152 : i32
      %dma_wait3A_1680 = arith.constant 0 : i32
      %dma_wait3A_1681 = tpu.memref_slice %arg12[%dma_wait3A_1679, %dma_wait3A_1680] : memref<256x64xf32, #tpu.memory_space<vmem>> -> memref<8x64xf32, #tpu.memory_space<vmem>>
      %dma_wait3A_1682 = arith.constant 0 : i32
      %dma_wait3A_1683 = tpu.memref_slice %arg5[%dma_wait3A_1678, %multiple_of3A_713, %dma_wait3A_1682] : memref<1x1000000x64xf32, #tpu.memory_space<hbm>> -> memref<1x8x64xf32, #tpu.memory_space<hbm>>
      %dma_wait3A_1684 = tpu.memref_squeeze %dma_wait3A_1683 : memref<1x8x64xf32, #tpu.memory_space<hbm>> -> memref<8x64xf32, #tpu.memory_space<hbm>>
      %dma_wait3A_1685 = arith.constant 152 : i32
      %dma_wait3A_1686 = arith.constant 0 : i32
      %dma_wait3A_1687 = tpu.memref_slice %arg12[%dma_wait3A_1685, %dma_wait3A_1686] : memref<256x64xf32, #tpu.memory_space<vmem>> -> memref<8x64xf32, #tpu.memory_space<vmem>>
      %dma_wait3A_1688 = arith.constant 0 : i32
      %dma_wait3A_1689 = tpu.memref_slice %arg5[%dma_wait3A_1678, %multiple_of3A_713, %dma_wait3A_1688] : memref<1x1000000x64xf32, #tpu.memory_space<hbm>> -> memref<1x8x64xf32, #tpu.memory_space<hbm>>
      %dma_wait3A_1690 = tpu.memref_squeeze %dma_wait3A_1689 : memref<1x8x64xf32, #tpu.memory_space<hbm>> -> memref<8x64xf32, #tpu.memory_space<hbm>>
      tpu.wait_dma2 semaphore(%arg16 : memref<!tpu.dma_semaphore, #tpu.memory_space<semaphore_mem>>) src(%dma_wait3A_1690 : memref<8x64xf32, #tpu.memory_space<hbm>>) dst(%dma_wait3A_1687 : memref<8x64xf32, #tpu.memory_space<vmem>>)
      %dma_wait3A_1691 = arith.constant 0 : i32
      %dma_wait3A_1692 = arith.constant 160 : i32
      %dma_wait3A_1693 = arith.constant 0 : i32
      %dma_wait3A_1694 = tpu.memref_slice %arg11[%dma_wait3A_1692, %dma_wait3A_1693] : memref<256x64xf32, #tpu.memory_space<vmem>> -> memref<8x64xf32, #tpu.memory_space<vmem>>
      %dma_wait3A_1695 = arith.constant 0 : i32
      %dma_wait3A_1696 = tpu.memref_slice %arg5[%dma_wait3A_1691, %multiple_of3A_744, %dma_wait3A_1695] : memref<1x1000000x64xf32, #tpu.memory_space<hbm>> -> memref<1x8x64xf32, #tpu.memory_space<hbm>>
      %dma_wait3A_1697 = tpu.memref_squeeze %dma_wait3A_1696 : memref<1x8x64xf32, #tpu.memory_space<hbm>> -> memref<8x64xf32, #tpu.memory_space<hbm>>
      %dma_wait3A_1698 = arith.constant 160 : i32
      %dma_wait3A_1699 = arith.constant 0 : i32
      %dma_wait3A_1700 = tpu.memref_slice %arg11[%dma_wait3A_1698, %dma_wait3A_1699] : memref<256x64xf32, #tpu.memory_space<vmem>> -> memref<8x64xf32, #tpu.memory_space<vmem>>
      %dma_wait3A_1701 = arith.constant 0 : i32
      %dma_wait3A_1702 = tpu.memref_slice %arg5[%dma_wait3A_1691, %multiple_of3A_744, %dma_wait3A_1701] : memref<1x1000000x64xf32, #tpu.memory_space<hbm>> -> memref<1x8x64xf32, #tpu.memory_space<hbm>>
      %dma_wait3A_1703 = tpu.memref_squeeze %dma_wait3A_1702 : memref<1x8x64xf32, #tpu.memory_space<hbm>> -> memref<8x64xf32, #tpu.memory_space<hbm>>
      tpu.wait_dma2 semaphore(%arg15 : memref<!tpu.dma_semaphore, #tpu.memory_space<semaphore_mem>>) src(%dma_wait3A_1703 : memref<8x64xf32, #tpu.memory_space<hbm>>) dst(%dma_wait3A_1700 : memref<8x64xf32, #tpu.memory_space<vmem>>)
      %dma_wait3A_1704 = arith.constant 0 : i32
      %dma_wait3A_1705 = arith.constant 160 : i32
      %dma_wait3A_1706 = arith.constant 0 : i32
      %dma_wait3A_1707 = tpu.memref_slice %arg12[%dma_wait3A_1705, %dma_wait3A_1706] : memref<256x64xf32, #tpu.memory_space<vmem>> -> memref<8x64xf32, #tpu.memory_space<vmem>>
      %dma_wait3A_1708 = arith.constant 0 : i32
      %dma_wait3A_1709 = tpu.memref_slice %arg5[%dma_wait3A_1704, %multiple_of3A_749, %dma_wait3A_1708] : memref<1x1000000x64xf32, #tpu.memory_space<hbm>> -> memref<1x8x64xf32, #tpu.memory_space<hbm>>
      %dma_wait3A_1710 = tpu.memref_squeeze %dma_wait3A_1709 : memref<1x8x64xf32, #tpu.memory_space<hbm>> -> memref<8x64xf32, #tpu.memory_space<hbm>>
      %dma_wait3A_1711 = arith.constant 160 : i32
      %dma_wait3A_1712 = arith.constant 0 : i32
      %dma_wait3A_1713 = tpu.memref_slice %arg12[%dma_wait3A_1711, %dma_wait3A_1712] : memref<256x64xf32, #tpu.memory_space<vmem>> -> memref<8x64xf32, #tpu.memory_space<vmem>>
      %dma_wait3A_1714 = arith.constant 0 : i32
      %dma_wait3A_1715 = tpu.memref_slice %arg5[%dma_wait3A_1704, %multiple_of3A_749, %dma_wait3A_1714] : memref<1x1000000x64xf32, #tpu.memory_space<hbm>> -> memref<1x8x64xf32, #tpu.memory_space<hbm>>
      %dma_wait3A_1716 = tpu.memref_squeeze %dma_wait3A_1715 : memref<1x8x64xf32, #tpu.memory_space<hbm>> -> memref<8x64xf32, #tpu.memory_space<hbm>>
      tpu.wait_dma2 semaphore(%arg16 : memref<!tpu.dma_semaphore, #tpu.memory_space<semaphore_mem>>) src(%dma_wait3A_1716 : memref<8x64xf32, #tpu.memory_space<hbm>>) dst(%dma_wait3A_1713 : memref<8x64xf32, #tpu.memory_space<vmem>>)
      %dma_wait3A_1717 = arith.constant 0 : i32
      %dma_wait3A_1718 = arith.constant 168 : i32
      %dma_wait3A_1719 = arith.constant 0 : i32
      %dma_wait3A_1720 = tpu.memref_slice %arg11[%dma_wait3A_1718, %dma_wait3A_1719] : memref<256x64xf32, #tpu.memory_space<vmem>> -> memref<8x64xf32, #tpu.memory_space<vmem>>
      %dma_wait3A_1721 = arith.constant 0 : i32
      %dma_wait3A_1722 = tpu.memref_slice %arg5[%dma_wait3A_1717, %multiple_of3A_780, %dma_wait3A_1721] : memref<1x1000000x64xf32, #tpu.memory_space<hbm>> -> memref<1x8x64xf32, #tpu.memory_space<hbm>>
      %dma_wait3A_1723 = tpu.memref_squeeze %dma_wait3A_1722 : memref<1x8x64xf32, #tpu.memory_space<hbm>> -> memref<8x64xf32, #tpu.memory_space<hbm>>
      %dma_wait3A_1724 = arith.constant 168 : i32
      %dma_wait3A_1725 = arith.constant 0 : i32
      %dma_wait3A_1726 = tpu.memref_slice %arg11[%dma_wait3A_1724, %dma_wait3A_1725] : memref<256x64xf32, #tpu.memory_space<vmem>> -> memref<8x64xf32, #tpu.memory_space<vmem>>
      %dma_wait3A_1727 = arith.constant 0 : i32
      %dma_wait3A_1728 = tpu.memref_slice %arg5[%dma_wait3A_1717, %multiple_of3A_780, %dma_wait3A_1727] : memref<1x1000000x64xf32, #tpu.memory_space<hbm>> -> memref<1x8x64xf32, #tpu.memory_space<hbm>>
      %dma_wait3A_1729 = tpu.memref_squeeze %dma_wait3A_1728 : memref<1x8x64xf32, #tpu.memory_space<hbm>> -> memref<8x64xf32, #tpu.memory_space<hbm>>
      tpu.wait_dma2 semaphore(%arg15 : memref<!tpu.dma_semaphore, #tpu.memory_space<semaphore_mem>>) src(%dma_wait3A_1729 : memref<8x64xf32, #tpu.memory_space<hbm>>) dst(%dma_wait3A_1726 : memref<8x64xf32, #tpu.memory_space<vmem>>)
      %dma_wait3A_1730 = arith.constant 0 : i32
      %dma_wait3A_1731 = arith.constant 168 : i32
      %dma_wait3A_1732 = arith.constant 0 : i32
      %dma_wait3A_1733 = tpu.memref_slice %arg12[%dma_wait3A_1731, %dma_wait3A_1732] : memref<256x64xf32, #tpu.memory_space<vmem>> -> memref<8x64xf32, #tpu.memory_space<vmem>>
      %dma_wait3A_1734 = arith.constant 0 : i32
      %dma_wait3A_1735 = tpu.memref_slice %arg5[%dma_wait3A_1730, %multiple_of3A_785, %dma_wait3A_1734] : memref<1x1000000x64xf32, #tpu.memory_space<hbm>> -> memref<1x8x64xf32, #tpu.memory_space<hbm>>
      %dma_wait3A_1736 = tpu.memref_squeeze %dma_wait3A_1735 : memref<1x8x64xf32, #tpu.memory_space<hbm>> -> memref<8x64xf32, #tpu.memory_space<hbm>>
      %dma_wait3A_1737 = arith.constant 168 : i32
      %dma_wait3A_1738 = arith.constant 0 : i32
      %dma_wait3A_1739 = tpu.memref_slice %arg12[%dma_wait3A_1737, %dma_wait3A_1738] : memref<256x64xf32, #tpu.memory_space<vmem>> -> memref<8x64xf32, #tpu.memory_space<vmem>>
      %dma_wait3A_1740 = arith.constant 0 : i32
      %dma_wait3A_1741 = tpu.memref_slice %arg5[%dma_wait3A_1730, %multiple_of3A_785, %dma_wait3A_1740] : memref<1x1000000x64xf32, #tpu.memory_space<hbm>> -> memref<1x8x64xf32, #tpu.memory_space<hbm>>
      %dma_wait3A_1742 = tpu.memref_squeeze %dma_wait3A_1741 : memref<1x8x64xf32, #tpu.memory_space<hbm>> -> memref<8x64xf32, #tpu.memory_space<hbm>>
      tpu.wait_dma2 semaphore(%arg16 : memref<!tpu.dma_semaphore, #tpu.memory_space<semaphore_mem>>) src(%dma_wait3A_1742 : memref<8x64xf32, #tpu.memory_space<hbm>>) dst(%dma_wait3A_1739 : memref<8x64xf32, #tpu.memory_space<vmem>>)
      %dma_wait3A_1743 = arith.constant 0 : i32
      %dma_wait3A_1744 = arith.constant 176 : i32
      %dma_wait3A_1745 = arith.constant 0 : i32
      %dma_wait3A_1746 = tpu.memref_slice %arg11[%dma_wait3A_1744, %dma_wait3A_1745] : memref<256x64xf32, #tpu.memory_space<vmem>> -> memref<8x64xf32, #tpu.memory_space<vmem>>
      %dma_wait3A_1747 = arith.constant 0 : i32
      %dma_wait3A_1748 = tpu.memref_slice %arg5[%dma_wait3A_1743, %multiple_of3A_816, %dma_wait3A_1747] : memref<1x1000000x64xf32, #tpu.memory_space<hbm>> -> memref<1x8x64xf32, #tpu.memory_space<hbm>>
      %dma_wait3A_1749 = tpu.memref_squeeze %dma_wait3A_1748 : memref<1x8x64xf32, #tpu.memory_space<hbm>> -> memref<8x64xf32, #tpu.memory_space<hbm>>
      %dma_wait3A_1750 = arith.constant 176 : i32
      %dma_wait3A_1751 = arith.constant 0 : i32
      %dma_wait3A_1752 = tpu.memref_slice %arg11[%dma_wait3A_1750, %dma_wait3A_1751] : memref<256x64xf32, #tpu.memory_space<vmem>> -> memref<8x64xf32, #tpu.memory_space<vmem>>
      %dma_wait3A_1753 = arith.constant 0 : i32
      %dma_wait3A_1754 = tpu.memref_slice %arg5[%dma_wait3A_1743, %multiple_of3A_816, %dma_wait3A_1753] : memref<1x1000000x64xf32, #tpu.memory_space<hbm>> -> memref<1x8x64xf32, #tpu.memory_space<hbm>>
      %dma_wait3A_1755 = tpu.memref_squeeze %dma_wait3A_1754 : memref<1x8x64xf32, #tpu.memory_space<hbm>> -> memref<8x64xf32, #tpu.memory_space<hbm>>
      tpu.wait_dma2 semaphore(%arg15 : memref<!tpu.dma_semaphore, #tpu.memory_space<semaphore_mem>>) src(%dma_wait3A_1755 : memref<8x64xf32, #tpu.memory_space<hbm>>) dst(%dma_wait3A_1752 : memref<8x64xf32, #tpu.memory_space<vmem>>)
      %dma_wait3A_1756 = arith.constant 0 : i32
      %dma_wait3A_1757 = arith.constant 176 : i32
      %dma_wait3A_1758 = arith.constant 0 : i32
      %dma_wait3A_1759 = tpu.memref_slice %arg12[%dma_wait3A_1757, %dma_wait3A_1758] : memref<256x64xf32, #tpu.memory_space<vmem>> -> memref<8x64xf32, #tpu.memory_space<vmem>>
      %dma_wait3A_1760 = arith.constant 0 : i32
      %dma_wait3A_1761 = tpu.memref_slice %arg5[%dma_wait3A_1756, %multiple_of3A_821, %dma_wait3A_1760] : memref<1x1000000x64xf32, #tpu.memory_space<hbm>> -> memref<1x8x64xf32, #tpu.memory_space<hbm>>
      %dma_wait3A_1762 = tpu.memref_squeeze %dma_wait3A_1761 : memref<1x8x64xf32, #tpu.memory_space<hbm>> -> memref<8x64xf32, #tpu.memory_space<hbm>>
      %dma_wait3A_1763 = arith.constant 176 : i32
      %dma_wait3A_1764 = arith.constant 0 : i32
      %dma_wait3A_1765 = tpu.memref_slice %arg12[%dma_wait3A_1763, %dma_wait3A_1764] : memref<256x64xf32, #tpu.memory_space<vmem>> -> memref<8x64xf32, #tpu.memory_space<vmem>>
      %dma_wait3A_1766 = arith.constant 0 : i32
      %dma_wait3A_1767 = tpu.memref_slice %arg5[%dma_wait3A_1756, %multiple_of3A_821, %dma_wait3A_1766] : memref<1x1000000x64xf32, #tpu.memory_space<hbm>> -> memref<1x8x64xf32, #tpu.memory_space<hbm>>
      %dma_wait3A_1768 = tpu.memref_squeeze %dma_wait3A_1767 : memref<1x8x64xf32, #tpu.memory_space<hbm>> -> memref<8x64xf32, #tpu.memory_space<hbm>>
      tpu.wait_dma2 semaphore(%arg16 : memref<!tpu.dma_semaphore, #tpu.memory_space<semaphore_mem>>) src(%dma_wait3A_1768 : memref<8x64xf32, #tpu.memory_space<hbm>>) dst(%dma_wait3A_1765 : memref<8x64xf32, #tpu.memory_space<vmem>>)
      %dma_wait3A_1769 = arith.constant 0 : i32
      %dma_wait3A_1770 = arith.constant 184 : i32
      %dma_wait3A_1771 = arith.constant 0 : i32
      %dma_wait3A_1772 = tpu.memref_slice %arg11[%dma_wait3A_1770, %dma_wait3A_1771] : memref<256x64xf32, #tpu.memory_space<vmem>> -> memref<8x64xf32, #tpu.memory_space<vmem>>
      %dma_wait3A_1773 = arith.constant 0 : i32
      %dma_wait3A_1774 = tpu.memref_slice %arg5[%dma_wait3A_1769, %multiple_of3A_852, %dma_wait3A_1773] : memref<1x1000000x64xf32, #tpu.memory_space<hbm>> -> memref<1x8x64xf32, #tpu.memory_space<hbm>>
      %dma_wait3A_1775 = tpu.memref_squeeze %dma_wait3A_1774 : memref<1x8x64xf32, #tpu.memory_space<hbm>> -> memref<8x64xf32, #tpu.memory_space<hbm>>
      %dma_wait3A_1776 = arith.constant 184 : i32
      %dma_wait3A_1777 = arith.constant 0 : i32
      %dma_wait3A_1778 = tpu.memref_slice %arg11[%dma_wait3A_1776, %dma_wait3A_1777] : memref<256x64xf32, #tpu.memory_space<vmem>> -> memref<8x64xf32, #tpu.memory_space<vmem>>
      %dma_wait3A_1779 = arith.constant 0 : i32
      %dma_wait3A_1780 = tpu.memref_slice %arg5[%dma_wait3A_1769, %multiple_of3A_852, %dma_wait3A_1779] : memref<1x1000000x64xf32, #tpu.memory_space<hbm>> -> memref<1x8x64xf32, #tpu.memory_space<hbm>>
      %dma_wait3A_1781 = tpu.memref_squeeze %dma_wait3A_1780 : memref<1x8x64xf32, #tpu.memory_space<hbm>> -> memref<8x64xf32, #tpu.memory_space<hbm>>
      tpu.wait_dma2 semaphore(%arg15 : memref<!tpu.dma_semaphore, #tpu.memory_space<semaphore_mem>>) src(%dma_wait3A_1781 : memref<8x64xf32, #tpu.memory_space<hbm>>) dst(%dma_wait3A_1778 : memref<8x64xf32, #tpu.memory_space<vmem>>)
      %dma_wait3A_1782 = arith.constant 0 : i32
      %dma_wait3A_1783 = arith.constant 184 : i32
      %dma_wait3A_1784 = arith.constant 0 : i32
      %dma_wait3A_1785 = tpu.memref_slice %arg12[%dma_wait3A_1783, %dma_wait3A_1784] : memref<256x64xf32, #tpu.memory_space<vmem>> -> memref<8x64xf32, #tpu.memory_space<vmem>>
      %dma_wait3A_1786 = arith.constant 0 : i32
      %dma_wait3A_1787 = tpu.memref_slice %arg5[%dma_wait3A_1782, %multiple_of3A_857, %dma_wait3A_1786] : memref<1x1000000x64xf32, #tpu.memory_space<hbm>> -> memref<1x8x64xf32, #tpu.memory_space<hbm>>
      %dma_wait3A_1788 = tpu.memref_squeeze %dma_wait3A_1787 : memref<1x8x64xf32, #tpu.memory_space<hbm>> -> memref<8x64xf32, #tpu.memory_space<hbm>>
      %dma_wait3A_1789 = arith.constant 184 : i32
      %dma_wait3A_1790 = arith.constant 0 : i32
      %dma_wait3A_1791 = tpu.memref_slice %arg12[%dma_wait3A_1789, %dma_wait3A_1790] : memref<256x64xf32, #tpu.memory_space<vmem>> -> memref<8x64xf32, #tpu.memory_space<vmem>>
      %dma_wait3A_1792 = arith.constant 0 : i32
      %dma_wait3A_1793 = tpu.memref_slice %arg5[%dma_wait3A_1782, %multiple_of3A_857, %dma_wait3A_1792] : memref<1x1000000x64xf32, #tpu.memory_space<hbm>> -> memref<1x8x64xf32, #tpu.memory_space<hbm>>
      %dma_wait3A_1794 = tpu.memref_squeeze %dma_wait3A_1793 : memref<1x8x64xf32, #tpu.memory_space<hbm>> -> memref<8x64xf32, #tpu.memory_space<hbm>>
      tpu.wait_dma2 semaphore(%arg16 : memref<!tpu.dma_semaphore, #tpu.memory_space<semaphore_mem>>) src(%dma_wait3A_1794 : memref<8x64xf32, #tpu.memory_space<hbm>>) dst(%dma_wait3A_1791 : memref<8x64xf32, #tpu.memory_space<vmem>>)
      %dma_wait3A_1795 = arith.constant 0 : i32
      %dma_wait3A_1796 = arith.constant 192 : i32
      %dma_wait3A_1797 = arith.constant 0 : i32
      %dma_wait3A_1798 = tpu.memref_slice %arg11[%dma_wait3A_1796, %dma_wait3A_1797] : memref<256x64xf32, #tpu.memory_space<vmem>> -> memref<8x64xf32, #tpu.memory_space<vmem>>
      %dma_wait3A_1799 = arith.constant 0 : i32
      %dma_wait3A_1800 = tpu.memref_slice %arg5[%dma_wait3A_1795, %multiple_of3A_888, %dma_wait3A_1799] : memref<1x1000000x64xf32, #tpu.memory_space<hbm>> -> memref<1x8x64xf32, #tpu.memory_space<hbm>>
      %dma_wait3A_1801 = tpu.memref_squeeze %dma_wait3A_1800 : memref<1x8x64xf32, #tpu.memory_space<hbm>> -> memref<8x64xf32, #tpu.memory_space<hbm>>
      %dma_wait3A_1802 = arith.constant 192 : i32
      %dma_wait3A_1803 = arith.constant 0 : i32
      %dma_wait3A_1804 = tpu.memref_slice %arg11[%dma_wait3A_1802, %dma_wait3A_1803] : memref<256x64xf32, #tpu.memory_space<vmem>> -> memref<8x64xf32, #tpu.memory_space<vmem>>
      %dma_wait3A_1805 = arith.constant 0 : i32
      %dma_wait3A_1806 = tpu.memref_slice %arg5[%dma_wait3A_1795, %multiple_of3A_888, %dma_wait3A_1805] : memref<1x1000000x64xf32, #tpu.memory_space<hbm>> -> memref<1x8x64xf32, #tpu.memory_space<hbm>>
      %dma_wait3A_1807 = tpu.memref_squeeze %dma_wait3A_1806 : memref<1x8x64xf32, #tpu.memory_space<hbm>> -> memref<8x64xf32, #tpu.memory_space<hbm>>
      tpu.wait_dma2 semaphore(%arg15 : memref<!tpu.dma_semaphore, #tpu.memory_space<semaphore_mem>>) src(%dma_wait3A_1807 : memref<8x64xf32, #tpu.memory_space<hbm>>) dst(%dma_wait3A_1804 : memref<8x64xf32, #tpu.memory_space<vmem>>)
      %dma_wait3A_1808 = arith.constant 0 : i32
      %dma_wait3A_1809 = arith.constant 192 : i32
      %dma_wait3A_1810 = arith.constant 0 : i32
      %dma_wait3A_1811 = tpu.memref_slice %arg12[%dma_wait3A_1809, %dma_wait3A_1810] : memref<256x64xf32, #tpu.memory_space<vmem>> -> memref<8x64xf32, #tpu.memory_space<vmem>>
      %dma_wait3A_1812 = arith.constant 0 : i32
      %dma_wait3A_1813 = tpu.memref_slice %arg5[%dma_wait3A_1808, %multiple_of3A_893, %dma_wait3A_1812] : memref<1x1000000x64xf32, #tpu.memory_space<hbm>> -> memref<1x8x64xf32, #tpu.memory_space<hbm>>
      %dma_wait3A_1814 = tpu.memref_squeeze %dma_wait3A_1813 : memref<1x8x64xf32, #tpu.memory_space<hbm>> -> memref<8x64xf32, #tpu.memory_space<hbm>>
      %dma_wait3A_1815 = arith.constant 192 : i32
      %dma_wait3A_1816 = arith.constant 0 : i32
      %dma_wait3A_1817 = tpu.memref_slice %arg12[%dma_wait3A_1815, %dma_wait3A_1816] : memref<256x64xf32, #tpu.memory_space<vmem>> -> memref<8x64xf32, #tpu.memory_space<vmem>>
      %dma_wait3A_1818 = arith.constant 0 : i32
      %dma_wait3A_1819 = tpu.memref_slice %arg5[%dma_wait3A_1808, %multiple_of3A_893, %dma_wait3A_1818] : memref<1x1000000x64xf32, #tpu.memory_space<hbm>> -> memref<1x8x64xf32, #tpu.memory_space<hbm>>
      %dma_wait3A_1820 = tpu.memref_squeeze %dma_wait3A_1819 : memref<1x8x64xf32, #tpu.memory_space<hbm>> -> memref<8x64xf32, #tpu.memory_space<hbm>>
      tpu.wait_dma2 semaphore(%arg16 : memref<!tpu.dma_semaphore, #tpu.memory_space<semaphore_mem>>) src(%dma_wait3A_1820 : memref<8x64xf32, #tpu.memory_space<hbm>>) dst(%dma_wait3A_1817 : memref<8x64xf32, #tpu.memory_space<vmem>>)
      %dma_wait3A_1821 = arith.constant 0 : i32
      %dma_wait3A_1822 = arith.constant 200 : i32
      %dma_wait3A_1823 = arith.constant 0 : i32
      %dma_wait3A_1824 = tpu.memref_slice %arg11[%dma_wait3A_1822, %dma_wait3A_1823] : memref<256x64xf32, #tpu.memory_space<vmem>> -> memref<8x64xf32, #tpu.memory_space<vmem>>
      %dma_wait3A_1825 = arith.constant 0 : i32
      %dma_wait3A_1826 = tpu.memref_slice %arg5[%dma_wait3A_1821, %multiple_of3A_924, %dma_wait3A_1825] : memref<1x1000000x64xf32, #tpu.memory_space<hbm>> -> memref<1x8x64xf32, #tpu.memory_space<hbm>>
      %dma_wait3A_1827 = tpu.memref_squeeze %dma_wait3A_1826 : memref<1x8x64xf32, #tpu.memory_space<hbm>> -> memref<8x64xf32, #tpu.memory_space<hbm>>
      %dma_wait3A_1828 = arith.constant 200 : i32
      %dma_wait3A_1829 = arith.constant 0 : i32
      %dma_wait3A_1830 = tpu.memref_slice %arg11[%dma_wait3A_1828, %dma_wait3A_1829] : memref<256x64xf32, #tpu.memory_space<vmem>> -> memref<8x64xf32, #tpu.memory_space<vmem>>
      %dma_wait3A_1831 = arith.constant 0 : i32
      %dma_wait3A_1832 = tpu.memref_slice %arg5[%dma_wait3A_1821, %multiple_of3A_924, %dma_wait3A_1831] : memref<1x1000000x64xf32, #tpu.memory_space<hbm>> -> memref<1x8x64xf32, #tpu.memory_space<hbm>>
      %dma_wait3A_1833 = tpu.memref_squeeze %dma_wait3A_1832 : memref<1x8x64xf32, #tpu.memory_space<hbm>> -> memref<8x64xf32, #tpu.memory_space<hbm>>
      tpu.wait_dma2 semaphore(%arg15 : memref<!tpu.dma_semaphore, #tpu.memory_space<semaphore_mem>>) src(%dma_wait3A_1833 : memref<8x64xf32, #tpu.memory_space<hbm>>) dst(%dma_wait3A_1830 : memref<8x64xf32, #tpu.memory_space<vmem>>)
      %dma_wait3A_1834 = arith.constant 0 : i32
      %dma_wait3A_1835 = arith.constant 200 : i32
      %dma_wait3A_1836 = arith.constant 0 : i32
      %dma_wait3A_1837 = tpu.memref_slice %arg12[%dma_wait3A_1835, %dma_wait3A_1836] : memref<256x64xf32, #tpu.memory_space<vmem>> -> memref<8x64xf32, #tpu.memory_space<vmem>>
      %dma_wait3A_1838 = arith.constant 0 : i32
      %dma_wait3A_1839 = tpu.memref_slice %arg5[%dma_wait3A_1834, %multiple_of3A_929, %dma_wait3A_1838] : memref<1x1000000x64xf32, #tpu.memory_space<hbm>> -> memref<1x8x64xf32, #tpu.memory_space<hbm>>
      %dma_wait3A_1840 = tpu.memref_squeeze %dma_wait3A_1839 : memref<1x8x64xf32, #tpu.memory_space<hbm>> -> memref<8x64xf32, #tpu.memory_space<hbm>>
      %dma_wait3A_1841 = arith.constant 200 : i32
      %dma_wait3A_1842 = arith.constant 0 : i32
      %dma_wait3A_1843 = tpu.memref_slice %arg12[%dma_wait3A_1841, %dma_wait3A_1842] : memref<256x64xf32, #tpu.memory_space<vmem>> -> memref<8x64xf32, #tpu.memory_space<vmem>>
      %dma_wait3A_1844 = arith.constant 0 : i32
      %dma_wait3A_1845 = tpu.memref_slice %arg5[%dma_wait3A_1834, %multiple_of3A_929, %dma_wait3A_1844] : memref<1x1000000x64xf32, #tpu.memory_space<hbm>> -> memref<1x8x64xf32, #tpu.memory_space<hbm>>
      %dma_wait3A_1846 = tpu.memref_squeeze %dma_wait3A_1845 : memref<1x8x64xf32, #tpu.memory_space<hbm>> -> memref<8x64xf32, #tpu.memory_space<hbm>>
      tpu.wait_dma2 semaphore(%arg16 : memref<!tpu.dma_semaphore, #tpu.memory_space<semaphore_mem>>) src(%dma_wait3A_1846 : memref<8x64xf32, #tpu.memory_space<hbm>>) dst(%dma_wait3A_1843 : memref<8x64xf32, #tpu.memory_space<vmem>>)
      %dma_wait3A_1847 = arith.constant 0 : i32
      %dma_wait3A_1848 = arith.constant 208 : i32
      %dma_wait3A_1849 = arith.constant 0 : i32
      %dma_wait3A_1850 = tpu.memref_slice %arg11[%dma_wait3A_1848, %dma_wait3A_1849] : memref<256x64xf32, #tpu.memory_space<vmem>> -> memref<8x64xf32, #tpu.memory_space<vmem>>
      %dma_wait3A_1851 = arith.constant 0 : i32
      %dma_wait3A_1852 = tpu.memref_slice %arg5[%dma_wait3A_1847, %multiple_of3A_960, %dma_wait3A_1851] : memref<1x1000000x64xf32, #tpu.memory_space<hbm>> -> memref<1x8x64xf32, #tpu.memory_space<hbm>>
      %dma_wait3A_1853 = tpu.memref_squeeze %dma_wait3A_1852 : memref<1x8x64xf32, #tpu.memory_space<hbm>> -> memref<8x64xf32, #tpu.memory_space<hbm>>
      %dma_wait3A_1854 = arith.constant 208 : i32
      %dma_wait3A_1855 = arith.constant 0 : i32
      %dma_wait3A_1856 = tpu.memref_slice %arg11[%dma_wait3A_1854, %dma_wait3A_1855] : memref<256x64xf32, #tpu.memory_space<vmem>> -> memref<8x64xf32, #tpu.memory_space<vmem>>
      %dma_wait3A_1857 = arith.constant 0 : i32
      %dma_wait3A_1858 = tpu.memref_slice %arg5[%dma_wait3A_1847, %multiple_of3A_960, %dma_wait3A_1857] : memref<1x1000000x64xf32, #tpu.memory_space<hbm>> -> memref<1x8x64xf32, #tpu.memory_space<hbm>>
      %dma_wait3A_1859 = tpu.memref_squeeze %dma_wait3A_1858 : memref<1x8x64xf32, #tpu.memory_space<hbm>> -> memref<8x64xf32, #tpu.memory_space<hbm>>
      tpu.wait_dma2 semaphore(%arg15 : memref<!tpu.dma_semaphore, #tpu.memory_space<semaphore_mem>>) src(%dma_wait3A_1859 : memref<8x64xf32, #tpu.memory_space<hbm>>) dst(%dma_wait3A_1856 : memref<8x64xf32, #tpu.memory_space<vmem>>)
      %dma_wait3A_1860 = arith.constant 0 : i32
      %dma_wait3A_1861 = arith.constant 208 : i32
      %dma_wait3A_1862 = arith.constant 0 : i32
      %dma_wait3A_1863 = tpu.memref_slice %arg12[%dma_wait3A_1861, %dma_wait3A_1862] : memref<256x64xf32, #tpu.memory_space<vmem>> -> memref<8x64xf32, #tpu.memory_space<vmem>>
      %dma_wait3A_1864 = arith.constant 0 : i32
      %dma_wait3A_1865 = tpu.memref_slice %arg5[%dma_wait3A_1860, %multiple_of3A_965, %dma_wait3A_1864] : memref<1x1000000x64xf32, #tpu.memory_space<hbm>> -> memref<1x8x64xf32, #tpu.memory_space<hbm>>
      %dma_wait3A_1866 = tpu.memref_squeeze %dma_wait3A_1865 : memref<1x8x64xf32, #tpu.memory_space<hbm>> -> memref<8x64xf32, #tpu.memory_space<hbm>>
      %dma_wait3A_1867 = arith.constant 208 : i32
      %dma_wait3A_1868 = arith.constant 0 : i32
      %dma_wait3A_1869 = tpu.memref_slice %arg12[%dma_wait3A_1867, %dma_wait3A_1868] : memref<256x64xf32, #tpu.memory_space<vmem>> -> memref<8x64xf32, #tpu.memory_space<vmem>>
      %dma_wait3A_1870 = arith.constant 0 : i32
      %dma_wait3A_1871 = tpu.memref_slice %arg5[%dma_wait3A_1860, %multiple_of3A_965, %dma_wait3A_1870] : memref<1x1000000x64xf32, #tpu.memory_space<hbm>> -> memref<1x8x64xf32, #tpu.memory_space<hbm>>
      %dma_wait3A_1872 = tpu.memref_squeeze %dma_wait3A_1871 : memref<1x8x64xf32, #tpu.memory_space<hbm>> -> memref<8x64xf32, #tpu.memory_space<hbm>>
      tpu.wait_dma2 semaphore(%arg16 : memref<!tpu.dma_semaphore, #tpu.memory_space<semaphore_mem>>) src(%dma_wait3A_1872 : memref<8x64xf32, #tpu.memory_space<hbm>>) dst(%dma_wait3A_1869 : memref<8x64xf32, #tpu.memory_space<vmem>>)
      %dma_wait3A_1873 = arith.constant 0 : i32
      %dma_wait3A_1874 = arith.constant 216 : i32
      %dma_wait3A_1875 = arith.constant 0 : i32
      %dma_wait3A_1876 = tpu.memref_slice %arg11[%dma_wait3A_1874, %dma_wait3A_1875] : memref<256x64xf32, #tpu.memory_space<vmem>> -> memref<8x64xf32, #tpu.memory_space<vmem>>
      %dma_wait3A_1877 = arith.constant 0 : i32
      %dma_wait3A_1878 = tpu.memref_slice %arg5[%dma_wait3A_1873, %multiple_of3A_996, %dma_wait3A_1877] : memref<1x1000000x64xf32, #tpu.memory_space<hbm>> -> memref<1x8x64xf32, #tpu.memory_space<hbm>>
      %dma_wait3A_1879 = tpu.memref_squeeze %dma_wait3A_1878 : memref<1x8x64xf32, #tpu.memory_space<hbm>> -> memref<8x64xf32, #tpu.memory_space<hbm>>
      %dma_wait3A_1880 = arith.constant 216 : i32
      %dma_wait3A_1881 = arith.constant 0 : i32
      %dma_wait3A_1882 = tpu.memref_slice %arg11[%dma_wait3A_1880, %dma_wait3A_1881] : memref<256x64xf32, #tpu.memory_space<vmem>> -> memref<8x64xf32, #tpu.memory_space<vmem>>
      %dma_wait3A_1883 = arith.constant 0 : i32
      %dma_wait3A_1884 = tpu.memref_slice %arg5[%dma_wait3A_1873, %multiple_of3A_996, %dma_wait3A_1883] : memref<1x1000000x64xf32, #tpu.memory_space<hbm>> -> memref<1x8x64xf32, #tpu.memory_space<hbm>>
      %dma_wait3A_1885 = tpu.memref_squeeze %dma_wait3A_1884 : memref<1x8x64xf32, #tpu.memory_space<hbm>> -> memref<8x64xf32, #tpu.memory_space<hbm>>
      tpu.wait_dma2 semaphore(%arg15 : memref<!tpu.dma_semaphore, #tpu.memory_space<semaphore_mem>>) src(%dma_wait3A_1885 : memref<8x64xf32, #tpu.memory_space<hbm>>) dst(%dma_wait3A_1882 : memref<8x64xf32, #tpu.memory_space<vmem>>)
      %dma_wait3A_1886 = arith.constant 0 : i32
      %dma_wait3A_1887 = arith.constant 216 : i32
      %dma_wait3A_1888 = arith.constant 0 : i32
      %dma_wait3A_1889 = tpu.memref_slice %arg12[%dma_wait3A_1887, %dma_wait3A_1888] : memref<256x64xf32, #tpu.memory_space<vmem>> -> memref<8x64xf32, #tpu.memory_space<vmem>>
      %dma_wait3A_1890 = arith.constant 0 : i32
      %dma_wait3A_1891 = tpu.memref_slice %arg5[%dma_wait3A_1886, %multiple_of3A_1001, %dma_wait3A_1890] : memref<1x1000000x64xf32, #tpu.memory_space<hbm>> -> memref<1x8x64xf32, #tpu.memory_space<hbm>>
      %dma_wait3A_1892 = tpu.memref_squeeze %dma_wait3A_1891 : memref<1x8x64xf32, #tpu.memory_space<hbm>> -> memref<8x64xf32, #tpu.memory_space<hbm>>
      %dma_wait3A_1893 = arith.constant 216 : i32
      %dma_wait3A_1894 = arith.constant 0 : i32
      %dma_wait3A_1895 = tpu.memref_slice %arg12[%dma_wait3A_1893, %dma_wait3A_1894] : memref<256x64xf32, #tpu.memory_space<vmem>> -> memref<8x64xf32, #tpu.memory_space<vmem>>
      %dma_wait3A_1896 = arith.constant 0 : i32
      %dma_wait3A_1897 = tpu.memref_slice %arg5[%dma_wait3A_1886, %multiple_of3A_1001, %dma_wait3A_1896] : memref<1x1000000x64xf32, #tpu.memory_space<hbm>> -> memref<1x8x64xf32, #tpu.memory_space<hbm>>
      %dma_wait3A_1898 = tpu.memref_squeeze %dma_wait3A_1897 : memref<1x8x64xf32, #tpu.memory_space<hbm>> -> memref<8x64xf32, #tpu.memory_space<hbm>>
      tpu.wait_dma2 semaphore(%arg16 : memref<!tpu.dma_semaphore, #tpu.memory_space<semaphore_mem>>) src(%dma_wait3A_1898 : memref<8x64xf32, #tpu.memory_space<hbm>>) dst(%dma_wait3A_1895 : memref<8x64xf32, #tpu.memory_space<vmem>>)
      %dma_wait3A_1899 = arith.constant 0 : i32
      %dma_wait3A_1900 = arith.constant 224 : i32
      %dma_wait3A_1901 = arith.constant 0 : i32
      %dma_wait3A_1902 = tpu.memref_slice %arg11[%dma_wait3A_1900, %dma_wait3A_1901] : memref<256x64xf32, #tpu.memory_space<vmem>> -> memref<8x64xf32, #tpu.memory_space<vmem>>
      %dma_wait3A_1903 = arith.constant 0 : i32
      %dma_wait3A_1904 = tpu.memref_slice %arg5[%dma_wait3A_1899, %multiple_of3A_1032, %dma_wait3A_1903] : memref<1x1000000x64xf32, #tpu.memory_space<hbm>> -> memref<1x8x64xf32, #tpu.memory_space<hbm>>
      %dma_wait3A_1905 = tpu.memref_squeeze %dma_wait3A_1904 : memref<1x8x64xf32, #tpu.memory_space<hbm>> -> memref<8x64xf32, #tpu.memory_space<hbm>>
      %dma_wait3A_1906 = arith.constant 224 : i32
      %dma_wait3A_1907 = arith.constant 0 : i32
      %dma_wait3A_1908 = tpu.memref_slice %arg11[%dma_wait3A_1906, %dma_wait3A_1907] : memref<256x64xf32, #tpu.memory_space<vmem>> -> memref<8x64xf32, #tpu.memory_space<vmem>>
      %dma_wait3A_1909 = arith.constant 0 : i32
      %dma_wait3A_1910 = tpu.memref_slice %arg5[%dma_wait3A_1899, %multiple_of3A_1032, %dma_wait3A_1909] : memref<1x1000000x64xf32, #tpu.memory_space<hbm>> -> memref<1x8x64xf32, #tpu.memory_space<hbm>>
      %dma_wait3A_1911 = tpu.memref_squeeze %dma_wait3A_1910 : memref<1x8x64xf32, #tpu.memory_space<hbm>> -> memref<8x64xf32, #tpu.memory_space<hbm>>
      tpu.wait_dma2 semaphore(%arg15 : memref<!tpu.dma_semaphore, #tpu.memory_space<semaphore_mem>>) src(%dma_wait3A_1911 : memref<8x64xf32, #tpu.memory_space<hbm>>) dst(%dma_wait3A_1908 : memref<8x64xf32, #tpu.memory_space<vmem>>)
      %dma_wait3A_1912 = arith.constant 0 : i32
      %dma_wait3A_1913 = arith.constant 224 : i32
      %dma_wait3A_1914 = arith.constant 0 : i32
      %dma_wait3A_1915 = tpu.memref_slice %arg12[%dma_wait3A_1913, %dma_wait3A_1914] : memref<256x64xf32, #tpu.memory_space<vmem>> -> memref<8x64xf32, #tpu.memory_space<vmem>>
      %dma_wait3A_1916 = arith.constant 0 : i32
      %dma_wait3A_1917 = tpu.memref_slice %arg5[%dma_wait3A_1912, %multiple_of3A_1037, %dma_wait3A_1916] : memref<1x1000000x64xf32, #tpu.memory_space<hbm>> -> memref<1x8x64xf32, #tpu.memory_space<hbm>>
      %dma_wait3A_1918 = tpu.memref_squeeze %dma_wait3A_1917 : memref<1x8x64xf32, #tpu.memory_space<hbm>> -> memref<8x64xf32, #tpu.memory_space<hbm>>
      %dma_wait3A_1919 = arith.constant 224 : i32
      %dma_wait3A_1920 = arith.constant 0 : i32
      %dma_wait3A_1921 = tpu.memref_slice %arg12[%dma_wait3A_1919, %dma_wait3A_1920] : memref<256x64xf32, #tpu.memory_space<vmem>> -> memref<8x64xf32, #tpu.memory_space<vmem>>
      %dma_wait3A_1922 = arith.constant 0 : i32
      %dma_wait3A_1923 = tpu.memref_slice %arg5[%dma_wait3A_1912, %multiple_of3A_1037, %dma_wait3A_1922] : memref<1x1000000x64xf32, #tpu.memory_space<hbm>> -> memref<1x8x64xf32, #tpu.memory_space<hbm>>
      %dma_wait3A_1924 = tpu.memref_squeeze %dma_wait3A_1923 : memref<1x8x64xf32, #tpu.memory_space<hbm>> -> memref<8x64xf32, #tpu.memory_space<hbm>>
      tpu.wait_dma2 semaphore(%arg16 : memref<!tpu.dma_semaphore, #tpu.memory_space<semaphore_mem>>) src(%dma_wait3A_1924 : memref<8x64xf32, #tpu.memory_space<hbm>>) dst(%dma_wait3A_1921 : memref<8x64xf32, #tpu.memory_space<vmem>>)
      %dma_wait3A_1925 = arith.constant 0 : i32
      %dma_wait3A_1926 = arith.constant 232 : i32
      %dma_wait3A_1927 = arith.constant 0 : i32
      %dma_wait3A_1928 = tpu.memref_slice %arg11[%dma_wait3A_1926, %dma_wait3A_1927] : memref<256x64xf32, #tpu.memory_space<vmem>> -> memref<8x64xf32, #tpu.memory_space<vmem>>
      %dma_wait3A_1929 = arith.constant 0 : i32
      %dma_wait3A_1930 = tpu.memref_slice %arg5[%dma_wait3A_1925, %multiple_of3A_1068, %dma_wait3A_1929] : memref<1x1000000x64xf32, #tpu.memory_space<hbm>> -> memref<1x8x64xf32, #tpu.memory_space<hbm>>
      %dma_wait3A_1931 = tpu.memref_squeeze %dma_wait3A_1930 : memref<1x8x64xf32, #tpu.memory_space<hbm>> -> memref<8x64xf32, #tpu.memory_space<hbm>>
      %dma_wait3A_1932 = arith.constant 232 : i32
      %dma_wait3A_1933 = arith.constant 0 : i32
      %dma_wait3A_1934 = tpu.memref_slice %arg11[%dma_wait3A_1932, %dma_wait3A_1933] : memref<256x64xf32, #tpu.memory_space<vmem>> -> memref<8x64xf32, #tpu.memory_space<vmem>>
      %dma_wait3A_1935 = arith.constant 0 : i32
      %dma_wait3A_1936 = tpu.memref_slice %arg5[%dma_wait3A_1925, %multiple_of3A_1068, %dma_wait3A_1935] : memref<1x1000000x64xf32, #tpu.memory_space<hbm>> -> memref<1x8x64xf32, #tpu.memory_space<hbm>>
      %dma_wait3A_1937 = tpu.memref_squeeze %dma_wait3A_1936 : memref<1x8x64xf32, #tpu.memory_space<hbm>> -> memref<8x64xf32, #tpu.memory_space<hbm>>
      tpu.wait_dma2 semaphore(%arg15 : memref<!tpu.dma_semaphore, #tpu.memory_space<semaphore_mem>>) src(%dma_wait3A_1937 : memref<8x64xf32, #tpu.memory_space<hbm>>) dst(%dma_wait3A_1934 : memref<8x64xf32, #tpu.memory_space<vmem>>)
      %dma_wait3A_1938 = arith.constant 0 : i32
      %dma_wait3A_1939 = arith.constant 232 : i32
      %dma_wait3A_1940 = arith.constant 0 : i32
      %dma_wait3A_1941 = tpu.memref_slice %arg12[%dma_wait3A_1939, %dma_wait3A_1940] : memref<256x64xf32, #tpu.memory_space<vmem>> -> memref<8x64xf32, #tpu.memory_space<vmem>>
      %dma_wait3A_1942 = arith.constant 0 : i32
      %dma_wait3A_1943 = tpu.memref_slice %arg5[%dma_wait3A_1938, %multiple_of3A_1073, %dma_wait3A_1942] : memref<1x1000000x64xf32, #tpu.memory_space<hbm>> -> memref<1x8x64xf32, #tpu.memory_space<hbm>>
      %dma_wait3A_1944 = tpu.memref_squeeze %dma_wait3A_1943 : memref<1x8x64xf32, #tpu.memory_space<hbm>> -> memref<8x64xf32, #tpu.memory_space<hbm>>
      %dma_wait3A_1945 = arith.constant 232 : i32
      %dma_wait3A_1946 = arith.constant 0 : i32
      %dma_wait3A_1947 = tpu.memref_slice %arg12[%dma_wait3A_1945, %dma_wait3A_1946] : memref<256x64xf32, #tpu.memory_space<vmem>> -> memref<8x64xf32, #tpu.memory_space<vmem>>
      %dma_wait3A_1948 = arith.constant 0 : i32
      %dma_wait3A_1949 = tpu.memref_slice %arg5[%dma_wait3A_1938, %multiple_of3A_1073, %dma_wait3A_1948] : memref<1x1000000x64xf32, #tpu.memory_space<hbm>> -> memref<1x8x64xf32, #tpu.memory_space<hbm>>
      %dma_wait3A_1950 = tpu.memref_squeeze %dma_wait3A_1949 : memref<1x8x64xf32, #tpu.memory_space<hbm>> -> memref<8x64xf32, #tpu.memory_space<hbm>>
      tpu.wait_dma2 semaphore(%arg16 : memref<!tpu.dma_semaphore, #tpu.memory_space<semaphore_mem>>) src(%dma_wait3A_1950 : memref<8x64xf32, #tpu.memory_space<hbm>>) dst(%dma_wait3A_1947 : memref<8x64xf32, #tpu.memory_space<vmem>>)
      %dma_wait3A_1951 = arith.constant 0 : i32
      %dma_wait3A_1952 = arith.constant 240 : i32
      %dma_wait3A_1953 = arith.constant 0 : i32
      %dma_wait3A_1954 = tpu.memref_slice %arg11[%dma_wait3A_1952, %dma_wait3A_1953] : memref<256x64xf32, #tpu.memory_space<vmem>> -> memref<8x64xf32, #tpu.memory_space<vmem>>
      %dma_wait3A_1955 = arith.constant 0 : i32
      %dma_wait3A_1956 = tpu.memref_slice %arg5[%dma_wait3A_1951, %multiple_of3A_1104, %dma_wait3A_1955] : memref<1x1000000x64xf32, #tpu.memory_space<hbm>> -> memref<1x8x64xf32, #tpu.memory_space<hbm>>
      %dma_wait3A_1957 = tpu.memref_squeeze %dma_wait3A_1956 : memref<1x8x64xf32, #tpu.memory_space<hbm>> -> memref<8x64xf32, #tpu.memory_space<hbm>>
      %dma_wait3A_1958 = arith.constant 240 : i32
      %dma_wait3A_1959 = arith.constant 0 : i32
      %dma_wait3A_1960 = tpu.memref_slice %arg11[%dma_wait3A_1958, %dma_wait3A_1959] : memref<256x64xf32, #tpu.memory_space<vmem>> -> memref<8x64xf32, #tpu.memory_space<vmem>>
      %dma_wait3A_1961 = arith.constant 0 : i32
      %dma_wait3A_1962 = tpu.memref_slice %arg5[%dma_wait3A_1951, %multiple_of3A_1104, %dma_wait3A_1961] : memref<1x1000000x64xf32, #tpu.memory_space<hbm>> -> memref<1x8x64xf32, #tpu.memory_space<hbm>>
      %dma_wait3A_1963 = tpu.memref_squeeze %dma_wait3A_1962 : memref<1x8x64xf32, #tpu.memory_space<hbm>> -> memref<8x64xf32, #tpu.memory_space<hbm>>
      tpu.wait_dma2 semaphore(%arg15 : memref<!tpu.dma_semaphore, #tpu.memory_space<semaphore_mem>>) src(%dma_wait3A_1963 : memref<8x64xf32, #tpu.memory_space<hbm>>) dst(%dma_wait3A_1960 : memref<8x64xf32, #tpu.memory_space<vmem>>)
      %dma_wait3A_1964 = arith.constant 0 : i32
      %dma_wait3A_1965 = arith.constant 240 : i32
      %dma_wait3A_1966 = arith.constant 0 : i32
      %dma_wait3A_1967 = tpu.memref_slice %arg12[%dma_wait3A_1965, %dma_wait3A_1966] : memref<256x64xf32, #tpu.memory_space<vmem>> -> memref<8x64xf32, #tpu.memory_space<vmem>>
      %dma_wait3A_1968 = arith.constant 0 : i32
      %dma_wait3A_1969 = tpu.memref_slice %arg5[%dma_wait3A_1964, %multiple_of3A_1109, %dma_wait3A_1968] : memref<1x1000000x64xf32, #tpu.memory_space<hbm>> -> memref<1x8x64xf32, #tpu.memory_space<hbm>>
      %dma_wait3A_1970 = tpu.memref_squeeze %dma_wait3A_1969 : memref<1x8x64xf32, #tpu.memory_space<hbm>> -> memref<8x64xf32, #tpu.memory_space<hbm>>
      %dma_wait3A_1971 = arith.constant 240 : i32
      %dma_wait3A_1972 = arith.constant 0 : i32
      %dma_wait3A_1973 = tpu.memref_slice %arg12[%dma_wait3A_1971, %dma_wait3A_1972] : memref<256x64xf32, #tpu.memory_space<vmem>> -> memref<8x64xf32, #tpu.memory_space<vmem>>
      %dma_wait3A_1974 = arith.constant 0 : i32
      %dma_wait3A_1975 = tpu.memref_slice %arg5[%dma_wait3A_1964, %multiple_of3A_1109, %dma_wait3A_1974] : memref<1x1000000x64xf32, #tpu.memory_space<hbm>> -> memref<1x8x64xf32, #tpu.memory_space<hbm>>
      %dma_wait3A_1976 = tpu.memref_squeeze %dma_wait3A_1975 : memref<1x8x64xf32, #tpu.memory_space<hbm>> -> memref<8x64xf32, #tpu.memory_space<hbm>>
      tpu.wait_dma2 semaphore(%arg16 : memref<!tpu.dma_semaphore, #tpu.memory_space<semaphore_mem>>) src(%dma_wait3A_1976 : memref<8x64xf32, #tpu.memory_space<hbm>>) dst(%dma_wait3A_1973 : memref<8x64xf32, #tpu.memory_space<vmem>>)
      %dma_wait3A_1977 = arith.constant 0 : i32
      %dma_wait3A_1978 = arith.constant 248 : i32
      %dma_wait3A_1979 = arith.constant 0 : i32
      %dma_wait3A_1980 = tpu.memref_slice %arg11[%dma_wait3A_1978, %dma_wait3A_1979] : memref<256x64xf32, #tpu.memory_space<vmem>> -> memref<8x64xf32, #tpu.memory_space<vmem>>
      %dma_wait3A_1981 = arith.constant 0 : i32
      %dma_wait3A_1982 = tpu.memref_slice %arg5[%dma_wait3A_1977, %multiple_of3A_1140, %dma_wait3A_1981] : memref<1x1000000x64xf32, #tpu.memory_space<hbm>> -> memref<1x8x64xf32, #tpu.memory_space<hbm>>
      %dma_wait3A_1983 = tpu.memref_squeeze %dma_wait3A_1982 : memref<1x8x64xf32, #tpu.memory_space<hbm>> -> memref<8x64xf32, #tpu.memory_space<hbm>>
      %dma_wait3A_1984 = arith.constant 248 : i32
      %dma_wait3A_1985 = arith.constant 0 : i32
      %dma_wait3A_1986 = tpu.memref_slice %arg11[%dma_wait3A_1984, %dma_wait3A_1985] : memref<256x64xf32, #tpu.memory_space<vmem>> -> memref<8x64xf32, #tpu.memory_space<vmem>>
      %dma_wait3A_1987 = arith.constant 0 : i32
      %dma_wait3A_1988 = tpu.memref_slice %arg5[%dma_wait3A_1977, %multiple_of3A_1140, %dma_wait3A_1987] : memref<1x1000000x64xf32, #tpu.memory_space<hbm>> -> memref<1x8x64xf32, #tpu.memory_space<hbm>>
      %dma_wait3A_1989 = tpu.memref_squeeze %dma_wait3A_1988 : memref<1x8x64xf32, #tpu.memory_space<hbm>> -> memref<8x64xf32, #tpu.memory_space<hbm>>
      tpu.wait_dma2 semaphore(%arg15 : memref<!tpu.dma_semaphore, #tpu.memory_space<semaphore_mem>>) src(%dma_wait3A_1989 : memref<8x64xf32, #tpu.memory_space<hbm>>) dst(%dma_wait3A_1986 : memref<8x64xf32, #tpu.memory_space<vmem>>)
      %dma_wait3A_1990 = arith.constant 0 : i32
      %dma_wait3A_1991 = arith.constant 248 : i32
      %dma_wait3A_1992 = arith.constant 0 : i32
      %dma_wait3A_1993 = tpu.memref_slice %arg12[%dma_wait3A_1991, %dma_wait3A_1992] : memref<256x64xf32, #tpu.memory_space<vmem>> -> memref<8x64xf32, #tpu.memory_space<vmem>>
      %dma_wait3A_1994 = arith.constant 0 : i32
      %dma_wait3A_1995 = tpu.memref_slice %arg5[%dma_wait3A_1990, %multiple_of3A_1145, %dma_wait3A_1994] : memref<1x1000000x64xf32, #tpu.memory_space<hbm>> -> memref<1x8x64xf32, #tpu.memory_space<hbm>>
      %dma_wait3A_1996 = tpu.memref_squeeze %dma_wait3A_1995 : memref<1x8x64xf32, #tpu.memory_space<hbm>> -> memref<8x64xf32, #tpu.memory_space<hbm>>
      %dma_wait3A_1997 = arith.constant 248 : i32
      %dma_wait3A_1998 = arith.constant 0 : i32
      %dma_wait3A_1999 = tpu.memref_slice %arg12[%dma_wait3A_1997, %dma_wait3A_1998] : memref<256x64xf32, #tpu.memory_space<vmem>> -> memref<8x64xf32, #tpu.memory_space<vmem>>
      %dma_wait3A_2000 = arith.constant 0 : i32
      %dma_wait3A_2001 = tpu.memref_slice %arg5[%dma_wait3A_1990, %multiple_of3A_1145, %dma_wait3A_2000] : memref<1x1000000x64xf32, #tpu.memory_space<hbm>> -> memref<1x8x64xf32, #tpu.memory_space<hbm>>
      %dma_wait3A_2002 = tpu.memref_squeeze %dma_wait3A_2001 : memref<1x8x64xf32, #tpu.memory_space<hbm>> -> memref<8x64xf32, #tpu.memory_space<hbm>>
      tpu.wait_dma2 semaphore(%arg16 : memref<!tpu.dma_semaphore, #tpu.memory_space<semaphore_mem>>) src(%dma_wait3A_2002 : memref<8x64xf32, #tpu.memory_space<hbm>>) dst(%dma_wait3A_1999 : memref<8x64xf32, #tpu.memory_space<vmem>>)
      %dma_wait3A_2003 = arith.constant 0 : i32
      %dma_wait3A_2004 = arith.constant 0 : i32
      %dma_wait3A_2005 = tpu.memref_slice %arg6[%dma_wait3A_2003, %dma_wait3A_2004] : memref<1000x128xf32, #tpu.memory_space<hbm>> -> memref<1000x128xf32, #tpu.memory_space<hbm>>
      tpu.wait_indirect_dma semaphore(%arg17 : memref<!tpu.dma_semaphore, #tpu.memory_space<semaphore_mem>>) src(%dma_wait3A_2005 : memref<1000x128xf32, #tpu.memory_space<hbm>>) dst(%arg13 : memref<32x128xf32, #tpu.memory_space<vmem>>)
      %scan3A_2006 = arith.constant 0 : i32
      %scan3A_2007 = arith.constant 0 : i32
      %scan3A_2008 = arith.constant 2 : i32
      %scan3A_2009 = arith.addi %scan3A_2007, %scan3A_2008 : i32
      %scan3A_2010 = arith.constant 1 : i32
      %scan3A_2011 = scf.for %scan3A_2014 = %scan3A_2007 to %scan3A_2009 step %scan3A_2010 iter_args(%scan3A_2015 = %scan3A_2006) -> (i32)  : i32 {
        %mul3A_2016 = arith.constant 16 : i32
        %mul3A_2017 = arith.muli %scan3A_2014, %mul3A_2016 : i32
        %add3A_2018 = vector.broadcast %mul3A_2017 : i32 to vector<16xi32>
        %add3A_2019 = arith.addi %add3A_2018, %iota3A : vector<16xi32>
        %mul3A_2020 = arith.constant 16 : i32
        %mul3A_2021 = arith.muli %scan3A_2014, %mul3A_2020 : i32
        %get3A_2022 = arith.index_cast %mul3A_2021 : i32 to index
        %get3A_2023 = tpu.vector_load %arg8[%get3A_2022] {strides = array<i32>} : memref<32xi32, #tpu.memory_space<vmem>>, vector<16xi32>,
        %and3A_2024 = arith.constant 7 : i32
        %and3A_2025 = vector.broadcast %and3A_2024 : i32 to vector<16xi32>
        %and3A_2026 = arith.andi %get3A_2023, %and3A_2025 : vector<16xi32>
        %mul3A_2027 = arith.constant 16 : i32
        %mul3A_2028 = arith.muli %scan3A_2014, %mul3A_2027 : i32
        %get3A_2029 = arith.index_cast %mul3A_2028 : i32 to index
        %get3A_2030 = tpu.vector_load %arg9[%get3A_2029] {strides = array<i32>} : memref<32xi32, #tpu.memory_space<vmem>>, vector<16xi32>,
        %and3A_2031 = arith.constant 7 : i32
        %and3A_2032 = vector.broadcast %and3A_2031 : i32 to vector<16xi32>
        %and3A_2033 = arith.andi %get3A_2030, %and3A_2032 : vector<16xi32>
        %mul3A_2034 = arith.constant 8 : i32
        %mul3A_2035 = vector.broadcast %mul3A_2034 : i32 to vector<16xi32>
        %mul3A_2036 = arith.muli %add3A_2019, %mul3A_2035 : vector<16xi32>
        %add3A_2037 = arith.addi %mul3A_2036, %and3A_2026 : vector<16xi32>
        %mul3A_2038 = arith.constant 8 : i32
        %mul3A_2039 = vector.broadcast %mul3A_2038 : i32 to vector<16xi32>
        %mul3A_2040 = arith.muli %add3A_2019, %mul3A_2039 : vector<16xi32>
        %add3A_2041 = arith.addi %mul3A_2040, %and3A_2033 : vector<16xi32>
        %broadcast_in_dim3A = arith.constant 0.000000e+00 : f32
        %broadcast_in_dim3A_2042 = vector.broadcast %broadcast_in_dim3A : f32 to vector<16xf32>
        %broadcast_in_dim3A_2043 = arith.constant 0 : i32
        %broadcast_in_dim3A_2044 = vector.broadcast %broadcast_in_dim3A_2043 : i32 to vector<16xi32>
        %gather3A = tpu.vector_load_idx %arg11[%add3A_2037, %broadcast_in_dim3A_2044] : memref<256x64xf32, #tpu.memory_space<vmem>>[vector<16xi32>, vector<16xi32>], vector<16xf32>,
        %gather3A_2045 = tpu.vector_load_idx %arg12[%add3A_2041, %broadcast_in_dim3A_2044] : memref<256x64xf32, #tpu.memory_space<vmem>>[vector<16xi32>, vector<16xi32>], vector<16xf32>,
        %gather3A_2046 = tpu.vector_load_idx %arg13[%add3A_2019, %broadcast_in_dim3A_2044] : memref<32x128xf32, #tpu.memory_space<vmem>>[vector<16xi32>, vector<16xi32>], vector<16xf32>,
        %add3A_2047 = arith.constant 64 : i32
        %add3A_2048 = vector.broadcast %add3A_2047 : i32 to vector<16xi32>
        %add3A_2049 = arith.addi %broadcast_in_dim3A_2044, %add3A_2048 : vector<16xi32>
        %gather3A_2050 = tpu.vector_load_idx %arg13[%add3A_2019, %add3A_2049] : memref<32x128xf32, #tpu.memory_space<vmem>>[vector<16xi32>, vector<16xi32>], vector<16xf32>,
        %mul3A_2051 = arith.mulf %gather3A, %gather3A_2046 : vector<16xf32>
        %mul3A_2052 = arith.mulf %gather3A_2045, %gather3A_2050 : vector<16xf32>
        %sub3A = arith.subf %mul3A_2051, %mul3A_2052 : vector<16xf32>
        %abs3A = math.absf %sub3A : vector<16xf32>
        %add3A_2053 = arith.addf %broadcast_in_dim3A_2042, %abs3A : vector<16xf32>
        %broadcast_in_dim3A_2054 = arith.constant 1 : i32
        %broadcast_in_dim3A_2055 = vector.broadcast %broadcast_in_dim3A_2054 : i32 to vector<16xi32>
        %gather3A_2056 = tpu.vector_load_idx %arg11[%add3A_2037, %broadcast_in_dim3A_2055] : memref<256x64xf32, #tpu.memory_space<vmem>>[vector<16xi32>, vector<16xi32>], vector<16xf32>,
        %gather3A_2057 = tpu.vector_load_idx %arg12[%add3A_2041, %broadcast_in_dim3A_2055] : memref<256x64xf32, #tpu.memory_space<vmem>>[vector<16xi32>, vector<16xi32>], vector<16xf32>,
        %gather3A_2058 = tpu.vector_load_idx %arg13[%add3A_2019, %broadcast_in_dim3A_2055] : memref<32x128xf32, #tpu.memory_space<vmem>>[vector<16xi32>, vector<16xi32>], vector<16xf32>,
        %add3A_2059 = arith.constant 64 : i32
        %add3A_2060 = vector.broadcast %add3A_2059 : i32 to vector<16xi32>
        %add3A_2061 = arith.addi %broadcast_in_dim3A_2055, %add3A_2060 : vector<16xi32>
        %gather3A_2062 = tpu.vector_load_idx %arg13[%add3A_2019, %add3A_2061] : memref<32x128xf32, #tpu.memory_space<vmem>>[vector<16xi32>, vector<16xi32>], vector<16xf32>,
        %mul3A_2063 = arith.mulf %gather3A_2056, %gather3A_2058 : vector<16xf32>
        %mul3A_2064 = arith.mulf %gather3A_2057, %gather3A_2062 : vector<16xf32>
        %sub3A_2065 = arith.subf %mul3A_2063, %mul3A_2064 : vector<16xf32>
        %abs3A_2066 = math.absf %sub3A_2065 : vector<16xf32>
        %add3A_2067 = arith.addf %add3A_2053, %abs3A_2066 : vector<16xf32>
        %broadcast_in_dim3A_2068 = arith.constant 2 : i32
        %broadcast_in_dim3A_2069 = vector.broadcast %broadcast_in_dim3A_2068 : i32 to vector<16xi32>
        %gather3A_2070 = tpu.vector_load_idx %arg11[%add3A_2037, %broadcast_in_dim3A_2069] : memref<256x64xf32, #tpu.memory_space<vmem>>[vector<16xi32>, vector<16xi32>], vector<16xf32>,
        %gather3A_2071 = tpu.vector_load_idx %arg12[%add3A_2041, %broadcast_in_dim3A_2069] : memref<256x64xf32, #tpu.memory_space<vmem>>[vector<16xi32>, vector<16xi32>], vector<16xf32>,
        %gather3A_2072 = tpu.vector_load_idx %arg13[%add3A_2019, %broadcast_in_dim3A_2069] : memref<32x128xf32, #tpu.memory_space<vmem>>[vector<16xi32>, vector<16xi32>], vector<16xf32>,
        %add3A_2073 = arith.constant 64 : i32
        %add3A_2074 = vector.broadcast %add3A_2073 : i32 to vector<16xi32>
        %add3A_2075 = arith.addi %broadcast_in_dim3A_2069, %add3A_2074 : vector<16xi32>
        %gather3A_2076 = tpu.vector_load_idx %arg13[%add3A_2019, %add3A_2075] : memref<32x128xf32, #tpu.memory_space<vmem>>[vector<16xi32>, vector<16xi32>], vector<16xf32>,
        %mul3A_2077 = arith.mulf %gather3A_2070, %gather3A_2072 : vector<16xf32>
        %mul3A_2078 = arith.mulf %gather3A_2071, %gather3A_2076 : vector<16xf32>
        %sub3A_2079 = arith.subf %mul3A_2077, %mul3A_2078 : vector<16xf32>
        %abs3A_2080 = math.absf %sub3A_2079 : vector<16xf32>
        %add3A_2081 = arith.addf %add3A_2067, %abs3A_2080 : vector<16xf32>
        %broadcast_in_dim3A_2082 = arith.constant 3 : i32
        %broadcast_in_dim3A_2083 = vector.broadcast %broadcast_in_dim3A_2082 : i32 to vector<16xi32>
        %gather3A_2084 = tpu.vector_load_idx %arg11[%add3A_2037, %broadcast_in_dim3A_2083] : memref<256x64xf32, #tpu.memory_space<vmem>>[vector<16xi32>, vector<16xi32>], vector<16xf32>,
        %gather3A_2085 = tpu.vector_load_idx %arg12[%add3A_2041, %broadcast_in_dim3A_2083] : memref<256x64xf32, #tpu.memory_space<vmem>>[vector<16xi32>, vector<16xi32>], vector<16xf32>,
        %gather3A_2086 = tpu.vector_load_idx %arg13[%add3A_2019, %broadcast_in_dim3A_2083] : memref<32x128xf32, #tpu.memory_space<vmem>>[vector<16xi32>, vector<16xi32>], vector<16xf32>,
        %add3A_2087 = arith.constant 64 : i32
        %add3A_2088 = vector.broadcast %add3A_2087 : i32 to vector<16xi32>
        %add3A_2089 = arith.addi %broadcast_in_dim3A_2083, %add3A_2088 : vector<16xi32>
        %gather3A_2090 = tpu.vector_load_idx %arg13[%add3A_2019, %add3A_2089] : memref<32x128xf32, #tpu.memory_space<vmem>>[vector<16xi32>, vector<16xi32>], vector<16xf32>,
        %mul3A_2091 = arith.mulf %gather3A_2084, %gather3A_2086 : vector<16xf32>
        %mul3A_2092 = arith.mulf %gather3A_2085, %gather3A_2090 : vector<16xf32>
        %sub3A_2093 = arith.subf %mul3A_2091, %mul3A_2092 : vector<16xf32>
        %abs3A_2094 = math.absf %sub3A_2093 : vector<16xf32>
        %add3A_2095 = arith.addf %add3A_2081, %abs3A_2094 : vector<16xf32>
        %broadcast_in_dim3A_2096 = arith.constant 4 : i32
        %broadcast_in_dim3A_2097 = vector.broadcast %broadcast_in_dim3A_2096 : i32 to vector<16xi32>
        %gather3A_2098 = tpu.vector_load_idx %arg11[%add3A_2037, %broadcast_in_dim3A_2097] : memref<256x64xf32, #tpu.memory_space<vmem>>[vector<16xi32>, vector<16xi32>], vector<16xf32>,
        %gather3A_2099 = tpu.vector_load_idx %arg12[%add3A_2041, %broadcast_in_dim3A_2097] : memref<256x64xf32, #tpu.memory_space<vmem>>[vector<16xi32>, vector<16xi32>], vector<16xf32>,
        %gather3A_2100 = tpu.vector_load_idx %arg13[%add3A_2019, %broadcast_in_dim3A_2097] : memref<32x128xf32, #tpu.memory_space<vmem>>[vector<16xi32>, vector<16xi32>], vector<16xf32>,
        %add3A_2101 = arith.constant 64 : i32
        %add3A_2102 = vector.broadcast %add3A_2101 : i32 to vector<16xi32>
        %add3A_2103 = arith.addi %broadcast_in_dim3A_2097, %add3A_2102 : vector<16xi32>
        %gather3A_2104 = tpu.vector_load_idx %arg13[%add3A_2019, %add3A_2103] : memref<32x128xf32, #tpu.memory_space<vmem>>[vector<16xi32>, vector<16xi32>], vector<16xf32>,
        %mul3A_2105 = arith.mulf %gather3A_2098, %gather3A_2100 : vector<16xf32>
        %mul3A_2106 = arith.mulf %gather3A_2099, %gather3A_2104 : vector<16xf32>
        %sub3A_2107 = arith.subf %mul3A_2105, %mul3A_2106 : vector<16xf32>
        %abs3A_2108 = math.absf %sub3A_2107 : vector<16xf32>
        %add3A_2109 = arith.addf %add3A_2095, %abs3A_2108 : vector<16xf32>
        %broadcast_in_dim3A_2110 = arith.constant 5 : i32
        %broadcast_in_dim3A_2111 = vector.broadcast %broadcast_in_dim3A_2110 : i32 to vector<16xi32>
        %gather3A_2112 = tpu.vector_load_idx %arg11[%add3A_2037, %broadcast_in_dim3A_2111] : memref<256x64xf32, #tpu.memory_space<vmem>>[vector<16xi32>, vector<16xi32>], vector<16xf32>,
        %gather3A_2113 = tpu.vector_load_idx %arg12[%add3A_2041, %broadcast_in_dim3A_2111] : memref<256x64xf32, #tpu.memory_space<vmem>>[vector<16xi32>, vector<16xi32>], vector<16xf32>,
        %gather3A_2114 = tpu.vector_load_idx %arg13[%add3A_2019, %broadcast_in_dim3A_2111] : memref<32x128xf32, #tpu.memory_space<vmem>>[vector<16xi32>, vector<16xi32>], vector<16xf32>,
        %add3A_2115 = arith.constant 64 : i32
        %add3A_2116 = vector.broadcast %add3A_2115 : i32 to vector<16xi32>
        %add3A_2117 = arith.addi %broadcast_in_dim3A_2111, %add3A_2116 : vector<16xi32>
        %gather3A_2118 = tpu.vector_load_idx %arg13[%add3A_2019, %add3A_2117] : memref<32x128xf32, #tpu.memory_space<vmem>>[vector<16xi32>, vector<16xi32>], vector<16xf32>,
        %mul3A_2119 = arith.mulf %gather3A_2112, %gather3A_2114 : vector<16xf32>
        %mul3A_2120 = arith.mulf %gather3A_2113, %gather3A_2118 : vector<16xf32>
        %sub3A_2121 = arith.subf %mul3A_2119, %mul3A_2120 : vector<16xf32>
        %abs3A_2122 = math.absf %sub3A_2121 : vector<16xf32>
        %add3A_2123 = arith.addf %add3A_2109, %abs3A_2122 : vector<16xf32>
        %broadcast_in_dim3A_2124 = arith.constant 6 : i32
        %broadcast_in_dim3A_2125 = vector.broadcast %broadcast_in_dim3A_2124 : i32 to vector<16xi32>
        %gather3A_2126 = tpu.vector_load_idx %arg11[%add3A_2037, %broadcast_in_dim3A_2125] : memref<256x64xf32, #tpu.memory_space<vmem>>[vector<16xi32>, vector<16xi32>], vector<16xf32>,
        %gather3A_2127 = tpu.vector_load_idx %arg12[%add3A_2041, %broadcast_in_dim3A_2125] : memref<256x64xf32, #tpu.memory_space<vmem>>[vector<16xi32>, vector<16xi32>], vector<16xf32>,
        %gather3A_2128 = tpu.vector_load_idx %arg13[%add3A_2019, %broadcast_in_dim3A_2125] : memref<32x128xf32, #tpu.memory_space<vmem>>[vector<16xi32>, vector<16xi32>], vector<16xf32>,
        %add3A_2129 = arith.constant 64 : i32
        %add3A_2130 = vector.broadcast %add3A_2129 : i32 to vector<16xi32>
        %add3A_2131 = arith.addi %broadcast_in_dim3A_2125, %add3A_2130 : vector<16xi32>
        %gather3A_2132 = tpu.vector_load_idx %arg13[%add3A_2019, %add3A_2131] : memref<32x128xf32, #tpu.memory_space<vmem>>[vector<16xi32>, vector<16xi32>], vector<16xf32>,
        %mul3A_2133 = arith.mulf %gather3A_2126, %gather3A_2128 : vector<16xf32>
        %mul3A_2134 = arith.mulf %gather3A_2127, %gather3A_2132 : vector<16xf32>
        %sub3A_2135 = arith.subf %mul3A_2133, %mul3A_2134 : vector<16xf32>
        %abs3A_2136 = math.absf %sub3A_2135 : vector<16xf32>
        %add3A_2137 = arith.addf %add3A_2123, %abs3A_2136 : vector<16xf32>
        %broadcast_in_dim3A_2138 = arith.constant 7 : i32
        %broadcast_in_dim3A_2139 = vector.broadcast %broadcast_in_dim3A_2138 : i32 to vector<16xi32>
        %gather3A_2140 = tpu.vector_load_idx %arg11[%add3A_2037, %broadcast_in_dim3A_2139] : memref<256x64xf32, #tpu.memory_space<vmem>>[vector<16xi32>, vector<16xi32>], vector<16xf32>,
        %gather3A_2141 = tpu.vector_load_idx %arg12[%add3A_2041, %broadcast_in_dim3A_2139] : memref<256x64xf32, #tpu.memory_space<vmem>>[vector<16xi32>, vector<16xi32>], vector<16xf32>,
        %gather3A_2142 = tpu.vector_load_idx %arg13[%add3A_2019, %broadcast_in_dim3A_2139] : memref<32x128xf32, #tpu.memory_space<vmem>>[vector<16xi32>, vector<16xi32>], vector<16xf32>,
        %add3A_2143 = arith.constant 64 : i32
        %add3A_2144 = vector.broadcast %add3A_2143 : i32 to vector<16xi32>
        %add3A_2145 = arith.addi %broadcast_in_dim3A_2139, %add3A_2144 : vector<16xi32>
        %gather3A_2146 = tpu.vector_load_idx %arg13[%add3A_2019, %add3A_2145] : memref<32x128xf32, #tpu.memory_space<vmem>>[vector<16xi32>, vector<16xi32>], vector<16xf32>,
        %mul3A_2147 = arith.mulf %gather3A_2140, %gather3A_2142 : vector<16xf32>
        %mul3A_2148 = arith.mulf %gather3A_2141, %gather3A_2146 : vector<16xf32>
        %sub3A_2149 = arith.subf %mul3A_2147, %mul3A_2148 : vector<16xf32>
        %abs3A_2150 = math.absf %sub3A_2149 : vector<16xf32>
        %add3A_2151 = arith.addf %add3A_2137, %abs3A_2150 : vector<16xf32>
        %broadcast_in_dim3A_2152 = arith.constant 8 : i32
        %broadcast_in_dim3A_2153 = vector.broadcast %broadcast_in_dim3A_2152 : i32 to vector<16xi32>
        %gather3A_2154 = tpu.vector_load_idx %arg11[%add3A_2037, %broadcast_in_dim3A_2153] : memref<256x64xf32, #tpu.memory_space<vmem>>[vector<16xi32>, vector<16xi32>], vector<16xf32>,
        %gather3A_2155 = tpu.vector_load_idx %arg12[%add3A_2041, %broadcast_in_dim3A_2153] : memref<256x64xf32, #tpu.memory_space<vmem>>[vector<16xi32>, vector<16xi32>], vector<16xf32>,
        %gather3A_2156 = tpu.vector_load_idx %arg13[%add3A_2019, %broadcast_in_dim3A_2153] : memref<32x128xf32, #tpu.memory_space<vmem>>[vector<16xi32>, vector<16xi32>], vector<16xf32>,
        %add3A_2157 = arith.constant 64 : i32
        %add3A_2158 = vector.broadcast %add3A_2157 : i32 to vector<16xi32>
        %add3A_2159 = arith.addi %broadcast_in_dim3A_2153, %add3A_2158 : vector<16xi32>
        %gather3A_2160 = tpu.vector_load_idx %arg13[%add3A_2019, %add3A_2159] : memref<32x128xf32, #tpu.memory_space<vmem>>[vector<16xi32>, vector<16xi32>], vector<16xf32>,
        %mul3A_2161 = arith.mulf %gather3A_2154, %gather3A_2156 : vector<16xf32>
        %mul3A_2162 = arith.mulf %gather3A_2155, %gather3A_2160 : vector<16xf32>
        %sub3A_2163 = arith.subf %mul3A_2161, %mul3A_2162 : vector<16xf32>
        %abs3A_2164 = math.absf %sub3A_2163 : vector<16xf32>
        %add3A_2165 = arith.addf %add3A_2151, %abs3A_2164 : vector<16xf32>
        %broadcast_in_dim3A_2166 = arith.constant 9 : i32
        %broadcast_in_dim3A_2167 = vector.broadcast %broadcast_in_dim3A_2166 : i32 to vector<16xi32>
        %gather3A_2168 = tpu.vector_load_idx %arg11[%add3A_2037, %broadcast_in_dim3A_2167] : memref<256x64xf32, #tpu.memory_space<vmem>>[vector<16xi32>, vector<16xi32>], vector<16xf32>,
        %gather3A_2169 = tpu.vector_load_idx %arg12[%add3A_2041, %broadcast_in_dim3A_2167] : memref<256x64xf32, #tpu.memory_space<vmem>>[vector<16xi32>, vector<16xi32>], vector<16xf32>,
        %gather3A_2170 = tpu.vector_load_idx %arg13[%add3A_2019, %broadcast_in_dim3A_2167] : memref<32x128xf32, #tpu.memory_space<vmem>>[vector<16xi32>, vector<16xi32>], vector<16xf32>,
        %add3A_2171 = arith.constant 64 : i32
        %add3A_2172 = vector.broadcast %add3A_2171 : i32 to vector<16xi32>
        %add3A_2173 = arith.addi %broadcast_in_dim3A_2167, %add3A_2172 : vector<16xi32>
        %gather3A_2174 = tpu.vector_load_idx %arg13[%add3A_2019, %add3A_2173] : memref<32x128xf32, #tpu.memory_space<vmem>>[vector<16xi32>, vector<16xi32>], vector<16xf32>,
        %mul3A_2175 = arith.mulf %gather3A_2168, %gather3A_2170 : vector<16xf32>
        %mul3A_2176 = arith.mulf %gather3A_2169, %gather3A_2174 : vector<16xf32>
        %sub3A_2177 = arith.subf %mul3A_2175, %mul3A_2176 : vector<16xf32>
        %abs3A_2178 = math.absf %sub3A_2177 : vector<16xf32>
        %add3A_2179 = arith.addf %add3A_2165, %abs3A_2178 : vector<16xf32>
        %broadcast_in_dim3A_2180 = arith.constant 10 : i32
        %broadcast_in_dim3A_2181 = vector.broadcast %broadcast_in_dim3A_2180 : i32 to vector<16xi32>
        %gather3A_2182 = tpu.vector_load_idx %arg11[%add3A_2037, %broadcast_in_dim3A_2181] : memref<256x64xf32, #tpu.memory_space<vmem>>[vector<16xi32>, vector<16xi32>], vector<16xf32>,
        %gather3A_2183 = tpu.vector_load_idx %arg12[%add3A_2041, %broadcast_in_dim3A_2181] : memref<256x64xf32, #tpu.memory_space<vmem>>[vector<16xi32>, vector<16xi32>], vector<16xf32>,
        %gather3A_2184 = tpu.vector_load_idx %arg13[%add3A_2019, %broadcast_in_dim3A_2181] : memref<32x128xf32, #tpu.memory_space<vmem>>[vector<16xi32>, vector<16xi32>], vector<16xf32>,
        %add3A_2185 = arith.constant 64 : i32
        %add3A_2186 = vector.broadcast %add3A_2185 : i32 to vector<16xi32>
        %add3A_2187 = arith.addi %broadcast_in_dim3A_2181, %add3A_2186 : vector<16xi32>
        %gather3A_2188 = tpu.vector_load_idx %arg13[%add3A_2019, %add3A_2187] : memref<32x128xf32, #tpu.memory_space<vmem>>[vector<16xi32>, vector<16xi32>], vector<16xf32>,
        %mul3A_2189 = arith.mulf %gather3A_2182, %gather3A_2184 : vector<16xf32>
        %mul3A_2190 = arith.mulf %gather3A_2183, %gather3A_2188 : vector<16xf32>
        %sub3A_2191 = arith.subf %mul3A_2189, %mul3A_2190 : vector<16xf32>
        %abs3A_2192 = math.absf %sub3A_2191 : vector<16xf32>
        %add3A_2193 = arith.addf %add3A_2179, %abs3A_2192 : vector<16xf32>
        %broadcast_in_dim3A_2194 = arith.constant 11 : i32
        %broadcast_in_dim3A_2195 = vector.broadcast %broadcast_in_dim3A_2194 : i32 to vector<16xi32>
        %gather3A_2196 = tpu.vector_load_idx %arg11[%add3A_2037, %broadcast_in_dim3A_2195] : memref<256x64xf32, #tpu.memory_space<vmem>>[vector<16xi32>, vector<16xi32>], vector<16xf32>,
        %gather3A_2197 = tpu.vector_load_idx %arg12[%add3A_2041, %broadcast_in_dim3A_2195] : memref<256x64xf32, #tpu.memory_space<vmem>>[vector<16xi32>, vector<16xi32>], vector<16xf32>,
        %gather3A_2198 = tpu.vector_load_idx %arg13[%add3A_2019, %broadcast_in_dim3A_2195] : memref<32x128xf32, #tpu.memory_space<vmem>>[vector<16xi32>, vector<16xi32>], vector<16xf32>,
        %add3A_2199 = arith.constant 64 : i32
        %add3A_2200 = vector.broadcast %add3A_2199 : i32 to vector<16xi32>
        %add3A_2201 = arith.addi %broadcast_in_dim3A_2195, %add3A_2200 : vector<16xi32>
        %gather3A_2202 = tpu.vector_load_idx %arg13[%add3A_2019, %add3A_2201] : memref<32x128xf32, #tpu.memory_space<vmem>>[vector<16xi32>, vector<16xi32>], vector<16xf32>,
        %mul3A_2203 = arith.mulf %gather3A_2196, %gather3A_2198 : vector<16xf32>
        %mul3A_2204 = arith.mulf %gather3A_2197, %gather3A_2202 : vector<16xf32>
        %sub3A_2205 = arith.subf %mul3A_2203, %mul3A_2204 : vector<16xf32>
        %abs3A_2206 = math.absf %sub3A_2205 : vector<16xf32>
        %add3A_2207 = arith.addf %add3A_2193, %abs3A_2206 : vector<16xf32>
        %broadcast_in_dim3A_2208 = arith.constant 12 : i32
        %broadcast_in_dim3A_2209 = vector.broadcast %broadcast_in_dim3A_2208 : i32 to vector<16xi32>
        %gather3A_2210 = tpu.vector_load_idx %arg11[%add3A_2037, %broadcast_in_dim3A_2209] : memref<256x64xf32, #tpu.memory_space<vmem>>[vector<16xi32>, vector<16xi32>], vector<16xf32>,
        %gather3A_2211 = tpu.vector_load_idx %arg12[%add3A_2041, %broadcast_in_dim3A_2209] : memref<256x64xf32, #tpu.memory_space<vmem>>[vector<16xi32>, vector<16xi32>], vector<16xf32>,
        %gather3A_2212 = tpu.vector_load_idx %arg13[%add3A_2019, %broadcast_in_dim3A_2209] : memref<32x128xf32, #tpu.memory_space<vmem>>[vector<16xi32>, vector<16xi32>], vector<16xf32>,
        %add3A_2213 = arith.constant 64 : i32
        %add3A_2214 = vector.broadcast %add3A_2213 : i32 to vector<16xi32>
        %add3A_2215 = arith.addi %broadcast_in_dim3A_2209, %add3A_2214 : vector<16xi32>
        %gather3A_2216 = tpu.vector_load_idx %arg13[%add3A_2019, %add3A_2215] : memref<32x128xf32, #tpu.memory_space<vmem>>[vector<16xi32>, vector<16xi32>], vector<16xf32>,
        %mul3A_2217 = arith.mulf %gather3A_2210, %gather3A_2212 : vector<16xf32>
        %mul3A_2218 = arith.mulf %gather3A_2211, %gather3A_2216 : vector<16xf32>
        %sub3A_2219 = arith.subf %mul3A_2217, %mul3A_2218 : vector<16xf32>
        %abs3A_2220 = math.absf %sub3A_2219 : vector<16xf32>
        %add3A_2221 = arith.addf %add3A_2207, %abs3A_2220 : vector<16xf32>
        %broadcast_in_dim3A_2222 = arith.constant 13 : i32
        %broadcast_in_dim3A_2223 = vector.broadcast %broadcast_in_dim3A_2222 : i32 to vector<16xi32>
        %gather3A_2224 = tpu.vector_load_idx %arg11[%add3A_2037, %broadcast_in_dim3A_2223] : memref<256x64xf32, #tpu.memory_space<vmem>>[vector<16xi32>, vector<16xi32>], vector<16xf32>,
        %gather3A_2225 = tpu.vector_load_idx %arg12[%add3A_2041, %broadcast_in_dim3A_2223] : memref<256x64xf32, #tpu.memory_space<vmem>>[vector<16xi32>, vector<16xi32>], vector<16xf32>,
        %gather3A_2226 = tpu.vector_load_idx %arg13[%add3A_2019, %broadcast_in_dim3A_2223] : memref<32x128xf32, #tpu.memory_space<vmem>>[vector<16xi32>, vector<16xi32>], vector<16xf32>,
        %add3A_2227 = arith.constant 64 : i32
        %add3A_2228 = vector.broadcast %add3A_2227 : i32 to vector<16xi32>
        %add3A_2229 = arith.addi %broadcast_in_dim3A_2223, %add3A_2228 : vector<16xi32>
        %gather3A_2230 = tpu.vector_load_idx %arg13[%add3A_2019, %add3A_2229] : memref<32x128xf32, #tpu.memory_space<vmem>>[vector<16xi32>, vector<16xi32>], vector<16xf32>,
        %mul3A_2231 = arith.mulf %gather3A_2224, %gather3A_2226 : vector<16xf32>
        %mul3A_2232 = arith.mulf %gather3A_2225, %gather3A_2230 : vector<16xf32>
        %sub3A_2233 = arith.subf %mul3A_2231, %mul3A_2232 : vector<16xf32>
        %abs3A_2234 = math.absf %sub3A_2233 : vector<16xf32>
        %add3A_2235 = arith.addf %add3A_2221, %abs3A_2234 : vector<16xf32>
        %broadcast_in_dim3A_2236 = arith.constant 14 : i32
        %broadcast_in_dim3A_2237 = vector.broadcast %broadcast_in_dim3A_2236 : i32 to vector<16xi32>
        %gather3A_2238 = tpu.vector_load_idx %arg11[%add3A_2037, %broadcast_in_dim3A_2237] : memref<256x64xf32, #tpu.memory_space<vmem>>[vector<16xi32>, vector<16xi32>], vector<16xf32>,
        %gather3A_2239 = tpu.vector_load_idx %arg12[%add3A_2041, %broadcast_in_dim3A_2237] : memref<256x64xf32, #tpu.memory_space<vmem>>[vector<16xi32>, vector<16xi32>], vector<16xf32>,
        %gather3A_2240 = tpu.vector_load_idx %arg13[%add3A_2019, %broadcast_in_dim3A_2237] : memref<32x128xf32, #tpu.memory_space<vmem>>[vector<16xi32>, vector<16xi32>], vector<16xf32>,
        %add3A_2241 = arith.constant 64 : i32
        %add3A_2242 = vector.broadcast %add3A_2241 : i32 to vector<16xi32>
        %add3A_2243 = arith.addi %broadcast_in_dim3A_2237, %add3A_2242 : vector<16xi32>
        %gather3A_2244 = tpu.vector_load_idx %arg13[%add3A_2019, %add3A_2243] : memref<32x128xf32, #tpu.memory_space<vmem>>[vector<16xi32>, vector<16xi32>], vector<16xf32>,
        %mul3A_2245 = arith.mulf %gather3A_2238, %gather3A_2240 : vector<16xf32>
        %mul3A_2246 = arith.mulf %gather3A_2239, %gather3A_2244 : vector<16xf32>
        %sub3A_2247 = arith.subf %mul3A_2245, %mul3A_2246 : vector<16xf32>
        %abs3A_2248 = math.absf %sub3A_2247 : vector<16xf32>
        %add3A_2249 = arith.addf %add3A_2235, %abs3A_2248 : vector<16xf32>
        %broadcast_in_dim3A_2250 = arith.constant 15 : i32
        %broadcast_in_dim3A_2251 = vector.broadcast %broadcast_in_dim3A_2250 : i32 to vector<16xi32>
        %gather3A_2252 = tpu.vector_load_idx %arg11[%add3A_2037, %broadcast_in_dim3A_2251] : memref<256x64xf32, #tpu.memory_space<vmem>>[vector<16xi32>, vector<16xi32>], vector<16xf32>,
        %gather3A_2253 = tpu.vector_load_idx %arg12[%add3A_2041, %broadcast_in_dim3A_2251] : memref<256x64xf32, #tpu.memory_space<vmem>>[vector<16xi32>, vector<16xi32>], vector<16xf32>,
        %gather3A_2254 = tpu.vector_load_idx %arg13[%add3A_2019, %broadcast_in_dim3A_2251] : memref<32x128xf32, #tpu.memory_space<vmem>>[vector<16xi32>, vector<16xi32>], vector<16xf32>,
        %add3A_2255 = arith.constant 64 : i32
        %add3A_2256 = vector.broadcast %add3A_2255 : i32 to vector<16xi32>
        %add3A_2257 = arith.addi %broadcast_in_dim3A_2251, %add3A_2256 : vector<16xi32>
        %gather3A_2258 = tpu.vector_load_idx %arg13[%add3A_2019, %add3A_2257] : memref<32x128xf32, #tpu.memory_space<vmem>>[vector<16xi32>, vector<16xi32>], vector<16xf32>,
        %mul3A_2259 = arith.mulf %gather3A_2252, %gather3A_2254 : vector<16xf32>
        %mul3A_2260 = arith.mulf %gather3A_2253, %gather3A_2258 : vector<16xf32>
        %sub3A_2261 = arith.subf %mul3A_2259, %mul3A_2260 : vector<16xf32>
        %abs3A_2262 = math.absf %sub3A_2261 : vector<16xf32>
        %add3A_2263 = arith.addf %add3A_2249, %abs3A_2262 : vector<16xf32>
        %broadcast_in_dim3A_2264 = arith.constant 16 : i32
        %broadcast_in_dim3A_2265 = vector.broadcast %broadcast_in_dim3A_2264 : i32 to vector<16xi32>
        %gather3A_2266 = tpu.vector_load_idx %arg11[%add3A_2037, %broadcast_in_dim3A_2265] : memref<256x64xf32, #tpu.memory_space<vmem>>[vector<16xi32>, vector<16xi32>], vector<16xf32>,
        %gather3A_2267 = tpu.vector_load_idx %arg12[%add3A_2041, %broadcast_in_dim3A_2265] : memref<256x64xf32, #tpu.memory_space<vmem>>[vector<16xi32>, vector<16xi32>], vector<16xf32>,
        %gather3A_2268 = tpu.vector_load_idx %arg13[%add3A_2019, %broadcast_in_dim3A_2265] : memref<32x128xf32, #tpu.memory_space<vmem>>[vector<16xi32>, vector<16xi32>], vector<16xf32>,
        %add3A_2269 = arith.constant 64 : i32
        %add3A_2270 = vector.broadcast %add3A_2269 : i32 to vector<16xi32>
        %add3A_2271 = arith.addi %broadcast_in_dim3A_2265, %add3A_2270 : vector<16xi32>
        %gather3A_2272 = tpu.vector_load_idx %arg13[%add3A_2019, %add3A_2271] : memref<32x128xf32, #tpu.memory_space<vmem>>[vector<16xi32>, vector<16xi32>], vector<16xf32>,
        %mul3A_2273 = arith.mulf %gather3A_2266, %gather3A_2268 : vector<16xf32>
        %mul3A_2274 = arith.mulf %gather3A_2267, %gather3A_2272 : vector<16xf32>
        %sub3A_2275 = arith.subf %mul3A_2273, %mul3A_2274 : vector<16xf32>
        %abs3A_2276 = math.absf %sub3A_2275 : vector<16xf32>
        %add3A_2277 = arith.addf %add3A_2263, %abs3A_2276 : vector<16xf32>
        %broadcast_in_dim3A_2278 = arith.constant 17 : i32
        %broadcast_in_dim3A_2279 = vector.broadcast %broadcast_in_dim3A_2278 : i32 to vector<16xi32>
        %gather3A_2280 = tpu.vector_load_idx %arg11[%add3A_2037, %broadcast_in_dim3A_2279] : memref<256x64xf32, #tpu.memory_space<vmem>>[vector<16xi32>, vector<16xi32>], vector<16xf32>,
        %gather3A_2281 = tpu.vector_load_idx %arg12[%add3A_2041, %broadcast_in_dim3A_2279] : memref<256x64xf32, #tpu.memory_space<vmem>>[vector<16xi32>, vector<16xi32>], vector<16xf32>,
        %gather3A_2282 = tpu.vector_load_idx %arg13[%add3A_2019, %broadcast_in_dim3A_2279] : memref<32x128xf32, #tpu.memory_space<vmem>>[vector<16xi32>, vector<16xi32>], vector<16xf32>,
        %add3A_2283 = arith.constant 64 : i32
        %add3A_2284 = vector.broadcast %add3A_2283 : i32 to vector<16xi32>
        %add3A_2285 = arith.addi %broadcast_in_dim3A_2279, %add3A_2284 : vector<16xi32>
        %gather3A_2286 = tpu.vector_load_idx %arg13[%add3A_2019, %add3A_2285] : memref<32x128xf32, #tpu.memory_space<vmem>>[vector<16xi32>, vector<16xi32>], vector<16xf32>,
        %mul3A_2287 = arith.mulf %gather3A_2280, %gather3A_2282 : vector<16xf32>
        %mul3A_2288 = arith.mulf %gather3A_2281, %gather3A_2286 : vector<16xf32>
        %sub3A_2289 = arith.subf %mul3A_2287, %mul3A_2288 : vector<16xf32>
        %abs3A_2290 = math.absf %sub3A_2289 : vector<16xf32>
        %add3A_2291 = arith.addf %add3A_2277, %abs3A_2290 : vector<16xf32>
        %broadcast_in_dim3A_2292 = arith.constant 18 : i32
        %broadcast_in_dim3A_2293 = vector.broadcast %broadcast_in_dim3A_2292 : i32 to vector<16xi32>
        %gather3A_2294 = tpu.vector_load_idx %arg11[%add3A_2037, %broadcast_in_dim3A_2293] : memref<256x64xf32, #tpu.memory_space<vmem>>[vector<16xi32>, vector<16xi32>], vector<16xf32>,
        %gather3A_2295 = tpu.vector_load_idx %arg12[%add3A_2041, %broadcast_in_dim3A_2293] : memref<256x64xf32, #tpu.memory_space<vmem>>[vector<16xi32>, vector<16xi32>], vector<16xf32>,
        %gather3A_2296 = tpu.vector_load_idx %arg13[%add3A_2019, %broadcast_in_dim3A_2293] : memref<32x128xf32, #tpu.memory_space<vmem>>[vector<16xi32>, vector<16xi32>], vector<16xf32>,
        %add3A_2297 = arith.constant 64 : i32
        %add3A_2298 = vector.broadcast %add3A_2297 : i32 to vector<16xi32>
        %add3A_2299 = arith.addi %broadcast_in_dim3A_2293, %add3A_2298 : vector<16xi32>
        %gather3A_2300 = tpu.vector_load_idx %arg13[%add3A_2019, %add3A_2299] : memref<32x128xf32, #tpu.memory_space<vmem>>[vector<16xi32>, vector<16xi32>], vector<16xf32>,
        %mul3A_2301 = arith.mulf %gather3A_2294, %gather3A_2296 : vector<16xf32>
        %mul3A_2302 = arith.mulf %gather3A_2295, %gather3A_2300 : vector<16xf32>
        %sub3A_2303 = arith.subf %mul3A_2301, %mul3A_2302 : vector<16xf32>
        %abs3A_2304 = math.absf %sub3A_2303 : vector<16xf32>
        %add3A_2305 = arith.addf %add3A_2291, %abs3A_2304 : vector<16xf32>
        %broadcast_in_dim3A_2306 = arith.constant 19 : i32
        %broadcast_in_dim3A_2307 = vector.broadcast %broadcast_in_dim3A_2306 : i32 to vector<16xi32>
        %gather3A_2308 = tpu.vector_load_idx %arg11[%add3A_2037, %broadcast_in_dim3A_2307] : memref<256x64xf32, #tpu.memory_space<vmem>>[vector<16xi32>, vector<16xi32>], vector<16xf32>,
        %gather3A_2309 = tpu.vector_load_idx %arg12[%add3A_2041, %broadcast_in_dim3A_2307] : memref<256x64xf32, #tpu.memory_space<vmem>>[vector<16xi32>, vector<16xi32>], vector<16xf32>,
        %gather3A_2310 = tpu.vector_load_idx %arg13[%add3A_2019, %broadcast_in_dim3A_2307] : memref<32x128xf32, #tpu.memory_space<vmem>>[vector<16xi32>, vector<16xi32>], vector<16xf32>,
        %add3A_2311 = arith.constant 64 : i32
        %add3A_2312 = vector.broadcast %add3A_2311 : i32 to vector<16xi32>
        %add3A_2313 = arith.addi %broadcast_in_dim3A_2307, %add3A_2312 : vector<16xi32>
        %gather3A_2314 = tpu.vector_load_idx %arg13[%add3A_2019, %add3A_2313] : memref<32x128xf32, #tpu.memory_space<vmem>>[vector<16xi32>, vector<16xi32>], vector<16xf32>,
        %mul3A_2315 = arith.mulf %gather3A_2308, %gather3A_2310 : vector<16xf32>
        %mul3A_2316 = arith.mulf %gather3A_2309, %gather3A_2314 : vector<16xf32>
        %sub3A_2317 = arith.subf %mul3A_2315, %mul3A_2316 : vector<16xf32>
        %abs3A_2318 = math.absf %sub3A_2317 : vector<16xf32>
        %add3A_2319 = arith.addf %add3A_2305, %abs3A_2318 : vector<16xf32>
        %broadcast_in_dim3A_2320 = arith.constant 20 : i32
        %broadcast_in_dim3A_2321 = vector.broadcast %broadcast_in_dim3A_2320 : i32 to vector<16xi32>
        %gather3A_2322 = tpu.vector_load_idx %arg11[%add3A_2037, %broadcast_in_dim3A_2321] : memref<256x64xf32, #tpu.memory_space<vmem>>[vector<16xi32>, vector<16xi32>], vector<16xf32>,
        %gather3A_2323 = tpu.vector_load_idx %arg12[%add3A_2041, %broadcast_in_dim3A_2321] : memref<256x64xf32, #tpu.memory_space<vmem>>[vector<16xi32>, vector<16xi32>], vector<16xf32>,
        %gather3A_2324 = tpu.vector_load_idx %arg13[%add3A_2019, %broadcast_in_dim3A_2321] : memref<32x128xf32, #tpu.memory_space<vmem>>[vector<16xi32>, vector<16xi32>], vector<16xf32>,
        %add3A_2325 = arith.constant 64 : i32
        %add3A_2326 = vector.broadcast %add3A_2325 : i32 to vector<16xi32>
        %add3A_2327 = arith.addi %broadcast_in_dim3A_2321, %add3A_2326 : vector<16xi32>
        %gather3A_2328 = tpu.vector_load_idx %arg13[%add3A_2019, %add3A_2327] : memref<32x128xf32, #tpu.memory_space<vmem>>[vector<16xi32>, vector<16xi32>], vector<16xf32>,
        %mul3A_2329 = arith.mulf %gather3A_2322, %gather3A_2324 : vector<16xf32>
        %mul3A_2330 = arith.mulf %gather3A_2323, %gather3A_2328 : vector<16xf32>
        %sub3A_2331 = arith.subf %mul3A_2329, %mul3A_2330 : vector<16xf32>
        %abs3A_2332 = math.absf %sub3A_2331 : vector<16xf32>
        %add3A_2333 = arith.addf %add3A_2319, %abs3A_2332 : vector<16xf32>
        %broadcast_in_dim3A_2334 = arith.constant 21 : i32
        %broadcast_in_dim3A_2335 = vector.broadcast %broadcast_in_dim3A_2334 : i32 to vector<16xi32>
        %gather3A_2336 = tpu.vector_load_idx %arg11[%add3A_2037, %broadcast_in_dim3A_2335] : memref<256x64xf32, #tpu.memory_space<vmem>>[vector<16xi32>, vector<16xi32>], vector<16xf32>,
        %gather3A_2337 = tpu.vector_load_idx %arg12[%add3A_2041, %broadcast_in_dim3A_2335] : memref<256x64xf32, #tpu.memory_space<vmem>>[vector<16xi32>, vector<16xi32>], vector<16xf32>,
        %gather3A_2338 = tpu.vector_load_idx %arg13[%add3A_2019, %broadcast_in_dim3A_2335] : memref<32x128xf32, #tpu.memory_space<vmem>>[vector<16xi32>, vector<16xi32>], vector<16xf32>,
        %add3A_2339 = arith.constant 64 : i32
        %add3A_2340 = vector.broadcast %add3A_2339 : i32 to vector<16xi32>
        %add3A_2341 = arith.addi %broadcast_in_dim3A_2335, %add3A_2340 : vector<16xi32>
        %gather3A_2342 = tpu.vector_load_idx %arg13[%add3A_2019, %add3A_2341] : memref<32x128xf32, #tpu.memory_space<vmem>>[vector<16xi32>, vector<16xi32>], vector<16xf32>,
        %mul3A_2343 = arith.mulf %gather3A_2336, %gather3A_2338 : vector<16xf32>
        %mul3A_2344 = arith.mulf %gather3A_2337, %gather3A_2342 : vector<16xf32>
        %sub3A_2345 = arith.subf %mul3A_2343, %mul3A_2344 : vector<16xf32>
        %abs3A_2346 = math.absf %sub3A_2345 : vector<16xf32>
        %add3A_2347 = arith.addf %add3A_2333, %abs3A_2346 : vector<16xf32>
        %broadcast_in_dim3A_2348 = arith.constant 22 : i32
        %broadcast_in_dim3A_2349 = vector.broadcast %broadcast_in_dim3A_2348 : i32 to vector<16xi32>
        %gather3A_2350 = tpu.vector_load_idx %arg11[%add3A_2037, %broadcast_in_dim3A_2349] : memref<256x64xf32, #tpu.memory_space<vmem>>[vector<16xi32>, vector<16xi32>], vector<16xf32>,
        %gather3A_2351 = tpu.vector_load_idx %arg12[%add3A_2041, %broadcast_in_dim3A_2349] : memref<256x64xf32, #tpu.memory_space<vmem>>[vector<16xi32>, vector<16xi32>], vector<16xf32>,
        %gather3A_2352 = tpu.vector_load_idx %arg13[%add3A_2019, %broadcast_in_dim3A_2349] : memref<32x128xf32, #tpu.memory_space<vmem>>[vector<16xi32>, vector<16xi32>], vector<16xf32>,
        %add3A_2353 = arith.constant 64 : i32
        %add3A_2354 = vector.broadcast %add3A_2353 : i32 to vector<16xi32>
        %add3A_2355 = arith.addi %broadcast_in_dim3A_2349, %add3A_2354 : vector<16xi32>
        %gather3A_2356 = tpu.vector_load_idx %arg13[%add3A_2019, %add3A_2355] : memref<32x128xf32, #tpu.memory_space<vmem>>[vector<16xi32>, vector<16xi32>], vector<16xf32>,
        %mul3A_2357 = arith.mulf %gather3A_2350, %gather3A_2352 : vector<16xf32>
        %mul3A_2358 = arith.mulf %gather3A_2351, %gather3A_2356 : vector<16xf32>
        %sub3A_2359 = arith.subf %mul3A_2357, %mul3A_2358 : vector<16xf32>
        %abs3A_2360 = math.absf %sub3A_2359 : vector<16xf32>
        %add3A_2361 = arith.addf %add3A_2347, %abs3A_2360 : vector<16xf32>
        %broadcast_in_dim3A_2362 = arith.constant 23 : i32
        %broadcast_in_dim3A_2363 = vector.broadcast %broadcast_in_dim3A_2362 : i32 to vector<16xi32>
        %gather3A_2364 = tpu.vector_load_idx %arg11[%add3A_2037, %broadcast_in_dim3A_2363] : memref<256x64xf32, #tpu.memory_space<vmem>>[vector<16xi32>, vector<16xi32>], vector<16xf32>,
        %gather3A_2365 = tpu.vector_load_idx %arg12[%add3A_2041, %broadcast_in_dim3A_2363] : memref<256x64xf32, #tpu.memory_space<vmem>>[vector<16xi32>, vector<16xi32>], vector<16xf32>,
        %gather3A_2366 = tpu.vector_load_idx %arg13[%add3A_2019, %broadcast_in_dim3A_2363] : memref<32x128xf32, #tpu.memory_space<vmem>>[vector<16xi32>, vector<16xi32>], vector<16xf32>,
        %add3A_2367 = arith.constant 64 : i32
        %add3A_2368 = vector.broadcast %add3A_2367 : i32 to vector<16xi32>
        %add3A_2369 = arith.addi %broadcast_in_dim3A_2363, %add3A_2368 : vector<16xi32>
        %gather3A_2370 = tpu.vector_load_idx %arg13[%add3A_2019, %add3A_2369] : memref<32x128xf32, #tpu.memory_space<vmem>>[vector<16xi32>, vector<16xi32>], vector<16xf32>,
        %mul3A_2371 = arith.mulf %gather3A_2364, %gather3A_2366 : vector<16xf32>
        %mul3A_2372 = arith.mulf %gather3A_2365, %gather3A_2370 : vector<16xf32>
        %sub3A_2373 = arith.subf %mul3A_2371, %mul3A_2372 : vector<16xf32>
        %abs3A_2374 = math.absf %sub3A_2373 : vector<16xf32>
        %add3A_2375 = arith.addf %add3A_2361, %abs3A_2374 : vector<16xf32>
        %broadcast_in_dim3A_2376 = arith.constant 24 : i32
        %broadcast_in_dim3A_2377 = vector.broadcast %broadcast_in_dim3A_2376 : i32 to vector<16xi32>
        %gather3A_2378 = tpu.vector_load_idx %arg11[%add3A_2037, %broadcast_in_dim3A_2377] : memref<256x64xf32, #tpu.memory_space<vmem>>[vector<16xi32>, vector<16xi32>], vector<16xf32>,
        %gather3A_2379 = tpu.vector_load_idx %arg12[%add3A_2041, %broadcast_in_dim3A_2377] : memref<256x64xf32, #tpu.memory_space<vmem>>[vector<16xi32>, vector<16xi32>], vector<16xf32>,
        %gather3A_2380 = tpu.vector_load_idx %arg13[%add3A_2019, %broadcast_in_dim3A_2377] : memref<32x128xf32, #tpu.memory_space<vmem>>[vector<16xi32>, vector<16xi32>], vector<16xf32>,
        %add3A_2381 = arith.constant 64 : i32
        %add3A_2382 = vector.broadcast %add3A_2381 : i32 to vector<16xi32>
        %add3A_2383 = arith.addi %broadcast_in_dim3A_2377, %add3A_2382 : vector<16xi32>
        %gather3A_2384 = tpu.vector_load_idx %arg13[%add3A_2019, %add3A_2383] : memref<32x128xf32, #tpu.memory_space<vmem>>[vector<16xi32>, vector<16xi32>], vector<16xf32>,
        %mul3A_2385 = arith.mulf %gather3A_2378, %gather3A_2380 : vector<16xf32>
        %mul3A_2386 = arith.mulf %gather3A_2379, %gather3A_2384 : vector<16xf32>
        %sub3A_2387 = arith.subf %mul3A_2385, %mul3A_2386 : vector<16xf32>
        %abs3A_2388 = math.absf %sub3A_2387 : vector<16xf32>
        %add3A_2389 = arith.addf %add3A_2375, %abs3A_2388 : vector<16xf32>
        %broadcast_in_dim3A_2390 = arith.constant 25 : i32
        %broadcast_in_dim3A_2391 = vector.broadcast %broadcast_in_dim3A_2390 : i32 to vector<16xi32>
        %gather3A_2392 = tpu.vector_load_idx %arg11[%add3A_2037, %broadcast_in_dim3A_2391] : memref<256x64xf32, #tpu.memory_space<vmem>>[vector<16xi32>, vector<16xi32>], vector<16xf32>,
        %gather3A_2393 = tpu.vector_load_idx %arg12[%add3A_2041, %broadcast_in_dim3A_2391] : memref<256x64xf32, #tpu.memory_space<vmem>>[vector<16xi32>, vector<16xi32>], vector<16xf32>,
        %gather3A_2394 = tpu.vector_load_idx %arg13[%add3A_2019, %broadcast_in_dim3A_2391] : memref<32x128xf32, #tpu.memory_space<vmem>>[vector<16xi32>, vector<16xi32>], vector<16xf32>,
        %add3A_2395 = arith.constant 64 : i32
        %add3A_2396 = vector.broadcast %add3A_2395 : i32 to vector<16xi32>
        %add3A_2397 = arith.addi %broadcast_in_dim3A_2391, %add3A_2396 : vector<16xi32>
        %gather3A_2398 = tpu.vector_load_idx %arg13[%add3A_2019, %add3A_2397] : memref<32x128xf32, #tpu.memory_space<vmem>>[vector<16xi32>, vector<16xi32>], vector<16xf32>,
        %mul3A_2399 = arith.mulf %gather3A_2392, %gather3A_2394 : vector<16xf32>
        %mul3A_2400 = arith.mulf %gather3A_2393, %gather3A_2398 : vector<16xf32>
        %sub3A_2401 = arith.subf %mul3A_2399, %mul3A_2400 : vector<16xf32>
        %abs3A_2402 = math.absf %sub3A_2401 : vector<16xf32>
        %add3A_2403 = arith.addf %add3A_2389, %abs3A_2402 : vector<16xf32>
        %broadcast_in_dim3A_2404 = arith.constant 26 : i32
        %broadcast_in_dim3A_2405 = vector.broadcast %broadcast_in_dim3A_2404 : i32 to vector<16xi32>
        %gather3A_2406 = tpu.vector_load_idx %arg11[%add3A_2037, %broadcast_in_dim3A_2405] : memref<256x64xf32, #tpu.memory_space<vmem>>[vector<16xi32>, vector<16xi32>], vector<16xf32>,
        %gather3A_2407 = tpu.vector_load_idx %arg12[%add3A_2041, %broadcast_in_dim3A_2405] : memref<256x64xf32, #tpu.memory_space<vmem>>[vector<16xi32>, vector<16xi32>], vector<16xf32>,
        %gather3A_2408 = tpu.vector_load_idx %arg13[%add3A_2019, %broadcast_in_dim3A_2405] : memref<32x128xf32, #tpu.memory_space<vmem>>[vector<16xi32>, vector<16xi32>], vector<16xf32>,
        %add3A_2409 = arith.constant 64 : i32
        %add3A_2410 = vector.broadcast %add3A_2409 : i32 to vector<16xi32>
        %add3A_2411 = arith.addi %broadcast_in_dim3A_2405, %add3A_2410 : vector<16xi32>
        %gather3A_2412 = tpu.vector_load_idx %arg13[%add3A_2019, %add3A_2411] : memref<32x128xf32, #tpu.memory_space<vmem>>[vector<16xi32>, vector<16xi32>], vector<16xf32>,
        %mul3A_2413 = arith.mulf %gather3A_2406, %gather3A_2408 : vector<16xf32>
        %mul3A_2414 = arith.mulf %gather3A_2407, %gather3A_2412 : vector<16xf32>
        %sub3A_2415 = arith.subf %mul3A_2413, %mul3A_2414 : vector<16xf32>
        %abs3A_2416 = math.absf %sub3A_2415 : vector<16xf32>
        %add3A_2417 = arith.addf %add3A_2403, %abs3A_2416 : vector<16xf32>
        %broadcast_in_dim3A_2418 = arith.constant 27 : i32
        %broadcast_in_dim3A_2419 = vector.broadcast %broadcast_in_dim3A_2418 : i32 to vector<16xi32>
        %gather3A_2420 = tpu.vector_load_idx %arg11[%add3A_2037, %broadcast_in_dim3A_2419] : memref<256x64xf32, #tpu.memory_space<vmem>>[vector<16xi32>, vector<16xi32>], vector<16xf32>,
        %gather3A_2421 = tpu.vector_load_idx %arg12[%add3A_2041, %broadcast_in_dim3A_2419] : memref<256x64xf32, #tpu.memory_space<vmem>>[vector<16xi32>, vector<16xi32>], vector<16xf32>,
        %gather3A_2422 = tpu.vector_load_idx %arg13[%add3A_2019, %broadcast_in_dim3A_2419] : memref<32x128xf32, #tpu.memory_space<vmem>>[vector<16xi32>, vector<16xi32>], vector<16xf32>,
        %add3A_2423 = arith.constant 64 : i32
        %add3A_2424 = vector.broadcast %add3A_2423 : i32 to vector<16xi32>
        %add3A_2425 = arith.addi %broadcast_in_dim3A_2419, %add3A_2424 : vector<16xi32>
        %gather3A_2426 = tpu.vector_load_idx %arg13[%add3A_2019, %add3A_2425] : memref<32x128xf32, #tpu.memory_space<vmem>>[vector<16xi32>, vector<16xi32>], vector<16xf32>,
        %mul3A_2427 = arith.mulf %gather3A_2420, %gather3A_2422 : vector<16xf32>
        %mul3A_2428 = arith.mulf %gather3A_2421, %gather3A_2426 : vector<16xf32>
        %sub3A_2429 = arith.subf %mul3A_2427, %mul3A_2428 : vector<16xf32>
        %abs3A_2430 = math.absf %sub3A_2429 : vector<16xf32>
        %add3A_2431 = arith.addf %add3A_2417, %abs3A_2430 : vector<16xf32>
        %broadcast_in_dim3A_2432 = arith.constant 28 : i32
        %broadcast_in_dim3A_2433 = vector.broadcast %broadcast_in_dim3A_2432 : i32 to vector<16xi32>
        %gather3A_2434 = tpu.vector_load_idx %arg11[%add3A_2037, %broadcast_in_dim3A_2433] : memref<256x64xf32, #tpu.memory_space<vmem>>[vector<16xi32>, vector<16xi32>], vector<16xf32>,
        %gather3A_2435 = tpu.vector_load_idx %arg12[%add3A_2041, %broadcast_in_dim3A_2433] : memref<256x64xf32, #tpu.memory_space<vmem>>[vector<16xi32>, vector<16xi32>], vector<16xf32>,
        %gather3A_2436 = tpu.vector_load_idx %arg13[%add3A_2019, %broadcast_in_dim3A_2433] : memref<32x128xf32, #tpu.memory_space<vmem>>[vector<16xi32>, vector<16xi32>], vector<16xf32>,
        %add3A_2437 = arith.constant 64 : i32
        %add3A_2438 = vector.broadcast %add3A_2437 : i32 to vector<16xi32>
        %add3A_2439 = arith.addi %broadcast_in_dim3A_2433, %add3A_2438 : vector<16xi32>
        %gather3A_2440 = tpu.vector_load_idx %arg13[%add3A_2019, %add3A_2439] : memref<32x128xf32, #tpu.memory_space<vmem>>[vector<16xi32>, vector<16xi32>], vector<16xf32>,
        %mul3A_2441 = arith.mulf %gather3A_2434, %gather3A_2436 : vector<16xf32>
        %mul3A_2442 = arith.mulf %gather3A_2435, %gather3A_2440 : vector<16xf32>
        %sub3A_2443 = arith.subf %mul3A_2441, %mul3A_2442 : vector<16xf32>
        %abs3A_2444 = math.absf %sub3A_2443 : vector<16xf32>
        %add3A_2445 = arith.addf %add3A_2431, %abs3A_2444 : vector<16xf32>
        %broadcast_in_dim3A_2446 = arith.constant 29 : i32
        %broadcast_in_dim3A_2447 = vector.broadcast %broadcast_in_dim3A_2446 : i32 to vector<16xi32>
        %gather3A_2448 = tpu.vector_load_idx %arg11[%add3A_2037, %broadcast_in_dim3A_2447] : memref<256x64xf32, #tpu.memory_space<vmem>>[vector<16xi32>, vector<16xi32>], vector<16xf32>,
        %gather3A_2449 = tpu.vector_load_idx %arg12[%add3A_2041, %broadcast_in_dim3A_2447] : memref<256x64xf32, #tpu.memory_space<vmem>>[vector<16xi32>, vector<16xi32>], vector<16xf32>,
        %gather3A_2450 = tpu.vector_load_idx %arg13[%add3A_2019, %broadcast_in_dim3A_2447] : memref<32x128xf32, #tpu.memory_space<vmem>>[vector<16xi32>, vector<16xi32>], vector<16xf32>,
        %add3A_2451 = arith.constant 64 : i32
        %add3A_2452 = vector.broadcast %add3A_2451 : i32 to vector<16xi32>
        %add3A_2453 = arith.addi %broadcast_in_dim3A_2447, %add3A_2452 : vector<16xi32>
        %gather3A_2454 = tpu.vector_load_idx %arg13[%add3A_2019, %add3A_2453] : memref<32x128xf32, #tpu.memory_space<vmem>>[vector<16xi32>, vector<16xi32>], vector<16xf32>,
        %mul3A_2455 = arith.mulf %gather3A_2448, %gather3A_2450 : vector<16xf32>
        %mul3A_2456 = arith.mulf %gather3A_2449, %gather3A_2454 : vector<16xf32>
        %sub3A_2457 = arith.subf %mul3A_2455, %mul3A_2456 : vector<16xf32>
        %abs3A_2458 = math.absf %sub3A_2457 : vector<16xf32>
        %add3A_2459 = arith.addf %add3A_2445, %abs3A_2458 : vector<16xf32>
        %broadcast_in_dim3A_2460 = arith.constant 30 : i32
        %broadcast_in_dim3A_2461 = vector.broadcast %broadcast_in_dim3A_2460 : i32 to vector<16xi32>
        %gather3A_2462 = tpu.vector_load_idx %arg11[%add3A_2037, %broadcast_in_dim3A_2461] : memref<256x64xf32, #tpu.memory_space<vmem>>[vector<16xi32>, vector<16xi32>], vector<16xf32>,
        %gather3A_2463 = tpu.vector_load_idx %arg12[%add3A_2041, %broadcast_in_dim3A_2461] : memref<256x64xf32, #tpu.memory_space<vmem>>[vector<16xi32>, vector<16xi32>], vector<16xf32>,
        %gather3A_2464 = tpu.vector_load_idx %arg13[%add3A_2019, %broadcast_in_dim3A_2461] : memref<32x128xf32, #tpu.memory_space<vmem>>[vector<16xi32>, vector<16xi32>], vector<16xf32>,
        %add3A_2465 = arith.constant 64 : i32
        %add3A_2466 = vector.broadcast %add3A_2465 : i32 to vector<16xi32>
        %add3A_2467 = arith.addi %broadcast_in_dim3A_2461, %add3A_2466 : vector<16xi32>
        %gather3A_2468 = tpu.vector_load_idx %arg13[%add3A_2019, %add3A_2467] : memref<32x128xf32, #tpu.memory_space<vmem>>[vector<16xi32>, vector<16xi32>], vector<16xf32>,
        %mul3A_2469 = arith.mulf %gather3A_2462, %gather3A_2464 : vector<16xf32>
        %mul3A_2470 = arith.mulf %gather3A_2463, %gather3A_2468 : vector<16xf32>
        %sub3A_2471 = arith.subf %mul3A_2469, %mul3A_2470 : vector<16xf32>
        %abs3A_2472 = math.absf %sub3A_2471 : vector<16xf32>
        %add3A_2473 = arith.addf %add3A_2459, %abs3A_2472 : vector<16xf32>
        %broadcast_in_dim3A_2474 = arith.constant 31 : i32
        %broadcast_in_dim3A_2475 = vector.broadcast %broadcast_in_dim3A_2474 : i32 to vector<16xi32>
        %gather3A_2476 = tpu.vector_load_idx %arg11[%add3A_2037, %broadcast_in_dim3A_2475] : memref<256x64xf32, #tpu.memory_space<vmem>>[vector<16xi32>, vector<16xi32>], vector<16xf32>,
        %gather3A_2477 = tpu.vector_load_idx %arg12[%add3A_2041, %broadcast_in_dim3A_2475] : memref<256x64xf32, #tpu.memory_space<vmem>>[vector<16xi32>, vector<16xi32>], vector<16xf32>,
        %gather3A_2478 = tpu.vector_load_idx %arg13[%add3A_2019, %broadcast_in_dim3A_2475] : memref<32x128xf32, #tpu.memory_space<vmem>>[vector<16xi32>, vector<16xi32>], vector<16xf32>,
        %add3A_2479 = arith.constant 64 : i32
        %add3A_2480 = vector.broadcast %add3A_2479 : i32 to vector<16xi32>
        %add3A_2481 = arith.addi %broadcast_in_dim3A_2475, %add3A_2480 : vector<16xi32>
        %gather3A_2482 = tpu.vector_load_idx %arg13[%add3A_2019, %add3A_2481] : memref<32x128xf32, #tpu.memory_space<vmem>>[vector<16xi32>, vector<16xi32>], vector<16xf32>,
        %mul3A_2483 = arith.mulf %gather3A_2476, %gather3A_2478 : vector<16xf32>
        %mul3A_2484 = arith.mulf %gather3A_2477, %gather3A_2482 : vector<16xf32>
        %sub3A_2485 = arith.subf %mul3A_2483, %mul3A_2484 : vector<16xf32>
        %abs3A_2486 = math.absf %sub3A_2485 : vector<16xf32>
        %add3A_2487 = arith.addf %add3A_2473, %abs3A_2486 : vector<16xf32>
        %broadcast_in_dim3A_2488 = arith.constant 32 : i32
        %broadcast_in_dim3A_2489 = vector.broadcast %broadcast_in_dim3A_2488 : i32 to vector<16xi32>
        %gather3A_2490 = tpu.vector_load_idx %arg11[%add3A_2037, %broadcast_in_dim3A_2489] : memref<256x64xf32, #tpu.memory_space<vmem>>[vector<16xi32>, vector<16xi32>], vector<16xf32>,
        %gather3A_2491 = tpu.vector_load_idx %arg12[%add3A_2041, %broadcast_in_dim3A_2489] : memref<256x64xf32, #tpu.memory_space<vmem>>[vector<16xi32>, vector<16xi32>], vector<16xf32>,
        %gather3A_2492 = tpu.vector_load_idx %arg13[%add3A_2019, %broadcast_in_dim3A_2489] : memref<32x128xf32, #tpu.memory_space<vmem>>[vector<16xi32>, vector<16xi32>], vector<16xf32>,
        %add3A_2493 = arith.constant 64 : i32
        %add3A_2494 = vector.broadcast %add3A_2493 : i32 to vector<16xi32>
        %add3A_2495 = arith.addi %broadcast_in_dim3A_2489, %add3A_2494 : vector<16xi32>
        %gather3A_2496 = tpu.vector_load_idx %arg13[%add3A_2019, %add3A_2495] : memref<32x128xf32, #tpu.memory_space<vmem>>[vector<16xi32>, vector<16xi32>], vector<16xf32>,
        %mul3A_2497 = arith.mulf %gather3A_2490, %gather3A_2492 : vector<16xf32>
        %mul3A_2498 = arith.mulf %gather3A_2491, %gather3A_2496 : vector<16xf32>
        %sub3A_2499 = arith.subf %mul3A_2497, %mul3A_2498 : vector<16xf32>
        %abs3A_2500 = math.absf %sub3A_2499 : vector<16xf32>
        %add3A_2501 = arith.addf %add3A_2487, %abs3A_2500 : vector<16xf32>
        %broadcast_in_dim3A_2502 = arith.constant 33 : i32
        %broadcast_in_dim3A_2503 = vector.broadcast %broadcast_in_dim3A_2502 : i32 to vector<16xi32>
        %gather3A_2504 = tpu.vector_load_idx %arg11[%add3A_2037, %broadcast_in_dim3A_2503] : memref<256x64xf32, #tpu.memory_space<vmem>>[vector<16xi32>, vector<16xi32>], vector<16xf32>,
        %gather3A_2505 = tpu.vector_load_idx %arg12[%add3A_2041, %broadcast_in_dim3A_2503] : memref<256x64xf32, #tpu.memory_space<vmem>>[vector<16xi32>, vector<16xi32>], vector<16xf32>,
        %gather3A_2506 = tpu.vector_load_idx %arg13[%add3A_2019, %broadcast_in_dim3A_2503] : memref<32x128xf32, #tpu.memory_space<vmem>>[vector<16xi32>, vector<16xi32>], vector<16xf32>,
        %add3A_2507 = arith.constant 64 : i32
        %add3A_2508 = vector.broadcast %add3A_2507 : i32 to vector<16xi32>
        %add3A_2509 = arith.addi %broadcast_in_dim3A_2503, %add3A_2508 : vector<16xi32>
        %gather3A_2510 = tpu.vector_load_idx %arg13[%add3A_2019, %add3A_2509] : memref<32x128xf32, #tpu.memory_space<vmem>>[vector<16xi32>, vector<16xi32>], vector<16xf32>,
        %mul3A_2511 = arith.mulf %gather3A_2504, %gather3A_2506 : vector<16xf32>
        %mul3A_2512 = arith.mulf %gather3A_2505, %gather3A_2510 : vector<16xf32>
        %sub3A_2513 = arith.subf %mul3A_2511, %mul3A_2512 : vector<16xf32>
        %abs3A_2514 = math.absf %sub3A_2513 : vector<16xf32>
        %add3A_2515 = arith.addf %add3A_2501, %abs3A_2514 : vector<16xf32>
        %broadcast_in_dim3A_2516 = arith.constant 34 : i32
        %broadcast_in_dim3A_2517 = vector.broadcast %broadcast_in_dim3A_2516 : i32 to vector<16xi32>
        %gather3A_2518 = tpu.vector_load_idx %arg11[%add3A_2037, %broadcast_in_dim3A_2517] : memref<256x64xf32, #tpu.memory_space<vmem>>[vector<16xi32>, vector<16xi32>], vector<16xf32>,
        %gather3A_2519 = tpu.vector_load_idx %arg12[%add3A_2041, %broadcast_in_dim3A_2517] : memref<256x64xf32, #tpu.memory_space<vmem>>[vector<16xi32>, vector<16xi32>], vector<16xf32>,
        %gather3A_2520 = tpu.vector_load_idx %arg13[%add3A_2019, %broadcast_in_dim3A_2517] : memref<32x128xf32, #tpu.memory_space<vmem>>[vector<16xi32>, vector<16xi32>], vector<16xf32>,
        %add3A_2521 = arith.constant 64 : i32
        %add3A_2522 = vector.broadcast %add3A_2521 : i32 to vector<16xi32>
        %add3A_2523 = arith.addi %broadcast_in_dim3A_2517, %add3A_2522 : vector<16xi32>
        %gather3A_2524 = tpu.vector_load_idx %arg13[%add3A_2019, %add3A_2523] : memref<32x128xf32, #tpu.memory_space<vmem>>[vector<16xi32>, vector<16xi32>], vector<16xf32>,
        %mul3A_2525 = arith.mulf %gather3A_2518, %gather3A_2520 : vector<16xf32>
        %mul3A_2526 = arith.mulf %gather3A_2519, %gather3A_2524 : vector<16xf32>
        %sub3A_2527 = arith.subf %mul3A_2525, %mul3A_2526 : vector<16xf32>
        %abs3A_2528 = math.absf %sub3A_2527 : vector<16xf32>
        %add3A_2529 = arith.addf %add3A_2515, %abs3A_2528 : vector<16xf32>
        %broadcast_in_dim3A_2530 = arith.constant 35 : i32
        %broadcast_in_dim3A_2531 = vector.broadcast %broadcast_in_dim3A_2530 : i32 to vector<16xi32>
        %gather3A_2532 = tpu.vector_load_idx %arg11[%add3A_2037, %broadcast_in_dim3A_2531] : memref<256x64xf32, #tpu.memory_space<vmem>>[vector<16xi32>, vector<16xi32>], vector<16xf32>,
        %gather3A_2533 = tpu.vector_load_idx %arg12[%add3A_2041, %broadcast_in_dim3A_2531] : memref<256x64xf32, #tpu.memory_space<vmem>>[vector<16xi32>, vector<16xi32>], vector<16xf32>,
        %gather3A_2534 = tpu.vector_load_idx %arg13[%add3A_2019, %broadcast_in_dim3A_2531] : memref<32x128xf32, #tpu.memory_space<vmem>>[vector<16xi32>, vector<16xi32>], vector<16xf32>,
        %add3A_2535 = arith.constant 64 : i32
        %add3A_2536 = vector.broadcast %add3A_2535 : i32 to vector<16xi32>
        %add3A_2537 = arith.addi %broadcast_in_dim3A_2531, %add3A_2536 : vector<16xi32>
        %gather3A_2538 = tpu.vector_load_idx %arg13[%add3A_2019, %add3A_2537] : memref<32x128xf32, #tpu.memory_space<vmem>>[vector<16xi32>, vector<16xi32>], vector<16xf32>,
        %mul3A_2539 = arith.mulf %gather3A_2532, %gather3A_2534 : vector<16xf32>
        %mul3A_2540 = arith.mulf %gather3A_2533, %gather3A_2538 : vector<16xf32>
        %sub3A_2541 = arith.subf %mul3A_2539, %mul3A_2540 : vector<16xf32>
        %abs3A_2542 = math.absf %sub3A_2541 : vector<16xf32>
        %add3A_2543 = arith.addf %add3A_2529, %abs3A_2542 : vector<16xf32>
        %broadcast_in_dim3A_2544 = arith.constant 36 : i32
        %broadcast_in_dim3A_2545 = vector.broadcast %broadcast_in_dim3A_2544 : i32 to vector<16xi32>
        %gather3A_2546 = tpu.vector_load_idx %arg11[%add3A_2037, %broadcast_in_dim3A_2545] : memref<256x64xf32, #tpu.memory_space<vmem>>[vector<16xi32>, vector<16xi32>], vector<16xf32>,
        %gather3A_2547 = tpu.vector_load_idx %arg12[%add3A_2041, %broadcast_in_dim3A_2545] : memref<256x64xf32, #tpu.memory_space<vmem>>[vector<16xi32>, vector<16xi32>], vector<16xf32>,
        %gather3A_2548 = tpu.vector_load_idx %arg13[%add3A_2019, %broadcast_in_dim3A_2545] : memref<32x128xf32, #tpu.memory_space<vmem>>[vector<16xi32>, vector<16xi32>], vector<16xf32>,
        %add3A_2549 = arith.constant 64 : i32
        %add3A_2550 = vector.broadcast %add3A_2549 : i32 to vector<16xi32>
        %add3A_2551 = arith.addi %broadcast_in_dim3A_2545, %add3A_2550 : vector<16xi32>
        %gather3A_2552 = tpu.vector_load_idx %arg13[%add3A_2019, %add3A_2551] : memref<32x128xf32, #tpu.memory_space<vmem>>[vector<16xi32>, vector<16xi32>], vector<16xf32>,
        %mul3A_2553 = arith.mulf %gather3A_2546, %gather3A_2548 : vector<16xf32>
        %mul3A_2554 = arith.mulf %gather3A_2547, %gather3A_2552 : vector<16xf32>
        %sub3A_2555 = arith.subf %mul3A_2553, %mul3A_2554 : vector<16xf32>
        %abs3A_2556 = math.absf %sub3A_2555 : vector<16xf32>
        %add3A_2557 = arith.addf %add3A_2543, %abs3A_2556 : vector<16xf32>
        %broadcast_in_dim3A_2558 = arith.constant 37 : i32
        %broadcast_in_dim3A_2559 = vector.broadcast %broadcast_in_dim3A_2558 : i32 to vector<16xi32>
        %gather3A_2560 = tpu.vector_load_idx %arg11[%add3A_2037, %broadcast_in_dim3A_2559] : memref<256x64xf32, #tpu.memory_space<vmem>>[vector<16xi32>, vector<16xi32>], vector<16xf32>,
        %gather3A_2561 = tpu.vector_load_idx %arg12[%add3A_2041, %broadcast_in_dim3A_2559] : memref<256x64xf32, #tpu.memory_space<vmem>>[vector<16xi32>, vector<16xi32>], vector<16xf32>,
        %gather3A_2562 = tpu.vector_load_idx %arg13[%add3A_2019, %broadcast_in_dim3A_2559] : memref<32x128xf32, #tpu.memory_space<vmem>>[vector<16xi32>, vector<16xi32>], vector<16xf32>,
        %add3A_2563 = arith.constant 64 : i32
        %add3A_2564 = vector.broadcast %add3A_2563 : i32 to vector<16xi32>
        %add3A_2565 = arith.addi %broadcast_in_dim3A_2559, %add3A_2564 : vector<16xi32>
        %gather3A_2566 = tpu.vector_load_idx %arg13[%add3A_2019, %add3A_2565] : memref<32x128xf32, #tpu.memory_space<vmem>>[vector<16xi32>, vector<16xi32>], vector<16xf32>,
        %mul3A_2567 = arith.mulf %gather3A_2560, %gather3A_2562 : vector<16xf32>
        %mul3A_2568 = arith.mulf %gather3A_2561, %gather3A_2566 : vector<16xf32>
        %sub3A_2569 = arith.subf %mul3A_2567, %mul3A_2568 : vector<16xf32>
        %abs3A_2570 = math.absf %sub3A_2569 : vector<16xf32>
        %add3A_2571 = arith.addf %add3A_2557, %abs3A_2570 : vector<16xf32>
        %broadcast_in_dim3A_2572 = arith.constant 38 : i32
        %broadcast_in_dim3A_2573 = vector.broadcast %broadcast_in_dim3A_2572 : i32 to vector<16xi32>
        %gather3A_2574 = tpu.vector_load_idx %arg11[%add3A_2037, %broadcast_in_dim3A_2573] : memref<256x64xf32, #tpu.memory_space<vmem>>[vector<16xi32>, vector<16xi32>], vector<16xf32>,
        %gather3A_2575 = tpu.vector_load_idx %arg12[%add3A_2041, %broadcast_in_dim3A_2573] : memref<256x64xf32, #tpu.memory_space<vmem>>[vector<16xi32>, vector<16xi32>], vector<16xf32>,
        %gather3A_2576 = tpu.vector_load_idx %arg13[%add3A_2019, %broadcast_in_dim3A_2573] : memref<32x128xf32, #tpu.memory_space<vmem>>[vector<16xi32>, vector<16xi32>], vector<16xf32>,
        %add3A_2577 = arith.constant 64 : i32
        %add3A_2578 = vector.broadcast %add3A_2577 : i32 to vector<16xi32>
        %add3A_2579 = arith.addi %broadcast_in_dim3A_2573, %add3A_2578 : vector<16xi32>
        %gather3A_2580 = tpu.vector_load_idx %arg13[%add3A_2019, %add3A_2579] : memref<32x128xf32, #tpu.memory_space<vmem>>[vector<16xi32>, vector<16xi32>], vector<16xf32>,
        %mul3A_2581 = arith.mulf %gather3A_2574, %gather3A_2576 : vector<16xf32>
        %mul3A_2582 = arith.mulf %gather3A_2575, %gather3A_2580 : vector<16xf32>
        %sub3A_2583 = arith.subf %mul3A_2581, %mul3A_2582 : vector<16xf32>
        %abs3A_2584 = math.absf %sub3A_2583 : vector<16xf32>
        %add3A_2585 = arith.addf %add3A_2571, %abs3A_2584 : vector<16xf32>
        %broadcast_in_dim3A_2586 = arith.constant 39 : i32
        %broadcast_in_dim3A_2587 = vector.broadcast %broadcast_in_dim3A_2586 : i32 to vector<16xi32>
        %gather3A_2588 = tpu.vector_load_idx %arg11[%add3A_2037, %broadcast_in_dim3A_2587] : memref<256x64xf32, #tpu.memory_space<vmem>>[vector<16xi32>, vector<16xi32>], vector<16xf32>,
        %gather3A_2589 = tpu.vector_load_idx %arg12[%add3A_2041, %broadcast_in_dim3A_2587] : memref<256x64xf32, #tpu.memory_space<vmem>>[vector<16xi32>, vector<16xi32>], vector<16xf32>,
        %gather3A_2590 = tpu.vector_load_idx %arg13[%add3A_2019, %broadcast_in_dim3A_2587] : memref<32x128xf32, #tpu.memory_space<vmem>>[vector<16xi32>, vector<16xi32>], vector<16xf32>,
        %add3A_2591 = arith.constant 64 : i32
        %add3A_2592 = vector.broadcast %add3A_2591 : i32 to vector<16xi32>
        %add3A_2593 = arith.addi %broadcast_in_dim3A_2587, %add3A_2592 : vector<16xi32>
        %gather3A_2594 = tpu.vector_load_idx %arg13[%add3A_2019, %add3A_2593] : memref<32x128xf32, #tpu.memory_space<vmem>>[vector<16xi32>, vector<16xi32>], vector<16xf32>,
        %mul3A_2595 = arith.mulf %gather3A_2588, %gather3A_2590 : vector<16xf32>
        %mul3A_2596 = arith.mulf %gather3A_2589, %gather3A_2594 : vector<16xf32>
        %sub3A_2597 = arith.subf %mul3A_2595, %mul3A_2596 : vector<16xf32>
        %abs3A_2598 = math.absf %sub3A_2597 : vector<16xf32>
        %add3A_2599 = arith.addf %add3A_2585, %abs3A_2598 : vector<16xf32>
        %broadcast_in_dim3A_2600 = arith.constant 40 : i32
        %broadcast_in_dim3A_2601 = vector.broadcast %broadcast_in_dim3A_2600 : i32 to vector<16xi32>
        %gather3A_2602 = tpu.vector_load_idx %arg11[%add3A_2037, %broadcast_in_dim3A_2601] : memref<256x64xf32, #tpu.memory_space<vmem>>[vector<16xi32>, vector<16xi32>], vector<16xf32>,
        %gather3A_2603 = tpu.vector_load_idx %arg12[%add3A_2041, %broadcast_in_dim3A_2601] : memref<256x64xf32, #tpu.memory_space<vmem>>[vector<16xi32>, vector<16xi32>], vector<16xf32>,
        %gather3A_2604 = tpu.vector_load_idx %arg13[%add3A_2019, %broadcast_in_dim3A_2601] : memref<32x128xf32, #tpu.memory_space<vmem>>[vector<16xi32>, vector<16xi32>], vector<16xf32>,
        %add3A_2605 = arith.constant 64 : i32
        %add3A_2606 = vector.broadcast %add3A_2605 : i32 to vector<16xi32>
        %add3A_2607 = arith.addi %broadcast_in_dim3A_2601, %add3A_2606 : vector<16xi32>
        %gather3A_2608 = tpu.vector_load_idx %arg13[%add3A_2019, %add3A_2607] : memref<32x128xf32, #tpu.memory_space<vmem>>[vector<16xi32>, vector<16xi32>], vector<16xf32>,
        %mul3A_2609 = arith.mulf %gather3A_2602, %gather3A_2604 : vector<16xf32>
        %mul3A_2610 = arith.mulf %gather3A_2603, %gather3A_2608 : vector<16xf32>
        %sub3A_2611 = arith.subf %mul3A_2609, %mul3A_2610 : vector<16xf32>
        %abs3A_2612 = math.absf %sub3A_2611 : vector<16xf32>
        %add3A_2613 = arith.addf %add3A_2599, %abs3A_2612 : vector<16xf32>
        %broadcast_in_dim3A_2614 = arith.constant 41 : i32
        %broadcast_in_dim3A_2615 = vector.broadcast %broadcast_in_dim3A_2614 : i32 to vector<16xi32>
        %gather3A_2616 = tpu.vector_load_idx %arg11[%add3A_2037, %broadcast_in_dim3A_2615] : memref<256x64xf32, #tpu.memory_space<vmem>>[vector<16xi32>, vector<16xi32>], vector<16xf32>,
        %gather3A_2617 = tpu.vector_load_idx %arg12[%add3A_2041, %broadcast_in_dim3A_2615] : memref<256x64xf32, #tpu.memory_space<vmem>>[vector<16xi32>, vector<16xi32>], vector<16xf32>,
        %gather3A_2618 = tpu.vector_load_idx %arg13[%add3A_2019, %broadcast_in_dim3A_2615] : memref<32x128xf32, #tpu.memory_space<vmem>>[vector<16xi32>, vector<16xi32>], vector<16xf32>,
        %add3A_2619 = arith.constant 64 : i32
        %add3A_2620 = vector.broadcast %add3A_2619 : i32 to vector<16xi32>
        %add3A_2621 = arith.addi %broadcast_in_dim3A_2615, %add3A_2620 : vector<16xi32>
        %gather3A_2622 = tpu.vector_load_idx %arg13[%add3A_2019, %add3A_2621] : memref<32x128xf32, #tpu.memory_space<vmem>>[vector<16xi32>, vector<16xi32>], vector<16xf32>,
        %mul3A_2623 = arith.mulf %gather3A_2616, %gather3A_2618 : vector<16xf32>
        %mul3A_2624 = arith.mulf %gather3A_2617, %gather3A_2622 : vector<16xf32>
        %sub3A_2625 = arith.subf %mul3A_2623, %mul3A_2624 : vector<16xf32>
        %abs3A_2626 = math.absf %sub3A_2625 : vector<16xf32>
        %add3A_2627 = arith.addf %add3A_2613, %abs3A_2626 : vector<16xf32>
        %broadcast_in_dim3A_2628 = arith.constant 42 : i32
        %broadcast_in_dim3A_2629 = vector.broadcast %broadcast_in_dim3A_2628 : i32 to vector<16xi32>
        %gather3A_2630 = tpu.vector_load_idx %arg11[%add3A_2037, %broadcast_in_dim3A_2629] : memref<256x64xf32, #tpu.memory_space<vmem>>[vector<16xi32>, vector<16xi32>], vector<16xf32>,
        %gather3A_2631 = tpu.vector_load_idx %arg12[%add3A_2041, %broadcast_in_dim3A_2629] : memref<256x64xf32, #tpu.memory_space<vmem>>[vector<16xi32>, vector<16xi32>], vector<16xf32>,
        %gather3A_2632 = tpu.vector_load_idx %arg13[%add3A_2019, %broadcast_in_dim3A_2629] : memref<32x128xf32, #tpu.memory_space<vmem>>[vector<16xi32>, vector<16xi32>], vector<16xf32>,
        %add3A_2633 = arith.constant 64 : i32
        %add3A_2634 = vector.broadcast %add3A_2633 : i32 to vector<16xi32>
        %add3A_2635 = arith.addi %broadcast_in_dim3A_2629, %add3A_2634 : vector<16xi32>
        %gather3A_2636 = tpu.vector_load_idx %arg13[%add3A_2019, %add3A_2635] : memref<32x128xf32, #tpu.memory_space<vmem>>[vector<16xi32>, vector<16xi32>], vector<16xf32>,
        %mul3A_2637 = arith.mulf %gather3A_2630, %gather3A_2632 : vector<16xf32>
        %mul3A_2638 = arith.mulf %gather3A_2631, %gather3A_2636 : vector<16xf32>
        %sub3A_2639 = arith.subf %mul3A_2637, %mul3A_2638 : vector<16xf32>
        %abs3A_2640 = math.absf %sub3A_2639 : vector<16xf32>
        %add3A_2641 = arith.addf %add3A_2627, %abs3A_2640 : vector<16xf32>
        %broadcast_in_dim3A_2642 = arith.constant 43 : i32
        %broadcast_in_dim3A_2643 = vector.broadcast %broadcast_in_dim3A_2642 : i32 to vector<16xi32>
        %gather3A_2644 = tpu.vector_load_idx %arg11[%add3A_2037, %broadcast_in_dim3A_2643] : memref<256x64xf32, #tpu.memory_space<vmem>>[vector<16xi32>, vector<16xi32>], vector<16xf32>,
        %gather3A_2645 = tpu.vector_load_idx %arg12[%add3A_2041, %broadcast_in_dim3A_2643] : memref<256x64xf32, #tpu.memory_space<vmem>>[vector<16xi32>, vector<16xi32>], vector<16xf32>,
        %gather3A_2646 = tpu.vector_load_idx %arg13[%add3A_2019, %broadcast_in_dim3A_2643] : memref<32x128xf32, #tpu.memory_space<vmem>>[vector<16xi32>, vector<16xi32>], vector<16xf32>,
        %add3A_2647 = arith.constant 64 : i32
        %add3A_2648 = vector.broadcast %add3A_2647 : i32 to vector<16xi32>
        %add3A_2649 = arith.addi %broadcast_in_dim3A_2643, %add3A_2648 : vector<16xi32>
        %gather3A_2650 = tpu.vector_load_idx %arg13[%add3A_2019, %add3A_2649] : memref<32x128xf32, #tpu.memory_space<vmem>>[vector<16xi32>, vector<16xi32>], vector<16xf32>,
        %mul3A_2651 = arith.mulf %gather3A_2644, %gather3A_2646 : vector<16xf32>
        %mul3A_2652 = arith.mulf %gather3A_2645, %gather3A_2650 : vector<16xf32>
        %sub3A_2653 = arith.subf %mul3A_2651, %mul3A_2652 : vector<16xf32>
        %abs3A_2654 = math.absf %sub3A_2653 : vector<16xf32>
        %add3A_2655 = arith.addf %add3A_2641, %abs3A_2654 : vector<16xf32>
        %broadcast_in_dim3A_2656 = arith.constant 44 : i32
        %broadcast_in_dim3A_2657 = vector.broadcast %broadcast_in_dim3A_2656 : i32 to vector<16xi32>
        %gather3A_2658 = tpu.vector_load_idx %arg11[%add3A_2037, %broadcast_in_dim3A_2657] : memref<256x64xf32, #tpu.memory_space<vmem>>[vector<16xi32>, vector<16xi32>], vector<16xf32>,
        %gather3A_2659 = tpu.vector_load_idx %arg12[%add3A_2041, %broadcast_in_dim3A_2657] : memref<256x64xf32, #tpu.memory_space<vmem>>[vector<16xi32>, vector<16xi32>], vector<16xf32>,
        %gather3A_2660 = tpu.vector_load_idx %arg13[%add3A_2019, %broadcast_in_dim3A_2657] : memref<32x128xf32, #tpu.memory_space<vmem>>[vector<16xi32>, vector<16xi32>], vector<16xf32>,
        %add3A_2661 = arith.constant 64 : i32
        %add3A_2662 = vector.broadcast %add3A_2661 : i32 to vector<16xi32>
        %add3A_2663 = arith.addi %broadcast_in_dim3A_2657, %add3A_2662 : vector<16xi32>
        %gather3A_2664 = tpu.vector_load_idx %arg13[%add3A_2019, %add3A_2663] : memref<32x128xf32, #tpu.memory_space<vmem>>[vector<16xi32>, vector<16xi32>], vector<16xf32>,
        %mul3A_2665 = arith.mulf %gather3A_2658, %gather3A_2660 : vector<16xf32>
        %mul3A_2666 = arith.mulf %gather3A_2659, %gather3A_2664 : vector<16xf32>
        %sub3A_2667 = arith.subf %mul3A_2665, %mul3A_2666 : vector<16xf32>
        %abs3A_2668 = math.absf %sub3A_2667 : vector<16xf32>
        %add3A_2669 = arith.addf %add3A_2655, %abs3A_2668 : vector<16xf32>
        %broadcast_in_dim3A_2670 = arith.constant 45 : i32
        %broadcast_in_dim3A_2671 = vector.broadcast %broadcast_in_dim3A_2670 : i32 to vector<16xi32>
        %gather3A_2672 = tpu.vector_load_idx %arg11[%add3A_2037, %broadcast_in_dim3A_2671] : memref<256x64xf32, #tpu.memory_space<vmem>>[vector<16xi32>, vector<16xi32>], vector<16xf32>,
        %gather3A_2673 = tpu.vector_load_idx %arg12[%add3A_2041, %broadcast_in_dim3A_2671] : memref<256x64xf32, #tpu.memory_space<vmem>>[vector<16xi32>, vector<16xi32>], vector<16xf32>,
        %gather3A_2674 = tpu.vector_load_idx %arg13[%add3A_2019, %broadcast_in_dim3A_2671] : memref<32x128xf32, #tpu.memory_space<vmem>>[vector<16xi32>, vector<16xi32>], vector<16xf32>,
        %add3A_2675 = arith.constant 64 : i32
        %add3A_2676 = vector.broadcast %add3A_2675 : i32 to vector<16xi32>
        %add3A_2677 = arith.addi %broadcast_in_dim3A_2671, %add3A_2676 : vector<16xi32>
        %gather3A_2678 = tpu.vector_load_idx %arg13[%add3A_2019, %add3A_2677] : memref<32x128xf32, #tpu.memory_space<vmem>>[vector<16xi32>, vector<16xi32>], vector<16xf32>,
        %mul3A_2679 = arith.mulf %gather3A_2672, %gather3A_2674 : vector<16xf32>
        %mul3A_2680 = arith.mulf %gather3A_2673, %gather3A_2678 : vector<16xf32>
        %sub3A_2681 = arith.subf %mul3A_2679, %mul3A_2680 : vector<16xf32>
        %abs3A_2682 = math.absf %sub3A_2681 : vector<16xf32>
        %add3A_2683 = arith.addf %add3A_2669, %abs3A_2682 : vector<16xf32>
        %broadcast_in_dim3A_2684 = arith.constant 46 : i32
        %broadcast_in_dim3A_2685 = vector.broadcast %broadcast_in_dim3A_2684 : i32 to vector<16xi32>
        %gather3A_2686 = tpu.vector_load_idx %arg11[%add3A_2037, %broadcast_in_dim3A_2685] : memref<256x64xf32, #tpu.memory_space<vmem>>[vector<16xi32>, vector<16xi32>], vector<16xf32>,
        %gather3A_2687 = tpu.vector_load_idx %arg12[%add3A_2041, %broadcast_in_dim3A_2685] : memref<256x64xf32, #tpu.memory_space<vmem>>[vector<16xi32>, vector<16xi32>], vector<16xf32>,
        %gather3A_2688 = tpu.vector_load_idx %arg13[%add3A_2019, %broadcast_in_dim3A_2685] : memref<32x128xf32, #tpu.memory_space<vmem>>[vector<16xi32>, vector<16xi32>], vector<16xf32>,
        %add3A_2689 = arith.constant 64 : i32
        %add3A_2690 = vector.broadcast %add3A_2689 : i32 to vector<16xi32>
        %add3A_2691 = arith.addi %broadcast_in_dim3A_2685, %add3A_2690 : vector<16xi32>
        %gather3A_2692 = tpu.vector_load_idx %arg13[%add3A_2019, %add3A_2691] : memref<32x128xf32, #tpu.memory_space<vmem>>[vector<16xi32>, vector<16xi32>], vector<16xf32>,
        %mul3A_2693 = arith.mulf %gather3A_2686, %gather3A_2688 : vector<16xf32>
        %mul3A_2694 = arith.mulf %gather3A_2687, %gather3A_2692 : vector<16xf32>
        %sub3A_2695 = arith.subf %mul3A_2693, %mul3A_2694 : vector<16xf32>
        %abs3A_2696 = math.absf %sub3A_2695 : vector<16xf32>
        %add3A_2697 = arith.addf %add3A_2683, %abs3A_2696 : vector<16xf32>
        %broadcast_in_dim3A_2698 = arith.constant 47 : i32
        %broadcast_in_dim3A_2699 = vector.broadcast %broadcast_in_dim3A_2698 : i32 to vector<16xi32>
        %gather3A_2700 = tpu.vector_load_idx %arg11[%add3A_2037, %broadcast_in_dim3A_2699] : memref<256x64xf32, #tpu.memory_space<vmem>>[vector<16xi32>, vector<16xi32>], vector<16xf32>,
        %gather3A_2701 = tpu.vector_load_idx %arg12[%add3A_2041, %broadcast_in_dim3A_2699] : memref<256x64xf32, #tpu.memory_space<vmem>>[vector<16xi32>, vector<16xi32>], vector<16xf32>,
        %gather3A_2702 = tpu.vector_load_idx %arg13[%add3A_2019, %broadcast_in_dim3A_2699] : memref<32x128xf32, #tpu.memory_space<vmem>>[vector<16xi32>, vector<16xi32>], vector<16xf32>,
        %add3A_2703 = arith.constant 64 : i32
        %add3A_2704 = vector.broadcast %add3A_2703 : i32 to vector<16xi32>
        %add3A_2705 = arith.addi %broadcast_in_dim3A_2699, %add3A_2704 : vector<16xi32>
        %gather3A_2706 = tpu.vector_load_idx %arg13[%add3A_2019, %add3A_2705] : memref<32x128xf32, #tpu.memory_space<vmem>>[vector<16xi32>, vector<16xi32>], vector<16xf32>,
        %mul3A_2707 = arith.mulf %gather3A_2700, %gather3A_2702 : vector<16xf32>
        %mul3A_2708 = arith.mulf %gather3A_2701, %gather3A_2706 : vector<16xf32>
        %sub3A_2709 = arith.subf %mul3A_2707, %mul3A_2708 : vector<16xf32>
        %abs3A_2710 = math.absf %sub3A_2709 : vector<16xf32>
        %add3A_2711 = arith.addf %add3A_2697, %abs3A_2710 : vector<16xf32>
        %broadcast_in_dim3A_2712 = arith.constant 48 : i32
        %broadcast_in_dim3A_2713 = vector.broadcast %broadcast_in_dim3A_2712 : i32 to vector<16xi32>
        %gather3A_2714 = tpu.vector_load_idx %arg11[%add3A_2037, %broadcast_in_dim3A_2713] : memref<256x64xf32, #tpu.memory_space<vmem>>[vector<16xi32>, vector<16xi32>], vector<16xf32>,
        %gather3A_2715 = tpu.vector_load_idx %arg12[%add3A_2041, %broadcast_in_dim3A_2713] : memref<256x64xf32, #tpu.memory_space<vmem>>[vector<16xi32>, vector<16xi32>], vector<16xf32>,
        %gather3A_2716 = tpu.vector_load_idx %arg13[%add3A_2019, %broadcast_in_dim3A_2713] : memref<32x128xf32, #tpu.memory_space<vmem>>[vector<16xi32>, vector<16xi32>], vector<16xf32>,
        %add3A_2717 = arith.constant 64 : i32
        %add3A_2718 = vector.broadcast %add3A_2717 : i32 to vector<16xi32>
        %add3A_2719 = arith.addi %broadcast_in_dim3A_2713, %add3A_2718 : vector<16xi32>
        %gather3A_2720 = tpu.vector_load_idx %arg13[%add3A_2019, %add3A_2719] : memref<32x128xf32, #tpu.memory_space<vmem>>[vector<16xi32>, vector<16xi32>], vector<16xf32>,
        %mul3A_2721 = arith.mulf %gather3A_2714, %gather3A_2716 : vector<16xf32>
        %mul3A_2722 = arith.mulf %gather3A_2715, %gather3A_2720 : vector<16xf32>
        %sub3A_2723 = arith.subf %mul3A_2721, %mul3A_2722 : vector<16xf32>
        %abs3A_2724 = math.absf %sub3A_2723 : vector<16xf32>
        %add3A_2725 = arith.addf %add3A_2711, %abs3A_2724 : vector<16xf32>
        %broadcast_in_dim3A_2726 = arith.constant 49 : i32
        %broadcast_in_dim3A_2727 = vector.broadcast %broadcast_in_dim3A_2726 : i32 to vector<16xi32>
        %gather3A_2728 = tpu.vector_load_idx %arg11[%add3A_2037, %broadcast_in_dim3A_2727] : memref<256x64xf32, #tpu.memory_space<vmem>>[vector<16xi32>, vector<16xi32>], vector<16xf32>,
        %gather3A_2729 = tpu.vector_load_idx %arg12[%add3A_2041, %broadcast_in_dim3A_2727] : memref<256x64xf32, #tpu.memory_space<vmem>>[vector<16xi32>, vector<16xi32>], vector<16xf32>,
        %gather3A_2730 = tpu.vector_load_idx %arg13[%add3A_2019, %broadcast_in_dim3A_2727] : memref<32x128xf32, #tpu.memory_space<vmem>>[vector<16xi32>, vector<16xi32>], vector<16xf32>,
        %add3A_2731 = arith.constant 64 : i32
        %add3A_2732 = vector.broadcast %add3A_2731 : i32 to vector<16xi32>
        %add3A_2733 = arith.addi %broadcast_in_dim3A_2727, %add3A_2732 : vector<16xi32>
        %gather3A_2734 = tpu.vector_load_idx %arg13[%add3A_2019, %add3A_2733] : memref<32x128xf32, #tpu.memory_space<vmem>>[vector<16xi32>, vector<16xi32>], vector<16xf32>,
        %mul3A_2735 = arith.mulf %gather3A_2728, %gather3A_2730 : vector<16xf32>
        %mul3A_2736 = arith.mulf %gather3A_2729, %gather3A_2734 : vector<16xf32>
        %sub3A_2737 = arith.subf %mul3A_2735, %mul3A_2736 : vector<16xf32>
        %abs3A_2738 = math.absf %sub3A_2737 : vector<16xf32>
        %add3A_2739 = arith.addf %add3A_2725, %abs3A_2738 : vector<16xf32>
        %broadcast_in_dim3A_2740 = arith.constant 50 : i32
        %broadcast_in_dim3A_2741 = vector.broadcast %broadcast_in_dim3A_2740 : i32 to vector<16xi32>
        %gather3A_2742 = tpu.vector_load_idx %arg11[%add3A_2037, %broadcast_in_dim3A_2741] : memref<256x64xf32, #tpu.memory_space<vmem>>[vector<16xi32>, vector<16xi32>], vector<16xf32>,
        %gather3A_2743 = tpu.vector_load_idx %arg12[%add3A_2041, %broadcast_in_dim3A_2741] : memref<256x64xf32, #tpu.memory_space<vmem>>[vector<16xi32>, vector<16xi32>], vector<16xf32>,
        %gather3A_2744 = tpu.vector_load_idx %arg13[%add3A_2019, %broadcast_in_dim3A_2741] : memref<32x128xf32, #tpu.memory_space<vmem>>[vector<16xi32>, vector<16xi32>], vector<16xf32>,
        %add3A_2745 = arith.constant 64 : i32
        %add3A_2746 = vector.broadcast %add3A_2745 : i32 to vector<16xi32>
        %add3A_2747 = arith.addi %broadcast_in_dim3A_2741, %add3A_2746 : vector<16xi32>
        %gather3A_2748 = tpu.vector_load_idx %arg13[%add3A_2019, %add3A_2747] : memref<32x128xf32, #tpu.memory_space<vmem>>[vector<16xi32>, vector<16xi32>], vector<16xf32>,
        %mul3A_2749 = arith.mulf %gather3A_2742, %gather3A_2744 : vector<16xf32>
        %mul3A_2750 = arith.mulf %gather3A_2743, %gather3A_2748 : vector<16xf32>
        %sub3A_2751 = arith.subf %mul3A_2749, %mul3A_2750 : vector<16xf32>
        %abs3A_2752 = math.absf %sub3A_2751 : vector<16xf32>
        %add3A_2753 = arith.addf %add3A_2739, %abs3A_2752 : vector<16xf32>
        %broadcast_in_dim3A_2754 = arith.constant 51 : i32
        %broadcast_in_dim3A_2755 = vector.broadcast %broadcast_in_dim3A_2754 : i32 to vector<16xi32>
        %gather3A_2756 = tpu.vector_load_idx %arg11[%add3A_2037, %broadcast_in_dim3A_2755] : memref<256x64xf32, #tpu.memory_space<vmem>>[vector<16xi32>, vector<16xi32>], vector<16xf32>,
        %gather3A_2757 = tpu.vector_load_idx %arg12[%add3A_2041, %broadcast_in_dim3A_2755] : memref<256x64xf32, #tpu.memory_space<vmem>>[vector<16xi32>, vector<16xi32>], vector<16xf32>,
        %gather3A_2758 = tpu.vector_load_idx %arg13[%add3A_2019, %broadcast_in_dim3A_2755] : memref<32x128xf32, #tpu.memory_space<vmem>>[vector<16xi32>, vector<16xi32>], vector<16xf32>,
        %add3A_2759 = arith.constant 64 : i32
        %add3A_2760 = vector.broadcast %add3A_2759 : i32 to vector<16xi32>
        %add3A_2761 = arith.addi %broadcast_in_dim3A_2755, %add3A_2760 : vector<16xi32>
        %gather3A_2762 = tpu.vector_load_idx %arg13[%add3A_2019, %add3A_2761] : memref<32x128xf32, #tpu.memory_space<vmem>>[vector<16xi32>, vector<16xi32>], vector<16xf32>,
        %mul3A_2763 = arith.mulf %gather3A_2756, %gather3A_2758 : vector<16xf32>
        %mul3A_2764 = arith.mulf %gather3A_2757, %gather3A_2762 : vector<16xf32>
        %sub3A_2765 = arith.subf %mul3A_2763, %mul3A_2764 : vector<16xf32>
        %abs3A_2766 = math.absf %sub3A_2765 : vector<16xf32>
        %add3A_2767 = arith.addf %add3A_2753, %abs3A_2766 : vector<16xf32>
        %broadcast_in_dim3A_2768 = arith.constant 52 : i32
        %broadcast_in_dim3A_2769 = vector.broadcast %broadcast_in_dim3A_2768 : i32 to vector<16xi32>
        %gather3A_2770 = tpu.vector_load_idx %arg11[%add3A_2037, %broadcast_in_dim3A_2769] : memref<256x64xf32, #tpu.memory_space<vmem>>[vector<16xi32>, vector<16xi32>], vector<16xf32>,
        %gather3A_2771 = tpu.vector_load_idx %arg12[%add3A_2041, %broadcast_in_dim3A_2769] : memref<256x64xf32, #tpu.memory_space<vmem>>[vector<16xi32>, vector<16xi32>], vector<16xf32>,
        %gather3A_2772 = tpu.vector_load_idx %arg13[%add3A_2019, %broadcast_in_dim3A_2769] : memref<32x128xf32, #tpu.memory_space<vmem>>[vector<16xi32>, vector<16xi32>], vector<16xf32>,
        %add3A_2773 = arith.constant 64 : i32
        %add3A_2774 = vector.broadcast %add3A_2773 : i32 to vector<16xi32>
        %add3A_2775 = arith.addi %broadcast_in_dim3A_2769, %add3A_2774 : vector<16xi32>
        %gather3A_2776 = tpu.vector_load_idx %arg13[%add3A_2019, %add3A_2775] : memref<32x128xf32, #tpu.memory_space<vmem>>[vector<16xi32>, vector<16xi32>], vector<16xf32>,
        %mul3A_2777 = arith.mulf %gather3A_2770, %gather3A_2772 : vector<16xf32>
        %mul3A_2778 = arith.mulf %gather3A_2771, %gather3A_2776 : vector<16xf32>
        %sub3A_2779 = arith.subf %mul3A_2777, %mul3A_2778 : vector<16xf32>
        %abs3A_2780 = math.absf %sub3A_2779 : vector<16xf32>
        %add3A_2781 = arith.addf %add3A_2767, %abs3A_2780 : vector<16xf32>
        %broadcast_in_dim3A_2782 = arith.constant 53 : i32
        %broadcast_in_dim3A_2783 = vector.broadcast %broadcast_in_dim3A_2782 : i32 to vector<16xi32>
        %gather3A_2784 = tpu.vector_load_idx %arg11[%add3A_2037, %broadcast_in_dim3A_2783] : memref<256x64xf32, #tpu.memory_space<vmem>>[vector<16xi32>, vector<16xi32>], vector<16xf32>,
        %gather3A_2785 = tpu.vector_load_idx %arg12[%add3A_2041, %broadcast_in_dim3A_2783] : memref<256x64xf32, #tpu.memory_space<vmem>>[vector<16xi32>, vector<16xi32>], vector<16xf32>,
        %gather3A_2786 = tpu.vector_load_idx %arg13[%add3A_2019, %broadcast_in_dim3A_2783] : memref<32x128xf32, #tpu.memory_space<vmem>>[vector<16xi32>, vector<16xi32>], vector<16xf32>,
        %add3A_2787 = arith.constant 64 : i32
        %add3A_2788 = vector.broadcast %add3A_2787 : i32 to vector<16xi32>
        %add3A_2789 = arith.addi %broadcast_in_dim3A_2783, %add3A_2788 : vector<16xi32>
        %gather3A_2790 = tpu.vector_load_idx %arg13[%add3A_2019, %add3A_2789] : memref<32x128xf32, #tpu.memory_space<vmem>>[vector<16xi32>, vector<16xi32>], vector<16xf32>,
        %mul3A_2791 = arith.mulf %gather3A_2784, %gather3A_2786 : vector<16xf32>
        %mul3A_2792 = arith.mulf %gather3A_2785, %gather3A_2790 : vector<16xf32>
        %sub3A_2793 = arith.subf %mul3A_2791, %mul3A_2792 : vector<16xf32>
        %abs3A_2794 = math.absf %sub3A_2793 : vector<16xf32>
        %add3A_2795 = arith.addf %add3A_2781, %abs3A_2794 : vector<16xf32>
        %broadcast_in_dim3A_2796 = arith.constant 54 : i32
        %broadcast_in_dim3A_2797 = vector.broadcast %broadcast_in_dim3A_2796 : i32 to vector<16xi32>
        %gather3A_2798 = tpu.vector_load_idx %arg11[%add3A_2037, %broadcast_in_dim3A_2797] : memref<256x64xf32, #tpu.memory_space<vmem>>[vector<16xi32>, vector<16xi32>], vector<16xf32>,
        %gather3A_2799 = tpu.vector_load_idx %arg12[%add3A_2041, %broadcast_in_dim3A_2797] : memref<256x64xf32, #tpu.memory_space<vmem>>[vector<16xi32>, vector<16xi32>], vector<16xf32>,
        %gather3A_2800 = tpu.vector_load_idx %arg13[%add3A_2019, %broadcast_in_dim3A_2797] : memref<32x128xf32, #tpu.memory_space<vmem>>[vector<16xi32>, vector<16xi32>], vector<16xf32>,
        %add3A_2801 = arith.constant 64 : i32
        %add3A_2802 = vector.broadcast %add3A_2801 : i32 to vector<16xi32>
        %add3A_2803 = arith.addi %broadcast_in_dim3A_2797, %add3A_2802 : vector<16xi32>
        %gather3A_2804 = tpu.vector_load_idx %arg13[%add3A_2019, %add3A_2803] : memref<32x128xf32, #tpu.memory_space<vmem>>[vector<16xi32>, vector<16xi32>], vector<16xf32>,
        %mul3A_2805 = arith.mulf %gather3A_2798, %gather3A_2800 : vector<16xf32>
        %mul3A_2806 = arith.mulf %gather3A_2799, %gather3A_2804 : vector<16xf32>
        %sub3A_2807 = arith.subf %mul3A_2805, %mul3A_2806 : vector<16xf32>
        %abs3A_2808 = math.absf %sub3A_2807 : vector<16xf32>
        %add3A_2809 = arith.addf %add3A_2795, %abs3A_2808 : vector<16xf32>
        %broadcast_in_dim3A_2810 = arith.constant 55 : i32
        %broadcast_in_dim3A_2811 = vector.broadcast %broadcast_in_dim3A_2810 : i32 to vector<16xi32>
        %gather3A_2812 = tpu.vector_load_idx %arg11[%add3A_2037, %broadcast_in_dim3A_2811] : memref<256x64xf32, #tpu.memory_space<vmem>>[vector<16xi32>, vector<16xi32>], vector<16xf32>,
        %gather3A_2813 = tpu.vector_load_idx %arg12[%add3A_2041, %broadcast_in_dim3A_2811] : memref<256x64xf32, #tpu.memory_space<vmem>>[vector<16xi32>, vector<16xi32>], vector<16xf32>,
        %gather3A_2814 = tpu.vector_load_idx %arg13[%add3A_2019, %broadcast_in_dim3A_2811] : memref<32x128xf32, #tpu.memory_space<vmem>>[vector<16xi32>, vector<16xi32>], vector<16xf32>,
        %add3A_2815 = arith.constant 64 : i32
        %add3A_2816 = vector.broadcast %add3A_2815 : i32 to vector<16xi32>
        %add3A_2817 = arith.addi %broadcast_in_dim3A_2811, %add3A_2816 : vector<16xi32>
        %gather3A_2818 = tpu.vector_load_idx %arg13[%add3A_2019, %add3A_2817] : memref<32x128xf32, #tpu.memory_space<vmem>>[vector<16xi32>, vector<16xi32>], vector<16xf32>,
        %mul3A_2819 = arith.mulf %gather3A_2812, %gather3A_2814 : vector<16xf32>
        %mul3A_2820 = arith.mulf %gather3A_2813, %gather3A_2818 : vector<16xf32>
        %sub3A_2821 = arith.subf %mul3A_2819, %mul3A_2820 : vector<16xf32>
        %abs3A_2822 = math.absf %sub3A_2821 : vector<16xf32>
        %add3A_2823 = arith.addf %add3A_2809, %abs3A_2822 : vector<16xf32>
        %broadcast_in_dim3A_2824 = arith.constant 56 : i32
        %broadcast_in_dim3A_2825 = vector.broadcast %broadcast_in_dim3A_2824 : i32 to vector<16xi32>
        %gather3A_2826 = tpu.vector_load_idx %arg11[%add3A_2037, %broadcast_in_dim3A_2825] : memref<256x64xf32, #tpu.memory_space<vmem>>[vector<16xi32>, vector<16xi32>], vector<16xf32>,
        %gather3A_2827 = tpu.vector_load_idx %arg12[%add3A_2041, %broadcast_in_dim3A_2825] : memref<256x64xf32, #tpu.memory_space<vmem>>[vector<16xi32>, vector<16xi32>], vector<16xf32>,
        %gather3A_2828 = tpu.vector_load_idx %arg13[%add3A_2019, %broadcast_in_dim3A_2825] : memref<32x128xf32, #tpu.memory_space<vmem>>[vector<16xi32>, vector<16xi32>], vector<16xf32>,
        %add3A_2829 = arith.constant 64 : i32
        %add3A_2830 = vector.broadcast %add3A_2829 : i32 to vector<16xi32>
        %add3A_2831 = arith.addi %broadcast_in_dim3A_2825, %add3A_2830 : vector<16xi32>
        %gather3A_2832 = tpu.vector_load_idx %arg13[%add3A_2019, %add3A_2831] : memref<32x128xf32, #tpu.memory_space<vmem>>[vector<16xi32>, vector<16xi32>], vector<16xf32>,
        %mul3A_2833 = arith.mulf %gather3A_2826, %gather3A_2828 : vector<16xf32>
        %mul3A_2834 = arith.mulf %gather3A_2827, %gather3A_2832 : vector<16xf32>
        %sub3A_2835 = arith.subf %mul3A_2833, %mul3A_2834 : vector<16xf32>
        %abs3A_2836 = math.absf %sub3A_2835 : vector<16xf32>
        %add3A_2837 = arith.addf %add3A_2823, %abs3A_2836 : vector<16xf32>
        %broadcast_in_dim3A_2838 = arith.constant 57 : i32
        %broadcast_in_dim3A_2839 = vector.broadcast %broadcast_in_dim3A_2838 : i32 to vector<16xi32>
        %gather3A_2840 = tpu.vector_load_idx %arg11[%add3A_2037, %broadcast_in_dim3A_2839] : memref<256x64xf32, #tpu.memory_space<vmem>>[vector<16xi32>, vector<16xi32>], vector<16xf32>,
        %gather3A_2841 = tpu.vector_load_idx %arg12[%add3A_2041, %broadcast_in_dim3A_2839] : memref<256x64xf32, #tpu.memory_space<vmem>>[vector<16xi32>, vector<16xi32>], vector<16xf32>,
        %gather3A_2842 = tpu.vector_load_idx %arg13[%add3A_2019, %broadcast_in_dim3A_2839] : memref<32x128xf32, #tpu.memory_space<vmem>>[vector<16xi32>, vector<16xi32>], vector<16xf32>,
        %add3A_2843 = arith.constant 64 : i32
        %add3A_2844 = vector.broadcast %add3A_2843 : i32 to vector<16xi32>
        %add3A_2845 = arith.addi %broadcast_in_dim3A_2839, %add3A_2844 : vector<16xi32>
        %gather3A_2846 = tpu.vector_load_idx %arg13[%add3A_2019, %add3A_2845] : memref<32x128xf32, #tpu.memory_space<vmem>>[vector<16xi32>, vector<16xi32>], vector<16xf32>,
        %mul3A_2847 = arith.mulf %gather3A_2840, %gather3A_2842 : vector<16xf32>
        %mul3A_2848 = arith.mulf %gather3A_2841, %gather3A_2846 : vector<16xf32>
        %sub3A_2849 = arith.subf %mul3A_2847, %mul3A_2848 : vector<16xf32>
        %abs3A_2850 = math.absf %sub3A_2849 : vector<16xf32>
        %add3A_2851 = arith.addf %add3A_2837, %abs3A_2850 : vector<16xf32>
        %broadcast_in_dim3A_2852 = arith.constant 58 : i32
        %broadcast_in_dim3A_2853 = vector.broadcast %broadcast_in_dim3A_2852 : i32 to vector<16xi32>
        %gather3A_2854 = tpu.vector_load_idx %arg11[%add3A_2037, %broadcast_in_dim3A_2853] : memref<256x64xf32, #tpu.memory_space<vmem>>[vector<16xi32>, vector<16xi32>], vector<16xf32>,
        %gather3A_2855 = tpu.vector_load_idx %arg12[%add3A_2041, %broadcast_in_dim3A_2853] : memref<256x64xf32, #tpu.memory_space<vmem>>[vector<16xi32>, vector<16xi32>], vector<16xf32>,
        %gather3A_2856 = tpu.vector_load_idx %arg13[%add3A_2019, %broadcast_in_dim3A_2853] : memref<32x128xf32, #tpu.memory_space<vmem>>[vector<16xi32>, vector<16xi32>], vector<16xf32>,
        %add3A_2857 = arith.constant 64 : i32
        %add3A_2858 = vector.broadcast %add3A_2857 : i32 to vector<16xi32>
        %add3A_2859 = arith.addi %broadcast_in_dim3A_2853, %add3A_2858 : vector<16xi32>
        %gather3A_2860 = tpu.vector_load_idx %arg13[%add3A_2019, %add3A_2859] : memref<32x128xf32, #tpu.memory_space<vmem>>[vector<16xi32>, vector<16xi32>], vector<16xf32>,
        %mul3A_2861 = arith.mulf %gather3A_2854, %gather3A_2856 : vector<16xf32>
        %mul3A_2862 = arith.mulf %gather3A_2855, %gather3A_2860 : vector<16xf32>
        %sub3A_2863 = arith.subf %mul3A_2861, %mul3A_2862 : vector<16xf32>
        %abs3A_2864 = math.absf %sub3A_2863 : vector<16xf32>
        %add3A_2865 = arith.addf %add3A_2851, %abs3A_2864 : vector<16xf32>
        %broadcast_in_dim3A_2866 = arith.constant 59 : i32
        %broadcast_in_dim3A_2867 = vector.broadcast %broadcast_in_dim3A_2866 : i32 to vector<16xi32>
        %gather3A_2868 = tpu.vector_load_idx %arg11[%add3A_2037, %broadcast_in_dim3A_2867] : memref<256x64xf32, #tpu.memory_space<vmem>>[vector<16xi32>, vector<16xi32>], vector<16xf32>,
        %gather3A_2869 = tpu.vector_load_idx %arg12[%add3A_2041, %broadcast_in_dim3A_2867] : memref<256x64xf32, #tpu.memory_space<vmem>>[vector<16xi32>, vector<16xi32>], vector<16xf32>,
        %gather3A_2870 = tpu.vector_load_idx %arg13[%add3A_2019, %broadcast_in_dim3A_2867] : memref<32x128xf32, #tpu.memory_space<vmem>>[vector<16xi32>, vector<16xi32>], vector<16xf32>,
        %add3A_2871 = arith.constant 64 : i32
        %add3A_2872 = vector.broadcast %add3A_2871 : i32 to vector<16xi32>
        %add3A_2873 = arith.addi %broadcast_in_dim3A_2867, %add3A_2872 : vector<16xi32>
        %gather3A_2874 = tpu.vector_load_idx %arg13[%add3A_2019, %add3A_2873] : memref<32x128xf32, #tpu.memory_space<vmem>>[vector<16xi32>, vector<16xi32>], vector<16xf32>,
        %mul3A_2875 = arith.mulf %gather3A_2868, %gather3A_2870 : vector<16xf32>
        %mul3A_2876 = arith.mulf %gather3A_2869, %gather3A_2874 : vector<16xf32>
        %sub3A_2877 = arith.subf %mul3A_2875, %mul3A_2876 : vector<16xf32>
        %abs3A_2878 = math.absf %sub3A_2877 : vector<16xf32>
        %add3A_2879 = arith.addf %add3A_2865, %abs3A_2878 : vector<16xf32>
        %broadcast_in_dim3A_2880 = arith.constant 60 : i32
        %broadcast_in_dim3A_2881 = vector.broadcast %broadcast_in_dim3A_2880 : i32 to vector<16xi32>
        %gather3A_2882 = tpu.vector_load_idx %arg11[%add3A_2037, %broadcast_in_dim3A_2881] : memref<256x64xf32, #tpu.memory_space<vmem>>[vector<16xi32>, vector<16xi32>], vector<16xf32>,
        %gather3A_2883 = tpu.vector_load_idx %arg12[%add3A_2041, %broadcast_in_dim3A_2881] : memref<256x64xf32, #tpu.memory_space<vmem>>[vector<16xi32>, vector<16xi32>], vector<16xf32>,
        %gather3A_2884 = tpu.vector_load_idx %arg13[%add3A_2019, %broadcast_in_dim3A_2881] : memref<32x128xf32, #tpu.memory_space<vmem>>[vector<16xi32>, vector<16xi32>], vector<16xf32>,
        %add3A_2885 = arith.constant 64 : i32
        %add3A_2886 = vector.broadcast %add3A_2885 : i32 to vector<16xi32>
        %add3A_2887 = arith.addi %broadcast_in_dim3A_2881, %add3A_2886 : vector<16xi32>
        %gather3A_2888 = tpu.vector_load_idx %arg13[%add3A_2019, %add3A_2887] : memref<32x128xf32, #tpu.memory_space<vmem>>[vector<16xi32>, vector<16xi32>], vector<16xf32>,
        %mul3A_2889 = arith.mulf %gather3A_2882, %gather3A_2884 : vector<16xf32>
        %mul3A_2890 = arith.mulf %gather3A_2883, %gather3A_2888 : vector<16xf32>
        %sub3A_2891 = arith.subf %mul3A_2889, %mul3A_2890 : vector<16xf32>
        %abs3A_2892 = math.absf %sub3A_2891 : vector<16xf32>
        %add3A_2893 = arith.addf %add3A_2879, %abs3A_2892 : vector<16xf32>
        %broadcast_in_dim3A_2894 = arith.constant 61 : i32
        %broadcast_in_dim3A_2895 = vector.broadcast %broadcast_in_dim3A_2894 : i32 to vector<16xi32>
        %gather3A_2896 = tpu.vector_load_idx %arg11[%add3A_2037, %broadcast_in_dim3A_2895] : memref<256x64xf32, #tpu.memory_space<vmem>>[vector<16xi32>, vector<16xi32>], vector<16xf32>,
        %gather3A_2897 = tpu.vector_load_idx %arg12[%add3A_2041, %broadcast_in_dim3A_2895] : memref<256x64xf32, #tpu.memory_space<vmem>>[vector<16xi32>, vector<16xi32>], vector<16xf32>,
        %gather3A_2898 = tpu.vector_load_idx %arg13[%add3A_2019, %broadcast_in_dim3A_2895] : memref<32x128xf32, #tpu.memory_space<vmem>>[vector<16xi32>, vector<16xi32>], vector<16xf32>,
        %add3A_2899 = arith.constant 64 : i32
        %add3A_2900 = vector.broadcast %add3A_2899 : i32 to vector<16xi32>
        %add3A_2901 = arith.addi %broadcast_in_dim3A_2895, %add3A_2900 : vector<16xi32>
        %gather3A_2902 = tpu.vector_load_idx %arg13[%add3A_2019, %add3A_2901] : memref<32x128xf32, #tpu.memory_space<vmem>>[vector<16xi32>, vector<16xi32>], vector<16xf32>,
        %mul3A_2903 = arith.mulf %gather3A_2896, %gather3A_2898 : vector<16xf32>
        %mul3A_2904 = arith.mulf %gather3A_2897, %gather3A_2902 : vector<16xf32>
        %sub3A_2905 = arith.subf %mul3A_2903, %mul3A_2904 : vector<16xf32>
        %abs3A_2906 = math.absf %sub3A_2905 : vector<16xf32>
        %add3A_2907 = arith.addf %add3A_2893, %abs3A_2906 : vector<16xf32>
        %broadcast_in_dim3A_2908 = arith.constant 62 : i32
        %broadcast_in_dim3A_2909 = vector.broadcast %broadcast_in_dim3A_2908 : i32 to vector<16xi32>
        %gather3A_2910 = tpu.vector_load_idx %arg11[%add3A_2037, %broadcast_in_dim3A_2909] : memref<256x64xf32, #tpu.memory_space<vmem>>[vector<16xi32>, vector<16xi32>], vector<16xf32>,
        %gather3A_2911 = tpu.vector_load_idx %arg12[%add3A_2041, %broadcast_in_dim3A_2909] : memref<256x64xf32, #tpu.memory_space<vmem>>[vector<16xi32>, vector<16xi32>], vector<16xf32>,
        %gather3A_2912 = tpu.vector_load_idx %arg13[%add3A_2019, %broadcast_in_dim3A_2909] : memref<32x128xf32, #tpu.memory_space<vmem>>[vector<16xi32>, vector<16xi32>], vector<16xf32>,
        %add3A_2913 = arith.constant 64 : i32
        %add3A_2914 = vector.broadcast %add3A_2913 : i32 to vector<16xi32>
        %add3A_2915 = arith.addi %broadcast_in_dim3A_2909, %add3A_2914 : vector<16xi32>
        %gather3A_2916 = tpu.vector_load_idx %arg13[%add3A_2019, %add3A_2915] : memref<32x128xf32, #tpu.memory_space<vmem>>[vector<16xi32>, vector<16xi32>], vector<16xf32>,
        %mul3A_2917 = arith.mulf %gather3A_2910, %gather3A_2912 : vector<16xf32>
        %mul3A_2918 = arith.mulf %gather3A_2911, %gather3A_2916 : vector<16xf32>
        %sub3A_2919 = arith.subf %mul3A_2917, %mul3A_2918 : vector<16xf32>
        %abs3A_2920 = math.absf %sub3A_2919 : vector<16xf32>
        %add3A_2921 = arith.addf %add3A_2907, %abs3A_2920 : vector<16xf32>
        %broadcast_in_dim3A_2922 = arith.constant 63 : i32
        %broadcast_in_dim3A_2923 = vector.broadcast %broadcast_in_dim3A_2922 : i32 to vector<16xi32>
        %gather3A_2924 = tpu.vector_load_idx %arg11[%add3A_2037, %broadcast_in_dim3A_2923] : memref<256x64xf32, #tpu.memory_space<vmem>>[vector<16xi32>, vector<16xi32>], vector<16xf32>,
        %gather3A_2925 = tpu.vector_load_idx %arg12[%add3A_2041, %broadcast_in_dim3A_2923] : memref<256x64xf32, #tpu.memory_space<vmem>>[vector<16xi32>, vector<16xi32>], vector<16xf32>,
        %gather3A_2926 = tpu.vector_load_idx %arg13[%add3A_2019, %broadcast_in_dim3A_2923] : memref<32x128xf32, #tpu.memory_space<vmem>>[vector<16xi32>, vector<16xi32>], vector<16xf32>,
        %add3A_2927 = arith.constant 64 : i32
        %add3A_2928 = vector.broadcast %add3A_2927 : i32 to vector<16xi32>
        %add3A_2929 = arith.addi %broadcast_in_dim3A_2923, %add3A_2928 : vector<16xi32>
        %gather3A_2930 = tpu.vector_load_idx %arg13[%add3A_2019, %add3A_2929] : memref<32x128xf32, #tpu.memory_space<vmem>>[vector<16xi32>, vector<16xi32>], vector<16xf32>,
        %mul3A_2931 = arith.mulf %gather3A_2924, %gather3A_2926 : vector<16xf32>
        %mul3A_2932 = arith.mulf %gather3A_2925, %gather3A_2930 : vector<16xf32>
        %sub3A_2933 = arith.subf %mul3A_2931, %mul3A_2932 : vector<16xf32>
        %abs3A_2934 = math.absf %sub3A_2933 : vector<16xf32>
        %add3A_2935 = arith.addf %add3A_2921, %abs3A_2934 : vector<16xf32>
        %sub3A_2936 = arith.constant 1.200000e+01 : f32
        %sub3A_2937 = vector.broadcast %sub3A_2936 : f32 to vector<16xf32>
        %sub3A_2938 = arith.subf %sub3A_2937, %add3A_2935 : vector<16xf32>
        %mul3A_2939 = arith.constant 16 : i32
        %mul3A_2940 = arith.muli %scan3A_2014, %mul3A_2939 : i32
        %swap3A = arith.index_cast %mul3A_2940 : i32 to index
        %swap3A_2941 = tpu.vector_load %arg14[%swap3A] {strides = array<i32>} : memref<32xf32, #tpu.memory_space<vmem>>, vector<16xf32>,
        tpu.vector_store %arg14[%swap3A], %sub3A_2938 {strides = array<i32>} : memref<32xf32, #tpu.memory_space<vmem>>, vector<16xf32>,
        %scan3A_2942 = arith.constant 0 : i32
        scf.yield %scan3A_2942 : i32
      }
      %scan3A_2012 = arith.constant 2 : i32
      "tpu.region"() ({
        %run_scoped3A = tpu.sem_alloc : memref<!tpu.dma_semaphore, #tpu.memory_space<semaphore_mem>>
        %dma_start3A_2014 = tpu.memref_slice %arg7[%multiple_of3A] : memref<16384xf32, #tpu.memory_space<hbm>> -> memref<32xf32, #tpu.memory_space<hbm>>
        %dma_start3A_2015 = tpu.memref_slice %arg7[%multiple_of3A] : memref<16384xf32, #tpu.memory_space<hbm>> -> memref<32xf32, #tpu.memory_space<hbm>>
        tpu.enqueue_dma source(%arg14 : memref<32xf32, #tpu.memory_space<vmem>>) target(%dma_start3A_2015 : memref<32xf32, #tpu.memory_space<hbm>>) target_semaphore(%run_scoped3A : memref<!tpu.dma_semaphore, #tpu.memory_space<semaphore_mem>>)
        %dma_wait3A_2016 = tpu.memref_slice %arg7[%multiple_of3A] : memref<16384xf32, #tpu.memory_space<hbm>> -> memref<32xf32, #tpu.memory_space<hbm>>
        %dma_wait3A_2017 = tpu.memref_slice %arg7[%multiple_of3A] : memref<16384xf32, #tpu.memory_space<hbm>> -> memref<32xf32, #tpu.memory_space<hbm>>
        tpu.wait_dma2 semaphore(%run_scoped3A : memref<!tpu.dma_semaphore, #tpu.memory_space<semaphore_mem>>) src(%arg14 : memref<32xf32, #tpu.memory_space<vmem>>) dst(%dma_wait3A_2017 : memref<32xf32, #tpu.memory_space<hbm>>)
        tpu.yield
      }) : () -> ()
      %scan3A_2013 = arith.constant 0 : i32
      scf.yield %scan3A_2013 : i32
    }
    %scan3A_6 = arith.constant 16 : i32
    return
  }
}

</mosaic_0001>

<sc_bundles>
// kernel: kernel.3.cloned.1.call-start
scs
__scs_entry_jumppad:
0x0: {  	(pc) =	sbr.rel $0x88, $3  }
0x1: {  	(tag) =	ssettag $0x0;
	lr =	simm.s32 $0x1  }
0x2: {  	[smem:$0x3F9C] =	sst lr;
	_ =	strace $0xD0000000  }
0x3: {  	_ = 	snop  }
0x4: {  	_ = 	snop  }
0x5: {  	_ = 	snop  }
0x6: {  	_ = 	snop  }
0x7: {  	_ = 	snop  }
__scs_overlays_trampoline_lowered:
0x8: {  	[smem:$0x3FAB] =	sst s0  }
0x9: {  	[smem:$0x3FAC] =	sst s1  }
0xa: {  	[smem:$0x3FAD] =	sst s2  }
0xb: {  	[smem:$0x3FAE] =	sst s3  }
0xc: {  	[smem:$0x3FAF] =	sst s4  }
0xd: {  	[smem:$0x3FB0] =	sst s5  }
0xe: {  	[smem:$0x3FB1] =	sst s6  }
0xf: {  	[smem:$0x3FB2] =	sst s7  }
0x10: {  	[smem:$0x3FB3] =	sst s8  }
0x11: {  	[smem:$0x3FB4] =	sst s9;
	s0 =	simm.s32 @!p0 $0x0  }
0x12: {  	s1 =	sld [smem:$0x3F9A];
	s0 =	simm.s32 @p0 $0x1  }
0x13: {  	[smem:$0x3FB5] =	sst s0;
	s0 =	simm.s32 @!p1 $0x0  }
0x14: {  	s2 =	sld [smem:$0x3F99];
	s0 =	simm.s32 @p1 $0x1  }
0x15: {  	[smem:$0x3FB6] =	sst s0;
	s0 =	simm.s32 @!p2 $0x0  }
0x16: {  	s3 =	sld [smem:$0x3FDB];
	s0 =	simm.s32 @p2 $0x1  }
0x17: {  	s4 =	simm.s32 $0x1BF5;
	[smem:$0x3FB8] =	sst s0  }
0x18: {  	s0 =	sld [smem:$0x3F9B];
	_ =	swait.ge [sflag:s4], $0x0  }
0x19: {  	s7 =	sld [smem:$0x3F9C]  }
0x1a: {  	s8 =	sadd.s32 $0xFFFFE003, lr  }
0x1b: {  	s9 =	sadd.s32 $0xFFFFFEF7, lr;
	s5 =	simm.s32 $0xFFFFFFFF;
	p2 =	slt.u32 s8, $0xFFFFF086  }
0x1c: {  	p1 =	slt.u32 s9, $0xF7A;
	s5 =	simm.s32 @!p2 $0x0  }
0x1d: {  	s5 =	simm.s32 @p1 $0x1;
	p0 =	seq.s32 s7, s2  }
0x1e: {  	s7 =	smul.u32 @!p0 $0xF7A, s2;
	p2 =	seq.s32 @!p0 s5, $0x0  }
0x1f: {  	s9 =	smul.u32 $0xF7A, s1;
	s8 =	simm.s32 @!p0 $0x1BF5;
	p2 =	por !p2, p0  }
0x20: {  	[sflag:s8] =	ssyncset.s32 @!p0 $0xFFFFF086;
	s6 =	sadd.s32 @!p0 s3, s7;
	s7 =	simm.s32 @!p0 $0x108  }
0x21: {  	s3 =	sadd.s32 s3, s9;
	s6 =	sadd.s32 @!p0 $0x88, s6;
	s7 =	simm.s32 @p2 $0x1082  }
0x22: {  	[simem:s7], [sflag:s8] =	dma.local @!p0 [hbm:s6], $0xF7A  }
0x23: {  	s9 =	sor.u32 $0xD0000000, s2;
	s6 =	simm.s32 $0x108;
	_ =	swait.ge @!p0 [sflag:s8], $0x0  }
0x24: {  	s3 =	sadd.s32 $0x88, s3;
	s6 =	simm.s32 @!p1 $0x1082;
	[sflag:s4] =	ssyncset.s32 $0xFFFFF086  }
0x25: {  	[simem:s6], [sflag:s4] =	dma.local [hbm:s3], $0xF7A  }
0x26: {  	[smem:$0x3F9C] =	sst s1;
	(tag) =	ssettag s2;
	_ =	strace s9  }
0x27: {  	s1 =	sld [smem:$0x3FAC]  }
0x28: {  	s2 =	sld [smem:$0x3FAD]  }
0x29: {  	s4 =	sld [smem:$0x3FAF]  }
0x2a: {  	p0 =	seq.s32 s5, $0x0;
	s5 =	sld [smem:$0x3FB0]  }
0x2b: {  	s6 =	sld [smem:$0x3FB1]  }
0x2c: {  	s7 =	sld [smem:$0x3FB2]  }
0x2d: {  	s3 =	simm.s32 $0x108;
	s8 =	sld [smem:$0x3FB3]  }
0x2e: {  	s3 =	simm.s32 @!p0 $0x1082;
	s9 =	sld [smem:$0x3FB4]  }
0x2f: {  	lr =	sadd.s32 s0, s3;
	s0 =	sld [smem:$0x3FAB]  }
0x30: {  	s3 =	sld [smem:$0x3FAE]  }
0x31: {  	[smem:$0x3FB7] =	sst s10  }
0x32: {  	s10 =	sld [smem:$0x3FB5];
	_ =	sdelay $0x3  }
0x33: {  	p0 =	seq.s32 s10, $0x1;
	s10 =	sld [smem:$0x3FB7];
	_ =	sdelay $0x3  }
0x34: {  	[smem:$0x3FB7] =	sst s10  }
0x35: {  	s10 =	sld [smem:$0x3FB6];
	_ =	sdelay $0x3  }
0x36: {  	p1 =	seq.s32 s10, $0x1;
	s10 =	sld [smem:$0x3FB7];
	_ =	sdelay $0x3  }
0x37: {  	[smem:$0x3FB7] =	sst s10  }
0x38: {  	s10 =	sld [smem:$0x3FB8]  }
0x39: {  	_ = 	snop;
	(pc) =	sbr.ind lr, $3  }
0x3a: {  	_ = 	snop  }
0x3b: {  	_ = 	snop  }
0x3c: {  	p2 =	seq.s32 s10, $0x1;
	s10 =	sld [smem:$0x3FB7]  }
0x3d: {  	_ =	shalt  }
0x3e: {  	_ =	shalt  }
0x3f: {  	_ =	shalt  }
0x40: {  	_ =	shalt  }
0x41: {  	_ =	shalt  }
0x42: {  	_ =	shalt  }
0x43: {  	_ =	shalt  }
0x44: {  	_ =	shalt  }
0x45: {  	_ =	shalt  }
0x46: {  	_ =	shalt  }
0x47: {  	_ =	shalt  }
0x48: {  	_ =	shalt  }
0x49: {  	_ =	shalt  }
0x4a: {  	_ =	shalt  }
0x4b: {  	_ =	shalt  }
0x4c: {  	_ =	shalt  }
0x4d: {  	_ =	shalt  }
0x4e: {  	_ =	shalt  }
0x4f: {  	_ =	shalt  }
0x50: {  	_ =	shalt  }
0x51: {  	_ =	shalt  }
0x52: {  	_ =	shalt  }
0x53: {  	_ =	shalt  }
0x54: {  	_ =	shalt  }
0x55: {  	_ =	shalt  }
0x56: {  	_ =	shalt  }
0x57: {  	_ =	shalt  }
0x58: {  	_ =	shalt  }
0x59: {  	_ =	shalt  }
0x5a: {  	_ =	shalt  }
0x5b: {  	_ =	shalt  }
0x5c: {  	_ =	shalt  }
0x5d: {  	_ =	shalt  }
0x5e: {  	_ =	shalt  }
0x5f: {  	_ =	shalt  }
0x60: {  	_ =	shalt  }
0x61: {  	_ =	shalt  }
0x62: {  	_ =	shalt  }
0x63: {  	_ =	shalt  }
0x64: {  	_ =	shalt  }
0x65: {  	_ =	shalt  }
0x66: {  	_ =	shalt  }
0x67: {  	_ =	shalt  }
0x68: {  	_ =	shalt  }
0x69: {  	_ =	shalt  }
0x6a: {  	_ =	shalt  }
0x6b: {  	_ =	shalt  }
0x6c: {  	_ =	shalt  }
0x6d: {  	_ =	shalt  }
0x6e: {  	_ =	shalt  }
0x6f: {  	_ =	shalt  }
0x70: {  	_ =	shalt  }
0x71: {  	_ =	shalt  }
0x72: {  	_ =	shalt  }
0x73: {  	_ =	shalt  }
0x74: {  	_ =	shalt  }
0x75: {  	_ =	shalt  }
0x76: {  	_ =	shalt  }
0x77: {  	_ =	shalt  }
0x78: {  	_ =	shalt  }
0x79: {  	_ =	shalt  }
0x7a: {  	_ =	shalt  }
0x7b: {  	_ =	shalt  }
0x7c: {  	_ =	shalt  }
0x7d: {  	_ =	shalt  }
0x7e: {  	_ =	shalt  }
0x7f: {  	_ =	shalt  }
0x80: {  	_ =	shalt  }
0x81: {  	_ =	shalt  }
0x82: {  	_ =	shalt  }
0x83: {  	_ =	shalt  }
0x84: {  	_ =	shalt  }
0x85: {  	_ =	shalt  }
0x86: {  	_ =	shalt  }
0x87: {  	_ =	shalt  }
.Lfunc_end0:
.L_simem_size_0:
called_computation_lowered:
.L_overlay_start_0:
0x88: {  	s2 =	sld [smem:$0x3FD9]  }
0x89: {  	s3 =	sld [smem:$0x3FFE];
	_ =	sdelay $0x1  }
0x8a: {  	s1 =	srdreg.scid  }
0x8b: {  	s0 =	sand.u32 $0x1, s1  }
0x8c: {  	s17 =	sshll.u32 s0, $0xA;
	s2 =	sadd.s32 s3, s2  }
0x8d: {  	s2 =	sadd.s32 s2, s17  }
0x8e: {  	[smem:$0x3FC3] =	sst s2  }
0x8f: {  	_ = 	snop  }
0x90: {  	s2 =	sld [smem:$0x3FC9]  }
0x91: {  	s18 =	sld [smem:$0x3FC8]  }
0x92: {  	s4 =	sld [smem:$0x3FC7]  }
0x93: {  	s5 =	sld [smem:$0x3FC5]  }
0x94: {  	s6 =	sld [smem:$0x3FD0];
	(tm) =	ssettm $0x1  }
0x95: {  	s7 =	sld [smem:$0x3FFB];
	_ =	sdelay $0x3  }
0x96: {  	_ =	strace s7  }
0x97: {  	s7 =	sld [smem:$0x3FFC];
	_ =	sdelay $0x3  }
0x98: {  	_ =	strace s7  }
0x99: {  	s7 =	sld [smem:$0x3FFD];
	_ =	sdelay $0x3  }
0x9a: {  	_ =	strace s7  }
0x9b: {  	_ =	strace $0x8FFFFFFF  }
0x9c: {  	s19 =	sld [smem:$0x3FDB];
	_ =	sdelay $0x1  }
0x9d: {  	s8 =	simm.s32 $_scs_section_size  }
0x9e: {  	s9 =	simm.s32 $_size__tile_overlayer_lowered;
	s10 =	simm.s32 $_tile_overlayer_lowered  }
0x9f: {  	s22 =	simm.s32 $0x1BFF;
	s21 =	sshll.u32 s10, $0x1;
	s7 =	sadd.s32 s8, s19  }
0xa0: {  	s11 =	simm.s32 $0x0;
	s20 =	sshll.u32 s9, $0x1;
	s9 =	sadd.s32 s21, s7  }
0xa1: {  	[timem:s11], [sflag:s22] =	dma.local [hbm:s9], s20  }
0xa2: {  	_ =	swait.ge [sflag:s22], s20  }
0xa3: {  	s8 =	ssub.s32 $0x0, s20;
	[sflag:s22] =	ssyncset.done $0x0  }
0xa4: {  	[sflag:s22] =	ssyncadd.s32 s8;
	_ =	sdelay $0x1  }
0xa5: {  	s23 =	simm.s32 $0x1B8B  }
0xa6: {  	_ =	swait.ge [sflag:s23], $0x1  }
0xa7: {  	[sflag:s23] =	ssyncset.done $0x0  }
0xa8: {  	s25 =	simm.s32 $0x1B8E;
	s24 =	sld [smem:$0x3FFE];
	[sflag:s23] =	ssyncadd.s32 $0xFFFFFFFF  }
0xa9: {  	s26 =	simm.s32 $execute0_lowered;
	[smem:$0x3FD2] =	sst s25  }
0xaa: {  	s9 =	sshll.u32 s26, $0x1;
	_ =	strace $0x80000046;
	[dreg:$0x1] =	wrdreg $0xFFFFFFFF  }
0xab: {  	s28 =	simm.s32 $_size_execute0_lowered;
	s7 =	sadd.s32 s7, s9;
	[dreg:$0x0] =	wrdreg $0x0  }
0xac: {  	s9 =	sshll.u32 s28, $0x1;
	[dreg:$0x2] =	wrdreg s7  }
0xad: {  	[dreg:$0x3] =	wrdreg s9  }
0xae: {  	[dreg:$0x4] =	wrdreg $0xC0  }
0xaf: {  	_ =	task [dreg:s11], $0x5FFFF  }
0xb0: {  	[dreg:$0x1] =	wrdreg $0xFFFFFFFF  }
0xb1: {  	[dreg:$0x0] =	wrdreg $0x60  }
0xb2: {  	[dreg:$0x2] =	wrdreg s2  }
0xb3: {  	[dreg:$0x3] =	wrdreg s18  }
0xb4: {  	[dreg:$0x4] =	wrdreg s4  }
0xb5: {  	[dreg:$0x5] =	wrdreg s24  }
0xb6: {  	[dreg:$0x6] =	wrdreg s5  }
0xb7: {  	[dreg:$0x7] =	wrdreg s6  }
0xb8: {  	[dreg:$0x8] =	wrdreg $0x9  }
0xb9: {  	_ =	task.clear_ibuf [dreg:s11], $0x9FFFF;
	_ =	strace $0x90000046  }
0xba: {  	s29 =	simm.s32 $0x9;
	_ =	strace $0x80000048  }
0xbb: {  	_ =	swait.ge [sflag:s29], $0x1  }
0xbc: {  	[sflag:s29] =	ssyncadd.s32 $0xFFFFFFFF  }
0xbd: {  	_ =	strace $0x90000048  }
0xbe: {  	_ =	sfence  }
0xbf: {  	s30 =	sld [smem:$0x0];
	_ =	sdelay $0x2  }
0xc0: {  	s31 =	sshll.u32 s1, $0xD;
	s1 =	sshrl.u32 s1, $0x2  }
0xc1: {  	s3 =	sand.u32 $0x4000, s31;
	s1 =	sadd.s32 s1, s30  }
0xc2: {  	s0 =	sor.u32 s3, s0;
	s1 =	sshll.u32 s1, $0x11  }
0xc3: {  	s0 =	sor.u32 s1, s0  }
0xc4: {  	s0 =	sadd.s32 $0x8F2B, s0  }
0xc5: {  	[sflag:s0] =	ssyncadd.remote.s32 $0x1  }
0xc6: {  	_ =	sfence.sel $0xFFFF  }
0xc7: {  	[dreg:$0x0] =	wrdreg $0xFFFFFFFF;
	(pc) =	sbr.abs _section_cstart, $3  }
0xc8: {  	[dreg:$0x1] =	wrdreg $0xFFFFFFFF  }
0xc9: {  	_ =	task.clear_ibuf [dreg:s11], $0x2FFFF;
	_ =	strace $0x9FFFFFFF  }
0xca: {  	(tm) =	ssettm $0x7FFFFFFF  }
0xcb: {  	_ =	shalt  }
tec
execute0_lowered:
.L_overlay_start_1:
0x0: {  	(tag) =	ssettag $0x1  }
0x1: {  	s0 =	rddreg [dreg:$0x3];
	s2 =	simm.s32 $0x0  }
0x2: {  	s1 =	srdreg.scid;
	s4 =	stileid.u32;
	s11 =	simm.s32 $0x4  }
0x3: {  	s13 =	simm.s32 $0x100;
	s15 =	simm.s32 $0x10180;
	s16 =	simm.s32 $0x180  }
0x4: {  	s17 =	simm.s32 $0x8180;
	s14 =	simm.s32 $0xE180;
	s18 =	simm.s32 $0x6580  }
0x5: {  	s19 =	simm.s32 $0xE580;
	s20 =	simm.s32 $0x6980;
	s21 =	simm.s32 $0xE980  }
0x6: {  	s22 =	simm.s32 $0x6D80;
	s23 =	simm.s32 $0xED80;
	s24 =	simm.s32 $0x7180  }
0x7: {  	s28 =	simm.s32 $0xF580;
	s29 =	simm.s32 $0x7980;
	s30 =	simm.s32 $0xF980  }
0x8: {  	s31 =	simm.s32 $0x7D80;
	s7 =	simm.s32 $0x1;
	s10 =	simm.s32 $0x2  }
0x9: {  	[smem:$0x7FF] =	sst s2;
	s1 =	sand.u32 $0x1, s1;
	s4 =	sshll.u32 s4, $0x7  }
0xa: {  	s8 =	sadd.s32 $0x400, s0;
	s2 =	simm.s32 $0x11180;
	s25 =	ssub.s32 $0x2, s1  }
0xb: {  	_ =	strace $0x80000047;
	s1 =	sshll.u32 s1, $0x6;
	s3 =	sshrl.u32 s25, $0x1  }
0xc: {  	s9 =	sor.u32 s1, s4;
	s1 =	simm.s32 $0x3;
	s26 =	ssub.s32 s25, s3  }
0xd: {  	s4 =	simm.s32 $0x0;
	s25 =	simm.s32 $0xF180;
	s0 =	smax.u32 s26, $0x1  }
0xe: {  	v3 =	vlaneseq.u32;
	s26 =	simm.s32 $0x7580;
	[dreg:$0x7] =	wrdreg s0;
	s0 =	simm.s32 $0xFD80  }
.LBB2_1:
0xf: {  	[dreg:$0x8] =	wrdreg s4;
	s3 =	simm.s32 $0x0  }
.LBB2_2:
0x10: {  	s4 =	sshll.u32 s3, $0x2  }
0x11: {  	s5 =	rddreg [dreg:$0x0];
	s4 =	sadd.s32 s9, s4  }
0x12: {  	s6 =	sadd.s32 s5, s4;
	s5 =	simm.s32 $0x0  }
0x13: {  	[tilespmem:s5], [sflag:$0x4] =	stream.linear.gather [hbm4b:s6+s5], $0x20, $0x38;
	[tilespmem:$0x11200] =	vst v63  }
0x14: {  	_ =	swait.ge [sflag:s11], $0x20  }
0x15: {  	[sflag:s11] =	ssyncset.done $0x0  }
0x16: {  	[sflag:s11] =	ssyncadd.s32 $0xFFFFFFE0  }
0x17: {  	s12 =	rddreg [dreg:$0x2]  }
0x18: {  	s6 =	sadd.s32 s12, s4;
	s12 =	simm.s32 $0x80  }
0x19: {  	[tilespmem:s12], [sflag:$0x4] =	stream.linear.gather [hbm4b:s6+s5], $0x20, $0x38;
	[tilespmem:$0x11200] =	vst v63  }
0x1a: {  	_ =	swait.ge [sflag:s11], $0x20  }
0x1b: {  	[sflag:s11] =	ssyncset.done $0x0  }
0x1c: {  	[sflag:s11] =	ssyncadd.s32 $0xFFFFFFE0  }
0x1d: {  	s12 =	rddreg [dreg:$0x1]  }
0x1e: {  	s6 =	sadd.s32 s12, s4  }
0x1f: {  	[tilespmem:s13], [sflag:$0x4] =	stream.linear.gather [hbm4b:s6+s5], $0x20, $0x38;
	[tilespmem:$0x11200] =	vst v63  }
0x20: {  	_ =	swait.ge [sflag:s11], $0x20  }
0x21: {  	[sflag:s11] =	ssyncset.done $0x0  }
0x22: {  	[sflag:s11] =	ssyncadd.s32 $0xFFFFFFE0  }
0x23: {  	s12 =	simm.s32 $0x20;
	s6 =	rddreg [dreg:$0x4]  }
0x24: {  	[tilespmem:s15], [sflag:$0x3] =	stream.indirect.gather [hbm4b:s6+s12], $0x80, s13, s12, $0xb8;
	[tilespmem:$0x11200] =	vst v63  }
0x25: {  	v0 =	vld [tilespmem:$0x0];
	_ =	sdelay $0x2  }
0x26: {  	v2 =	vld [tilespmem:$0x80];
	_ =	sdelay $0x1  }
0x27: {  	v1 =	vshll.u32 v0, $0x4  }
0x28: {  	(v2sf) =	vpush v1, $0x0;
	_ =	sdelay $0x1  }
0x29: {  	v0 =	vshll.u32 v2, $0x4  }
0x2a: {  	(v2sf) =	vpush v0, $0x0;
	_ =	sdelay $0x2  }
0x2b: {  	(v2sf) =	vpush v1, $0x1;
	_ =	sdelay $0x4  }
0x2c: {  	(v2sf) =	vpush v0, $0x1;
	_ =	sdelay $0x3  }
0x2d: {  	s12 =	spop (v2sf);
	(v2sf) =	vpush v1, $0x2;
	_ =	sdelay $0x1  }
0x2e: {  	s6 =	sand.u32 $0xFFFFF80, s12  }
0x2f: {  	s12 =	spop (v2sf);
	s6 =	sadd.s32 s8, s6  }
0x30: {  	(v2sf) =	vpush v0, $0x2;
	[tilespmem:s16], [sflag:$0x1] =	stream.linear.gather [hbm4b:s6+s5], $0x400, $0x38;
	[tilespmem:$0x11200] =	vst v63  }
0x31: {  	s6 =	sand.u32 $0xFFFFF80, s12  }
0x32: {  	s12 =	spop (v2sf);
	s6 =	sadd.s32 s8, s6  }
0x33: {  	[tilespmem:s17], [sflag:$0x2] =	stream.linear.gather [hbm4b:s6+s5], $0x400, $0x38;
	[tilespmem:$0x11200] =	vst v63  }
0x34: {  	(v2sf) =	vpush v1, $0x3;
	s6 =	sand.u32 $0xFFFFF80, s12  }
0x35: {  	s12 =	simm.s32 $0x580;
	s6 =	sadd.s32 s8, s6  }
0x36: {  	[tilespmem:s12], [sflag:$0x1] =	stream.linear.gather [hbm4b:s6+s5], $0x400, $0x38;
	[tilespmem:$0x11200] =	vst v63  }
0x37: {  	s12 =	spop (v2sf)  }
0x38: {  	(v2sf) =	vpush v0, $0x3;
	s6 =	sand.u32 $0xFFFFF80, s12  }
0x39: {  	s12 =	simm.s32 $0x8580;
	s6 =	sadd.s32 s8, s6  }
0x3a: {  	[tilespmem:s12], [sflag:$0x2] =	stream.linear.gather [hbm4b:s6+s5], $0x400, $0x38;
	[tilespmem:$0x11200] =	vst v63  }
0x3b: {  	s12 =	spop (v2sf)  }
0x3c: {  	(v2sf) =	vpush v1, $0x4;
	s6 =	sand.u32 $0xFFFFF80, s12  }
0x3d: {  	s12 =	simm.s32 $0x980;
	s6 =	sadd.s32 s8, s6  }
0x3e: {  	[tilespmem:s12], [sflag:$0x1] =	stream.linear.gather [hbm4b:s6+s5], $0x400, $0x38;
	[tilespmem:$0x11200] =	vst v63  }
0x3f: {  	s12 =	spop (v2sf)  }
0x40: {  	(v2sf) =	vpush v0, $0x4;
	s6 =	sand.u32 $0xFFFFF80, s12  }
0x41: {  	s12 =	simm.s32 $0x8980;
	s6 =	sadd.s32 s8, s6  }
0x42: {  	[tilespmem:s12], [sflag:$0x2] =	stream.linear.gather [hbm4b:s6+s5], $0x400, $0x38;
	[tilespmem:$0x11200] =	vst v63  }
0x43: {  	s12 =	spop (v2sf)  }
0x44: {  	(v2sf) =	vpush v1, $0x5;
	s6 =	sand.u32 $0xFFFFF80, s12  }
0x45: {  	s12 =	simm.s32 $0xD80;
	s6 =	sadd.s32 s8, s6  }
0x46: {  	[tilespmem:s12], [sflag:$0x1] =	stream.linear.gather [hbm4b:s6+s5], $0x400, $0x38;
	[tilespmem:$0x11200] =	vst v63  }
0x47: {  	s12 =	spop (v2sf)  }
0x48: {  	(v2sf) =	vpush v0, $0x5;
	s6 =	sand.u32 $0xFFFFF80, s12  }
0x49: {  	s12 =	simm.s32 $0x8D80;
	s6 =	sadd.s32 s8, s6  }
0x4a: {  	[tilespmem:s12], [sflag:$0x2] =	stream.linear.gather [hbm4b:s6+s5], $0x400, $0x38;
	[tilespmem:$0x11200] =	vst v63  }
0x4b: {  	s12 =	spop (v2sf)  }
0x4c: {  	(v2sf) =	vpush v1, $0x6;
	s6 =	sand.u32 $0xFFFFF80, s12  }
0x4d: {  	s12 =	simm.s32 $0x1180;
	s6 =	sadd.s32 s8, s6  }
0x4e: {  	[tilespmem:s12], [sflag:$0x1] =	stream.linear.gather [hbm4b:s6+s5], $0x400, $0x38;
	[tilespmem:$0x11200] =	vst v63  }
0x4f: {  	s12 =	spop (v2sf)  }
0x50: {  	(v2sf) =	vpush v0, $0x6;
	s6 =	sand.u32 $0xFFFFF80, s12  }
0x51: {  	s12 =	simm.s32 $0x9180;
	s6 =	sadd.s32 s8, s6  }
0x52: {  	[tilespmem:s12], [sflag:$0x2] =	stream.linear.gather [hbm4b:s6+s5], $0x400, $0x38;
	[tilespmem:$0x11200] =	vst v63  }
0x53: {  	s12 =	spop (v2sf)  }
0x54: {  	(v2sf) =	vpush v1, $0x7;
	s6 =	sand.u32 $0xFFFFF80, s12  }
0x55: {  	s12 =	simm.s32 $0x1580;
	s6 =	sadd.s32 s8, s6  }
0x56: {  	[tilespmem:s12], [sflag:$0x1] =	stream.linear.gather [hbm4b:s6+s5], $0x400, $0x38;
	[tilespmem:$0x11200] =	vst v63  }
0x57: {  	s12 =	spop (v2sf)  }
0x58: {  	(v2sf) =	vpush v0, $0x7;
	s6 =	sand.u32 $0xFFFFF80, s12  }
0x59: {  	s12 =	simm.s32 $0x9580;
	s6 =	sadd.s32 s8, s6  }
0x5a: {  	[tilespmem:s12], [sflag:$0x2] =	stream.linear.gather [hbm4b:s6+s5], $0x400, $0x38;
	[tilespmem:$0x11200] =	vst v63  }
0x5b: {  	s12 =	spop (v2sf)  }
0x5c: {  	(v2sf) =	vpush v1, $0x8;
	s6 =	sand.u32 $0xFFFFF80, s12  }
0x5d: {  	s12 =	simm.s32 $0x1980;
	s6 =	sadd.s32 s8, s6  }
0x5e: {  	[tilespmem:s12], [sflag:$0x1] =	stream.linear.gather [hbm4b:s6+s5], $0x400, $0x38;
	[tilespmem:$0x11200] =	vst v63  }
0x5f: {  	s12 =	spop (v2sf)  }
0x60: {  	(v2sf) =	vpush v0, $0x8;
	s6 =	sand.u32 $0xFFFFF80, s12  }
0x61: {  	s12 =	simm.s32 $0x9980;
	s6 =	sadd.s32 s8, s6  }
0x62: {  	[tilespmem:s12], [sflag:$0x2] =	stream.linear.gather [hbm4b:s6+s5], $0x400, $0x38;
	[tilespmem:$0x11200] =	vst v63  }
0x63: {  	s12 =	spop (v2sf)  }
0x64: {  	(v2sf) =	vpush v1, $0x9;
	s6 =	sand.u32 $0xFFFFF80, s12  }
0x65: {  	s12 =	simm.s32 $0x1D80;
	s6 =	sadd.s32 s8, s6  }
0x66: {  	[tilespmem:s12], [sflag:$0x1] =	stream.linear.gather [hbm4b:s6+s5], $0x400, $0x38;
	[tilespmem:$0x11200] =	vst v63  }
0x67: {  	s12 =	spop (v2sf)  }
0x68: {  	(v2sf) =	vpush v0, $0x9;
	s6 =	sand.u32 $0xFFFFF80, s12  }
0x69: {  	s12 =	simm.s32 $0x9D80;
	s6 =	sadd.s32 s8, s6  }
0x6a: {  	[tilespmem:s12], [sflag:$0x2] =	stream.linear.gather [hbm4b:s6+s5], $0x400, $0x38;
	[tilespmem:$0x11200] =	vst v63  }
0x6b: {  	s12 =	spop (v2sf)  }
0x6c: {  	(v2sf) =	vpush v1, $0xA;
	s6 =	sand.u32 $0xFFFFF80, s12  }
0x6d: {  	s12 =	simm.s32 $0x2180;
	s6 =	sadd.s32 s8, s6  }
0x6e: {  	[tilespmem:s12], [sflag:$0x1] =	stream.linear.gather [hbm4b:s6+s5], $0x400, $0x38;
	[tilespmem:$0x11200] =	vst v63  }
0x6f: {  	s12 =	spop (v2sf)  }
0x70: {  	(v2sf) =	vpush v0, $0xA;
	s6 =	sand.u32 $0xFFFFF80, s12  }
0x71: {  	s12 =	simm.s32 $0xA180;
	s6 =	sadd.s32 s8, s6  }
0x72: {  	[tilespmem:s12], [sflag:$0x2] =	stream.linear.gather [hbm4b:s6+s5], $0x400, $0x38;
	[tilespmem:$0x11200] =	vst v63  }
0x73: {  	s12 =	spop (v2sf)  }
0x74: {  	(v2sf) =	vpush v1, $0xB;
	s6 =	sand.u32 $0xFFFFF80, s12  }
0x75: {  	s12 =	simm.s32 $0x2580;
	s6 =	sadd.s32 s8, s6  }
0x76: {  	[tilespmem:s12], [sflag:$0x1] =	stream.linear.gather [hbm4b:s6+s5], $0x400, $0x38;
	[tilespmem:$0x11200] =	vst v63  }
0x77: {  	s12 =	spop (v2sf)  }
0x78: {  	(v2sf) =	vpush v0, $0xB;
	s6 =	sand.u32 $0xFFFFF80, s12  }
0x79: {  	s12 =	simm.s32 $0xA580;
	s6 =	sadd.s32 s8, s6  }
0x7a: {  	[tilespmem:s12], [sflag:$0x2] =	stream.linear.gather [hbm4b:s6+s5], $0x400, $0x38;
	[tilespmem:$0x11200] =	vst v63  }
0x7b: {  	s12 =	spop (v2sf)  }
0x7c: {  	(v2sf) =	vpush v1, $0xC;
	s6 =	sand.u32 $0xFFFFF80, s12  }
0x7d: {  	s12 =	simm.s32 $0x2980;
	s6 =	sadd.s32 s8, s6  }
0x7e: {  	[tilespmem:s12], [sflag:$0x1] =	stream.linear.gather [hbm4b:s6+s5], $0x400, $0x38;
	[tilespmem:$0x11200] =	vst v63  }
0x7f: {  	s12 =	spop (v2sf)  }
0x80: {  	(v2sf) =	vpush v0, $0xC;
	s6 =	sand.u32 $0xFFFFF80, s12  }
0x81: {  	s12 =	simm.s32 $0xA980;
	s6 =	sadd.s32 s8, s6  }
0x82: {  	[tilespmem:s12], [sflag:$0x2] =	stream.linear.gather [hbm4b:s6+s5], $0x400, $0x38;
	[tilespmem:$0x11200] =	vst v63  }
0x83: {  	s12 =	spop (v2sf)  }
0x84: {  	(v2sf) =	vpush v1, $0xD;
	s6 =	sand.u32 $0xFFFFF80, s12  }
0x85: {  	s12 =	simm.s32 $0x2D80;
	s6 =	sadd.s32 s8, s6  }
0x86: {  	[tilespmem:s12], [sflag:$0x1] =	stream.linear.gather [hbm4b:s6+s5], $0x400, $0x38;
	[tilespmem:$0x11200] =	vst v63  }
0x87: {  	s12 =	spop (v2sf)  }
0x88: {  	(v2sf) =	vpush v0, $0xD;
	s6 =	sand.u32 $0xFFFFF80, s12  }
0x89: {  	s12 =	simm.s32 $0xAD80;
	s6 =	sadd.s32 s8, s6  }
0x8a: {  	[tilespmem:s12], [sflag:$0x2] =	stream.linear.gather [hbm4b:s6+s5], $0x400, $0x38;
	[tilespmem:$0x11200] =	vst v63  }
0x8b: {  	s12 =	spop (v2sf)  }
0x8c: {  	(v2sf) =	vpush v1, $0xE;
	s6 =	sand.u32 $0xFFFFF80, s12  }
0x8d: {  	s12 =	simm.s32 $0x3180;
	s6 =	sadd.s32 s8, s6  }
0x8e: {  	[tilespmem:s12], [sflag:$0x1] =	stream.linear.gather [hbm4b:s6+s5], $0x400, $0x38;
	[tilespmem:$0x11200] =	vst v63  }
0x8f: {  	s12 =	spop (v2sf)  }
0x90: {  	(v2sf) =	vpush v0, $0xE;
	s6 =	sand.u32 $0xFFFFF80, s12  }
0x91: {  	s12 =	simm.s32 $0xB180;
	s6 =	sadd.s32 s8, s6  }
0x92: {  	[tilespmem:s12], [sflag:$0x2] =	stream.linear.gather [hbm4b:s6+s5], $0x400, $0x38;
	[tilespmem:$0x11200] =	vst v63  }
0x93: {  	s12 =	spop (v2sf)  }
0x94: {  	(v2sf) =	vpush v1, $0xF;
	s6 =	sand.u32 $0xFFFFF80, s12  }
0x95: {  	s12 =	simm.s32 $0x3580;
	s6 =	sadd.s32 s8, s6  }
0x96: {  	[tilespmem:s12], [sflag:$0x1] =	stream.linear.gather [hbm4b:s6+s5], $0x400, $0x38;
	[tilespmem:$0x11200] =	vst v63  }
0x97: {  	s12 =	spop (v2sf)  }
0x98: {  	(v2sf) =	vpush v0, $0xF;
	s6 =	sand.u32 $0xFFFFF80, s12  }
0x99: {  	s12 =	simm.s32 $0xB580;
	s6 =	sadd.s32 s8, s6  }
0x9a: {  	[tilespmem:s12], [sflag:$0x2] =	stream.linear.gather [hbm4b:s6+s5], $0x400, $0x38;
	[tilespmem:$0x11200] =	vst v63  }
0x9b: {  	s12 =	spop (v2sf)  }
0x9c: {  	s6 =	sand.u32 $0xFFFFF80, s12  }
0x9d: {  	s12 =	simm.s32 $0x3980;
	s6 =	sadd.s32 s8, s6  }
0x9e: {  	[tilespmem:s12], [sflag:$0x1] =	stream.linear.gather [hbm4b:s6+s5], $0x400, $0x38;
	[tilespmem:$0x11200] =	vst v63  }
0x9f: {  	s12 =	spop (v2sf)  }
0xa0: {  	s6 =	sand.u32 $0xFFFFF80, s12  }
0xa1: {  	s12 =	simm.s32 $0xB980;
	s6 =	sadd.s32 s8, s6  }
0xa2: {  	[tilespmem:s12], [sflag:$0x2] =	stream.linear.gather [hbm4b:s6+s5], $0x400, $0x38;
	[tilespmem:$0x11200] =	vst v63  }
0xa3: {  	s12 =	spop (v2sf)  }
0xa4: {  	s6 =	sand.u32 $0xFFFFF80, s12  }
0xa5: {  	s12 =	simm.s32 $0x3D80;
	s6 =	sadd.s32 s8, s6  }
0xa6: {  	[tilespmem:s12], [sflag:$0x1] =	stream.linear.gather [hbm4b:s6+s5], $0x400, $0x38;
	[tilespmem:$0x11200] =	vst v63  }
0xa7: {  	s12 =	spop (v2sf)  }
0xa8: {  	s6 =	sand.u32 $0xFFFFF80, s12  }
0xa9: {  	s12 =	simm.s32 $0xBD80;
	s6 =	sadd.s32 s8, s6  }
0xaa: {  	[tilespmem:s12], [sflag:$0x2] =	stream.linear.gather [hbm4b:s6+s5], $0x400, $0x38;
	[tilespmem:$0x11200] =	vst v63  }
0xab: {  	v0 =	vld [tilespmem:$0x10];
	_ =	sdelay $0x3  }
0xac: {  	v2 =	vld [tilespmem:$0x90]  }
0xad: {  	v1 =	vshll.u32 v0, $0x4  }
0xae: {  	(v2sf) =	vpush v1, $0x0;
	_ =	sdelay $0x2  }
0xaf: {  	v0 =	vshll.u32 v2, $0x4  }
0xb0: {  	(v2sf) =	vpush v0, $0x0;
	_ =	sdelay $0x3  }
0xb1: {  	(v2sf) =	vpush v1, $0x1;
	_ =	sdelay $0x3  }
0xb2: {  	(v2sf) =	vpush v0, $0x1;
	_ =	sdelay $0x2  }
0xb3: {  	s12 =	spop (v2sf)  }
0xb4: {  	(v2sf) =	vpush v1, $0x2;
	s6 =	sand.u32 $0xFFFFF80, s12  }
0xb5: {  	s12 =	simm.s32 $0x4180;
	s6 =	sadd.s32 s8, s6  }
0xb6: {  	[tilespmem:s12], [sflag:$0x1] =	stream.linear.gather [hbm4b:s6+s5], $0x400, $0x38;
	[tilespmem:$0x11200] =	vst v63  }
0xb7: {  	s12 =	spop (v2sf)  }
0xb8: {  	(v2sf) =	vpush v0, $0x2;
	s6 =	sand.u32 $0xFFFFF80, s12  }
0xb9: {  	s12 =	simm.s32 $0xC180;
	s6 =	sadd.s32 s8, s6  }
0xba: {  	[tilespmem:s12], [sflag:$0x2] =	stream.linear.gather [hbm4b:s6+s5], $0x400, $0x38;
	[tilespmem:$0x11200] =	vst v63  }
0xbb: {  	s12 =	spop (v2sf)  }
0xbc: {  	(v2sf) =	vpush v1, $0x3;
	s6 =	sand.u32 $0xFFFFF80, s12  }
0xbd: {  	s12 =	simm.s32 $0x4580;
	s6 =	sadd.s32 s8, s6  }
0xbe: {  	[tilespmem:s12], [sflag:$0x1] =	stream.linear.gather [hbm4b:s6+s5], $0x400, $0x38;
	[tilespmem:$0x11200] =	vst v63  }
0xbf: {  	s12 =	spop (v2sf)  }
0xc0: {  	(v2sf) =	vpush v0, $0x3;
	s6 =	sand.u32 $0xFFFFF80, s12  }
0xc1: {  	s12 =	simm.s32 $0xC580;
	s6 =	sadd.s32 s8, s6  }
0xc2: {  	[tilespmem:s12], [sflag:$0x2] =	stream.linear.gather [hbm4b:s6+s5], $0x400, $0x38;
	[tilespmem:$0x11200] =	vst v63  }
0xc3: {  	s12 =	spop (v2sf)  }
0xc4: {  	(v2sf) =	vpush v1, $0x4;
	s6 =	sand.u32 $0xFFFFF80, s12  }
0xc5: {  	s12 =	simm.s32 $0x4980;
	s6 =	sadd.s32 s8, s6  }
0xc6: {  	[tilespmem:s12], [sflag:$0x1] =	stream.linear.gather [hbm4b:s6+s5], $0x400, $0x38;
	[tilespmem:$0x11200] =	vst v63  }
0xc7: {  	s12 =	spop (v2sf)  }
0xc8: {  	(v2sf) =	vpush v0, $0x4;
	s6 =	sand.u32 $0xFFFFF80, s12  }
0xc9: {  	s12 =	simm.s32 $0xC980;
	s6 =	sadd.s32 s8, s6  }
0xca: {  	[tilespmem:s12], [sflag:$0x2] =	stream.linear.gather [hbm4b:s6+s5], $0x400, $0x38;
	[tilespmem:$0x11200] =	vst v63  }
0xcb: {  	s12 =	spop (v2sf)  }
0xcc: {  	(v2sf) =	vpush v1, $0x5;
	s6 =	sand.u32 $0xFFFFF80, s12  }
0xcd: {  	s12 =	simm.s32 $0x4D80;
	s6 =	sadd.s32 s8, s6  }
0xce: {  	[tilespmem:s12], [sflag:$0x1] =	stream.linear.gather [hbm4b:s6+s5], $0x400, $0x38;
	[tilespmem:$0x11200] =	vst v63  }
0xcf: {  	s12 =	spop (v2sf)  }
0xd0: {  	(v2sf) =	vpush v0, $0x5;
	s6 =	sand.u32 $0xFFFFF80, s12  }
0xd1: {  	s12 =	simm.s32 $0xCD80;
	s6 =	sadd.s32 s8, s6  }
0xd2: {  	[tilespmem:s12], [sflag:$0x2] =	stream.linear.gather [hbm4b:s6+s5], $0x400, $0x38;
	[tilespmem:$0x11200] =	vst v63  }
0xd3: {  	s12 =	spop (v2sf)  }
0xd4: {  	(v2sf) =	vpush v1, $0x6;
	s6 =	sand.u32 $0xFFFFF80, s12  }
0xd5: {  	s12 =	simm.s32 $0x5180;
	s6 =	sadd.s32 s8, s6  }
0xd6: {  	[tilespmem:s12], [sflag:$0x1] =	stream.linear.gather [hbm4b:s6+s5], $0x400, $0x38;
	[tilespmem:$0x11200] =	vst v63  }
0xd7: {  	s12 =	spop (v2sf)  }
0xd8: {  	(v2sf) =	vpush v0, $0x6;
	s6 =	sand.u32 $0xFFFFF80, s12  }
0xd9: {  	s12 =	simm.s32 $0xD180;
	s6 =	sadd.s32 s8, s6  }
0xda: {  	[tilespmem:s12], [sflag:$0x2] =	stream.linear.gather [hbm4b:s6+s5], $0x400, $0x38;
	[tilespmem:$0x11200] =	vst v63  }
0xdb: {  	s12 =	spop (v2sf)  }
0xdc: {  	(v2sf) =	vpush v1, $0x7;
	s6 =	sand.u32 $0xFFFFF80, s12  }
0xdd: {  	s12 =	simm.s32 $0x5580;
	s6 =	sadd.s32 s8, s6  }
0xde: {  	[tilespmem:s12], [sflag:$0x1] =	stream.linear.gather [hbm4b:s6+s5], $0x400, $0x38;
	[tilespmem:$0x11200] =	vst v63  }
0xdf: {  	s12 =	spop (v2sf)  }
0xe0: {  	(v2sf) =	vpush v0, $0x7;
	s6 =	sand.u32 $0xFFFFF80, s12  }
0xe1: {  	s12 =	simm.s32 $0xD580;
	s6 =	sadd.s32 s8, s6  }
0xe2: {  	[tilespmem:s12], [sflag:$0x2] =	stream.linear.gather [hbm4b:s6+s5], $0x400, $0x38;
	[tilespmem:$0x11200] =	vst v63  }
0xe3: {  	s12 =	spop (v2sf)  }
0xe4: {  	(v2sf) =	vpush v1, $0x8;
	s6 =	sand.u32 $0xFFFFF80, s12  }
0xe5: {  	s12 =	simm.s32 $0x5980;
	s6 =	sadd.s32 s8, s6  }
0xe6: {  	[tilespmem:s12], [sflag:$0x1] =	stream.linear.gather [hbm4b:s6+s5], $0x400, $0x38;
	[tilespmem:$0x11200] =	vst v63  }
0xe7: {  	s12 =	spop (v2sf)  }
0xe8: {  	(v2sf) =	vpush v0, $0x8;
	s6 =	sand.u32 $0xFFFFF80, s12  }
0xe9: {  	s12 =	simm.s32 $0xD980;
	s6 =	sadd.s32 s8, s6  }
0xea: {  	[tilespmem:s12], [sflag:$0x2] =	stream.linear.gather [hbm4b:s6+s5], $0x400, $0x38;
	[tilespmem:$0x11200] =	vst v63  }
0xeb: {  	s12 =	spop (v2sf)  }
0xec: {  	(v2sf) =	vpush v1, $0x9;
	s6 =	sand.u32 $0xFFFFF80, s12  }
0xed: {  	s12 =	simm.s32 $0x5D80;
	s6 =	sadd.s32 s8, s6  }
0xee: {  	[tilespmem:s12], [sflag:$0x1] =	stream.linear.gather [hbm4b:s6+s5], $0x400, $0x38;
	[tilespmem:$0x11200] =	vst v63  }
0xef: {  	s12 =	spop (v2sf)  }
0xf0: {  	(v2sf) =	vpush v0, $0x9;
	s6 =	sand.u32 $0xFFFFF80, s12  }
0xf1: {  	s12 =	simm.s32 $0xDD80;
	s6 =	sadd.s32 s8, s6  }
0xf2: {  	[tilespmem:s12], [sflag:$0x2] =	stream.linear.gather [hbm4b:s6+s5], $0x400, $0x38;
	[tilespmem:$0x11200] =	vst v63  }
0xf3: {  	s12 =	spop (v2sf)  }
0xf4: {  	(v2sf) =	vpush v1, $0xA;
	s6 =	sand.u32 $0xFFFFF80, s12  }
0xf5: {  	s12 =	simm.s32 $0x6180;
	s6 =	sadd.s32 s8, s6  }
0xf6: {  	[tilespmem:s12], [sflag:$0x1] =	stream.linear.gather [hbm4b:s6+s5], $0x400, $0x38;
	[tilespmem:$0x11200] =	vst v63  }
0xf7: {  	s12 =	spop (v2sf)  }
0xf8: {  	(v2sf) =	vpush v0, $0xA;
	s6 =	sand.u32 $0xFFFFF80, s12  }
0xf9: {  	s6 =	sadd.s32 s8, s6  }
0xfa: {  	[tilespmem:s14], [sflag:$0x2] =	stream.linear.gather [hbm4b:s6+s5], $0x400, $0x38;
	[tilespmem:$0x11200] =	vst v63  }
0xfb: {  	s12 =	spop (v2sf)  }
0xfc: {  	(v2sf) =	vpush v1, $0xB;
	s6 =	sand.u32 $0xFFFFF80, s12  }
0xfd: {  	s6 =	sadd.s32 s8, s6  }
0xfe: {  	[tilespmem:s18], [sflag:$0x1] =	stream.linear.gather [hbm4b:s6+s5], $0x400, $0x38;
	[tilespmem:$0x11200] =	vst v63  }
0xff: {  	s12 =	spop (v2sf)  }
0x100: {  	(v2sf) =	vpush v0, $0xB;
	s6 =	sand.u32 $0xFFFFF80, s12  }
0x101: {  	s6 =	sadd.s32 s8, s6  }
0x102: {  	[tilespmem:s19], [sflag:$0x2] =	stream.linear.gather [hbm4b:s6+s5], $0x400, $0x38;
	[tilespmem:$0x11200] =	vst v63  }
0x103: {  	s12 =	spop (v2sf)  }
0x104: {  	(v2sf) =	vpush v1, $0xC;
	s6 =	sand.u32 $0xFFFFF80, s12  }
0x105: {  	s6 =	sadd.s32 s8, s6  }
0x106: {  	[tilespmem:s20], [sflag:$0x1] =	stream.linear.gather [hbm4b:s6+s5], $0x400, $0x38;
	[tilespmem:$0x11200] =	vst v63  }
0x107: {  	s12 =	spop (v2sf)  }
0x108: {  	(v2sf) =	vpush v0, $0xC;
	s6 =	sand.u32 $0xFFFFF80, s12  }
0x109: {  	s6 =	sadd.s32 s8, s6  }
0x10a: {  	[tilespmem:s21], [sflag:$0x2] =	stream.linear.gather [hbm4b:s6+s5], $0x400, $0x38;
	[tilespmem:$0x11200] =	vst v63  }
0x10b: {  	s12 =	spop (v2sf)  }
0x10c: {  	(v2sf) =	vpush v1, $0xD;
	s6 =	sand.u32 $0xFFFFF80, s12  }
0x10d: {  	s6 =	sadd.s32 s8, s6  }
0x10e: {  	[tilespmem:s22], [sflag:$0x1] =	stream.linear.gather [hbm4b:s6+s5], $0x400, $0x38;
	[tilespmem:$0x11200] =	vst v63  }
0x10f: {  	s12 =	spop (v2sf)  }
0x110: {  	(v2sf) =	vpush v0, $0xD;
	s6 =	sand.u32 $0xFFFFF80, s12  }
0x111: {  	s6 =	sadd.s32 s8, s6  }
0x112: {  	[tilespmem:s23], [sflag:$0x2] =	stream.linear.gather [hbm4b:s6+s5], $0x400, $0x38;
	[tilespmem:$0x11200] =	vst v63  }
0x113: {  	s12 =	spop (v2sf)  }
0x114: {  	(v2sf) =	vpush v1, $0xE;
	s6 =	sand.u32 $0xFFFFF80, s12  }
0x115: {  	s6 =	sadd.s32 s8, s6  }
0x116: {  	[tilespmem:s24], [sflag:$0x1] =	stream.linear.gather [hbm4b:s6+s5], $0x400, $0x38;
	[tilespmem:$0x11200] =	vst v63  }
0x117: {  	s12 =	spop (v2sf)  }
0x118: {  	(v2sf) =	vpush v0, $0xE;
	s6 =	sand.u32 $0xFFFFF80, s12  }
0x119: {  	s6 =	sadd.s32 s8, s6  }
0x11a: {  	[tilespmem:s25], [sflag:$0x2] =	stream.linear.gather [hbm4b:s6+s5], $0x400, $0x38;
	[tilespmem:$0x11200] =	vst v63  }
0x11b: {  	s12 =	spop (v2sf)  }
0x11c: {  	(v2sf) =	vpush v1, $0xF;
	s6 =	sand.u32 $0xFFFFF80, s12  }
0x11d: {  	s6 =	sadd.s32 s8, s6  }
0x11e: {  	[tilespmem:s26], [sflag:$0x1] =	stream.linear.gather [hbm4b:s6+s5], $0x400, $0x38;
	[tilespmem:$0x11200] =	vst v63  }
0x11f: {  	s12 =	spop (v2sf)  }
0x120: {  	(v2sf) =	vpush v0, $0xF;
	s6 =	sand.u32 $0xFFFFF80, s12  }
0x121: {  	s6 =	sadd.s32 s8, s6  }
0x122: {  	[tilespmem:s28], [sflag:$0x2] =	stream.linear.gather [hbm4b:s6+s5], $0x400, $0x38;
	[tilespmem:$0x11200] =	vst v63  }
0x123: {  	s12 =	spop (v2sf)  }
0x124: {  	s6 =	sand.u32 $0xFFFFF80, s12  }
0x125: {  	s6 =	sadd.s32 s8, s6  }
0x126: {  	[tilespmem:s29], [sflag:$0x1] =	stream.linear.gather [hbm4b:s6+s5], $0x400, $0x38;
	[tilespmem:$0x11200] =	vst v63  }
0x127: {  	s12 =	spop (v2sf)  }
0x128: {  	s6 =	sand.u32 $0xFFFFF80, s12  }
0x129: {  	s6 =	sadd.s32 s8, s6  }
0x12a: {  	[tilespmem:s30], [sflag:$0x2] =	stream.linear.gather [hbm4b:s6+s5], $0x400, $0x38;
	[tilespmem:$0x11200] =	vst v63  }
0x12b: {  	s12 =	spop (v2sf)  }
0x12c: {  	s6 =	sand.u32 $0xFFFFF80, s12  }
0x12d: {  	s6 =	sadd.s32 s8, s6  }
0x12e: {  	[tilespmem:s31], [sflag:$0x1] =	stream.linear.gather [hbm4b:s6+s5], $0x400, $0x38;
	[tilespmem:$0x11200] =	vst v63  }
0x12f: {  	s12 =	spop (v2sf)  }
0x130: {  	s6 =	sand.u32 $0xFFFFF80, s12  }
0x131: {  	s6 =	sadd.s32 s8, s6  }
0x132: {  	[tilespmem:s0], [sflag:$0x2] =	stream.linear.gather [hbm4b:s6+s5], $0x400, $0x38;
	[tilespmem:$0x11200] =	vst v63  }
0x133: {  	_ =	swait.ge [sflag:s7], $0x400  }
0x134: {  	[sflag:s7] =	ssyncset.done $0x0  }
0x135: {  	[sflag:s7] =	ssyncadd.s32 $0xFFFFFC00  }
0x136: {  	_ =	swait.ge [sflag:s10], $0x400  }
0x137: {  	[sflag:s10] =	ssyncset.done $0x0  }
0x138: {  	[sflag:s10] =	ssyncadd.s32 $0xFFFFFC00  }
0x139: {  	_ =	swait.ge [sflag:s7], $0x400  }
0x13a: {  	[sflag:s7] =	ssyncset.done $0x0  }
0x13b: {  	[sflag:s7] =	ssyncadd.s32 $0xFFFFFC00  }
0x13c: {  	_ =	swait.ge [sflag:s10], $0x400  }
0x13d: {  	[sflag:s10] =	ssyncset.done $0x0  }
0x13e: {  	[sflag:s10] =	ssyncadd.s32 $0xFFFFFC00  }
0x13f: {  	_ =	swait.ge [sflag:s7], $0x400  }
0x140: {  	[sflag:s7] =	ssyncset.done $0x0  }
0x141: {  	[sflag:s7] =	ssyncadd.s32 $0xFFFFFC00  }
0x142: {  	_ =	swait.ge [sflag:s10], $0x400  }
0x143: {  	[sflag:s10] =	ssyncset.done $0x0  }
0x144: {  	[sflag:s10] =	ssyncadd.s32 $0xFFFFFC00  }
0x145: {  	_ =	swait.ge [sflag:s7], $0x400  }
0x146: {  	[sflag:s7] =	ssyncset.done $0x0  }
0x147: {  	[sflag:s7] =	ssyncadd.s32 $0xFFFFFC00  }
0x148: {  	_ =	swait.ge [sflag:s10], $0x400  }
0x149: {  	[sflag:s10] =	ssyncset.done $0x0  }
0x14a: {  	[sflag:s10] =	ssyncadd.s32 $0xFFFFFC00  }
0x14b: {  	_ =	swait.ge [sflag:s7], $0x400  }
0x14c: {  	[sflag:s7] =	ssyncset.done $0x0  }
0x14d: {  	[sflag:s7] =	ssyncadd.s32 $0xFFFFFC00  }
0x14e: {  	_ =	swait.ge [sflag:s10], $0x400  }
0x14f: {  	[sflag:s10] =	ssyncset.done $0x0  }
0x150: {  	[sflag:s10] =	ssyncadd.s32 $0xFFFFFC00  }
0x151: {  	_ =	swait.ge [sflag:s7], $0x400  }
0x152: {  	[sflag:s7] =	ssyncset.done $0x0  }
0x153: {  	[sflag:s7] =	ssyncadd.s32 $0xFFFFFC00  }
0x154: {  	_ =	swait.ge [sflag:s10], $0x400  }
0x155: {  	[sflag:s10] =	ssyncset.done $0x0  }
0x156: {  	[sflag:s10] =	ssyncadd.s32 $0xFFFFFC00  }
0x157: {  	_ =	swait.ge [sflag:s7], $0x400  }
0x158: {  	[sflag:s7] =	ssyncset.done $0x0  }
0x159: {  	[sflag:s7] =	ssyncadd.s32 $0xFFFFFC00  }
0x15a: {  	_ =	swait.ge [sflag:s10], $0x400  }
0x15b: {  	[sflag:s10] =	ssyncset.done $0x0  }
0x15c: {  	[sflag:s10] =	ssyncadd.s32 $0xFFFFFC00  }
0x15d: {  	_ =	swait.ge [sflag:s7], $0x400  }
0x15e: {  	[sflag:s7] =	ssyncset.done $0x0  }
0x15f: {  	[sflag:s7] =	ssyncadd.s32 $0xFFFFFC00  }
0x160: {  	_ =	swait.ge [sflag:s10], $0x400  }
0x161: {  	[sflag:s10] =	ssyncset.done $0x0  }
0x162: {  	[sflag:s10] =	ssyncadd.s32 $0xFFFFFC00  }
0x163: {  	_ =	swait.ge [sflag:s7], $0x400  }
0x164: {  	[sflag:s7] =	ssyncset.done $0x0  }
0x165: {  	[sflag:s7] =	ssyncadd.s32 $0xFFFFFC00  }
0x166: {  	_ =	swait.ge [sflag:s10], $0x400  }
0x167: {  	[sflag:s10] =	ssyncset.done $0x0  }
0x168: {  	[sflag:s10] =	ssyncadd.s32 $0xFFFFFC00  }
0x169: {  	_ =	swait.ge [sflag:s7], $0x400  }
0x16a: {  	[sflag:s7] =	ssyncset.done $0x0  }
0x16b: {  	[sflag:s7] =	ssyncadd.s32 $0xFFFFFC00  }
0x16c: {  	_ =	swait.ge [sflag:s10], $0x400  }
0x16d: {  	[sflag:s10] =	ssyncset.done $0x0  }
0x16e: {  	[sflag:s10] =	ssyncadd.s32 $0xFFFFFC00  }
0x16f: {  	_ =	swait.ge [sflag:s7], $0x400  }
0x170: {  	[sflag:s7] =	ssyncset.done $0x0  }
0x171: {  	[sflag:s7] =	ssyncadd.s32 $0xFFFFFC00  }
0x172: {  	_ =	swait.ge [sflag:s10], $0x400  }
0x173: {  	[sflag:s10] =	ssyncset.done $0x0  }
0x174: {  	[sflag:s10] =	ssyncadd.s32 $0xFFFFFC00  }
0x175: {  	_ =	swait.ge [sflag:s7], $0x400  }
0x176: {  	[sflag:s7] =	ssyncset.done $0x0  }
0x177: {  	[sflag:s7] =	ssyncadd.s32 $0xFFFFFC00  }
0x178: {  	_ =	swait.ge [sflag:s10], $0x400  }
0x179: {  	[sflag:s10] =	ssyncset.done $0x0  }
0x17a: {  	[sflag:s10] =	ssyncadd.s32 $0xFFFFFC00  }
0x17b: {  	_ =	swait.ge [sflag:s7], $0x400  }
0x17c: {  	[sflag:s7] =	ssyncset.done $0x0  }
0x17d: {  	[sflag:s7] =	ssyncadd.s32 $0xFFFFFC00  }
0x17e: {  	_ =	swait.ge [sflag:s10], $0x400  }
0x17f: {  	[sflag:s10] =	ssyncset.done $0x0  }
0x180: {  	[sflag:s10] =	ssyncadd.s32 $0xFFFFFC00  }
0x181: {  	_ =	swait.ge [sflag:s7], $0x400  }
0x182: {  	[sflag:s7] =	ssyncset.done $0x0  }
0x183: {  	[sflag:s7] =	ssyncadd.s32 $0xFFFFFC00  }
0x184: {  	_ =	swait.ge [sflag:s10], $0x400  }
0x185: {  	[sflag:s10] =	ssyncset.done $0x0  }
0x186: {  	[sflag:s10] =	ssyncadd.s32 $0xFFFFFC00  }
0x187: {  	_ =	swait.ge [sflag:s7], $0x400  }
0x188: {  	[sflag:s7] =	ssyncset.done $0x0  }
0x189: {  	[sflag:s7] =	ssyncadd.s32 $0xFFFFFC00  }
0x18a: {  	_ =	swait.ge [sflag:s10], $0x400  }
0x18b: {  	[sflag:s10] =	ssyncset.done $0x0  }
0x18c: {  	[sflag:s10] =	ssyncadd.s32 $0xFFFFFC00  }
0x18d: {  	_ =	swait.ge [sflag:s7], $0x400  }
0x18e: {  	[sflag:s7] =	ssyncset.done $0x0  }
0x18f: {  	[sflag:s7] =	ssyncadd.s32 $0xFFFFFC00  }
0x190: {  	_ =	swait.ge [sflag:s10], $0x400  }
0x191: {  	[sflag:s10] =	ssyncset.done $0x0  }
0x192: {  	[sflag:s10] =	ssyncadd.s32 $0xFFFFFC00  }
0x193: {  	_ =	swait.ge [sflag:s7], $0x400  }
0x194: {  	[sflag:s7] =	ssyncset.done $0x0  }
0x195: {  	[sflag:s7] =	ssyncadd.s32 $0xFFFFFC00  }
0x196: {  	_ =	swait.ge [sflag:s10], $0x400  }
0x197: {  	[sflag:s10] =	ssyncset.done $0x0  }
0x198: {  	[sflag:s10] =	ssyncadd.s32 $0xFFFFFC00  }
0x199: {  	_ =	swait.ge [sflag:s7], $0x400  }
0x19a: {  	[sflag:s7] =	ssyncset.done $0x0  }
0x19b: {  	[sflag:s7] =	ssyncadd.s32 $0xFFFFFC00  }
0x19c: {  	_ =	swait.ge [sflag:s10], $0x400  }
0x19d: {  	[sflag:s10] =	ssyncset.done $0x0  }
0x19e: {  	[sflag:s10] =	ssyncadd.s32 $0xFFFFFC00  }
0x19f: {  	_ =	swait.ge [sflag:s7], $0x400  }
0x1a0: {  	[sflag:s7] =	ssyncset.done $0x0  }
0x1a1: {  	[sflag:s7] =	ssyncadd.s32 $0xFFFFFC00  }
0x1a2: {  	_ =	swait.ge [sflag:s10], $0x400  }
0x1a3: {  	[sflag:s10] =	ssyncset.done $0x0  }
0x1a4: {  	[sflag:s10] =	ssyncadd.s32 $0xFFFFFC00  }
0x1a5: {  	_ =	swait.ge [sflag:s7], $0x400  }
0x1a6: {  	[sflag:s7] =	ssyncset.done $0x0  }
0x1a7: {  	[sflag:s7] =	ssyncadd.s32 $0xFFFFFC00  }
0x1a8: {  	_ =	swait.ge [sflag:s10], $0x400  }
0x1a9: {  	[sflag:s10] =	ssyncset.done $0x0  }
0x1aa: {  	[sflag:s10] =	ssyncadd.s32 $0xFFFFFC00  }
0x1ab: {  	_ =	swait.ge [sflag:s7], $0x400  }
0x1ac: {  	[sflag:s7] =	ssyncset.done $0x0  }
0x1ad: {  	[sflag:s7] =	ssyncadd.s32 $0xFFFFFC00  }
0x1ae: {  	_ =	swait.ge [sflag:s10], $0x400  }
0x1af: {  	[sflag:s10] =	ssyncset.done $0x0  }
0x1b0: {  	[sflag:s10] =	ssyncadd.s32 $0xFFFFFC00  }
0x1b1: {  	_ =	swait.ge [sflag:s7], $0x400  }
0x1b2: {  	[sflag:s7] =	ssyncset.done $0x0  }
0x1b3: {  	[sflag:s7] =	ssyncadd.s32 $0xFFFFFC00  }
0x1b4: {  	_ =	swait.ge [sflag:s10], $0x400  }
0x1b5: {  	[sflag:s10] =	ssyncset.done $0x0  }
0x1b6: {  	[sflag:s10] =	ssyncadd.s32 $0xFFFFFC00  }
0x1b7: {  	_ =	swait.ge [sflag:s7], $0x400  }
0x1b8: {  	[sflag:s7] =	ssyncset.done $0x0  }
0x1b9: {  	[sflag:s7] =	ssyncadd.s32 $0xFFFFFC00  }
0x1ba: {  	_ =	swait.ge [sflag:s10], $0x400  }
0x1bb: {  	[sflag:s10] =	ssyncset.done $0x0  }
0x1bc: {  	[sflag:s10] =	ssyncadd.s32 $0xFFFFFC00  }
0x1bd: {  	_ =	swait.ge [sflag:s7], $0x400  }
0x1be: {  	[sflag:s7] =	ssyncset.done $0x0  }
0x1bf: {  	[sflag:s7] =	ssyncadd.s32 $0xFFFFFC00  }
0x1c0: {  	_ =	swait.ge [sflag:s10], $0x400  }
0x1c1: {  	[sflag:s10] =	ssyncset.done $0x0  }
0x1c2: {  	[sflag:s10] =	ssyncadd.s32 $0xFFFFFC00  }
0x1c3: {  	_ =	swait.ge [sflag:s7], $0x400  }
0x1c4: {  	[sflag:s7] =	ssyncset.done $0x0  }
0x1c5: {  	[sflag:s7] =	ssyncadd.s32 $0xFFFFFC00  }
0x1c6: {  	_ =	swait.ge [sflag:s10], $0x400  }
0x1c7: {  	[sflag:s10] =	ssyncset.done $0x0  }
0x1c8: {  	[sflag:s10] =	ssyncadd.s32 $0xFFFFFC00  }
0x1c9: {  	_ =	swait.ge [sflag:s7], $0x400  }
0x1ca: {  	[sflag:s7] =	ssyncset.done $0x0  }
0x1cb: {  	[sflag:s7] =	ssyncadd.s32 $0xFFFFFC00  }
0x1cc: {  	_ =	swait.ge [sflag:s10], $0x400  }
0x1cd: {  	[sflag:s10] =	ssyncset.done $0x0  }
0x1ce: {  	[sflag:s10] =	ssyncadd.s32 $0xFFFFFC00  }
0x1cf: {  	_ =	swait.ge [sflag:s7], $0x400  }
0x1d0: {  	[sflag:s7] =	ssyncset.done $0x0  }
0x1d1: {  	[sflag:s7] =	ssyncadd.s32 $0xFFFFFC00  }
0x1d2: {  	_ =	swait.ge [sflag:s10], $0x400  }
0x1d3: {  	[sflag:s10] =	ssyncset.done $0x0  }
0x1d4: {  	[sflag:s10] =	ssyncadd.s32 $0xFFFFFC00  }
0x1d5: {  	_ =	swait.ge [sflag:s7], $0x400  }
0x1d6: {  	[sflag:s7] =	ssyncset.done $0x0  }
0x1d7: {  	[sflag:s7] =	ssyncadd.s32 $0xFFFFFC00  }
0x1d8: {  	_ =	swait.ge [sflag:s10], $0x400  }
0x1d9: {  	[sflag:s10] =	ssyncset.done $0x0  }
0x1da: {  	[sflag:s10] =	ssyncadd.s32 $0xFFFFFC00  }
0x1db: {  	_ =	swait.ge [sflag:s7], $0x400  }
0x1dc: {  	[sflag:s7] =	ssyncset.done $0x0  }
0x1dd: {  	[sflag:s7] =	ssyncadd.s32 $0xFFFFFC00  }
0x1de: {  	_ =	swait.ge [sflag:s10], $0x400  }
0x1df: {  	[sflag:s10] =	ssyncset.done $0x0  }
0x1e0: {  	[sflag:s10] =	ssyncadd.s32 $0xFFFFFC00  }
0x1e1: {  	_ =	swait.ge [sflag:s7], $0x400  }
0x1e2: {  	[sflag:s7] =	ssyncset.done $0x0  }
0x1e3: {  	[sflag:s7] =	ssyncadd.s32 $0xFFFFFC00  }
0x1e4: {  	_ =	swait.ge [sflag:s10], $0x400  }
0x1e5: {  	[sflag:s10] =	ssyncset.done $0x0  }
0x1e6: {  	[sflag:s10] =	ssyncadd.s32 $0xFFFFFC00  }
0x1e7: {  	_ =	swait.ge [sflag:s7], $0x400  }
0x1e8: {  	[sflag:s7] =	ssyncset.done $0x0  }
0x1e9: {  	[sflag:s7] =	ssyncadd.s32 $0xFFFFFC00  }
0x1ea: {  	_ =	swait.ge [sflag:s10], $0x400  }
0x1eb: {  	[sflag:s10] =	ssyncset.done $0x0  }
0x1ec: {  	[sflag:s10] =	ssyncadd.s32 $0xFFFFFC00  }
0x1ed: {  	_ =	swait.ge [sflag:s7], $0x400  }
0x1ee: {  	[sflag:s7] =	ssyncset.done $0x0  }
0x1ef: {  	[sflag:s7] =	ssyncadd.s32 $0xFFFFFC00  }
0x1f0: {  	_ =	swait.ge [sflag:s10], $0x400  }
0x1f1: {  	[sflag:s10] =	ssyncset.done $0x0  }
0x1f2: {  	[sflag:s10] =	ssyncadd.s32 $0xFFFFFC00  }
0x1f3: {  	_ =	swait.ge [sflag:s1], $0x1000  }
0x1f4: {  	[sflag:s1] =	ssyncset.done $0x0  }
0x1f5: {  	p0 =	por $0x1, $0x1;
	[sflag:s1] =	ssyncadd.s32 $0xFFFFF000  }
.LBB2_3:
0x1f6: {  	v0 =	vld [tilespmem:s5+$0x0]  }
0x1f7: {  	v1 =	vld [tilespmem:s5+$0x80];
	_ =	sdelay $0x2  }
0x1f8: {  	v2 =	vor.u32 s5, v3  }
0x1f9: {  	v3 =	vshll.u32 v2, $0x3;
	v0 =	vand.u32 $0x7, v0  }
0x1fa: {  	v4 =	vand.u32 $0x7, v1;
	v1 =	vshll.u32 v2, $0x7;
	v0 =	vor.u32 v3, v0  }
0x1fb: {  	v2 =	vor.u32 v3, v4;
	v3 =	vshll.u32 v0, $0x7;
	v0 =	vor.u32 $0x40, v1  }
0x1fc: {  	v36 =	vor.u32 $0x8, v3  }
0x1fd: {  	v2 =	vshll.u32 v2, $0x7  }
0x1fe: {  	v39 =	vor.u32 $0x4, v2  }
0x1ff: {  	v37 =	vor.u32 $0x8, v2  }
0x200: {  	v29 =	vld.idx.msk [tilespmem:v0+s15+$0x0], $0xffff;
	v0 =	vor.u32 $0x2, v3  }
0x201: {  	v60 =	vld.idx.msk [tilespmem:v36+s16+$0x0], $0xffff;
	v36 =	vor.u32 $0xB, v3;
	_ =	sdelay $0x1  }
0x202: {  	v40 =	vor.u32 $0x4, v1;
	v53 =	vld.idx.msk [tilespmem:v39+s17+$0x0], $0xffff  }
0x203: {  	v21 =	vor.u32 $0x7, v3;
	v61 =	vld.idx.msk [tilespmem:v37+s17+$0x0], $0xffff  }
0x204: {  	v39 =	vor.u32 $0x9, v3;
	v24 =	vld.idx.msk [tilespmem:v0+s16+$0x0], $0xffff  }
0x205: {  	v37 =	vor.u32 $0xB, v2;
	v0 =	vld.idx.msk [tilespmem:v36+s16+$0x0], $0xffff;
	_ =	sdelay $0x1  }
0x206: {  	v52 =	vld.idx.msk [tilespmem:v40+s15+$0x0], $0xffff  }
0x207: {  	v58 =	vld.idx.msk [tilespmem:v21+s16+$0x0], $0xffff  }
0x208: {  	v40 =	vor.u32 $0x9, v2;
	v21 =	vld.idx.msk [tilespmem:v39+s16+$0x0], $0xffff  }
0x209: {  	v39 =	vor.u32 $0xC, v3;
	[tilespmem:$0x1FCB0] =	vst v0;
	v0 =	vld.idx.msk [tilespmem:v37+s17+$0x0], $0xffff  }
0x20a: {  	v11 =	vor.u32 $0x2, v1  }
0x20b: {  	v15 =	vor.u32 $0x3, v2  }
0x20c: {  	v25 =	vor.u32 $0x6, v1  }
0x20d: {  	v49 =	vor.u32 $0x5, v1;
	v55 =	vld.idx.msk [tilespmem:v40+s17+$0x0], $0xffff  }
0x20e: {  	v40 =	vor.u32 $0xC, v2;
	[tilespmem:$0x1FCC0] =	vst v0;
	v0 =	vld.idx.msk [tilespmem:v39+s16+$0x0], $0xffff  }
0x20f: {  	v16 =	vor.u32 $0x3, v1;
	v13 =	vld.idx.msk [tilespmem:v11+s15+$0x0], $0xffff  }
0x210: {  	v48 =	vor.u32 $0x5, v2;
	v43 =	vld.idx.msk [tilespmem:v15+s17+$0x0], $0xffff  }
0x211: {  	v15 =	vld.idx.msk [tilespmem:v25+s15+$0x0], $0xffff;
	v25 =	vor.u32 $0x9, v1  }
0x212: {  	v44 =	vor.u32 $0x4A, v1;
	v11 =	vld.idx.msk [tilespmem:v49+s15+$0x0], $0xffff  }
0x213: {  	v49 =	vor.u32 $0x4C, v1;
	[tilespmem:$0x1FCD0] =	vst v0;
	v0 =	vld.idx.msk [tilespmem:v40+s17+$0x0], $0xffff  }
0x214: {  	v32 =	vld.idx.msk [tilespmem:v16+s15+$0x0], $0xffff  }
0x215: {  	v63 =	vld.idx.msk [tilespmem:v48+s17+$0x0], $0xffff  }
0x216: {  	v6 =	vor.u32 $0x1, v1;
	v16 =	vld.idx.msk [tilespmem:v25+s15+$0x0], $0xffff  }
0x217: {  	v48 =	vor.u32 $0xC, v1;
	v25 =	vld.idx.msk [tilespmem:v44+s15+$0x0], $0xffff  }
0x218: {  	v44 =	vor.u32 $0xD, v2;
	[tilespmem:$0x1FCE0] =	vst v0;
	v0 =	vld.idx.msk [tilespmem:v49+s15+$0x0], $0xffff;
	_ =	sdelay $0x2  }
0x219: {  	v14 =	vor.u32 $0x3, v3;
	v26 =	vld.idx.msk [tilespmem:v6+s15+$0x0], $0xffff  }
0x21a: {  	v6 =	vor.u32 $0x45, v1;
	v40 =	vld.idx.msk [tilespmem:v48+s15+$0x0], $0xffff  }
0x21b: {  	v48 =	vor.u32 $0xE, v3;
	[tilespmem:$0x1FCF0] =	vst v0;
	v0 =	vld.idx.msk [tilespmem:v44+s17+$0x0], $0xffff;
	_ =	sdelay $0x2  }
0x21c: {  	v35 =	vor.u32 $0x47, v1;
	v33 =	vld.idx.msk [tilespmem:v14+s16+$0x0], $0xffff  }
0x21d: {  	v18 =	vor.u32 $0x6, v2;
	v14 =	vld.idx.msk [tilespmem:v6+s15+$0x0], $0xffff  }
0x21e: {  	v6 =	vor.u32 $0xE, v2;
	[tilespmem:$0x1FD00] =	vst v0;
	v0 =	vld.idx.msk [tilespmem:v48+s16+$0x0], $0xffff  }
0x21f: {  	v27 =	vor.u32 $0x7, v2  }
0x220: {  	v31 =	vor.u32 $0x7, v1  }
0x221: {  	v4 =	vor.u32 $0x1, v3;
	v54 =	vld.idx.msk [tilespmem:v35+s15+$0x0], $0xffff  }
0x222: {  	v47 =	vor.u32 $0xB, v1;
	v51 =	vld.idx.msk [tilespmem:v18+s17+$0x0], $0xffff  }
0x223: {  	v17 =	vor.u32 $0x4, v3;
	[tilespmem:$0x1FD10] =	vst v0;
	v0 =	vld.idx.msk [tilespmem:v6+s17+$0x0], $0xffff  }
0x224: {  	v59 =	vld.idx.msk [tilespmem:v27+s17+$0x0], $0xffff;
	v27 =	vor.u32 $0x49, v1  }
0x225: {  	v18 =	vld.idx.msk [tilespmem:v31+s15+$0x0], $0xffff;
	v31 =	vor.u32 $0xA, v3  }
0x226: {  	v35 =	vor.u32 $0xA, v2;
	v30 =	vld.idx.msk [tilespmem:v4+s16+$0x0], $0xffff  }
0x227: {  	v36 =	vld.idx.msk [tilespmem:v47+s15+$0x0], $0xffff;
	v47 =	vor.u32 $0xD, v1  }
0x228: {  	v50 =	vld.idx.msk [tilespmem:v17+s16+$0x0], $0xffff;
	[tilespmem:$0x1FD20] =	vst v0;
	v0 =	vor.u32 $0xF, v1  }
0x229: {  	v17 =	vld.idx.msk [tilespmem:v27+s15+$0x0], $0xffff  }
0x22a: {  	v27 =	vld.idx.msk [tilespmem:v31+s16+$0x0], $0xffff  }
0x22b: {  	v4 =	vor.u32 $0x2, v2;
	v31 =	vld.idx.msk [tilespmem:v35+s17+$0x0], $0xffff  }
0x22c: {  	v35 =	vld.idx.msk [tilespmem:v47+s15+$0x0], $0xffff  }
0x22d: {  	v47 =	vld.idx.msk [tilespmem:v0+s15+$0x0], $0xffff;
	v0 =	vor.u32 $0x50, v1;
	_ =	sdelay $0x1  }
0x22e: {  	v5 =	vor.u32 $0x1, v2  }
0x22f: {  	v20 =	vld.idx.msk [tilespmem:v4+s17+$0x0], $0xffff;
	v4 =	vor.u32 $0x10, v3  }
0x230: {  	v49 =	vor.u32 $0xF, v3  }
0x231: {  	v0 =	vld.idx.msk [tilespmem:v0+s15+$0x0], $0xffff;
	_ =	sdelay $0x1  }
0x232: {  	v28 =	vld.idx.msk [tilespmem:v5+s17+$0x0], $0xffff  }
0x233: {  	v4 =	vld.idx.msk [tilespmem:v4+s16+$0x0], $0xffff  }
0x234: {  	v9 =	vor.u32 $0xF, v2;
	v5 =	vld.idx.msk [tilespmem:v49+s16+$0x0], $0xffff  }
0x235: {  	[tilespmem:$0x1FD80] =	vst v0;
	v0 =	vor.u32 $0x12, v3;
	_ =	sdelay $0x2  }
0x236: {  	[tilespmem:$0x1FD50] =	vst v4;
	v4 =	vor.u32 $0x11, v2  }
0x237: {  	[tilespmem:$0x1FD30] =	vst v5;
	v5 =	vld.idx.msk [tilespmem:v9+s17+$0x0], $0xffff  }
0x238: {  	v0 =	vld.idx.msk [tilespmem:v0+s16+$0x0], $0xffff  }
0x239: {  	v8 =	vor.u32 $0x41, v1  }
0x23a: {  	v41 =	vor.u32 $0x44, v1  }
0x23b: {  	v42 =	vor.u32 $0x5, v3;
	v4 =	vld.idx.msk [tilespmem:v4+s17+$0x0], $0xffff  }
0x23c: {  	[tilespmem:$0x1FD40] =	vst v5;
	v5 =	vor.u32 $0x11, v3  }
0x23d: {  	[tilespmem:$0x1FDB0] =	vst v0;
	v0 =	vor.u32 $0x13, v2  }
0x23e: {  	v62 =	vor.u32 $0x4D, v1;
	v23 =	vld.idx.msk [tilespmem:v8+s15+$0x0], $0xffff  }
0x23f: {  	v45 =	vld.idx.msk [tilespmem:v41+s15+$0x0], $0xffff;
	v8 =	vor.u32 $0x4E, v1  }
0x240: {  	v56 =	vld.idx.msk [tilespmem:v42+s16+$0x0], $0xffff;
	[tilespmem:$0x1FDA0] =	vst v4;
	v4 =	vor.u32 $0x12, v1  }
0x241: {  	v7 =	vor.u32 $0x6, v3;
	v5 =	vld.idx.msk [tilespmem:v5+s16+$0x0], $0xffff  }
0x242: {  	v19 =	vor.u32 $0x46, v1;
	v0 =	vld.idx.msk [tilespmem:v0+s17+$0x0], $0xffff  }
0x243: {  	v10 =	vor.u32 $0x4F, v1;
	v37 =	vld.idx.msk [tilespmem:v62+s15+$0x0], $0xffff  }
0x244: {  	v62 =	vld.idx.msk [tilespmem:v8+s15+$0x0], $0xffff;
	v8 =	vor.u32 $0x10, v2  }
0x245: {  	v41 =	vor.u32 $0xA, v1;
	v4 =	vld.idx.msk [tilespmem:v4+s15+$0x0], $0xffff  }
0x246: {  	v46 =	vld.idx.msk [tilespmem:v7+s16+$0x0], $0xffff;
	[tilespmem:$0x1FD90] =	vst v5;
	v5 =	vor.u32 $0x12, v2  }
0x247: {  	v42 =	vld.idx.msk [tilespmem:v19+s15+$0x0], $0xffff;
	[tilespmem:$0x1FE10] =	vst v0;
	v0 =	vor.u32 $0x14, v1  }
0x248: {  	v44 =	vld.idx.msk [tilespmem:v10+s15+$0x0], $0xffff;
	v10 =	vor.u32 $0x11, v1  }
0x249: {  	v48 =	vor.u32 $0x10, v1;
	v9 =	vld.idx.msk [tilespmem:v8+s17+$0x0], $0xffff  }
0x24a: {  	v19 =	vld.idx.msk [tilespmem:v41+s15+$0x0], $0xffff;
	[tilespmem:$0x1FDC0] =	vst v4;
	v4 =	vor.u32 $0x53, v1  }
0x24b: {  	v41 =	vor.u32 $0xD, v3;
	v5 =	vld.idx.msk [tilespmem:v5+s17+$0x0], $0xffff  }
0x24c: {  	v7 =	vor.u32 $0xE, v1;
	v0 =	vld.idx.msk [tilespmem:v0+s15+$0x0], $0xffff  }
0x24d: {  	v49 =	vld.idx.msk [tilespmem:v10+s15+$0x0], $0xffff;
	v10 =	vor.u32 $0x52, v1  }
0x24e: {  	[tilespmem:$0x1FD70] =	vst v9;
	v48 =	vld.idx.msk [tilespmem:v48+s15+$0x0], $0xffff;
	v9 =	vor.u32 $0x51, v1  }
0x24f: {  	v4 =	vld.idx.msk [tilespmem:v4+s15+$0x0], $0xffff  }
0x250: {  	v39 =	vld.idx.msk [tilespmem:v41+s16+$0x0], $0xffff;
	[tilespmem:$0x1FDD0] =	vst v5;
	v5 =	vor.u32 $0x13, v1  }
0x251: {  	v41 =	vld.idx.msk [tilespmem:v7+s15+$0x0], $0xffff;
	[tilespmem:$0x1FE40] =	vst v0;
	v0 =	vor.u32 $0x55, v1  }
0x252: {  	v7 =	vor.u32 $0x13, v3;
	v6 =	vld.idx.msk [tilespmem:v10+s15+$0x0], $0xffff  }
0x253: {  	[tilespmem:$0x1FD60] =	vst v48;
	v48 =	vld.idx.msk [tilespmem:v9+s15+$0x0], $0xffff;
	v9 =	vor.u32 $0x14, v3  }
0x254: {  	[tilespmem:$0x1FE20] =	vst v4;
	v4 =	vor.u32 $0x15, v3  }
0x255: {  	v5 =	vld.idx.msk [tilespmem:v5+s15+$0x0], $0xffff  }
0x256: {  	v0 =	vld.idx.msk [tilespmem:v0+s15+$0x0], $0xffff  }
0x257: {  	v7 =	vld.idx.msk [tilespmem:v7+s16+$0x0], $0xffff  }
0x258: {  	v10 =	vor.u32 $0x14, v2;
	[tilespmem:$0x1FDE0] =	vst v6;
	v6 =	vld.idx.msk [tilespmem:v9+s16+$0x0], $0xffff  }
0x259: {  	v9 =	vor.u32 $0x15, v2;
	v4 =	vld.idx.msk [tilespmem:v4+s16+$0x0], $0xffff  }
0x25a: {  	[tilespmem:$0x1FE00] =	vst v5;
	v5 =	vor.u32 $0x54, v1  }
0x25b: {  	[tilespmem:$0x1FEA0] =	vst v0;
	v0 =	vor.u32 $0x16, v2;
	_ =	sdelay $0x1  }
0x25c: {  	[tilespmem:$0x1FDF0] =	vst v7;
	v7 =	vld.idx.msk [tilespmem:v10+s17+$0x0], $0xffff  }
0x25d: {  	[tilespmem:$0x1FE70] =	vst v4;
	v4 =	vld.idx.msk [tilespmem:v9+s17+$0x0], $0xffff  }
0x25e: {  	v10 =	vor.u32 $0x15, v1;
	v5 =	vld.idx.msk [tilespmem:v5+s15+$0x0], $0xffff  }
0x25f: {  	v0 =	vld.idx.msk [tilespmem:v0+s17+$0x0], $0xffff;
	_ =	sdelay $0x2  }
0x260: {  	[tilespmem:$0x1FE90] =	vst v4  }
0x261: {  	v4 =	vld.idx.msk [tilespmem:v10+s15+$0x0], $0xffff;
	[tilespmem:$0x1FE60] =	vst v5;
	v5 =	vor.u32 $0x16, v3  }
0x262: {  	[tilespmem:$0x1FED0] =	vst v0;
	v0 =	vor.u32 $0x17, v1;
	_ =	sdelay $0x3  }
0x263: {  	[tilespmem:$0x1FE80] =	vst v4;
	v4 =	vld.idx.msk [tilespmem:v5+s16+$0x0], $0xffff  }
0x264: {  	v0 =	vld.idx.msk [tilespmem:v0+s15+$0x0], $0xffff;
	_ =	sdelay $0x3  }
0x265: {  	[tilespmem:$0x1FEB0] =	vst v4;
	v4 =	vor.u32 $0x16, v1  }
0x266: {  	[tilespmem:$0x1FF00] =	vst v0;
	v0 =	vor.u32 $0x58, v1;
	_ =	sdelay $0x1  }
0x267: {  	v12 =	vor.u32 $0x42, v1  }
0x268: {  	v5 =	vor.u32 $0x17, v3  }
0x269: {  	v38 =	vor.u32 $0x43, v1;
	v4 =	vld.idx.msk [tilespmem:v4+s15+$0x0], $0xffff  }
0x26a: {  	v0 =	vld.idx.msk [tilespmem:v0+s15+$0x0], $0xffff;
	_ =	sdelay $0x1  }
0x26b: {  	v12 =	vld.idx.msk [tilespmem:v12+s15+$0x0], $0xffff;
	[tilespmem:$0x1FE30] =	vst v6;
	v6 =	vor.u32 $0x56, v1  }
0x26c: {  	[tilespmem:$0x1FE50] =	vst v7;
	v5 =	vld.idx.msk [tilespmem:v5+s16+$0x0], $0xffff  }
0x26d: {  	v34 =	vld.idx.msk [tilespmem:v38+s15+$0x0], $0xffff;
	[tilespmem:$0x1FEC0] =	vst v4;
	v4 =	vor.u32 $0x57, v1  }
0x26e: {  	v7 =	vld.idx.msk [tilespmem:v1+s15+$0x0], $0xffff;
	[tilespmem:$0x1FF60] =	vst v0;
	v0 =	vor.u32 $0x1A, v3  }
0x26f: {  	v9 =	vld.idx.msk [tilespmem:v2+s17+$0x0], $0xffff  }
0x270: {  	v8 =	vor.u32 $0x17, v2;
	v6 =	vld.idx.msk [tilespmem:v6+s15+$0x0], $0xffff  }
0x271: {  	v10 =	vld.idx.msk [tilespmem:v3+s16+$0x0], $0xffff;
	[tilespmem:$0x1FEF0] =	vst v5;
	v5 =	vor.u32 $0x18, v2  }
0x272: {  	v4 =	vld.idx.msk [tilespmem:v4+s15+$0x0], $0xffff  }
0x273: {  	v0 =	vld.idx.msk [tilespmem:v0+s16+$0x0], $0xffff  }
0x274: {  	v30 =	vmul.f32 v26, v30;
	v23 =	vmul.f32 v23, v28  }
0x275: {  	v13 =	vmul.f32 v13, v24;
	v12 =	vmul.f32 v12, v20;
	v8 =	vld.idx.msk [tilespmem:v8+s17+$0x0], $0xffff;
	[tilespmem:$0x1FEE0] =	vst v6;
	v6 =	vor.u32 $0x18, v3  }
0x276: {  	v23 =	vsub.f32 v30, v23;
	v9 =	vmul.f32 v29, v9;
	v29 =	vor.u32 $0x18, v1;
	v5 =	vld.idx.msk [tilespmem:v5+s17+$0x0], $0xffff  }
0x277: {  	v30 =	vmul.f32 v34, v43;
	v26 =	vsub.f32 v13, v12;
	[tilespmem:$0x1FF20] =	vst v4;
	v4 =	vor.u32 $0x19, v3  }
0x278: {  	v43 =	vmul.f32 v52, v50;
	v7 =	vmul.f32 v7, v10;
	[tilespmem:$0x1FF80] =	vst v0;
	v0 =	vor.u32 $0x1B, v2  }
0x279: {  	v50 =	vmul.f32 v45, v53;
	v24 =	vor.u32 $0x19, v2;
	v10 =	vand.u32 $0x7FFFFFFF, v26  }
0x27a: {  	[tilespmem:$0x1FF10] =	vst v8;
	v26 =	vmul.f32 v15, v46;
	v7 =	vsub.f32 v7, v9;
	v9 =	vand.u32 $0x7FFFFFFF, v23;
	v6 =	vld.idx.msk [tilespmem:v6+s16+$0x0], $0xffff  }
0x27b: {  	v8 =	vld.idx.msk [tilespmem:v29+s15+$0x0], $0xffff;
	v23 =	vsub.f32 v43, v50;
	v43 =	vmul.f32 v42, v51;
	[tilespmem:$0x1FF50] =	vst v5;
	v5 =	vor.u32 $0x19, v1  }
0x27c: {  	v29 =	vmul.f32 v32, v33;
	v33 =	vld.idx.msk [tilespmem:v4+s16+$0x0], $0xffff;
	v4 =	vor.u32 $0x1A, v2  }
0x27d: {  	v50 =	vsub.f32 v26, v43;
	v43 =	vld.idx.msk [tilespmem:v0+s17+$0x0], $0xffff;
	v0 =	vor.u32 $0x1C, v1;
	_ =	sdelay $0x1  }
0x27e: {  	v28 =	vor.u32 $0x59, v1;
	[tilespmem:$0x1FF30] =	vst v6;
	v6 =	vld.idx.msk [tilespmem:v24+s17+$0x0], $0xffff  }
0x27f: {  	v11 =	vmul.f32 v11, v56;
	v20 =	vmul.f32 v14, v63;
	v52 =	vld.idx.msk [tilespmem:v5+s15+$0x0], $0xffff;
	v5 =	vor.u32 $0x5A, v1  }
0x280: {  	v45 =	vld.idx.msk [tilespmem:v4+s17+$0x0], $0xffff;
	v4 =	vor.u32 $0x1B, v1  }
0x281: {  	v24 =	vsub.f32 v11, v20;
	v20 =	vld.idx.msk [tilespmem:v0+s15+$0x0], $0xffff;
	v0 =	vor.u32 $0x5D, v1;
	_ =	sdelay $0x1  }
0x282: {  	v38 =	vor.u32 $0x8, v1;
	v56 =	vld.idx.msk [tilespmem:v28+s15+$0x0], $0xffff  }
0x283: {  	v53 =	vor.u32 $0x1B, v3;
	v7 =	vand.u32 $0x7FFFFFFF, v7;
	v28 =	vld.idx.msk [tilespmem:v5+s15+$0x0], $0xffff  }
0x284: {  	v7 =	vadd.f32 v9, v7;
	v9 =	vsub.f32 v29, v30;
	v5 =	vor.u32 $0x1C, v3;
	v29 =	vld.idx.msk [tilespmem:v4+s15+$0x0], $0xffff  }
0x285: {  	v4 =	vor.u32 $0x5C, v1;
	v11 =	vld.idx.msk [tilespmem:v0+s15+$0x0], $0xffff  }
0x286: {  	v26 =	vor.u32 $0x1E, v2;
	v0 =	vld [tilespmem:$0x1FCB0]  }
0x287: {  	v57 =	vld.idx.msk [tilespmem:v38+s15+$0x0], $0xffff;
	v7 =	vadd.f32 v10, v7  }
0x288: {  	[tilespmem:$0x1FF40] =	vst v8;
	v8 =	vld.idx.msk [tilespmem:v53+s16+$0x0], $0xffff;
	v9 =	vand.u32 $0x7FFFFFFF, v9  }
0x289: {  	v38 =	vor.u32 $0x4B, v1;
	v7 =	vadd.f32 v9, v7;
	v5 =	vld.idx.msk [tilespmem:v5+s16+$0x0], $0xffff  }
0x28a: {  	v53 =	vmul.f32 v54, v59;
	v54 =	vor.u32 $0x1D, v3;
	v9 =	vand.u32 $0x7FFFFFFF, v23;
	v4 =	vld.idx.msk [tilespmem:v4+s15+$0x0], $0xffff  }
0x28b: {  	v7 =	vadd.f32 v9, v7;
	v9 =	vand.u32 $0x7FFFFFFF, v50;
	v50 =	vmul.f32 v36, v0;
	v0 =	vld.idx.msk [tilespmem:v26+s17+$0x0], $0xffff;
	_ =	sdelay $0x2  }
0x28c: {  	v38 =	vld.idx.msk [tilespmem:v38+s15+$0x0], $0xffff;
	[tilespmem:$0x1FFA0] =	vst v5  }
0x28d: {  	v5 =	vor.u32 $0x1D, v2;
	[tilespmem:$0x1FFC0] =	vst v4;
	v4 =	vld.idx.msk [tilespmem:v54+s16+$0x0], $0xffff  }
0x28e: {  	[tilespmem:$0x1FFF0] =	vst v0;
	v0 =	vld [tilespmem:$0x1FCC0];
	_ =	sdelay $0x2  }
0x28f: {  	v51 =	vmul.f32 v18, v58;
	v59 =	vmul.f32 v57, v60;
	v60 =	vor.u32 $0x1D, v1  }
0x290: {  	[tilespmem:$0x1FFD0] =	vst v4;
	v4 =	vld.idx.msk [tilespmem:v5+s17+$0x0], $0xffff  }
0x291: {  	v58 =	vsub.f32 v51, v53;
	v53 =	vmul.f32 v38, v0;
	v0 =	vld [tilespmem:$0x1FCD0];
	_ =	sdelay $0x2  }
0x292: {  	v12 =	vld.idx.msk [tilespmem:v60+s15+$0x0], $0xffff  }
0x293: {  	[tilespmem:$0x1FFE0] =	vst v4;
	v4 =	vld [tilespmem:$0x1FCF0]  }
0x294: {  	v60 =	vmul.f32 v40, v0;
	v0 =	vld [tilespmem:$0x1FCE0];
	_ =	sdelay $0x2  }
0x295: {  	v22 =	vor.u32 $0x48, v1;
	_ =	sdelay $0x1  }
0x296: {  	v10 =	vand.u32 $0x7FFFFFFF, v24;
	[tilespmem:$0x1FF70] =	vst v6;
	v6 =	vmul.f32 v4, v0;
	v0 =	vld [tilespmem:$0x1FD00]  }
0x297: {  	v7 =	vadd.f32 v10, v7;
	_ =	sdelay $0x1  }
0x298: {  	v22 =	vld.idx.msk [tilespmem:v22+s15+$0x0], $0xffff;
	v7 =	vadd.f32 v9, v7  }
0x299: {  	v9 =	vand.u32 $0x7FFFFFFF, v58  }
0x29a: {  	v9 =	vadd.f32 v9, v7;
	v7 =	vmul.f32 v35, v39;
	v35 =	vmul.f32 v37, v0;
	v0 =	vld [tilespmem:$0x1FD10];
	_ =	sdelay $0x2  }
0x29b: {  	v61 =	vmul.f32 v22, v61  }
0x29c: {  	v63 =	vmul.f32 v16, v21;
	v22 =	vmul.f32 v17, v55  }
0x29d: {  	v10 =	vsub.f32 v59, v61;
	v15 =	vsub.f32 v50, v53;
	v50 =	vmul.f32 v41, v0;
	v0 =	vld [tilespmem:$0x1FD20]  }
0x29e: {  	v27 =	vmul.f32 v19, v27  }
0x29f: {  	v13 =	vsub.f32 v63, v22;
	v10 =	vand.u32 $0x7FFFFFFF, v10;
	v5 =	vmul.f32 v25, v31  }
0x2a0: {  	v9 =	vadd.f32 v10, v9  }
0x2a1: {  	v61 =	vor.u32 $0x20, v2;
	v14 =	vsub.f32 v27, v5;
	v5 =	vand.u32 $0x7FFFFFFF, v13  }
0x2a2: {  	v9 =	vadd.f32 v5, v9;
	v53 =	vmul.f32 v62, v0;
	v0 =	vld [tilespmem:$0x1FD30]  }
0x2a3: {  	v14 =	vand.u32 $0x7FFFFFFF, v14  }
0x2a4: {  	v14 =	vadd.f32 v14, v9  }
0x2a5: {  	v42 =	vor.u32 $0x1F, v3;
	v36 =	vand.u32 $0x7FFFFFFF, v15  }
0x2a6: {  	v38 =	vadd.f32 v36, v14;
	v14 =	vld.idx.msk [tilespmem:v61+s17+$0x0], $0xffff  }
0x2a7: {  	v61 =	vmul.f32 v47, v0;
	v0 =	vld [tilespmem:$0x1FD40];
	_ =	sdelay $0x2  }
0x2a8: {  	v57 =	vld.idx.msk [tilespmem:v42+s16+$0x0], $0xffff  }
0x2a9: {  	v46 =	vor.u32 $0x1C, v2;
	v4 =	vld [tilespmem:$0x1FD60]  }
0x2aa: {  	v42 =	vsub.f32 v7, v35;
	v7 =	vmul.f32 v44, v0;
	v0 =	vld [tilespmem:$0x1FD50];
	_ =	sdelay $0x2  }
0x2ab: {  	v54 =	vor.u32 $0x5F, v1  }
0x2ac: {  	[tilespmem:$0x1FF90] =	vst v8;
	v8 =	vld.idx.msk [tilespmem:v46+s17+$0x0], $0xffff;
	v46 =	vor.u32 $0x1F, v2  }
0x2ad: {  	v55 =	vor.u32 $0x20, v3;
	v25 =	vsub.f32 v50, v53;
	v53 =	vmul.f32 v4, v0;
	v0 =	vld [tilespmem:$0x1FD70]  }
0x2ae: {  	v4 =	vld [tilespmem:$0x1FD80];
	_ =	sdelay $0x1  }
0x2af: {  	v17 =	vld.idx.msk [tilespmem:v54+s15+$0x0], $0xffff;
	v39 =	vsub.f32 v60, v6  }
0x2b0: {  	v9 =	vld.idx.msk [tilespmem:v46+s17+$0x0], $0xffff  }
0x2b1: {  	v46 =	vld.idx.msk [tilespmem:v55+s16+$0x0], $0xffff;
	v55 =	vor.u32 $0x21, v1;
	v54 =	vand.u32 $0x7FFFFFFF, v39  }
0x2b2: {  	v31 =	vadd.f32 v54, v38;
	v54 =	vmul.f32 v4, v0;
	v0 =	vld [tilespmem:$0x1FD90];
	_ =	sdelay $0x3  }
0x2b3: {  	v21 =	vld.idx.msk [tilespmem:v55+s15+$0x0], $0xffff  }
0x2b4: {  	v55 =	vmul.f32 v49, v0;
	v0 =	vld [tilespmem:$0x1FDA0];
	_ =	sdelay $0x3  }
0x2b5: {  	[tilespmem:$0x1FFB0] =	vst v8;
	v8 =	vor.u32 $0x20, v1;
	v59 =	vand.u32 $0x7FFFFFFF, v42;
	v4 =	vld [tilespmem:$0x1FDC0]  }
0x2b6: {  	v31 =	vadd.f32 v59, v31;
	v59 =	vmul.f32 v48, v0;
	v0 =	vld [tilespmem:$0x1FDB0];
	_ =	sdelay $0x3  }
0x2b7: {  	v19 =	vld.idx.msk [tilespmem:v8+s15+$0x0], $0xffff;
	v8 =	vand.u32 $0x7FFFFFFF, v25  }
0x2b8: {  	v50 =	vadd.f32 v8, v31;
	v8 =	vmul.f32 v4, v0;
	v0 =	vld [tilespmem:$0x1FDD0]  }
0x2b9: {  	v4 =	vld [tilespmem:$0x1FDE0];
	_ =	sdelay $0x3  }
0x2ba: {  	v51 =	vor.u32 $0x1F, v1  }
0x2bb: {  	v35 =	vsub.f32 v61, v7;
	v61 =	vsub.f32 v53, v54;
	v53 =	vmul.f32 v4, v0;
	v0 =	vld [tilespmem:$0x1FDF0]  }
0x2bc: {  	v4 =	vld [tilespmem:$0x1FE00];
	_ =	sdelay $0x3  }
0x2bd: {  	v23 =	vor.u32 $0x1E, v3;
	v15 =	vld.idx.msk [tilespmem:v51+s15+$0x0], $0xffff  }
0x2be: {  	v51 =	vor.u32 $0x21, v2;
	v54 =	vand.u32 $0x7FFFFFFF, v61;
	v61 =	vmul.f32 v4, v0;
	v0 =	vld [tilespmem:$0x1FE10]  }
0x2bf: {  	v4 =	vld [tilespmem:$0x1FE20];
	_ =	sdelay $0x2  }
0x2c0: {  	v63 =	vld.idx.msk [tilespmem:v23+s16+$0x0], $0xffff  }
0x2c1: {  	v23 =	vld.idx.msk [tilespmem:v51+s17+$0x0], $0xffff;
	v37 =	vor.u32 $0x60, v1  }
0x2c2: {  	v51 =	vor.u32 $0x62, v1;
	v47 =	vsub.f32 v8, v53;
	v8 =	vmul.f32 v4, v0;
	v0 =	vld [tilespmem:$0x1FE30]  }
0x2c3: {  	v4 =	vld [tilespmem:$0x1FE40];
	_ =	sdelay $0x2  }
0x2c4: {  	v13 =	vld.idx.msk [tilespmem:v37+s15+$0x0], $0xffff  }
0x2c5: {  	v32 =	vor.u32 $0x5B, v1;
	v37 =	vld.idx.msk [tilespmem:v51+s15+$0x0], $0xffff  }
0x2c6: {  	v10 =	vor.u32 $0x22, v1;
	v51 =	vmul.f32 v4, v0;
	v0 =	vld [tilespmem:$0x1FE50]  }
0x2c7: {  	v4 =	vld [tilespmem:$0x1FE60];
	_ =	sdelay $0x2  }
0x2c8: {  	v24 =	vld.idx.msk [tilespmem:v32+s15+$0x0], $0xffff  }
0x2c9: {  	v32 =	vor.u32 $0x5E, v1;
	v36 =	vld.idx.msk [tilespmem:v10+s15+$0x0], $0xffff  }
0x2ca: {  	v10 =	vor.u32 $0x24, v3;
	v53 =	vmul.f32 v4, v0;
	v0 =	vld [tilespmem:$0x1FE70]  }
0x2cb: {  	v4 =	vld [tilespmem:$0x1FE80];
	_ =	sdelay $0x2  }
0x2cc: {  	v16 =	vld.idx.msk [tilespmem:v32+s15+$0x0], $0xffff  }
0x2cd: {  	v32 =	vld.idx.msk [tilespmem:v10+s16+$0x0], $0xffff  }
0x2ce: {  	v10 =	vmul.f32 v4, v0;
	v0 =	vld [tilespmem:$0x1FE90]  }
0x2cf: {  	v4 =	vld [tilespmem:$0x1FEA0];
	_ =	sdelay $0x4  }
0x2d0: {  	v7 =	vmul.f32 v4, v0;
	v0 =	vld [tilespmem:$0x1FEB0]  }
0x2d1: {  	v4 =	vld [tilespmem:$0x1FEC0]  }
0x2d2: {  	v35 =	vand.u32 $0x7FFFFFFF, v35  }
0x2d3: {  	v35 =	vadd.f32 v35, v50;
	_ =	sdelay $0x1  }
0x2d4: {  	v58 =	vor.u32 $0x61, v1;
	v35 =	vadd.f32 v54, v35;
	v41 =	vsub.f32 v55, v59  }
0x2d5: {  	v51 =	vsub.f32 v51, v53;
	v53 =	vsub.f32 v10, v7;
	v10 =	vmul.f32 v4, v0;
	v0 =	vld [tilespmem:$0x1FED0]  }
0x2d6: {  	v59 =	vand.u32 $0x7FFFFFFF, v41;
	v4 =	vld [tilespmem:$0x1FEE0]  }
0x2d7: {  	v35 =	vadd.f32 v59, v35  }
0x2d8: {  	v47 =	vand.u32 $0x7FFFFFFF, v47;
	v44 =	vsub.f32 v61, v8  }
0x2d9: {  	v30 =	vor.u32 $0x1E, v1;
	v47 =	vadd.f32 v47, v35  }
0x2da: {  	v40 =	vor.u32 $0x21, v3;
	v31 =	vld.idx.msk [tilespmem:v58+s15+$0x0], $0xffff;
	v8 =	vand.u32 $0x7FFFFFFF, v44  }
0x2db: {  	v58 =	vor.u32 $0x23, v2;
	v48 =	vadd.f32 v8, v47;
	v8 =	vmul.f32 v4, v0;
	v0 =	vld [tilespmem:$0x1FEF0]  }
0x2dc: {  	v4 =	vld [tilespmem:$0x1FF00];
	_ =	sdelay $0x1  }
0x2dd: {  	v18 =	vld.idx.msk [tilespmem:v30+s15+$0x0], $0xffff;
	v39 =	vor.u32 $0x23, v3;
	v51 =	vand.u32 $0x7FFFFFFF, v51  }
0x2de: {  	v22 =	vld.idx.msk [tilespmem:v40+s16+$0x0], $0xffff;
	v60 =	vor.u32 $0x22, v3;
	v51 =	vadd.f32 v51, v48  }
0x2df: {  	v27 =	vld.idx.msk [tilespmem:v58+s17+$0x0], $0xffff;
	v58 =	vor.u32 $0x24, v1;
	v53 =	vand.u32 $0x7FFFFFFF, v53  }
0x2e0: {  	v50 =	vor.u32 $0x25, v2;
	v51 =	vadd.f32 v53, v51;
	v53 =	vmul.f32 v4, v0;
	v0 =	vld [tilespmem:$0x1FF10]  }
0x2e1: {  	v4 =	vld [tilespmem:$0x1FF20]  }
0x2e2: {  	v30 =	vld.idx.msk [tilespmem:v39+s16+$0x0], $0xffff  }
0x2e3: {  	v62 =	vor.u32 $0x22, v2;
	v25 =	vld.idx.msk [tilespmem:v60+s16+$0x0], $0xffff  }
0x2e4: {  	v60 =	vor.u32 $0x23, v1;
	v40 =	vld.idx.msk [tilespmem:v58+s15+$0x0], $0xffff;
	v59 =	vsub.f32 v10, v8  }
0x2e5: {  	v58 =	vor.u32 $0x26, v3;
	v47 =	vld.idx.msk [tilespmem:v50+s17+$0x0], $0xffff  }
0x2e6: {  	v50 =	vor.u32 $0x26, v1;
	v10 =	vmul.f32 v4, v0;
	v0 =	vand.u32 $0x7FFFFFFF, v59;
	v4 =	vld [tilespmem:$0x1FF40]  }
0x2e7: {  	v5 =	vadd.f32 v0, v51;
	v0 =	vld [tilespmem:$0x1FF30]  }
0x2e8: {  	v26 =	vld.idx.msk [tilespmem:v62+s17+$0x0], $0xffff  }
0x2e9: {  	v62 =	vor.u32 $0x63, v1;
	v38 =	vld.idx.msk [tilespmem:v60+s15+$0x0], $0xffff  }
0x2ea: {  	v48 =	vld.idx.msk [tilespmem:v58+s16+$0x0], $0xffff  }
0x2eb: {  	v34 =	vor.u32 $0x1A, v1;
	v58 =	vld.idx.msk [tilespmem:v50+s15+$0x0], $0xffff  }
0x2ec: {  	v60 =	vor.u32 $0x64, v1;
	v50 =	vsub.f32 v53, v10;
	v10 =	vmul.f32 v4, v0;
	v0 =	vld [tilespmem:$0x1FF50]  }
0x2ed: {  	v4 =	vld [tilespmem:$0x1FF60]  }
0x2ee: {  	v39 =	vld.idx.msk [tilespmem:v62+s15+$0x0], $0xffff;
	v62 =	vor.u32 $0x25, v3;
	_ =	sdelay $0x1  }
0x2ef: {  	v34 =	vld.idx.msk [tilespmem:v34+s15+$0x0], $0xffff  }
0x2f0: {  	v41 =	vld.idx.msk [tilespmem:v60+s15+$0x0], $0xffff  }
0x2f1: {  	v49 =	vor.u32 $0x25, v1;
	v4 =	vmul.f32 v4, v0;
	v0 =	vld [tilespmem:$0x1FF70]  }
0x2f2: {  	v44 =	vld.idx.msk [tilespmem:v62+s16+$0x0], $0xffff;
	v62 =	vor.u32 $0x27, v2  }
0x2f3: {  	v60 =	vor.u32 $0x26, v2;
	v53 =	vld [tilespmem:$0x1FF80]  }
0x2f4: {  	v55 =	vor.u32 $0x24, v2  }
0x2f5: {  	v33 =	vmul.f32 v52, v33;
	v7 =	vor.u32 $0x28, v3  }
0x2f6: {  	v54 =	vld.idx.msk [tilespmem:v49+s15+$0x0], $0xffff;
	v50 =	vand.u32 $0x7FFFFFFF, v50;
	v4 =	vsub.f32 v10, v4;
	v0 =	vmul.f32 v56, v0  }
0x2f7: {  	v45 =	vmul.f32 v28, v45;
	v51 =	vld.idx.msk [tilespmem:v62+s17+$0x0], $0xffff;
	v62 =	vor.u32 $0x28, v1;
	v5 =	vadd.f32 v50, v5  }
0x2f8: {  	v49 =	vld.idx.msk [tilespmem:v60+s17+$0x0], $0xffff;
	v4 =	vand.u32 $0x7FFFFFFF, v4;
	v0 =	vsub.f32 v33, v0;
	v33 =	vmul.f32 v34, v53  }
0x2f9: {  	v42 =	vor.u32 $0x65, v1;
	v35 =	vld.idx.msk [tilespmem:v55+s17+$0x0], $0xffff;
	v4 =	vadd.f32 v4, v5  }
0x2fa: {  	v61 =	vor.u32 $0x66, v1;
	v50 =	vld.idx.msk [tilespmem:v7+s16+$0x0], $0xffff;
	v33 =	vsub.f32 v33, v45;
	v0 =	vand.u32 $0x7FFFFFFF, v0  }
0x2fb: {  	v7 =	vor.u32 $0x29, v2;
	v0 =	vadd.f32 v0, v4;
	v4 =	vld [tilespmem:$0x1FF90]  }
0x2fc: {  	v28 =	vld.idx.msk [tilespmem:v62+s15+$0x0], $0xffff;
	v62 =	vor.u32 $0x69, v1;
	v10 =	vand.u32 $0x7FFFFFFF, v33  }
0x2fd: {  	v8 =	vor.u32 $0x2A, v3;
	v5 =	vadd.f32 v10, v0;
	v0 =	vld [tilespmem:$0x1FFA0]  }
0x2fe: {  	v55 =	vld.idx.msk [tilespmem:v42+s15+$0x0], $0xffff  }
0x2ff: {  	v59 =	vld.idx.msk [tilespmem:v61+s15+$0x0], $0xffff  }
0x300: {  	v42 =	vor.u32 $0x27, v3;
	v4 =	vmul.f32 v29, v4;
	v29 =	vld.idx.msk [tilespmem:v7+s17+$0x0], $0xffff  }
0x301: {  	v60 =	vor.u32 $0x27, v1;
	v7 =	vmul.f32 v24, v43;
	v24 =	vld.idx.msk [tilespmem:v62+s15+$0x0], $0xffff  }
0x302: {  	v6 =	vor.u32 $0x67, v1;
	v62 =	vmul.f32 v20, v0;
	v20 =	vld.idx.msk [tilespmem:v8+s16+$0x0], $0xffff  }
0x303: {  	v0 =	vld [tilespmem:$0x1FFB0]  }
0x304: {  	v8 =	vld [tilespmem:$0x1FFC0]  }
0x305: {  	v61 =	vld.idx.msk [tilespmem:v42+s16+$0x0], $0xffff;
	v42 =	vor.u32 $0x28, v2  }
0x306: {  	v52 =	vld.idx.msk [tilespmem:v60+s15+$0x0], $0xffff;
	v60 =	vor.u32 $0x68, v1  }
0x307: {  	v56 =	vld.idx.msk [tilespmem:v6+s15+$0x0], $0xffff;
	v6 =	vor.u32 $0x29, v3  }
0x308: {  	v4 =	vsub.f32 v4, v7  }
0x309: {  	v0 =	vmul.f32 v8, v0;
	v8 =	vld [tilespmem:$0x1FFD0]  }
0x30a: {  	v35 =	vmul.f32 v41, v35;
	v41 =	vor.u32 $0x31, v2;
	v34 =	vld.idx.msk [tilespmem:v42+s17+$0x0], $0xffff;
	v4 =	vand.u32 $0x7FFFFFFF, v4  }
0x30b: {  	v53 =	vor.u32 $0x29, v1;
	v42 =	vld.idx.msk [tilespmem:v60+s15+$0x0], $0xffff;
	v5 =	vadd.f32 v4, v5;
	v4 =	vsub.f32 v62, v0  }
0x30c: {  	v45 =	vld.idx.msk [tilespmem:v6+s16+$0x0], $0xffff;
	v6 =	vor.u32 $0x2A, v2  }
0x30d: {  	v18 =	vmul.f32 v18, v63;
	v7 =	vor.u32 $0x2B, v2;
	v63 =	vand.u32 $0x7FFFFFFF, v4;
	v4 =	vld [tilespmem:$0x1FFF0]  }
0x30e: {  	v60 =	vor.u32 $0x2A, v1;
	v12 =	vmul.f32 v12, v8;
	v8 =	vld [tilespmem:$0x1FFE0]  }
0x30f: {  	v41 =	vld.idx.msk [tilespmem:v41+s17+$0x0], $0xffff;
	v33 =	vor.u32 $0x6A, v1  }
0x310: {  	v43 =	vld.idx.msk [tilespmem:v53+s15+$0x0], $0xffff;
	v53 =	vor.u32 $0x2B, v3  }
0x311: {  	v17 =	vmul.f32 v17, v9;
	v10 =	vld.idx.msk [tilespmem:v6+s17+$0x0], $0xffff;
	v6 =	vor.u32 $0x2B, v1  }
0x312: {  	v15 =	vmul.f32 v15, v57;
	v16 =	vmul.f32 v16, v4;
	v4 =	vld.idx.msk [tilespmem:v7+s17+$0x0], $0xffff;
	v7 =	vor.u32 $0x2C, v1  }
0x313: {  	v60 =	vld.idx.msk [tilespmem:v60+s15+$0x0], $0xffff;
	v8 =	vmul.f32 v11, v8;
	v11 =	vor.u32 $0x6B, v1  }
0x314: {  	v15 =	vsub.f32 v15, v17;
	v33 =	vld.idx.msk [tilespmem:v33+s15+$0x0], $0xffff;
	v62 =	vor.u32 $0x2C, v3  }
0x315: {  	v0 =	vld.idx.msk [tilespmem:v53+s16+$0x0], $0xffff;
	v53 =	vor.u32 $0x2C, v2  }
0x316: {  	v57 =	vor.u32 $0x2D, v2;
	v15 =	vand.u32 $0x7FFFFFFF, v15;
	v8 =	vsub.f32 v12, v8;
	v12 =	vld.idx.msk [tilespmem:v6+s15+$0x0], $0xffff  }
0x317: {  	v13 =	vmul.f32 v13, v14;
	v5 =	vadd.f32 v63, v5;
	v63 =	vor.u32 $0x6C, v1;
	v9 =	vld.idx.msk [tilespmem:v7+s15+$0x0], $0xffff  }
0x318: {  	v6 =	vand.u32 $0x7FFFFFFF, v8;
	v8 =	vsub.f32 v18, v16;
	v7 =	vor.u32 $0x6D, v1;
	v16 =	vld.idx.msk [tilespmem:v11+s15+$0x0], $0xffff  }
0x319: {  	v26 =	vmul.f32 v37, v26;
	v11 =	vor.u32 $0x2D, v3;
	v18 =	vadd.f32 v6, v5;
	v5 =	vld.idx.msk [tilespmem:v62+s16+$0x0], $0xffff  }
0x31a: {  	v27 =	vmul.f32 v39, v27;
	v6 =	vld.idx.msk [tilespmem:v53+s17+$0x0], $0xffff;
	v53 =	vor.u32 $0x2D, v1;
	v62 =	vmul.f32 v19, v46  }
0x31b: {  	v19 =	vor.u32 $0x2E, v3;
	v46 =	vmul.f32 v31, v23;
	v23 =	vld.idx.msk [tilespmem:v57+s17+$0x0], $0xffff;
	v8 =	vand.u32 $0x7FFFFFFF, v8  }
0x31c: {  	v39 =	vor.u32 $0x31, v3;
	v31 =	vor.u32 $0x2E, v1;
	v8 =	vadd.f32 v8, v18;
	v18 =	vld.idx.msk [tilespmem:v63+s15+$0x0], $0xffff  }
0x31d: {  	v28 =	vmul.f32 v28, v50;
	v57 =	vor.u32 $0x6E, v1;
	v63 =	vmul.f32 v21, v22;
	v7 =	vld.idx.msk [tilespmem:v7+s15+$0x0], $0xffff  }
0x31e: {  	v21 =	vor.u32 $0x2E, v2;
	v13 =	vsub.f32 v62, v13;
	v62 =	vmul.f32 v36, v25;
	v11 =	vld.idx.msk [tilespmem:v11+s16+$0x0], $0xffff  }
0x31f: {  	v8 =	vadd.f32 v15, v8;
	v14 =	vsub.f32 v63, v46;
	v63 =	vor.u32 $0x2F, v3;
	v15 =	vld.idx.msk [tilespmem:v53+s15+$0x0], $0xffff  }
0x320: {  	v10 =	vmul.f32 v33, v10;
	v22 =	vsub.f32 v62, v26;
	v62 =	vor.u32 $0x30, v2;
	v19 =	vld.idx.msk [tilespmem:v19+s16+$0x0], $0xffff  }
0x321: {  	v20 =	vmul.f32 v60, v20;
	v13 =	vand.u32 $0x7FFFFFFF, v13;
	v46 =	vor.u32 $0x2F, v2;
	v26 =	vld.idx.msk [tilespmem:v31+s15+$0x0], $0xffff  }
0x322: {  	v60 =	vor.u32 $0x35, v2;
	v31 =	vor.u32 $0x6F, v1;
	v17 =	vld.idx.msk [tilespmem:v57+s15+$0x0], $0xffff;
	v8 =	vadd.f32 v13, v8  }
0x323: {  	v53 =	vmul.f32 v38, v30;
	v57 =	vor.u32 $0x30, v3;
	v14 =	vand.u32 $0x7FFFFFFF, v14;
	v13 =	vld.idx.msk [tilespmem:v21+s17+$0x0], $0xffff  }
0x324: {  	v0 =	vmul.f32 v12, v0;
	v4 =	vmul.f32 v16, v4;
	v8 =	vadd.f32 v14, v8;
	v25 =	vld.idx.msk [tilespmem:v63+s16+$0x0], $0xffff  }
0x325: {  	v22 =	vand.u32 $0x7FFFFFFF, v22;
	v21 =	vor.u32 $0x2F, v1;
	v14 =	vsub.f32 v53, v27;
	v27 =	vld.idx.msk [tilespmem:v62+s17+$0x0], $0xffff  }
0x326: {  	v53 =	vmul.f32 v54, v44;
	v44 =	vor.u32 $0x36, v2;
	v8 =	vadd.f32 v22, v8;
	v22 =	vld.idx.msk [tilespmem:v46+s17+$0x0], $0xffff  }
0x327: {  	v0 =	vsub.f32 v0, v4;
	v4 =	vmul.f32 v9, v5;
	v63 =	vor.u32 $0x30, v1;
	v31 =	vld.idx.msk [tilespmem:v31+s15+$0x0], $0xffff  }
0x328: {  	v62 =	vmul.f32 v58, v48;
	v58 =	vmul.f32 v52, v61;
	v52 =	vor.u32 $0x33, v1;
	v30 =	vld.idx.msk [tilespmem:v57+s16+$0x0], $0xffff  }
0x329: {  	v61 =	vmul.f32 v56, v51;
	v56 =	vor.u32 $0x34, v2;
	v11 =	vmul.f32 v15, v11;
	v15 =	vld.idx.msk [tilespmem:v60+s17+$0x0], $0xffff  }
0x32a: {  	v54 =	vmul.f32 v55, v47;
	v7 =	vmul.f32 v7, v23;
	v48 =	vor.u32 $0x76, v1;
	v21 =	vld.idx.msk [tilespmem:v21+s15+$0x0], $0xffff  }
0x32b: {  	v46 =	vmul.f32 v40, v32;
	v32 =	vor.u32 $0x70, v1;
	v14 =	vand.u32 $0x7FFFFFFF, v14;
	v9 =	vld.idx.msk [tilespmem:v44+s17+$0x0], $0xffff  }
0x32c: {  	v57 =	vsub.f32 v53, v54;
	v53 =	vmul.f32 v59, v49;
	v59 =	vor.u32 $0x72, v1;
	v36 =	vld.idx.msk [tilespmem:v63+s15+$0x0], $0xffff  }
0x32d: {  	v50 =	vmul.f32 v26, v19;
	v8 =	vadd.f32 v14, v8;
	v13 =	vmul.f32 v17, v13;
	v33 =	vld.idx.msk [tilespmem:v52+s15+$0x0], $0xffff  }
0x32e: {  	v55 =	vsub.f32 v46, v35;
	v35 =	vor.u32 $0x31, v1;
	v37 =	vand.u32 $0x7FFFFFFF, v57;
	v12 =	vld.idx.msk [tilespmem:v56+s17+$0x0], $0xffff  }
0x32f: {  	v57 =	vor.u32 $0x32, v1;
	v7 =	vsub.f32 v11, v7;
	v11 =	vsub.f32 v50, v13;
	v13 =	vld.idx.msk [tilespmem:v48+s15+$0x0], $0xffff  }
0x330: {  	v38 =	vsub.f32 v62, v53;
	v62 =	vor.u32 $0x33, v3;
	v14 =	vand.u32 $0x7FFFFFFF, v55;
	v32 =	vld.idx.msk [tilespmem:v32+s15+$0x0], $0xffff  }
0x331: {  	v63 =	vor.u32 $0x71, v1;
	v8 =	vadd.f32 v14, v8;
	v14 =	vld.idx.msk [tilespmem:v39+s16+$0x0], $0xffff  }
0x332: {  	v24 =	vmul.f32 v24, v29;
	v54 =	vor.u32 $0x32, v3;
	v53 =	vmul.f32 v43, v45;
	v29 =	vld.idx.msk [tilespmem:v59+s15+$0x0], $0xffff  }
0x333: {  	v34 =	vmul.f32 v42, v34;
	v55 =	vor.u32 $0x32, v2;
	v35 =	vld.idx.msk [tilespmem:v35+s15+$0x0], $0xffff  }
0x334: {  	v24 =	vsub.f32 v53, v24;
	v53 =	vor.u32 $0x77, v1;
	v43 =	vld.idx.msk [tilespmem:v57+s15+$0x0], $0xffff  }
0x335: {  	v28 =	vsub.f32 v28, v34;
	v59 =	vor.u32 $0x35, v3;
	v8 =	vadd.f32 v37, v8;
	v34 =	vld.idx.msk [tilespmem:v62+s16+$0x0], $0xffff  }
0x336: {  	v60 =	vor.u32 $0x39, v3;
	v38 =	vand.u32 $0x7FFFFFFF, v38;
	v40 =	vld.idx.msk [tilespmem:v63+s15+$0x0], $0xffff  }
0x337: {  	v45 =	vor.u32 $0x3A, v3;
	v8 =	vadd.f32 v38, v8;
	v38 =	vld.idx.msk [tilespmem:v54+s16+$0x0], $0xffff  }
0x338: {  	v57 =	vor.u32 $0x34, v1;
	v39 =	vld.idx.msk [tilespmem:v55+s17+$0x0], $0xffff  }
0x339: {  	v6 =	vmul.f32 v18, v6;
	v37 =	vsub.f32 v58, v61;
	v61 =	vor.u32 $0x35, v1;
	v18 =	vld.idx.msk [tilespmem:v53+s15+$0x0], $0xffff  }
0x33a: {  	v62 =	vor.u32 $0x75, v1;
	v5 =	vld.idx.msk [tilespmem:v59+s16+$0x0], $0xffff  }
0x33b: {  	v63 =	vor.u32 $0x33, v2;
	v59 =	vmul.f32 v36, v30;
	v30 =	vld.idx.msk [tilespmem:v60+s16+$0x0], $0xffff  }
0x33c: {  	v54 =	vor.u32 $0x73, v1;
	v27 =	vmul.f32 v32, v27;
	v32 =	vld.idx.msk [tilespmem:v45+s16+$0x0], $0xffff  }
0x33d: {  	v37 =	vand.u32 $0x7FFFFFFF, v37;
	v55 =	vor.u32 $0x34, v3;
	v16 =	vld.idx.msk [tilespmem:v57+s15+$0x0], $0xffff  }
0x33e: {  	v10 =	vsub.f32 v20, v10;
	v51 =	vor.u32 $0x37, v2;
	v8 =	vadd.f32 v37, v8;
	v23 =	vld.idx.msk [tilespmem:v61+s15+$0x0], $0xffff  }
0x33f: {  	v28 =	vand.u32 $0x7FFFFFFF, v28;
	v4 =	vsub.f32 v4, v6;
	v56 =	vor.u32 $0x38, v2;
	v6 =	vld.idx.msk [tilespmem:v62+s15+$0x0], $0xffff  }
0x340: {  	v10 =	vand.u32 $0x7FFFFFFF, v10;
	v53 =	vor.u32 $0x3B, v1;
	v8 =	vadd.f32 v28, v8;
	v42 =	vld.idx.msk [tilespmem:v63+s17+$0x0], $0xffff  }
0x341: {  	v0 =	vand.u32 $0x7FFFFFFF, v0;
	v24 =	vand.u32 $0x7FFFFFFF, v24;
	v58 =	vor.u32 $0x74, v1;
	v28 =	vld.idx.msk [tilespmem:v54+s15+$0x0], $0xffff  }
0x342: {  	v14 =	vmul.f32 v35, v14;
	v20 =	vld.idx.msk [tilespmem:v55+s16+$0x0], $0xffff;
	v63 =	vor.u32 $0x36, v3;
	v8 =	vadd.f32 v24, v8  }
0x343: {  	v49 =	vor.u32 $0x37, v3;
	v55 =	vmul.f32 v21, v25;
	v25 =	vld.idx.msk [tilespmem:v51+s17+$0x0], $0xffff;
	v62 =	vmul.f32 v40, v41  }
0x344: {  	v54 =	vor.u32 $0x38, v3;
	v21 =	vld.idx.msk [tilespmem:v56+s17+$0x0], $0xffff;
	v40 =	vsub.f32 v59, v27;
	v8 =	vadd.f32 v10, v8  }
0x345: {  	v41 =	vor.u32 $0x79, v1;
	v44 =	vmul.f32 v43, v38;
	v14 =	vsub.f32 v14, v62;
	v62 =	vld.idx.msk [tilespmem:v53+s15+$0x0], $0xffff  }
0x346: {  	v29 =	vmul.f32 v29, v39;
	v59 =	vor.u32 $0x3C, v2;
	v10 =	vld.idx.msk [tilespmem:v58+s15+$0x0], $0xffff;
	v0 =	vadd.f32 v0, v8  }
0x347: {  	v47 =	vor.u32 $0x36, v1;
	v4 =	vand.u32 $0x7FFFFFFF, v4;
	v19 =	vld.idx.msk [tilespmem:v63+s16+$0x0], $0xffff  }
0x348: {  	v27 =	vsub.f32 v44, v29;
	v44 =	vor.u32 $0x3E, v2;
	v8 =	vld.idx.msk [tilespmem:v49+s16+$0x0], $0xffff;
	v0 =	vadd.f32 v4, v0  }
0x349: {  	v7 =	vand.u32 $0x7FFFFFFF, v7;
	v22 =	vmul.f32 v31, v22;
	v58 =	vor.u32 $0x78, v1;
	v24 =	vld.idx.msk [tilespmem:v54+s16+$0x0], $0xffff  }
0x34a: {  	v51 =	vor.u32 $0x3B, v3;
	v26 =	vld.idx.msk [tilespmem:v41+s15+$0x0], $0xffff;
	v0 =	vadd.f32 v7, v0  }
0x34b: {  	v11 =	vand.u32 $0x7FFFFFFF, v11;
	v43 =	vor.u32 $0x3E, v3;
	v37 =	vld.idx.msk [tilespmem:v59+s17+$0x0], $0xffff;
	v7 =	vsub.f32 v55, v22  }
0x34c: {  	v46 =	vor.u32 $0x3A, v2;
	v57 =	vor.u32 $0x38, v1;
	v4 =	vld.idx.msk [tilespmem:v47+s15+$0x0], $0xffff;
	v0 =	vadd.f32 v11, v0  }
0x34d: {  	v52 =	vor.u32 $0x37, v1;
	v63 =	vor.u32 $0x39, v1;
	v53 =	vld.idx.msk [tilespmem:v44+s17+$0x0], $0xffff;
	v7 =	vand.u32 $0x7FFFFFFF, v7  }
0x34e: {  	v61 =	vor.u32 $0x39, v2;
	v49 =	vor.u32 $0x7A, v1;
	v17 =	vld.idx.msk [tilespmem:v58+s15+$0x0], $0xffff;
	v0 =	vadd.f32 v7, v0  }
0x34f: {  	v50 =	vmul.f32 v33, v34;
	v38 =	vor.u32 $0x3D, v1;
	v58 =	vld.idx.msk [tilespmem:v51+s16+$0x0], $0xffff;
	v7 =	vand.u32 $0x7FFFFFFF, v40  }
0x350: {  	v34 =	vor.u32 $0x3D, v3;
	v14 =	vand.u32 $0x7FFFFFFF, v14;
	v51 =	vld.idx.msk [tilespmem:v43+s16+$0x0], $0xffff;
	v0 =	vadd.f32 v7, v0  }
0x351: {  	v27 =	vand.u32 $0x7FFFFFFF, v27;
	v28 =	vmul.f32 v28, v42;
	v47 =	vor.u32 $0x3A, v1;
	v22 =	vld.idx.msk [tilespmem:v57+s15+$0x0], $0xffff  }
0x352: {  	v16 =	vmul.f32 v16, v20;
	v55 =	vor.u32 $0x7B, v1;
	v48 =	vld.idx.msk [tilespmem:v63+s15+$0x0], $0xffff;
	v0 =	vadd.f32 v14, v0  }
0x353: {  	v10 =	vmul.f32 v10, v12;
	v57 =	vor.u32 $0x3C, v3;
	v56 =	vld.idx.msk [tilespmem:v49+s15+$0x0], $0xffff;
	v14 =	vsub.f32 v50, v28  }
0x354: {  	v5 =	vmul.f32 v23, v5;
	v3 =	vor.u32 $0x3F, v3;
	v49 =	vld.idx.msk [tilespmem:v38+s15+$0x0], $0xffff;
	v0 =	vadd.f32 v27, v0  }
0x355: {  	v6 =	vmul.f32 v6, v15;
	v10 =	vsub.f32 v16, v10;
	v11 =	vld.idx.msk [tilespmem:v52+s15+$0x0], $0xffff;
	v14 =	vand.u32 $0x7FFFFFFF, v14  }
0x356: {  	v9 =	vmul.f32 v13, v9;
	v63 =	vor.u32 $0x7C, v1;
	v54 =	vld.idx.msk [tilespmem:v47+s15+$0x0], $0xffff;
	v0 =	vadd.f32 v14, v0  }
0x357: {  	v36 =	vor.u32 $0x3D, v2;
	v5 =	vsub.f32 v5, v6;
	v10 =	vand.u32 $0x7FFFFFFF, v10;
	v33 =	vld.idx.msk [tilespmem:v55+s15+$0x0], $0xffff  }
0x358: {  	v52 =	vor.u32 $0x3B, v2;
	v4 =	vmul.f32 v4, v19;
	v35 =	vld.idx.msk [tilespmem:v57+s16+$0x0], $0xffff;
	v0 =	vadd.f32 v10, v0  }
0x359: {  	v41 =	vmul.f32 v18, v25;
	v5 =	vand.u32 $0x7FFFFFFF, v5;
	v2 =	vor.u32 $0x3F, v2;
	v3 =	vld.idx.msk [tilespmem:v3+s16+$0x0], $0xffff  }
0x35a: {  	v4 =	vsub.f32 v4, v9;
	v7 =	vld.idx.msk [tilespmem:v61+s17+$0x0], $0xffff;
	v0 =	vadd.f32 v5, v0;
	v5 =	vmul.f32 v11, v8  }
0x35b: {  	v47 =	vor.u32 $0x3E, v1;
	v61 =	vor.u32 $0x3C, v1;
	v42 =	vld.idx.msk [tilespmem:v63+s15+$0x0], $0xffff  }
0x35c: {  	v40 =	vor.u32 $0x7D, v1;
	v4 =	vand.u32 $0x7FFFFFFF, v4;
	v27 =	vld.idx.msk [tilespmem:v46+s17+$0x0], $0xffff;
	v5 =	vsub.f32 v5, v41  }
0x35d: {  	v17 =	vmul.f32 v17, v21;
	v45 =	vmul.f32 v22, v24;
	v60 =	vld.idx.msk [tilespmem:v52+s17+$0x0], $0xffff;
	v0 =	vadd.f32 v4, v0  }
0x35e: {  	v48 =	vmul.f32 v48, v30;
	v2 =	vld.idx.msk [tilespmem:v2+s17+$0x0], $0xffff;
	v50 =	vor.u32 $0x7E, v1;
	v5 =	vand.u32 $0x7FFFFFFF, v5  }
0x35f: {  	v46 =	vld.idx.msk [tilespmem:v36+s17+$0x0], $0xffff;
	v7 =	vmul.f32 v26, v7;
	v0 =	vadd.f32 v5, v0;
	v5 =	vsub.f32 v45, v17  }
0x360: {  	v52 =	vmul.f32 v54, v32;
	v54 =	vor.u32 $0x3F, v1;
	v1 =	vor.u32 $0x7F, v1;
	v39 =	vld.idx.msk [tilespmem:v61+s15+$0x0], $0xffff  }
0x361: {  	v7 =	vsub.f32 v48, v7;
	v12 =	vmul.f32 v56, v27;
	v4 =	vld.idx.msk [tilespmem:v34+s16+$0x0], $0xffff;
	v5 =	vand.u32 $0x7FFFFFFF, v5  }
0x362: {  	v56 =	vmul.f32 v33, v60;
	v11 =	vld.idx.msk [tilespmem:v40+s15+$0x0], $0xffff;
	v0 =	vadd.f32 v5, v0  }
0x363: {  	v57 =	vld.idx.msk [tilespmem:v50+s15+$0x0], $0xffff;
	v7 =	vand.u32 $0x7FFFFFFF, v7;
	v12 =	vsub.f32 v52, v12;
	v5 =	vmul.f32 v62, v58  }
0x364: {  	v55 =	vld.idx.msk [tilespmem:v47+s15+$0x0], $0xffff;
	v59 =	vmul.f32 v42, v37;
	v0 =	vadd.f32 v7, v0  }
0x365: {  	v61 =	vld.idx.msk [tilespmem:v54+s15+$0x0], $0xffff;
	v60 =	vand.u32 $0x7FFFFFFF, v12;
	v58 =	vmul.f32 v39, v35;
	v5 =	vsub.f32 v5, v56  }
0x366: {  	v1 =	vld.idx.msk [tilespmem:v1+s15+$0x0], $0xffff;
	v4 =	vmul.f32 v49, v4;
	v0 =	vadd.f32 v60, v0  }
0x367: {  	v62 =	vmul.f32 v11, v46;
	v6 =	vsub.f32 v58, v59;
	v5 =	vand.u32 $0x7FFFFFFF, v5  }
0x368: {  	v63 =	vmul.f32 v57, v53;
	v0 =	vadd.f32 v5, v0  }
0x369: {  	v4 =	vsub.f32 v4, v62;
	v6 =	vand.u32 $0x7FFFFFFF, v6;
	v5 =	vmul.f32 v55, v51  }
0x36a: {  	v3 =	vmul.f32 v61, v3;
	v0 =	vadd.f32 v6, v0  }
0x36b: {  	v1 =	vmul.f32 v1, v2;
	v4 =	vand.u32 $0x7FFFFFFF, v4;
	v5 =	vsub.f32 v5, v63  }
0x36c: {  	v0 =	vadd.f32 v4, v0  }
0x36d: {  	v1 =	vsub.f32 v3, v1;
	v2 =	vand.u32 $0x7FFFFFFF, v5  }
0x36e: {  	v0 =	vadd.f32 v2, v0  }
0x36f: {  	p1 =	por p0, p0;
	v1 =	vand.u32 $0x7FFFFFFF, v1  }
.Ltmp0:
0x370: {  	v0 =	vadd.f32 v1, v0;
	(pc) =	sbr.rel @p1 .LBB2_3-.Ltmp0, $3  }
0x371: {  	_ = 	snop  }
0x372: {  	v0 =	vsub.f32 $1.200000000e+01, v0;
	_ =	sdelay $0x1  }
0x373: {  	p0 =	por $0x0, $0x0;
	v3 =	vlaneseq.u32;
	[tilespmem:s5+$0x11180] =	vst v0;
	s5 =	simm.s32 $0x10  }
0x374: {  	s3 =	sadd.s32 $0x1, s3  }
0x375: {  	s5 =	rddreg [dreg:$0x5];
	p0 =	sne.s32 s3, $0x10  }
.Ltmp1:
0x376: {  	s12 =	simm.s32 $0x0;
	s4 =	sadd.s32 s5, s4;
	(pc) =	sbr.rel @p0 .LBB2_2-.Ltmp1, $4  }
0x377: {  	[hbm4b:s4+s12] =	stream.linear.scatter [tilespmem:s2], [sflag:$0x4], $0x20, $0x38;
	[tilespmem:$0x11200] =	vst v63  }
0x378: {  	_ =	swait.ge [sflag:s11], $0x20  }
0x379: {  	[sflag:s11] =	ssyncset.done $0x0  }
0x37a: {  	[sflag:s11] =	ssyncadd.s32 $0xFFFFFFE0  }
0x37b: {  	s4 =	rddreg [dreg:$0x8]  }
0x37c: {  	s3 =	rddreg [dreg:$0x7];
	s4 =	sadd.s32 $0x1, s4  }
0x37d: {  	p0 =	sne.s32 s4, s3  }
.Ltmp2:
0x37e: {  	_ = 	snop;
	(pc) =	sbr.rel @p0 .LBB2_1-.Ltmp2, $1  }
0x37f: {  	_ =	sdelay $0x3  }
0x380: {  	_ =	sfence.sel $0x180000  }
0x381: {  	[bflag:$0x0] =	sbarrier.arrive $0xFFFF  }
0x382: {  	_ =	strace $0x90000047  }
0x383: {  	s0 =	stileid.u32;
	[bflag:$0x2] =	sbarrier.arrive $0xFFFF  }
0x384: {  	p0 =	sne.s32 s0, $0x0;
	s0 =	rddreg [dreg:$0x6]  }
0x385: {  	s0 =	sadd.s32 @!p0 $0x100000, s0  }
0x386: {  	[sflag:s0] =	ssyncadd.tile.s32 @!p0 $0x1;
	_ =	shalt  }
.Lfunc_end2:
_tile_overlayer_lowered:
.L_overlay_start_2:
0x387: {  	(tag) =	ssettag $0x2  }
0x388: {  	s0 =	rddreg [dreg:$0x0];
	s2 =	stileid.u32  }
0x389: {  	s1 =	rddreg [dreg:$0x1];
	p0 =	sne.s32 s2, $0x0  }
0x38a: {  	s3 =	rddreg [dreg:$0x2];
	[bflag:$0x3] =	sbarrier.arrive $0xFFFF;
	s2 =	simm.s32 @!p0 $0x1C04  }
0x38b: {  	[timem:s3], [sflag:s2] =	dma.local @!p0 [hbm:s0], s1  }
0x38c: {  	s0 =	simm.s32 @!p0 $0x4  }
0x38d: {  	_ =	swait.ge @!p0 [sflag:s0], s1  }
0x38e: {  	s1 =	ssub.s32 @!p0 $0x0, s1;
	[sflag:s0] =	ssyncset.done @!p0 $0x0  }
0x38f: {  	[sflag:s0] =	ssyncadd.s32 @!p0 s1  }
0x390: {  	[bflag:$0x3] =	sbarrier.arrive $0xFFFF  }
0x391: {  	_ =	shalt  }

</sc_bundles>
